<compile_context>
chip_gen: v7x
topology: tpu7x:2x2x1
jax: 0.10.2.dev20260603
libtpu: 0.0.44.dev20260713+nightly
codegen_flags: <defaults>
</compile_context>

<pallas_src>
import functools

import jax
import jax.numpy as jnp
from jax import lax
from jax.experimental import pallas as pl
from jax.experimental.pallas import tpu as pltpu
from jax.experimental.pallas import tpu_sc as plsc

N_NODES = 10000
N_EDGES = 320000
D = 128
ED = 16

NC = 2
NS = 16
NW = NC * NS
WIN = 128

E_PAD = 327680
CH_SIZES = (106496, 106496, 98304, 16384)
K_CH = len(CH_SIZES)
N_AGG = 10112
ROWS_PER_SUB = N_AGG // NS

NBUF = 4
LEAD = 2
EBLK = 1024
NBLK = 400


def _mish(v):
    t = jnp.exp(jnp.minimum(v, 40.0))
    u = t * (t + 2.0)
    return v * (u / (u + 2.0))


def _sc_gather(x, idx_chunk, e_ch):
    mesh = plsc.VectorSubcoreMesh(core_axis_name="c", subcore_axis_name="s")
    GWIN_PER_W = 2 * e_ch // (NW * WIN)

    @functools.partial(
        pl.kernel,
        out_type=jax.ShapeDtypeStruct((2 * e_ch, D), jnp.float32),
        mesh=mesh,
        scratch_types=[
            pltpu.VMEM((GWIN_PER_W, WIN), jnp.int32),
            [pltpu.VMEM((WIN, D), jnp.float32) for _ in range(NBUF)],
            [pltpu.SemaphoreType.DMA for _ in range(NBUF)],
            [pltpu.SemaphoreType.DMA for _ in range(NBUF)],
        ],
    )
    def gather_kernel(x_hbm, i_hbm, g_hbm, ibuf, bufs, gsems, wsems):
        cid = lax.axis_index("c")
        sid = lax.axis_index("s")
        wid = sid * NC + cid
        row0 = wid * GWIN_PER_W * WIN

        pltpu.sync_copy(i_hbm.at[wid], ibuf)

        def gather_desc(g, b):
            return pltpu.make_async_copy(
                x_hbm.at[ibuf.at[g]], bufs[b], gsems[b])

        def wout_desc(g, b):
            return pltpu.make_async_copy(
                bufs[b], g_hbm.at[pl.ds(row0 + g * WIN, WIN)], wsems[b])

        for b in range(NBUF):
            gather_desc(b, b).start()

        @pl.loop(0, GWIN_PER_W, step=NBUF)
        def _(j):
            for b in range(NBUF):
                g = j + b
                gather_desc(g, b).wait()
                wout_desc(g, b).start()
                b2 = (b + LEAD) % NBUF
                g2 = g + LEAD
                gp = g - (NBUF - LEAD)

                @pl.when(jnp.logical_and(gp >= 0, g2 < GWIN_PER_W))
                def _():
                    wout_desc(gp, b2).wait()
                    gather_desc(g2, b2).start()

        for b in range(NBUF):
            wout_desc(GWIN_PER_W - NBUF + b, b).wait()

    return gather_kernel(x, idx_chunk.reshape(NW, GWIN_PER_W, WIN))


def _edge_mlp_body(xs_ref, xd_ref, ea_ref, w1s_ref, w1d_ref, w1e_ref,
                   b1_ref, w2_ref, b2_ref, m_ref):
    bf = jnp.bfloat16
    h = (
        jnp.dot(xs_ref[...].astype(bf), w1s_ref[...], preferred_element_type=jnp.float32)
        + jnp.dot(xd_ref[...].astype(bf), w1d_ref[...], preferred_element_type=jnp.float32)
        + jnp.dot(ea_ref[...], w1e_ref[...], preferred_element_type=jnp.float32)
        + b1_ref[...]
    )
    h = _mish(h)
    h = jnp.dot(h.astype(bf), w2_ref[...],
                preferred_element_type=jnp.float32) + b2_ref[...]
    m_ref[...] = _mish(h)


def _edge_mlp(g, ea_chunk, W1s, W1d, W1e, b1, W2, b2, e_ch):
    nblk = e_ch // EBLK
    return pl.pallas_call(
        _edge_mlp_body,
        grid=(nblk,),
        in_specs=[
            pl.BlockSpec((EBLK, D), lambda i: (i, 0)),
            pl.BlockSpec((EBLK, D), lambda i, _n=nblk: (i + _n, 0)),
            pl.BlockSpec((EBLK, ED), lambda i: (i, 0)),
            pl.BlockSpec((D, D), lambda i: (0, 0)),
            pl.BlockSpec((D, D), lambda i: (0, 0)),
            pl.BlockSpec((ED, D), lambda i: (0, 0)),
            pl.BlockSpec((1, D), lambda i: (0, 0)),
            pl.BlockSpec((D, D), lambda i: (0, 0)),
            pl.BlockSpec((1, D), lambda i: (0, 0)),
        ],
        out_specs=pl.BlockSpec((EBLK, D), lambda i: (i, 0)),
        out_shape=jax.ShapeDtypeStruct((e_ch, D), jnp.float32),
    )(g, g, ea_chunk, W1s, W1d, W1e, b1, W2, b2)


def _sc_scatter_add(m, dst_chunk, e_ch):
    mesh = plsc.VectorSubcoreMesh(core_axis_name="c", subcore_axis_name="s")
    SWIN_PER_W = e_ch // (NW * WIN)

    @functools.partial(
        pl.kernel,
        out_type=jax.ShapeDtypeStruct((NC, N_AGG, D), jnp.float32),
        mesh=mesh,
        scratch_types=[
            pltpu.VMEM((SWIN_PER_W, WIN), jnp.int32),
            [pltpu.VMEM((WIN, D), jnp.float32) for _ in range(2)],
            [pltpu.SemaphoreType.DMA for _ in range(2)],
            pltpu.VMEM_SHARED((N_AGG, D), jnp.float32),
        ],
    )
    def scatter_kernel(m_hbm, di_hbm, out_hbm, idx_v, mbufs, msems, agg_sh):
        cid = lax.axis_index("c")
        sid = lax.axis_index("s")
        wid = sid * NC + cid
        base = wid * SWIN_PER_W * WIN

        def mread_desc(s, u):
            return pltpu.make_async_copy(
                m_hbm.at[pl.ds(base + s * WIN, WIN)], mbufs[u], msems[u])

        @pl.loop(0, WIN)
        def _(r):
            @pl.loop(0, D, step=16)
            def _(q):
                mbufs[0][r, pl.ds(q, 16)] = jnp.zeros((16,), jnp.float32)

        zrows = (WIN, WIN, WIN, WIN, ROWS_PER_SUB - 4 * WIN)
        off = sid * ROWS_PER_SUB
        for i, zr in enumerate(zrows):
            pltpu.sync_copy(
                mbufs[0].at[pl.ds(0, zr)],
                agg_sh.at[pl.ds(off + i * WIN, zr)],
            )

        pltpu.sync_copy(di_hbm.at[wid], idx_v)
        plsc.subcore_barrier()

        mread_desc(0, 0).start()
        mread_desc(1, 1).start()

        @pl.loop(0, SWIN_PER_W, step=2)
        def _(j):
            for u in range(2):
                s = j + u
                mread_desc(s, u).wait()
                pltpu.sync_copy(mbufs[u], agg_sh.at[idx_v.at[s]], add=True)

                @pl.when(s + 2 < SWIN_PER_W)
                def _():
                    mread_desc(s + 2, u).start()

        plsc.subcore_barrier()
        pltpu.sync_copy(
            agg_sh.at[pl.ds(sid * ROWS_PER_SUB, ROWS_PER_SUB)],
            out_hbm.at[cid].at[pl.ds(sid * ROWS_PER_SUB, ROWS_PER_SUB)],
        )

    return scatter_kernel(m, dst_chunk.reshape(NW, SWIN_PER_W, WIN))


def _node_mlp_body(x_ref, *refs):
    p_refs = refs[:K_CH]
    u1x_ref, u1a_ref, c1_ref, u2_ref, c2_ref, g_ref, bt_ref, o_ref = refs[K_CH:]
    x = x_ref[...]
    agg = sum(p[0] + p[1] for p in p_refs)
    u = (
        jnp.dot(x, u1x_ref[...], preferred_element_type=jnp.float32)
        + jnp.dot(agg, u1a_ref[...], preferred_element_type=jnp.float32)
        + c1_ref[...]
    )
    o = jnp.dot(_mish(u), u2_ref[...], preferred_element_type=jnp.float32) + c2_ref[...]
    r = x + o
    mu = jnp.mean(r, axis=-1, keepdims=True)
    var = jnp.mean((r - mu) ** 2, axis=-1, keepdims=True)
    o_ref[...] = (r - mu) * jax.lax.rsqrt(var + 1e-5) * g_ref[...] + bt_ref[...]


def _node_mlp(x, partials, U1, c1, U2, c2, gamma, beta):
    grid = (N_NODES // NBLK,)
    pspec = pl.BlockSpec((NC, NBLK, D), lambda i: (0, i, 0))
    wspec = pl.BlockSpec((D, D), lambda i: (0, 0))
    vspec = pl.BlockSpec((1, D), lambda i: (0, 0))
    return pl.pallas_call(
        _node_mlp_body,
        grid=grid,
        in_specs=[pl.BlockSpec((NBLK, D), lambda i: (i, 0))]
                 + [pspec] * K_CH
                 + [wspec, wspec, vspec, wspec, vspec, vspec, vspec],
        out_specs=pl.BlockSpec((NBLK, D), lambda i: (i, 0)),
        out_shape=jax.ShapeDtypeStruct((N_NODES, D), jnp.float32),
    )(x, *partials, U1[:D], U1[D:], c1.reshape(1, D), U2, c2.reshape(1, D),
      gamma.reshape(1, D), beta.reshape(1, D))


def kernel(x, edge_index, edge_attr, W1, b1, W2, b2, U1, c1, U2, c2, gamma, beta):
    pad = E_PAD - N_EDGES
    src = jnp.concatenate([edge_index[0], jnp.zeros((pad,), jnp.int32)])
    dst = jnp.concatenate([edge_index[1], jnp.full((pad,), N_NODES, jnp.int32)])
    ea = jnp.concatenate([edge_attr, jnp.zeros((pad, ED), jnp.float32)], axis=0)

    bf = jnp.bfloat16
    W1s, W1d = W1[:D].astype(bf), W1[D:2 * D].astype(bf)
    W1e, b1r = W1[2 * D:], b1.reshape(1, D)
    W2b, b2r = W2.astype(bf), b2.reshape(1, D)

    partials = []
    base = 0
    for e_ch in CH_SIZES:
        sl = slice(base, base + e_ch)
        base += e_ch
        idx_k = jnp.concatenate([src[sl], dst[sl]])
        g_k = _sc_gather(x, idx_k, e_ch)
        m_k = _edge_mlp(g_k, ea[sl], W1s, W1d, W1e, b1r, W2b, b2r, e_ch)
        partials.append(_sc_scatter_add(m_k, dst[sl], e_ch))

    return _node_mlp(x, partials, U1, c1, U2, c2, gamma, beta)

# --- scband reference (transcript-rebuilt; emitter-appended) ---
"""Pipeline reference for scband-edge-conv-layer-40269613367298 (READ-ONLY COPY).

The authoritative reference and input builder live on the scoring server;
editing this copy changes nothing except your own understanding.
"""

import jax, jax.numpy as jnp
import numpy as np

N = 10000
E = 320000
D = 128
ED = 16


def mish(x):
    return x * jnp.tanh(jax.nn.softplus(x))


def _lin_init(key, fan_in, fan_out):
    kw, kb = jax.random.split(key)
    bound = 1.0 / np.sqrt(fan_in)
    W = jax.random.uniform(kw, (fan_in, fan_out), minval=-bound, maxval=bound, dtype=jnp.float32)
    b = jax.random.uniform(kb, (fan_out,), minval=-bound, maxval=bound, dtype=jnp.float32)
    return W, b


def setup_inputs(seed: int = 0) -> dict:
    key = jax.random.key(seed)
    ks = jax.random.split(key, 8)
    x = jax.random.normal(ks[0], (N, D), dtype=jnp.float32)
    edge_index = jax.random.randint(ks[1], (2, E), 0, N).astype(jnp.int32)
    edge_attr = jax.random.normal(ks[2], (E, ED), dtype=jnp.float32)
    W1, b1 = _lin_init(ks[3], 2 * D + ED, D)
    W2, b2 = _lin_init(ks[4], D, D)
    U1, c1 = _lin_init(ks[5], 2 * D, D)
    U2, c2 = _lin_init(ks[6], D, D)
    gamma = jnp.ones((D,), dtype=jnp.float32)
    beta = jnp.zeros((D,), dtype=jnp.float32)
    return {"x": x, "edge_index": edge_index, "edge_attr": edge_attr,
            "W1": W1, "b1": b1, "W2": W2, "b2": b2,
            "U1": U1, "c1": c1, "U2": U2, "c2": c2,
            "gamma": gamma, "beta": beta}


def reference(x, edge_index, edge_attr, W1, b1, W2, b2, U1, c1, U2, c2, gamma, beta):
    src = edge_index[0]
    dst = edge_index[1]
    h = jnp.concatenate([x[src], x[dst], edge_attr], axis=-1)
    m = mish(h @ W1 + b1)
    m = mish(m @ W2 + b2)
    agg = jnp.zeros_like(x).at[dst].add(m)
    u = jnp.concatenate([x, agg], axis=-1)
    o = mish(u @ U1 + c1) @ U2 + c2
    r = x + o
    mu = jnp.mean(r, axis=-1, keepdims=True)
    var = jnp.var(r, axis=-1, keepdims=True)
    return (r - mu) / jnp.sqrt(var + 1e-5) * gamma + beta

if __name__ == "__main__":
    import jax
    _d = setup_inputs()
    print(jax.jit(kernel)(*tuple(_d.values())))

</pallas_src>

<mosaic_0001>
#map = affine_map<(d0, d1) -> (0, 0)>
#map1 = affine_map<(d0, d1) -> (0, 0, 0)>
module attributes {stable_mosaic.version = 14 : i64} {
  func.func @gather_kernel(%arg0: i32, %arg1: i32, %arg2: memref<10000x128xf32, #tpu.memory_space<hbm>>, %arg3: memref<32x8x128xi32, #tpu.memory_space<hbm>>, %arg4: memref<32768x128xf32, #tpu.memory_space<hbm>>, %arg5: memref<8x128xi32, #tpu.memory_space<vmem>>, %arg6: memref<128x128xf32, #tpu.memory_space<vmem>>, %arg7: memref<128x128xf32, #tpu.memory_space<vmem>>, %arg8: memref<128x128xf32, #tpu.memory_space<vmem>>, %arg9: memref<128x128xf32, #tpu.memory_space<vmem>>, %arg10: memref<!tpu.dma_semaphore, #tpu.memory_space<semaphore_mem>>, %arg11: memref<!tpu.dma_semaphore, #tpu.memory_space<semaphore_mem>>, %arg12: memref<!tpu.dma_semaphore, #tpu.memory_space<semaphore_mem>>, %arg13: memref<!tpu.dma_semaphore, #tpu.memory_space<semaphore_mem>>, %arg14: memref<!tpu.dma_semaphore, #tpu.memory_space<semaphore_mem>>, %arg15: memref<!tpu.dma_semaphore, #tpu.memory_space<semaphore_mem>>, %arg16: memref<!tpu.dma_semaphore, #tpu.memory_space<semaphore_mem>>, %arg17: memref<!tpu.dma_semaphore, #tpu.memory_space<semaphore_mem>>) attributes {dimension_semantics = [#tpu.dimension_semantics<core_parallel>, #tpu.dimension_semantics<subcore_parallel>], iteration_bounds = array<i64: 2, 16>, scalar_prefetch = 0 : i64, scratch_operands = 13 : i64, tpu.core_type = #tpu.core_type<sc_vector_subcore>, window_params = [{transform_indices = #map}, {transform_indices = #map1}, {transform_indices = #map}]} {
    %mul3A = arith.constant 2 : i32
    %mul3A_0 = arith.muli %arg1, %mul3A : i32
    %add3A = arith.addi %mul3A_0, %arg0 : i32
    %mul3A_1 = arith.constant 8 : i32
    %mul3A_2 = arith.muli %add3A, %mul3A_1 : i32
    %mul3A_3 = arith.constant 128 : i32
    %mul3A_4 = arith.muli %mul3A_2, %mul3A_3 : i32
    "tpu.region"() ({
      %run_scoped3A = tpu.sem_alloc : memref<!tpu.dma_semaphore, #tpu.memory_space<semaphore_mem>>
      %dma_start3A_59 = arith.constant 0 : i32
      %dma_start3A_60 = arith.constant 0 : i32
      %dma_start3A_61 = tpu.memref_slice %arg3[%add3A, %dma_start3A_59, %dma_start3A_60] : memref<32x8x128xi32, #tpu.memory_space<hbm>> -> memref<1x8x128xi32, #tpu.memory_space<hbm>>
      %dma_start3A_62 = tpu.memref_squeeze %dma_start3A_61 : memref<1x8x128xi32, #tpu.memory_space<hbm>> -> memref<8x128xi32, #tpu.memory_space<hbm>>
      %dma_start3A_63 = arith.constant 0 : i32
      %dma_start3A_64 = arith.constant 0 : i32
      %dma_start3A_65 = tpu.memref_slice %arg3[%add3A, %dma_start3A_63, %dma_start3A_64] : memref<32x8x128xi32, #tpu.memory_space<hbm>> -> memref<1x8x128xi32, #tpu.memory_space<hbm>>
      %dma_start3A_66 = tpu.memref_squeeze %dma_start3A_65 : memref<1x8x128xi32, #tpu.memory_space<hbm>> -> memref<8x128xi32, #tpu.memory_space<hbm>>
      tpu.enqueue_dma source(%dma_start3A_66 : memref<8x128xi32, #tpu.memory_space<hbm>>) target(%arg5 : memref<8x128xi32, #tpu.memory_space<vmem>>) target_semaphore(%run_scoped3A : memref<!tpu.dma_semaphore, #tpu.memory_space<semaphore_mem>>)
      %dma_wait3A_67 = arith.constant 0 : i32
      %dma_wait3A_68 = arith.constant 0 : i32
      %dma_wait3A_69 = tpu.memref_slice %arg3[%add3A, %dma_wait3A_67, %dma_wait3A_68] : memref<32x8x128xi32, #tpu.memory_space<hbm>> -> memref<1x8x128xi32, #tpu.memory_space<hbm>>
      %dma_wait3A_70 = tpu.memref_squeeze %dma_wait3A_69 : memref<1x8x128xi32, #tpu.memory_space<hbm>> -> memref<8x128xi32, #tpu.memory_space<hbm>>
      %dma_wait3A_71 = arith.constant 0 : i32
      %dma_wait3A_72 = arith.constant 0 : i32
      %dma_wait3A_73 = tpu.memref_slice %arg3[%add3A, %dma_wait3A_71, %dma_wait3A_72] : memref<32x8x128xi32, #tpu.memory_space<hbm>> -> memref<1x8x128xi32, #tpu.memory_space<hbm>>
      %dma_wait3A_74 = tpu.memref_squeeze %dma_wait3A_73 : memref<1x8x128xi32, #tpu.memory_space<hbm>> -> memref<8x128xi32, #tpu.memory_space<hbm>>
      tpu.wait_dma2 semaphore(%run_scoped3A : memref<!tpu.dma_semaphore, #tpu.memory_space<semaphore_mem>>) src(%dma_wait3A_74 : memref<8x128xi32, #tpu.memory_space<hbm>>) dst(%arg5 : memref<8x128xi32, #tpu.memory_space<vmem>>)
      tpu.yield
    }) : () -> ()
    %dma_start3A = arith.constant 0 : i32
    %dma_start3A_5 = arith.constant 0 : i32
    %dma_start3A_6 = tpu.memref_slice %arg5[%dma_start3A, %dma_start3A_5] : memref<8x128xi32, #tpu.memory_space<vmem>> -> memref<1x128xi32, #tpu.memory_space<vmem>>
    %dma_start3A_7 = tpu.memref_squeeze %dma_start3A_6 : memref<1x128xi32, #tpu.memory_space<vmem>> -> memref<128xi32, #tpu.memory_space<vmem>>
    %dma_start3A_8 = arith.constant 0 : i32
    %dma_start3A_9 = arith.constant 0 : i32
    %dma_start3A_10 = tpu.memref_slice %arg2[%dma_start3A_8, %dma_start3A_9] : memref<10000x128xf32, #tpu.memory_space<hbm>> -> memref<10000x128xf32, #tpu.memory_space<hbm>>
    tpu.enqueue_indirect_dma source(%dma_start3A_10 : memref<10000x128xf32, #tpu.memory_space<hbm>>) target(%arg6 : memref<128x128xf32, #tpu.memory_space<vmem>>) offsets(%dma_start3A_7 : memref<128xi32, #tpu.memory_space<vmem>>) semaphore(%arg10 : memref<!tpu.dma_semaphore, #tpu.memory_space<semaphore_mem>>)
    %dma_start3A_11 = arith.constant 1 : i32
    %dma_start3A_12 = arith.constant 0 : i32
    %dma_start3A_13 = tpu.memref_slice %arg5[%dma_start3A_11, %dma_start3A_12] : memref<8x128xi32, #tpu.memory_space<vmem>> -> memref<1x128xi32, #tpu.memory_space<vmem>>
    %dma_start3A_14 = tpu.memref_squeeze %dma_start3A_13 : memref<1x128xi32, #tpu.memory_space<vmem>> -> memref<128xi32, #tpu.memory_space<vmem>>
    %dma_start3A_15 = arith.constant 0 : i32
    %dma_start3A_16 = arith.constant 0 : i32
    %dma_start3A_17 = tpu.memref_slice %arg2[%dma_start3A_15, %dma_start3A_16] : memref<10000x128xf32, #tpu.memory_space<hbm>> -> memref<10000x128xf32, #tpu.memory_space<hbm>>
    tpu.enqueue_indirect_dma source(%dma_start3A_17 : memref<10000x128xf32, #tpu.memory_space<hbm>>) target(%arg7 : memref<128x128xf32, #tpu.memory_space<vmem>>) offsets(%dma_start3A_14 : memref<128xi32, #tpu.memory_space<vmem>>) semaphore(%arg11 : memref<!tpu.dma_semaphore, #tpu.memory_space<semaphore_mem>>)
    %dma_start3A_18 = arith.constant 2 : i32
    %dma_start3A_19 = arith.constant 0 : i32
    %dma_start3A_20 = tpu.memref_slice %arg5[%dma_start3A_18, %dma_start3A_19] : memref<8x128xi32, #tpu.memory_space<vmem>> -> memref<1x128xi32, #tpu.memory_space<vmem>>
    %dma_start3A_21 = tpu.memref_squeeze %dma_start3A_20 : memref<1x128xi32, #tpu.memory_space<vmem>> -> memref<128xi32, #tpu.memory_space<vmem>>
    %dma_start3A_22 = arith.constant 0 : i32
    %dma_start3A_23 = arith.constant 0 : i32
    %dma_start3A_24 = tpu.memref_slice %arg2[%dma_start3A_22, %dma_start3A_23] : memref<10000x128xf32, #tpu.memory_space<hbm>> -> memref<10000x128xf32, #tpu.memory_space<hbm>>
    tpu.enqueue_indirect_dma source(%dma_start3A_24 : memref<10000x128xf32, #tpu.memory_space<hbm>>) target(%arg8 : memref<128x128xf32, #tpu.memory_space<vmem>>) offsets(%dma_start3A_21 : memref<128xi32, #tpu.memory_space<vmem>>) semaphore(%arg12 : memref<!tpu.dma_semaphore, #tpu.memory_space<semaphore_mem>>)
    %dma_start3A_25 = arith.constant 3 : i32
    %dma_start3A_26 = arith.constant 0 : i32
    %dma_start3A_27 = tpu.memref_slice %arg5[%dma_start3A_25, %dma_start3A_26] : memref<8x128xi32, #tpu.memory_space<vmem>> -> memref<1x128xi32, #tpu.memory_space<vmem>>
    %dma_start3A_28 = tpu.memref_squeeze %dma_start3A_27 : memref<1x128xi32, #tpu.memory_space<vmem>> -> memref<128xi32, #tpu.memory_space<vmem>>
    %dma_start3A_29 = arith.constant 0 : i32
    %dma_start3A_30 = arith.constant 0 : i32
    %dma_start3A_31 = tpu.memref_slice %arg2[%dma_start3A_29, %dma_start3A_30] : memref<10000x128xf32, #tpu.memory_space<hbm>> -> memref<10000x128xf32, #tpu.memory_space<hbm>>
    tpu.enqueue_indirect_dma source(%dma_start3A_31 : memref<10000x128xf32, #tpu.memory_space<hbm>>) target(%arg9 : memref<128x128xf32, #tpu.memory_space<vmem>>) offsets(%dma_start3A_28 : memref<128xi32, #tpu.memory_space<vmem>>) semaphore(%arg13 : memref<!tpu.dma_semaphore, #tpu.memory_space<semaphore_mem>>)
    %scan3A = arith.constant 0 : i32
    %scan3A_32 = arith.constant 2 : i32
    %scan3A_33 = arith.addi %scan3A, %scan3A_32 : i32
    %scan3A_34 = arith.constant 1 : i32
    scf.for %scan3A_59 = %scan3A to %scan3A_33 step %scan3A_34  : i32 {
      %mul3A_60 = arith.constant 4 : i32
      %mul3A_61 = arith.muli %scan3A_59, %mul3A_60 : i32
      %add3A_62 = arith.constant 0 : i32
      %add3A_63 = arith.addi %add3A_62, %mul3A_61 : i32
      %add3A_64 = arith.constant 0 : i32
      %add3A_65 = arith.addi %add3A_63, %add3A_64 : i32
      %dma_wait3A_66 = arith.constant 0 : i32
      %dma_wait3A_67 = tpu.memref_slice %arg5[%add3A_65, %dma_wait3A_66] : memref<8x128xi32, #tpu.memory_space<vmem>> -> memref<1x128xi32, #tpu.memory_space<vmem>>
      %dma_wait3A_68 = tpu.memref_squeeze %dma_wait3A_67 : memref<1x128xi32, #tpu.memory_space<vmem>> -> memref<128xi32, #tpu.memory_space<vmem>>
      %dma_wait3A_69 = arith.constant 0 : i32
      %dma_wait3A_70 = arith.constant 0 : i32
      %dma_wait3A_71 = tpu.memref_slice %arg2[%dma_wait3A_69, %dma_wait3A_70] : memref<10000x128xf32, #tpu.memory_space<hbm>> -> memref<10000x128xf32, #tpu.memory_space<hbm>>
      tpu.wait_indirect_dma semaphore(%arg10 : memref<!tpu.dma_semaphore, #tpu.memory_space<semaphore_mem>>) src(%dma_wait3A_71 : memref<10000x128xf32, #tpu.memory_space<hbm>>) dst(%arg6 : memref<128x128xf32, #tpu.memory_space<vmem>>)
      %mul3A_72 = arith.constant 128 : i32
      %mul3A_73 = arith.muli %add3A_65, %mul3A_72 : i32
      %add3A_74 = arith.addi %mul3A_4, %mul3A_73 : i32
      %dma_start3A_75 = arith.constant 0 : i32
      %dma_start3A_76 = tpu.memref_slice %arg4[%add3A_74, %dma_start3A_75] : memref<32768x128xf32, #tpu.memory_space<hbm>> -> memref<128x128xf32, #tpu.memory_space<hbm>>
      %dma_start3A_77 = arith.constant 0 : i32
      %dma_start3A_78 = tpu.memref_slice %arg4[%add3A_74, %dma_start3A_77] : memref<32768x128xf32, #tpu.memory_space<hbm>> -> memref<128x128xf32, #tpu.memory_space<hbm>>
      tpu.enqueue_dma source(%arg6 : memref<128x128xf32, #tpu.memory_space<vmem>>) target(%dma_start3A_78 : memref<128x128xf32, #tpu.memory_space<hbm>>) target_semaphore(%arg14 : memref<!tpu.dma_semaphore, #tpu.memory_space<semaphore_mem>>)
      %add3A_79 = arith.constant 2 : i32
      %add3A_80 = arith.addi %add3A_65, %add3A_79 : i32
      %sub3A = arith.constant 2 : i32
      %sub3A_81 = arith.subi %add3A_65, %sub3A : i32
      %ge3A = arith.constant 0 : i32
      %ge3A_82 = arith.cmpi sge, %sub3A_81, %ge3A : i32
      %lt3A = arith.constant 8 : i32
      %lt3A_83 = arith.cmpi slt, %add3A_80, %lt3A : i32
      %and3A = arith.andi %ge3A_82, %lt3A_83 : i1
      %convert_element_type3A = arith.extui %and3A : i1 to i32
      %cond3A = arith.constant 0 : i32
      %cond3A_84 = arith.cmpi ne, %convert_element_type3A, %cond3A : i32
      scf.if %cond3A_84 {
        %mul3A_166 = arith.constant 128 : i32
        %mul3A_167 = arith.muli %sub3A_81, %mul3A_166 : i32
        %add3A_168 = arith.addi %mul3A_4, %mul3A_167 : i32
        %dma_wait3A_169 = arith.constant 0 : i32
        %dma_wait3A_170 = tpu.memref_slice %arg4[%add3A_168, %dma_wait3A_169] : memref<32768x128xf32, #tpu.memory_space<hbm>> -> memref<128x128xf32, #tpu.memory_space<hbm>>
        %dma_wait3A_171 = arith.constant 0 : i32
        %dma_wait3A_172 = tpu.memref_slice %arg4[%add3A_168, %dma_wait3A_171] : memref<32768x128xf32, #tpu.memory_space<hbm>> -> memref<128x128xf32, #tpu.memory_space<hbm>>
        tpu.wait_dma2 semaphore(%arg16 : memref<!tpu.dma_semaphore, #tpu.memory_space<semaphore_mem>>) src(%arg8 : memref<128x128xf32, #tpu.memory_space<vmem>>) dst(%dma_wait3A_172 : memref<128x128xf32, #tpu.memory_space<hbm>>)
        %dma_start3A_173 = arith.constant 0 : i32
        %dma_start3A_174 = tpu.memref_slice %arg5[%add3A_80, %dma_start3A_173] : memref<8x128xi32, #tpu.memory_space<vmem>> -> memref<1x128xi32, #tpu.memory_space<vmem>>
        %dma_start3A_175 = tpu.memref_squeeze %dma_start3A_174 : memref<1x128xi32, #tpu.memory_space<vmem>> -> memref<128xi32, #tpu.memory_space<vmem>>
        %dma_start3A_176 = arith.constant 0 : i32
        %dma_start3A_177 = arith.constant 0 : i32
        %dma_start3A_178 = tpu.memref_slice %arg2[%dma_start3A_176, %dma_start3A_177] : memref<10000x128xf32, #tpu.memory_space<hbm>> -> memref<10000x128xf32, #tpu.memory_space<hbm>>
        tpu.enqueue_indirect_dma source(%dma_start3A_178 : memref<10000x128xf32, #tpu.memory_space<hbm>>) target(%arg8 : memref<128x128xf32, #tpu.memory_space<vmem>>) offsets(%dma_start3A_175 : memref<128xi32, #tpu.memory_space<vmem>>) semaphore(%arg12 : memref<!tpu.dma_semaphore, #tpu.memory_space<semaphore_mem>>)
      } else {
      }
      %add3A_85 = arith.constant 1 : i32
      %add3A_86 = arith.addi %add3A_63, %add3A_85 : i32
      %dma_wait3A_87 = arith.constant 0 : i32
      %dma_wait3A_88 = tpu.memref_slice %arg5[%add3A_86, %dma_wait3A_87] : memref<8x128xi32, #tpu.memory_space<vmem>> -> memref<1x128xi32, #tpu.memory_space<vmem>>
      %dma_wait3A_89 = tpu.memref_squeeze %dma_wait3A_88 : memref<1x128xi32, #tpu.memory_space<vmem>> -> memref<128xi32, #tpu.memory_space<vmem>>
      %dma_wait3A_90 = arith.constant 0 : i32
      %dma_wait3A_91 = arith.constant 0 : i32
      %dma_wait3A_92 = tpu.memref_slice %arg2[%dma_wait3A_90, %dma_wait3A_91] : memref<10000x128xf32, #tpu.memory_space<hbm>> -> memref<10000x128xf32, #tpu.memory_space<hbm>>
      tpu.wait_indirect_dma semaphore(%arg11 : memref<!tpu.dma_semaphore, #tpu.memory_space<semaphore_mem>>) src(%dma_wait3A_92 : memref<10000x128xf32, #tpu.memory_space<hbm>>) dst(%arg7 : memref<128x128xf32, #tpu.memory_space<vmem>>)
      %mul3A_93 = arith.constant 128 : i32
      %mul3A_94 = arith.muli %add3A_86, %mul3A_93 : i32
      %add3A_95 = arith.addi %mul3A_4, %mul3A_94 : i32
      %dma_start3A_96 = arith.constant 0 : i32
      %dma_start3A_97 = tpu.memref_slice %arg4[%add3A_95, %dma_start3A_96] : memref<32768x128xf32, #tpu.memory_space<hbm>> -> memref<128x128xf32, #tpu.memory_space<hbm>>
      %dma_start3A_98 = arith.constant 0 : i32
      %dma_start3A_99 = tpu.memref_slice %arg4[%add3A_95, %dma_start3A_98] : memref<32768x128xf32, #tpu.memory_space<hbm>> -> memref<128x128xf32, #tpu.memory_space<hbm>>
      tpu.enqueue_dma source(%arg7 : memref<128x128xf32, #tpu.memory_space<vmem>>) target(%dma_start3A_99 : memref<128x128xf32, #tpu.memory_space<hbm>>) target_semaphore(%arg15 : memref<!tpu.dma_semaphore, #tpu.memory_space<semaphore_mem>>)
      %add3A_100 = arith.constant 2 : i32
      %add3A_101 = arith.addi %add3A_86, %add3A_100 : i32
      %sub3A_102 = arith.constant 2 : i32
      %sub3A_103 = arith.subi %add3A_86, %sub3A_102 : i32
      %ge3A_104 = arith.constant 0 : i32
      %ge3A_105 = arith.cmpi sge, %sub3A_103, %ge3A_104 : i32
      %lt3A_106 = arith.constant 8 : i32
      %lt3A_107 = arith.cmpi slt, %add3A_101, %lt3A_106 : i32
      %and3A_108 = arith.andi %ge3A_105, %lt3A_107 : i1
      %convert_element_type3A_109 = arith.extui %and3A_108 : i1 to i32
      %cond3A_110 = arith.constant 0 : i32
      %cond3A_111 = arith.cmpi ne, %convert_element_type3A_109, %cond3A_110 : i32
      scf.if %cond3A_111 {
        %mul3A_166 = arith.constant 128 : i32
        %mul3A_167 = arith.muli %sub3A_103, %mul3A_166 : i32
        %add3A_168 = arith.addi %mul3A_4, %mul3A_167 : i32
        %dma_wait3A_169 = arith.constant 0 : i32
        %dma_wait3A_170 = tpu.memref_slice %arg4[%add3A_168, %dma_wait3A_169] : memref<32768x128xf32, #tpu.memory_space<hbm>> -> memref<128x128xf32, #tpu.memory_space<hbm>>
        %dma_wait3A_171 = arith.constant 0 : i32
        %dma_wait3A_172 = tpu.memref_slice %arg4[%add3A_168, %dma_wait3A_171] : memref<32768x128xf32, #tpu.memory_space<hbm>> -> memref<128x128xf32, #tpu.memory_space<hbm>>
        tpu.wait_dma2 semaphore(%arg17 : memref<!tpu.dma_semaphore, #tpu.memory_space<semaphore_mem>>) src(%arg9 : memref<128x128xf32, #tpu.memory_space<vmem>>) dst(%dma_wait3A_172 : memref<128x128xf32, #tpu.memory_space<hbm>>)
        %dma_start3A_173 = arith.constant 0 : i32
        %dma_start3A_174 = tpu.memref_slice %arg5[%add3A_101, %dma_start3A_173] : memref<8x128xi32, #tpu.memory_space<vmem>> -> memref<1x128xi32, #tpu.memory_space<vmem>>
        %dma_start3A_175 = tpu.memref_squeeze %dma_start3A_174 : memref<1x128xi32, #tpu.memory_space<vmem>> -> memref<128xi32, #tpu.memory_space<vmem>>
        %dma_start3A_176 = arith.constant 0 : i32
        %dma_start3A_177 = arith.constant 0 : i32
        %dma_start3A_178 = tpu.memref_slice %arg2[%dma_start3A_176, %dma_start3A_177] : memref<10000x128xf32, #tpu.memory_space<hbm>> -> memref<10000x128xf32, #tpu.memory_space<hbm>>
        tpu.enqueue_indirect_dma source(%dma_start3A_178 : memref<10000x128xf32, #tpu.memory_space<hbm>>) target(%arg9 : memref<128x128xf32, #tpu.memory_space<vmem>>) offsets(%dma_start3A_175 : memref<128xi32, #tpu.memory_space<vmem>>) semaphore(%arg13 : memref<!tpu.dma_semaphore, #tpu.memory_space<semaphore_mem>>)
      } else {
      }
      %add3A_112 = arith.constant 2 : i32
      %add3A_113 = arith.addi %add3A_63, %add3A_112 : i32
      %dma_wait3A_114 = arith.constant 0 : i32
      %dma_wait3A_115 = tpu.memref_slice %arg5[%add3A_113, %dma_wait3A_114] : memref<8x128xi32, #tpu.memory_space<vmem>> -> memref<1x128xi32, #tpu.memory_space<vmem>>
      %dma_wait3A_116 = tpu.memref_squeeze %dma_wait3A_115 : memref<1x128xi32, #tpu.memory_space<vmem>> -> memref<128xi32, #tpu.memory_space<vmem>>
      %dma_wait3A_117 = arith.constant 0 : i32
      %dma_wait3A_118 = arith.constant 0 : i32
      %dma_wait3A_119 = tpu.memref_slice %arg2[%dma_wait3A_117, %dma_wait3A_118] : memref<10000x128xf32, #tpu.memory_space<hbm>> -> memref<10000x128xf32, #tpu.memory_space<hbm>>
      tpu.wait_indirect_dma semaphore(%arg12 : memref<!tpu.dma_semaphore, #tpu.memory_space<semaphore_mem>>) src(%dma_wait3A_119 : memref<10000x128xf32, #tpu.memory_space<hbm>>) dst(%arg8 : memref<128x128xf32, #tpu.memory_space<vmem>>)
      %mul3A_120 = arith.constant 128 : i32
      %mul3A_121 = arith.muli %add3A_113, %mul3A_120 : i32
      %add3A_122 = arith.addi %mul3A_4, %mul3A_121 : i32
      %dma_start3A_123 = arith.constant 0 : i32
      %dma_start3A_124 = tpu.memref_slice %arg4[%add3A_122, %dma_start3A_123] : memref<32768x128xf32, #tpu.memory_space<hbm>> -> memref<128x128xf32, #tpu.memory_space<hbm>>
      %dma_start3A_125 = arith.constant 0 : i32
      %dma_start3A_126 = tpu.memref_slice %arg4[%add3A_122, %dma_start3A_125] : memref<32768x128xf32, #tpu.memory_space<hbm>> -> memref<128x128xf32, #tpu.memory_space<hbm>>
      tpu.enqueue_dma source(%arg8 : memref<128x128xf32, #tpu.memory_space<vmem>>) target(%dma_start3A_126 : memref<128x128xf32, #tpu.memory_space<hbm>>) target_semaphore(%arg16 : memref<!tpu.dma_semaphore, #tpu.memory_space<semaphore_mem>>)
      %add3A_127 = arith.constant 2 : i32
      %add3A_128 = arith.addi %add3A_113, %add3A_127 : i32
      %sub3A_129 = arith.constant 2 : i32
      %sub3A_130 = arith.subi %add3A_113, %sub3A_129 : i32
      %ge3A_131 = arith.constant 0 : i32
      %ge3A_132 = arith.cmpi sge, %sub3A_130, %ge3A_131 : i32
      %lt3A_133 = arith.constant 8 : i32
      %lt3A_134 = arith.cmpi slt, %add3A_128, %lt3A_133 : i32
      %and3A_135 = arith.andi %ge3A_132, %lt3A_134 : i1
      %convert_element_type3A_136 = arith.extui %and3A_135 : i1 to i32
      %cond3A_137 = arith.constant 0 : i32
      %cond3A_138 = arith.cmpi ne, %convert_element_type3A_136, %cond3A_137 : i32
      scf.if %cond3A_138 {
        %mul3A_166 = arith.constant 128 : i32
        %mul3A_167 = arith.muli %sub3A_130, %mul3A_166 : i32
        %add3A_168 = arith.addi %mul3A_4, %mul3A_167 : i32
        %dma_wait3A_169 = arith.constant 0 : i32
        %dma_wait3A_170 = tpu.memref_slice %arg4[%add3A_168, %dma_wait3A_169] : memref<32768x128xf32, #tpu.memory_space<hbm>> -> memref<128x128xf32, #tpu.memory_space<hbm>>
        %dma_wait3A_171 = arith.constant 0 : i32
        %dma_wait3A_172 = tpu.memref_slice %arg4[%add3A_168, %dma_wait3A_171] : memref<32768x128xf32, #tpu.memory_space<hbm>> -> memref<128x128xf32, #tpu.memory_space<hbm>>
        tpu.wait_dma2 semaphore(%arg14 : memref<!tpu.dma_semaphore, #tpu.memory_space<semaphore_mem>>) src(%arg6 : memref<128x128xf32, #tpu.memory_space<vmem>>) dst(%dma_wait3A_172 : memref<128x128xf32, #tpu.memory_space<hbm>>)
        %dma_start3A_173 = arith.constant 0 : i32
        %dma_start3A_174 = tpu.memref_slice %arg5[%add3A_128, %dma_start3A_173] : memref<8x128xi32, #tpu.memory_space<vmem>> -> memref<1x128xi32, #tpu.memory_space<vmem>>
        %dma_start3A_175 = tpu.memref_squeeze %dma_start3A_174 : memref<1x128xi32, #tpu.memory_space<vmem>> -> memref<128xi32, #tpu.memory_space<vmem>>
        %dma_start3A_176 = arith.constant 0 : i32
        %dma_start3A_177 = arith.constant 0 : i32
        %dma_start3A_178 = tpu.memref_slice %arg2[%dma_start3A_176, %dma_start3A_177] : memref<10000x128xf32, #tpu.memory_space<hbm>> -> memref<10000x128xf32, #tpu.memory_space<hbm>>
        tpu.enqueue_indirect_dma source(%dma_start3A_178 : memref<10000x128xf32, #tpu.memory_space<hbm>>) target(%arg6 : memref<128x128xf32, #tpu.memory_space<vmem>>) offsets(%dma_start3A_175 : memref<128xi32, #tpu.memory_space<vmem>>) semaphore(%arg10 : memref<!tpu.dma_semaphore, #tpu.memory_space<semaphore_mem>>)
      } else {
      }
      %add3A_139 = arith.constant 3 : i32
      %add3A_140 = arith.addi %add3A_63, %add3A_139 : i32
      %dma_wait3A_141 = arith.constant 0 : i32
      %dma_wait3A_142 = tpu.memref_slice %arg5[%add3A_140, %dma_wait3A_141] : memref<8x128xi32, #tpu.memory_space<vmem>> -> memref<1x128xi32, #tpu.memory_space<vmem>>
      %dma_wait3A_143 = tpu.memref_squeeze %dma_wait3A_142 : memref<1x128xi32, #tpu.memory_space<vmem>> -> memref<128xi32, #tpu.memory_space<vmem>>
      %dma_wait3A_144 = arith.constant 0 : i32
      %dma_wait3A_145 = arith.constant 0 : i32
      %dma_wait3A_146 = tpu.memref_slice %arg2[%dma_wait3A_144, %dma_wait3A_145] : memref<10000x128xf32, #tpu.memory_space<hbm>> -> memref<10000x128xf32, #tpu.memory_space<hbm>>
      tpu.wait_indirect_dma semaphore(%arg13 : memref<!tpu.dma_semaphore, #tpu.memory_space<semaphore_mem>>) src(%dma_wait3A_146 : memref<10000x128xf32, #tpu.memory_space<hbm>>) dst(%arg9 : memref<128x128xf32, #tpu.memory_space<vmem>>)
      %mul3A_147 = arith.constant 128 : i32
      %mul3A_148 = arith.muli %add3A_140, %mul3A_147 : i32
      %add3A_149 = arith.addi %mul3A_4, %mul3A_148 : i32
      %dma_start3A_150 = arith.constant 0 : i32
      %dma_start3A_151 = tpu.memref_slice %arg4[%add3A_149, %dma_start3A_150] : memref<32768x128xf32, #tpu.memory_space<hbm>> -> memref<128x128xf32, #tpu.memory_space<hbm>>
      %dma_start3A_152 = arith.constant 0 : i32
      %dma_start3A_153 = tpu.memref_slice %arg4[%add3A_149, %dma_start3A_152] : memref<32768x128xf32, #tpu.memory_space<hbm>> -> memref<128x128xf32, #tpu.memory_space<hbm>>
      tpu.enqueue_dma source(%arg9 : memref<128x128xf32, #tpu.memory_space<vmem>>) target(%dma_start3A_153 : memref<128x128xf32, #tpu.memory_space<hbm>>) target_semaphore(%arg17 : memref<!tpu.dma_semaphore, #tpu.memory_space<semaphore_mem>>)
      %add3A_154 = arith.constant 2 : i32
      %add3A_155 = arith.addi %add3A_140, %add3A_154 : i32
      %sub3A_156 = arith.constant 2 : i32
      %sub3A_157 = arith.subi %add3A_140, %sub3A_156 : i32
      %ge3A_158 = arith.constant 0 : i32
      %ge3A_159 = arith.cmpi sge, %sub3A_157, %ge3A_158 : i32
      %lt3A_160 = arith.constant 8 : i32
      %lt3A_161 = arith.cmpi slt, %add3A_155, %lt3A_160 : i32
      %and3A_162 = arith.andi %ge3A_159, %lt3A_161 : i1
      %convert_element_type3A_163 = arith.extui %and3A_162 : i1 to i32
      %cond3A_164 = arith.constant 0 : i32
      %cond3A_165 = arith.cmpi ne, %convert_element_type3A_163, %cond3A_164 : i32
      scf.if %cond3A_165 {
        %mul3A_166 = arith.constant 128 : i32
        %mul3A_167 = arith.muli %sub3A_157, %mul3A_166 : i32
        %add3A_168 = arith.addi %mul3A_4, %mul3A_167 : i32
        %dma_wait3A_169 = arith.constant 0 : i32
        %dma_wait3A_170 = tpu.memref_slice %arg4[%add3A_168, %dma_wait3A_169] : memref<32768x128xf32, #tpu.memory_space<hbm>> -> memref<128x128xf32, #tpu.memory_space<hbm>>
        %dma_wait3A_171 = arith.constant 0 : i32
        %dma_wait3A_172 = tpu.memref_slice %arg4[%add3A_168, %dma_wait3A_171] : memref<32768x128xf32, #tpu.memory_space<hbm>> -> memref<128x128xf32, #tpu.memory_space<hbm>>
        tpu.wait_dma2 semaphore(%arg15 : memref<!tpu.dma_semaphore, #tpu.memory_space<semaphore_mem>>) src(%arg7 : memref<128x128xf32, #tpu.memory_space<vmem>>) dst(%dma_wait3A_172 : memref<128x128xf32, #tpu.memory_space<hbm>>)
        %dma_start3A_173 = arith.constant 0 : i32
        %dma_start3A_174 = tpu.memref_slice %arg5[%add3A_155, %dma_start3A_173] : memref<8x128xi32, #tpu.memory_space<vmem>> -> memref<1x128xi32, #tpu.memory_space<vmem>>
        %dma_start3A_175 = tpu.memref_squeeze %dma_start3A_174 : memref<1x128xi32, #tpu.memory_space<vmem>> -> memref<128xi32, #tpu.memory_space<vmem>>
        %dma_start3A_176 = arith.constant 0 : i32
        %dma_start3A_177 = arith.constant 0 : i32
        %dma_start3A_178 = tpu.memref_slice %arg2[%dma_start3A_176, %dma_start3A_177] : memref<10000x128xf32, #tpu.memory_space<hbm>> -> memref<10000x128xf32, #tpu.memory_space<hbm>>
        tpu.enqueue_indirect_dma source(%dma_start3A_178 : memref<10000x128xf32, #tpu.memory_space<hbm>>) target(%arg7 : memref<128x128xf32, #tpu.memory_space<vmem>>) offsets(%dma_start3A_175 : memref<128xi32, #tpu.memory_space<vmem>>) semaphore(%arg11 : memref<!tpu.dma_semaphore, #tpu.memory_space<semaphore_mem>>)
      } else {
      }
    }
    %scan3A_35 = arith.constant 2 : i32
    %add3A_36 = arith.constant 512 : i32
    %add3A_37 = arith.addi %mul3A_4, %add3A_36 : i32
    %dma_wait3A = arith.constant 0 : i32
    %dma_wait3A_38 = tpu.memref_slice %arg4[%add3A_37, %dma_wait3A] : memref<32768x128xf32, #tpu.memory_space<hbm>> -> memref<128x128xf32, #tpu.memory_space<hbm>>
    %dma_wait3A_39 = arith.constant 0 : i32
    %dma_wait3A_40 = tpu.memref_slice %arg4[%add3A_37, %dma_wait3A_39] : memref<32768x128xf32, #tpu.memory_space<hbm>> -> memref<128x128xf32, #tpu.memory_space<hbm>>
    tpu.wait_dma2 semaphore(%arg14 : memref<!tpu.dma_semaphore, #tpu.memory_space<semaphore_mem>>) src(%arg6 : memref<128x128xf32, #tpu.memory_space<vmem>>) dst(%dma_wait3A_40 : memref<128x128xf32, #tpu.memory_space<hbm>>)
    %add3A_41 = arith.constant 640 : i32
    %add3A_42 = arith.addi %mul3A_4, %add3A_41 : i32
    %dma_wait3A_43 = arith.constant 0 : i32
    %dma_wait3A_44 = tpu.memref_slice %arg4[%add3A_42, %dma_wait3A_43] : memref<32768x128xf32, #tpu.memory_space<hbm>> -> memref<128x128xf32, #tpu.memory_space<hbm>>
    %dma_wait3A_45 = arith.constant 0 : i32
    %dma_wait3A_46 = tpu.memref_slice %arg4[%add3A_42, %dma_wait3A_45] : memref<32768x128xf32, #tpu.memory_space<hbm>> -> memref<128x128xf32, #tpu.memory_space<hbm>>
    tpu.wait_dma2 semaphore(%arg15 : memref<!tpu.dma_semaphore, #tpu.memory_space<semaphore_mem>>) src(%arg7 : memref<128x128xf32, #tpu.memory_space<vmem>>) dst(%dma_wait3A_46 : memref<128x128xf32, #tpu.memory_space<hbm>>)
    %add3A_47 = arith.constant 768 : i32
    %add3A_48 = arith.addi %mul3A_4, %add3A_47 : i32
    %dma_wait3A_49 = arith.constant 0 : i32
    %dma_wait3A_50 = tpu.memref_slice %arg4[%add3A_48, %dma_wait3A_49] : memref<32768x128xf32, #tpu.memory_space<hbm>> -> memref<128x128xf32, #tpu.memory_space<hbm>>
    %dma_wait3A_51 = arith.constant 0 : i32
    %dma_wait3A_52 = tpu.memref_slice %arg4[%add3A_48, %dma_wait3A_51] : memref<32768x128xf32, #tpu.memory_space<hbm>> -> memref<128x128xf32, #tpu.memory_space<hbm>>
    tpu.wait_dma2 semaphore(%arg16 : memref<!tpu.dma_semaphore, #tpu.memory_space<semaphore_mem>>) src(%arg8 : memref<128x128xf32, #tpu.memory_space<vmem>>) dst(%dma_wait3A_52 : memref<128x128xf32, #tpu.memory_space<hbm>>)
    %add3A_53 = arith.constant 896 : i32
    %add3A_54 = arith.addi %mul3A_4, %add3A_53 : i32
    %dma_wait3A_55 = arith.constant 0 : i32
    %dma_wait3A_56 = tpu.memref_slice %arg4[%add3A_54, %dma_wait3A_55] : memref<32768x128xf32, #tpu.memory_space<hbm>> -> memref<128x128xf32, #tpu.memory_space<hbm>>
    %dma_wait3A_57 = arith.constant 0 : i32
    %dma_wait3A_58 = tpu.memref_slice %arg4[%add3A_54, %dma_wait3A_57] : memref<32768x128xf32, #tpu.memory_space<hbm>> -> memref<128x128xf32, #tpu.memory_space<hbm>>
    tpu.wait_dma2 semaphore(%arg17 : memref<!tpu.dma_semaphore, #tpu.memory_space<semaphore_mem>>) src(%arg9 : memref<128x128xf32, #tpu.memory_space<vmem>>) dst(%dma_wait3A_58 : memref<128x128xf32, #tpu.memory_space<hbm>>)
    return
  }
}

#map = affine_map<(d0, d1) -> (0, 0)>
#map1 = affine_map<(d0, d1) -> (0, 0, 0)>
module attributes {stable_mosaic.version = 14 : i64} {
  func.func @gather_kernel(%arg0: i32, %arg1: i32, %arg2: memref<10000x128xf32, #tpu.memory_space<hbm>>, %arg3: memref<32x52x128xi32, #tpu.memory_space<hbm>>, %arg4: memref<212992x128xf32, #tpu.memory_space<hbm>>, %arg5: memref<52x128xi32, #tpu.memory_space<vmem>>, %arg6: memref<128x128xf32, #tpu.memory_space<vmem>>, %arg7: memref<128x128xf32, #tpu.memory_space<vmem>>, %arg8: memref<128x128xf32, #tpu.memory_space<vmem>>, %arg9: memref<128x128xf32, #tpu.memory_space<vmem>>, %arg10: memref<!tpu.dma_semaphore, #tpu.memory_space<semaphore_mem>>, %arg11: memref<!tpu.dma_semaphore, #tpu.memory_space<semaphore_mem>>, %arg12: memref<!tpu.dma_semaphore, #tpu.memory_space<semaphore_mem>>, %arg13: memref<!tpu.dma_semaphore, #tpu.memory_space<semaphore_mem>>, %arg14: memref<!tpu.dma_semaphore, #tpu.memory_space<semaphore_mem>>, %arg15: memref<!tpu.dma_semaphore, #tpu.memory_space<semaphore_mem>>, %arg16: memref<!tpu.dma_semaphore, #tpu.memory_space<semaphore_mem>>, %arg17: memref<!tpu.dma_semaphore, #tpu.memory_space<semaphore_mem>>) attributes {dimension_semantics = [#tpu.dimension_semantics<core_parallel>, #tpu.dimension_semantics<subcore_parallel>], iteration_bounds = array<i64: 2, 16>, scalar_prefetch = 0 : i64, scratch_operands = 13 : i64, tpu.core_type = #tpu.core_type<sc_vector_subcore>, window_params = [{transform_indices = #map}, {transform_indices = #map1}, {transform_indices = #map}]} {
    %mul3A = arith.constant 2 : i32
    %mul3A_0 = arith.muli %arg1, %mul3A : i32
    %add3A = arith.addi %mul3A_0, %arg0 : i32
    %mul3A_1 = arith.constant 52 : i32
    %mul3A_2 = arith.muli %add3A, %mul3A_1 : i32
    %mul3A_3 = arith.constant 128 : i32
    %mul3A_4 = arith.muli %mul3A_2, %mul3A_3 : i32
    "tpu.region"() ({
      %run_scoped3A = tpu.sem_alloc : memref<!tpu.dma_semaphore, #tpu.memory_space<semaphore_mem>>
      %dma_start3A_59 = arith.constant 0 : i32
      %dma_start3A_60 = arith.constant 0 : i32
      %dma_start3A_61 = tpu.memref_slice %arg3[%add3A, %dma_start3A_59, %dma_start3A_60] : memref<32x52x128xi32, #tpu.memory_space<hbm>> -> memref<1x52x128xi32, #tpu.memory_space<hbm>>
      %dma_start3A_62 = tpu.memref_squeeze %dma_start3A_61 : memref<1x52x128xi32, #tpu.memory_space<hbm>> -> memref<52x128xi32, #tpu.memory_space<hbm>>
      %dma_start3A_63 = arith.constant 0 : i32
      %dma_start3A_64 = arith.constant 0 : i32
      %dma_start3A_65 = tpu.memref_slice %arg3[%add3A, %dma_start3A_63, %dma_start3A_64] : memref<32x52x128xi32, #tpu.memory_space<hbm>> -> memref<1x52x128xi32, #tpu.memory_space<hbm>>
      %dma_start3A_66 = tpu.memref_squeeze %dma_start3A_65 : memref<1x52x128xi32, #tpu.memory_space<hbm>> -> memref<52x128xi32, #tpu.memory_space<hbm>>
      tpu.enqueue_dma source(%dma_start3A_66 : memref<52x128xi32, #tpu.memory_space<hbm>>) target(%arg5 : memref<52x128xi32, #tpu.memory_space<vmem>>) target_semaphore(%run_scoped3A : memref<!tpu.dma_semaphore, #tpu.memory_space<semaphore_mem>>)
      %dma_wait3A_67 = arith.constant 0 : i32
      %dma_wait3A_68 = arith.constant 0 : i32
      %dma_wait3A_69 = tpu.memref_slice %arg3[%add3A, %dma_wait3A_67, %dma_wait3A_68] : memref<32x52x128xi32, #tpu.memory_space<hbm>> -> memref<1x52x128xi32, #tpu.memory_space<hbm>>
      %dma_wait3A_70 = tpu.memref_squeeze %dma_wait3A_69 : memref<1x52x128xi32, #tpu.memory_space<hbm>> -> memref<52x128xi32, #tpu.memory_space<hbm>>
      %dma_wait3A_71 = arith.constant 0 : i32
      %dma_wait3A_72 = arith.constant 0 : i32
      %dma_wait3A_73 = tpu.memref_slice %arg3[%add3A, %dma_wait3A_71, %dma_wait3A_72] : memref<32x52x128xi32, #tpu.memory_space<hbm>> -> memref<1x52x128xi32, #tpu.memory_space<hbm>>
      %dma_wait3A_74 = tpu.memref_squeeze %dma_wait3A_73 : memref<1x52x128xi32, #tpu.memory_space<hbm>> -> memref<52x128xi32, #tpu.memory_space<hbm>>
      tpu.wait_dma2 semaphore(%run_scoped3A : memref<!tpu.dma_semaphore, #tpu.memory_space<semaphore_mem>>) src(%dma_wait3A_74 : memref<52x128xi32, #tpu.memory_space<hbm>>) dst(%arg5 : memref<52x128xi32, #tpu.memory_space<vmem>>)
      tpu.yield
    }) : () -> ()
    %dma_start3A = arith.constant 0 : i32
    %dma_start3A_5 = arith.constant 0 : i32
    %dma_start3A_6 = tpu.memref_slice %arg5[%dma_start3A, %dma_start3A_5] : memref<52x128xi32, #tpu.memory_space<vmem>> -> memref<1x128xi32, #tpu.memory_space<vmem>>
    %dma_start3A_7 = tpu.memref_squeeze %dma_start3A_6 : memref<1x128xi32, #tpu.memory_space<vmem>> -> memref<128xi32, #tpu.memory_space<vmem>>
    %dma_start3A_8 = arith.constant 0 : i32
    %dma_start3A_9 = arith.constant 0 : i32
    %dma_start3A_10 = tpu.memref_slice %arg2[%dma_start3A_8, %dma_start3A_9] : memref<10000x128xf32, #tpu.memory_space<hbm>> -> memref<10000x128xf32, #tpu.memory_space<hbm>>
    tpu.enqueue_indirect_dma source(%dma_start3A_10 : memref<10000x128xf32, #tpu.memory_space<hbm>>) target(%arg6 : memref<128x128xf32, #tpu.memory_space<vmem>>) offsets(%dma_start3A_7 : memref<128xi32, #tpu.memory_space<vmem>>) semaphore(%arg10 : memref<!tpu.dma_semaphore, #tpu.memory_space<semaphore_mem>>)
    %dma_start3A_11 = arith.constant 1 : i32
    %dma_start3A_12 = arith.constant 0 : i32
    %dma_start3A_13 = tpu.memref_slice %arg5[%dma_start3A_11, %dma_start3A_12] : memref<52x128xi32, #tpu.memory_space<vmem>> -> memref<1x128xi32, #tpu.memory_space<vmem>>
    %dma_start3A_14 = tpu.memref_squeeze %dma_start3A_13 : memref<1x128xi32, #tpu.memory_space<vmem>> -> memref<128xi32, #tpu.memory_space<vmem>>
    %dma_start3A_15 = arith.constant 0 : i32
    %dma_start3A_16 = arith.constant 0 : i32
    %dma_start3A_17 = tpu.memref_slice %arg2[%dma_start3A_15, %dma_start3A_16] : memref<10000x128xf32, #tpu.memory_space<hbm>> -> memref<10000x128xf32, #tpu.memory_space<hbm>>
    tpu.enqueue_indirect_dma source(%dma_start3A_17 : memref<10000x128xf32, #tpu.memory_space<hbm>>) target(%arg7 : memref<128x128xf32, #tpu.memory_space<vmem>>) offsets(%dma_start3A_14 : memref<128xi32, #tpu.memory_space<vmem>>) semaphore(%arg11 : memref<!tpu.dma_semaphore, #tpu.memory_space<semaphore_mem>>)
    %dma_start3A_18 = arith.constant 2 : i32
    %dma_start3A_19 = arith.constant 0 : i32
    %dma_start3A_20 = tpu.memref_slice %arg5[%dma_start3A_18, %dma_start3A_19] : memref<52x128xi32, #tpu.memory_space<vmem>> -> memref<1x128xi32, #tpu.memory_space<vmem>>
    %dma_start3A_21 = tpu.memref_squeeze %dma_start3A_20 : memref<1x128xi32, #tpu.memory_space<vmem>> -> memref<128xi32, #tpu.memory_space<vmem>>
    %dma_start3A_22 = arith.constant 0 : i32
    %dma_start3A_23 = arith.constant 0 : i32
    %dma_start3A_24 = tpu.memref_slice %arg2[%dma_start3A_22, %dma_start3A_23] : memref<10000x128xf32, #tpu.memory_space<hbm>> -> memref<10000x128xf32, #tpu.memory_space<hbm>>
    tpu.enqueue_indirect_dma source(%dma_start3A_24 : memref<10000x128xf32, #tpu.memory_space<hbm>>) target(%arg8 : memref<128x128xf32, #tpu.memory_space<vmem>>) offsets(%dma_start3A_21 : memref<128xi32, #tpu.memory_space<vmem>>) semaphore(%arg12 : memref<!tpu.dma_semaphore, #tpu.memory_space<semaphore_mem>>)
    %dma_start3A_25 = arith.constant 3 : i32
    %dma_start3A_26 = arith.constant 0 : i32
    %dma_start3A_27 = tpu.memref_slice %arg5[%dma_start3A_25, %dma_start3A_26] : memref<52x128xi32, #tpu.memory_space<vmem>> -> memref<1x128xi32, #tpu.memory_space<vmem>>
    %dma_start3A_28 = tpu.memref_squeeze %dma_start3A_27 : memref<1x128xi32, #tpu.memory_space<vmem>> -> memref<128xi32, #tpu.memory_space<vmem>>
    %dma_start3A_29 = arith.constant 0 : i32
    %dma_start3A_30 = arith.constant 0 : i32
    %dma_start3A_31 = tpu.memref_slice %arg2[%dma_start3A_29, %dma_start3A_30] : memref<10000x128xf32, #tpu.memory_space<hbm>> -> memref<10000x128xf32, #tpu.memory_space<hbm>>
    tpu.enqueue_indirect_dma source(%dma_start3A_31 : memref<10000x128xf32, #tpu.memory_space<hbm>>) target(%arg9 : memref<128x128xf32, #tpu.memory_space<vmem>>) offsets(%dma_start3A_28 : memref<128xi32, #tpu.memory_space<vmem>>) semaphore(%arg13 : memref<!tpu.dma_semaphore, #tpu.memory_space<semaphore_mem>>)
    %scan3A = arith.constant 0 : i32
    %scan3A_32 = arith.constant 13 : i32
    %scan3A_33 = arith.addi %scan3A, %scan3A_32 : i32
    %scan3A_34 = arith.constant 1 : i32
    scf.for %scan3A_59 = %scan3A to %scan3A_33 step %scan3A_34  : i32 {
      %mul3A_60 = arith.constant 4 : i32
      %mul3A_61 = arith.muli %scan3A_59, %mul3A_60 : i32
      %add3A_62 = arith.constant 0 : i32
      %add3A_63 = arith.addi %add3A_62, %mul3A_61 : i32
      %add3A_64 = arith.constant 0 : i32
      %add3A_65 = arith.addi %add3A_63, %add3A_64 : i32
      %dma_wait3A_66 = arith.constant 0 : i32
      %dma_wait3A_67 = tpu.memref_slice %arg5[%add3A_65, %dma_wait3A_66] : memref<52x128xi32, #tpu.memory_space<vmem>> -> memref<1x128xi32, #tpu.memory_space<vmem>>
      %dma_wait3A_68 = tpu.memref_squeeze %dma_wait3A_67 : memref<1x128xi32, #tpu.memory_space<vmem>> -> memref<128xi32, #tpu.memory_space<vmem>>
      %dma_wait3A_69 = arith.constant 0 : i32
      %dma_wait3A_70 = arith.constant 0 : i32
      %dma_wait3A_71 = tpu.memref_slice %arg2[%dma_wait3A_69, %dma_wait3A_70] : memref<10000x128xf32, #tpu.memory_space<hbm>> -> memref<10000x128xf32, #tpu.memory_space<hbm>>
      tpu.wait_indirect_dma semaphore(%arg10 : memref<!tpu.dma_semaphore, #tpu.memory_space<semaphore_mem>>) src(%dma_wait3A_71 : memref<10000x128xf32, #tpu.memory_space<hbm>>) dst(%arg6 : memref<128x128xf32, #tpu.memory_space<vmem>>)
      %mul3A_72 = arith.constant 128 : i32
      %mul3A_73 = arith.muli %add3A_65, %mul3A_72 : i32
      %add3A_74 = arith.addi %mul3A_4, %mul3A_73 : i32
      %dma_start3A_75 = arith.constant 0 : i32
      %dma_start3A_76 = tpu.memref_slice %arg4[%add3A_74, %dma_start3A_75] : memref<212992x128xf32, #tpu.memory_space<hbm>> -> memref<128x128xf32, #tpu.memory_space<hbm>>
      %dma_start3A_77 = arith.constant 0 : i32
      %dma_start3A_78 = tpu.memref_slice %arg4[%add3A_74, %dma_start3A_77] : memref<212992x128xf32, #tpu.memory_space<hbm>> -> memref<128x128xf32, #tpu.memory_space<hbm>>
      tpu.enqueue_dma source(%arg6 : memref<128x128xf32, #tpu.memory_space<vmem>>) target(%dma_start3A_78 : memref<128x128xf32, #tpu.memory_space<hbm>>) target_semaphore(%arg14 : memref<!tpu.dma_semaphore, #tpu.memory_space<semaphore_mem>>)
      %add3A_79 = arith.constant 2 : i32
      %add3A_80 = arith.addi %add3A_65, %add3A_79 : i32
      %sub3A = arith.constant 2 : i32
      %sub3A_81 = arith.subi %add3A_65, %sub3A : i32
      %ge3A = arith.constant 0 : i32
      %ge3A_82 = arith.cmpi sge, %sub3A_81, %ge3A : i32
      %lt3A = arith.constant 52 : i32
      %lt3A_83 = arith.cmpi slt, %add3A_80, %lt3A : i32
      %and3A = arith.andi %ge3A_82, %lt3A_83 : i1
      %convert_element_type3A = arith.extui %and3A : i1 to i32
      %cond3A = arith.constant 0 : i32
      %cond3A_84 = arith.cmpi ne, %convert_element_type3A, %cond3A : i32
      scf.if %cond3A_84 {
        %mul3A_166 = arith.constant 128 : i32
        %mul3A_167 = arith.muli %sub3A_81, %mul3A_166 : i32
        %add3A_168 = arith.addi %mul3A_4, %mul3A_167 : i32
        %dma_wait3A_169 = arith.constant 0 : i32
        %dma_wait3A_170 = tpu.memref_slice %arg4[%add3A_168, %dma_wait3A_169] : memref<212992x128xf32, #tpu.memory_space<hbm>> -> memref<128x128xf32, #tpu.memory_space<hbm>>
        %dma_wait3A_171 = arith.constant 0 : i32
        %dma_wait3A_172 = tpu.memref_slice %arg4[%add3A_168, %dma_wait3A_171] : memref<212992x128xf32, #tpu.memory_space<hbm>> -> memref<128x128xf32, #tpu.memory_space<hbm>>
        tpu.wait_dma2 semaphore(%arg16 : memref<!tpu.dma_semaphore, #tpu.memory_space<semaphore_mem>>) src(%arg8 : memref<128x128xf32, #tpu.memory_space<vmem>>) dst(%dma_wait3A_172 : memref<128x128xf32, #tpu.memory_space<hbm>>)
        %dma_start3A_173 = arith.constant 0 : i32
        %dma_start3A_174 = tpu.memref_slice %arg5[%add3A_80, %dma_start3A_173] : memref<52x128xi32, #tpu.memory_space<vmem>> -> memref<1x128xi32, #tpu.memory_space<vmem>>
        %dma_start3A_175 = tpu.memref_squeeze %dma_start3A_174 : memref<1x128xi32, #tpu.memory_space<vmem>> -> memref<128xi32, #tpu.memory_space<vmem>>
        %dma_start3A_176 = arith.constant 0 : i32
        %dma_start3A_177 = arith.constant 0 : i32
        %dma_start3A_178 = tpu.memref_slice %arg2[%dma_start3A_176, %dma_start3A_177] : memref<10000x128xf32, #tpu.memory_space<hbm>> -> memref<10000x128xf32, #tpu.memory_space<hbm>>
        tpu.enqueue_indirect_dma source(%dma_start3A_178 : memref<10000x128xf32, #tpu.memory_space<hbm>>) target(%arg8 : memref<128x128xf32, #tpu.memory_space<vmem>>) offsets(%dma_start3A_175 : memref<128xi32, #tpu.memory_space<vmem>>) semaphore(%arg12 : memref<!tpu.dma_semaphore, #tpu.memory_space<semaphore_mem>>)
      } else {
      }
      %add3A_85 = arith.constant 1 : i32
      %add3A_86 = arith.addi %add3A_63, %add3A_85 : i32
      %dma_wait3A_87 = arith.constant 0 : i32
      %dma_wait3A_88 = tpu.memref_slice %arg5[%add3A_86, %dma_wait3A_87] : memref<52x128xi32, #tpu.memory_space<vmem>> -> memref<1x128xi32, #tpu.memory_space<vmem>>
      %dma_wait3A_89 = tpu.memref_squeeze %dma_wait3A_88 : memref<1x128xi32, #tpu.memory_space<vmem>> -> memref<128xi32, #tpu.memory_space<vmem>>
      %dma_wait3A_90 = arith.constant 0 : i32
      %dma_wait3A_91 = arith.constant 0 : i32
      %dma_wait3A_92 = tpu.memref_slice %arg2[%dma_wait3A_90, %dma_wait3A_91] : memref<10000x128xf32, #tpu.memory_space<hbm>> -> memref<10000x128xf32, #tpu.memory_space<hbm>>
      tpu.wait_indirect_dma semaphore(%arg11 : memref<!tpu.dma_semaphore, #tpu.memory_space<semaphore_mem>>) src(%dma_wait3A_92 : memref<10000x128xf32, #tpu.memory_space<hbm>>) dst(%arg7 : memref<128x128xf32, #tpu.memory_space<vmem>>)
      %mul3A_93 = arith.constant 128 : i32
      %mul3A_94 = arith.muli %add3A_86, %mul3A_93 : i32
      %add3A_95 = arith.addi %mul3A_4, %mul3A_94 : i32
      %dma_start3A_96 = arith.constant 0 : i32
      %dma_start3A_97 = tpu.memref_slice %arg4[%add3A_95, %dma_start3A_96] : memref<212992x128xf32, #tpu.memory_space<hbm>> -> memref<128x128xf32, #tpu.memory_space<hbm>>
      %dma_start3A_98 = arith.constant 0 : i32
      %dma_start3A_99 = tpu.memref_slice %arg4[%add3A_95, %dma_start3A_98] : memref<212992x128xf32, #tpu.memory_space<hbm>> -> memref<128x128xf32, #tpu.memory_space<hbm>>
      tpu.enqueue_dma source(%arg7 : memref<128x128xf32, #tpu.memory_space<vmem>>) target(%dma_start3A_99 : memref<128x128xf32, #tpu.memory_space<hbm>>) target_semaphore(%arg15 : memref<!tpu.dma_semaphore, #tpu.memory_space<semaphore_mem>>)
      %add3A_100 = arith.constant 2 : i32
      %add3A_101 = arith.addi %add3A_86, %add3A_100 : i32
      %sub3A_102 = arith.constant 2 : i32
      %sub3A_103 = arith.subi %add3A_86, %sub3A_102 : i32
      %ge3A_104 = arith.constant 0 : i32
      %ge3A_105 = arith.cmpi sge, %sub3A_103, %ge3A_104 : i32
      %lt3A_106 = arith.constant 52 : i32
      %lt3A_107 = arith.cmpi slt, %add3A_101, %lt3A_106 : i32
      %and3A_108 = arith.andi %ge3A_105, %lt3A_107 : i1
      %convert_element_type3A_109 = arith.extui %and3A_108 : i1 to i32
      %cond3A_110 = arith.constant 0 : i32
      %cond3A_111 = arith.cmpi ne, %convert_element_type3A_109, %cond3A_110 : i32
      scf.if %cond3A_111 {
        %mul3A_166 = arith.constant 128 : i32
        %mul3A_167 = arith.muli %sub3A_103, %mul3A_166 : i32
        %add3A_168 = arith.addi %mul3A_4, %mul3A_167 : i32
        %dma_wait3A_169 = arith.constant 0 : i32
        %dma_wait3A_170 = tpu.memref_slice %arg4[%add3A_168, %dma_wait3A_169] : memref<212992x128xf32, #tpu.memory_space<hbm>> -> memref<128x128xf32, #tpu.memory_space<hbm>>
        %dma_wait3A_171 = arith.constant 0 : i32
        %dma_wait3A_172 = tpu.memref_slice %arg4[%add3A_168, %dma_wait3A_171] : memref<212992x128xf32, #tpu.memory_space<hbm>> -> memref<128x128xf32, #tpu.memory_space<hbm>>
        tpu.wait_dma2 semaphore(%arg17 : memref<!tpu.dma_semaphore, #tpu.memory_space<semaphore_mem>>) src(%arg9 : memref<128x128xf32, #tpu.memory_space<vmem>>) dst(%dma_wait3A_172 : memref<128x128xf32, #tpu.memory_space<hbm>>)
        %dma_start3A_173 = arith.constant 0 : i32
        %dma_start3A_174 = tpu.memref_slice %arg5[%add3A_101, %dma_start3A_173] : memref<52x128xi32, #tpu.memory_space<vmem>> -> memref<1x128xi32, #tpu.memory_space<vmem>>
        %dma_start3A_175 = tpu.memref_squeeze %dma_start3A_174 : memref<1x128xi32, #tpu.memory_space<vmem>> -> memref<128xi32, #tpu.memory_space<vmem>>
        %dma_start3A_176 = arith.constant 0 : i32
        %dma_start3A_177 = arith.constant 0 : i32
        %dma_start3A_178 = tpu.memref_slice %arg2[%dma_start3A_176, %dma_start3A_177] : memref<10000x128xf32, #tpu.memory_space<hbm>> -> memref<10000x128xf32, #tpu.memory_space<hbm>>
        tpu.enqueue_indirect_dma source(%dma_start3A_178 : memref<10000x128xf32, #tpu.memory_space<hbm>>) target(%arg9 : memref<128x128xf32, #tpu.memory_space<vmem>>) offsets(%dma_start3A_175 : memref<128xi32, #tpu.memory_space<vmem>>) semaphore(%arg13 : memref<!tpu.dma_semaphore, #tpu.memory_space<semaphore_mem>>)
      } else {
      }
      %add3A_112 = arith.constant 2 : i32
      %add3A_113 = arith.addi %add3A_63, %add3A_112 : i32
      %dma_wait3A_114 = arith.constant 0 : i32
      %dma_wait3A_115 = tpu.memref_slice %arg5[%add3A_113, %dma_wait3A_114] : memref<52x128xi32, #tpu.memory_space<vmem>> -> memref<1x128xi32, #tpu.memory_space<vmem>>
      %dma_wait3A_116 = tpu.memref_squeeze %dma_wait3A_115 : memref<1x128xi32, #tpu.memory_space<vmem>> -> memref<128xi32, #tpu.memory_space<vmem>>
      %dma_wait3A_117 = arith.constant 0 : i32
      %dma_wait3A_118 = arith.constant 0 : i32
      %dma_wait3A_119 = tpu.memref_slice %arg2[%dma_wait3A_117, %dma_wait3A_118] : memref<10000x128xf32, #tpu.memory_space<hbm>> -> memref<10000x128xf32, #tpu.memory_space<hbm>>
      tpu.wait_indirect_dma semaphore(%arg12 : memref<!tpu.dma_semaphore, #tpu.memory_space<semaphore_mem>>) src(%dma_wait3A_119 : memref<10000x128xf32, #tpu.memory_space<hbm>>) dst(%arg8 : memref<128x128xf32, #tpu.memory_space<vmem>>)
      %mul3A_120 = arith.constant 128 : i32
      %mul3A_121 = arith.muli %add3A_113, %mul3A_120 : i32
      %add3A_122 = arith.addi %mul3A_4, %mul3A_121 : i32
      %dma_start3A_123 = arith.constant 0 : i32
      %dma_start3A_124 = tpu.memref_slice %arg4[%add3A_122, %dma_start3A_123] : memref<212992x128xf32, #tpu.memory_space<hbm>> -> memref<128x128xf32, #tpu.memory_space<hbm>>
      %dma_start3A_125 = arith.constant 0 : i32
      %dma_start3A_126 = tpu.memref_slice %arg4[%add3A_122, %dma_start3A_125] : memref<212992x128xf32, #tpu.memory_space<hbm>> -> memref<128x128xf32, #tpu.memory_space<hbm>>
      tpu.enqueue_dma source(%arg8 : memref<128x128xf32, #tpu.memory_space<vmem>>) target(%dma_start3A_126 : memref<128x128xf32, #tpu.memory_space<hbm>>) target_semaphore(%arg16 : memref<!tpu.dma_semaphore, #tpu.memory_space<semaphore_mem>>)
      %add3A_127 = arith.constant 2 : i32
      %add3A_128 = arith.addi %add3A_113, %add3A_127 : i32
      %sub3A_129 = arith.constant 2 : i32
      %sub3A_130 = arith.subi %add3A_113, %sub3A_129 : i32
      %ge3A_131 = arith.constant 0 : i32
      %ge3A_132 = arith.cmpi sge, %sub3A_130, %ge3A_131 : i32
      %lt3A_133 = arith.constant 52 : i32
      %lt3A_134 = arith.cmpi slt, %add3A_128, %lt3A_133 : i32
      %and3A_135 = arith.andi %ge3A_132, %lt3A_134 : i1
      %convert_element_type3A_136 = arith.extui %and3A_135 : i1 to i32
      %cond3A_137 = arith.constant 0 : i32
      %cond3A_138 = arith.cmpi ne, %convert_element_type3A_136, %cond3A_137 : i32
      scf.if %cond3A_138 {
        %mul3A_166 = arith.constant 128 : i32
        %mul3A_167 = arith.muli %sub3A_130, %mul3A_166 : i32
        %add3A_168 = arith.addi %mul3A_4, %mul3A_167 : i32
        %dma_wait3A_169 = arith.constant 0 : i32
        %dma_wait3A_170 = tpu.memref_slice %arg4[%add3A_168, %dma_wait3A_169] : memref<212992x128xf32, #tpu.memory_space<hbm>> -> memref<128x128xf32, #tpu.memory_space<hbm>>
        %dma_wait3A_171 = arith.constant 0 : i32
        %dma_wait3A_172 = tpu.memref_slice %arg4[%add3A_168, %dma_wait3A_171] : memref<212992x128xf32, #tpu.memory_space<hbm>> -> memref<128x128xf32, #tpu.memory_space<hbm>>
        tpu.wait_dma2 semaphore(%arg14 : memref<!tpu.dma_semaphore, #tpu.memory_space<semaphore_mem>>) src(%arg6 : memref<128x128xf32, #tpu.memory_space<vmem>>) dst(%dma_wait3A_172 : memref<128x128xf32, #tpu.memory_space<hbm>>)
        %dma_start3A_173 = arith.constant 0 : i32
        %dma_start3A_174 = tpu.memref_slice %arg5[%add3A_128, %dma_start3A_173] : memref<52x128xi32, #tpu.memory_space<vmem>> -> memref<1x128xi32, #tpu.memory_space<vmem>>
        %dma_start3A_175 = tpu.memref_squeeze %dma_start3A_174 : memref<1x128xi32, #tpu.memory_space<vmem>> -> memref<128xi32, #tpu.memory_space<vmem>>
        %dma_start3A_176 = arith.constant 0 : i32
        %dma_start3A_177 = arith.constant 0 : i32
        %dma_start3A_178 = tpu.memref_slice %arg2[%dma_start3A_176, %dma_start3A_177] : memref<10000x128xf32, #tpu.memory_space<hbm>> -> memref<10000x128xf32, #tpu.memory_space<hbm>>
        tpu.enqueue_indirect_dma source(%dma_start3A_178 : memref<10000x128xf32, #tpu.memory_space<hbm>>) target(%arg6 : memref<128x128xf32, #tpu.memory_space<vmem>>) offsets(%dma_start3A_175 : memref<128xi32, #tpu.memory_space<vmem>>) semaphore(%arg10 : memref<!tpu.dma_semaphore, #tpu.memory_space<semaphore_mem>>)
      } else {
      }
      %add3A_139 = arith.constant 3 : i32
      %add3A_140 = arith.addi %add3A_63, %add3A_139 : i32
      %dma_wait3A_141 = arith.constant 0 : i32
      %dma_wait3A_142 = tpu.memref_slice %arg5[%add3A_140, %dma_wait3A_141] : memref<52x128xi32, #tpu.memory_space<vmem>> -> memref<1x128xi32, #tpu.memory_space<vmem>>
      %dma_wait3A_143 = tpu.memref_squeeze %dma_wait3A_142 : memref<1x128xi32, #tpu.memory_space<vmem>> -> memref<128xi32, #tpu.memory_space<vmem>>
      %dma_wait3A_144 = arith.constant 0 : i32
      %dma_wait3A_145 = arith.constant 0 : i32
      %dma_wait3A_146 = tpu.memref_slice %arg2[%dma_wait3A_144, %dma_wait3A_145] : memref<10000x128xf32, #tpu.memory_space<hbm>> -> memref<10000x128xf32, #tpu.memory_space<hbm>>
      tpu.wait_indirect_dma semaphore(%arg13 : memref<!tpu.dma_semaphore, #tpu.memory_space<semaphore_mem>>) src(%dma_wait3A_146 : memref<10000x128xf32, #tpu.memory_space<hbm>>) dst(%arg9 : memref<128x128xf32, #tpu.memory_space<vmem>>)
      %mul3A_147 = arith.constant 128 : i32
      %mul3A_148 = arith.muli %add3A_140, %mul3A_147 : i32
      %add3A_149 = arith.addi %mul3A_4, %mul3A_148 : i32
      %dma_start3A_150 = arith.constant 0 : i32
      %dma_start3A_151 = tpu.memref_slice %arg4[%add3A_149, %dma_start3A_150] : memref<212992x128xf32, #tpu.memory_space<hbm>> -> memref<128x128xf32, #tpu.memory_space<hbm>>
      %dma_start3A_152 = arith.constant 0 : i32
      %dma_start3A_153 = tpu.memref_slice %arg4[%add3A_149, %dma_start3A_152] : memref<212992x128xf32, #tpu.memory_space<hbm>> -> memref<128x128xf32, #tpu.memory_space<hbm>>
      tpu.enqueue_dma source(%arg9 : memref<128x128xf32, #tpu.memory_space<vmem>>) target(%dma_start3A_153 : memref<128x128xf32, #tpu.memory_space<hbm>>) target_semaphore(%arg17 : memref<!tpu.dma_semaphore, #tpu.memory_space<semaphore_mem>>)
      %add3A_154 = arith.constant 2 : i32
      %add3A_155 = arith.addi %add3A_140, %add3A_154 : i32
      %sub3A_156 = arith.constant 2 : i32
      %sub3A_157 = arith.subi %add3A_140, %sub3A_156 : i32
      %ge3A_158 = arith.constant 0 : i32
      %ge3A_159 = arith.cmpi sge, %sub3A_157, %ge3A_158 : i32
      %lt3A_160 = arith.constant 52 : i32
      %lt3A_161 = arith.cmpi slt, %add3A_155, %lt3A_160 : i32
      %and3A_162 = arith.andi %ge3A_159, %lt3A_161 : i1
      %convert_element_type3A_163 = arith.extui %and3A_162 : i1 to i32
      %cond3A_164 = arith.constant 0 : i32
      %cond3A_165 = arith.cmpi ne, %convert_element_type3A_163, %cond3A_164 : i32
      scf.if %cond3A_165 {
        %mul3A_166 = arith.constant 128 : i32
        %mul3A_167 = arith.muli %sub3A_157, %mul3A_166 : i32
        %add3A_168 = arith.addi %mul3A_4, %mul3A_167 : i32
        %dma_wait3A_169 = arith.constant 0 : i32
        %dma_wait3A_170 = tpu.memref_slice %arg4[%add3A_168, %dma_wait3A_169] : memref<212992x128xf32, #tpu.memory_space<hbm>> -> memref<128x128xf32, #tpu.memory_space<hbm>>
        %dma_wait3A_171 = arith.constant 0 : i32
        %dma_wait3A_172 = tpu.memref_slice %arg4[%add3A_168, %dma_wait3A_171] : memref<212992x128xf32, #tpu.memory_space<hbm>> -> memref<128x128xf32, #tpu.memory_space<hbm>>
        tpu.wait_dma2 semaphore(%arg15 : memref<!tpu.dma_semaphore, #tpu.memory_space<semaphore_mem>>) src(%arg7 : memref<128x128xf32, #tpu.memory_space<vmem>>) dst(%dma_wait3A_172 : memref<128x128xf32, #tpu.memory_space<hbm>>)
        %dma_start3A_173 = arith.constant 0 : i32
        %dma_start3A_174 = tpu.memref_slice %arg5[%add3A_155, %dma_start3A_173] : memref<52x128xi32, #tpu.memory_space<vmem>> -> memref<1x128xi32, #tpu.memory_space<vmem>>
        %dma_start3A_175 = tpu.memref_squeeze %dma_start3A_174 : memref<1x128xi32, #tpu.memory_space<vmem>> -> memref<128xi32, #tpu.memory_space<vmem>>
        %dma_start3A_176 = arith.constant 0 : i32
        %dma_start3A_177 = arith.constant 0 : i32
        %dma_start3A_178 = tpu.memref_slice %arg2[%dma_start3A_176, %dma_start3A_177] : memref<10000x128xf32, #tpu.memory_space<hbm>> -> memref<10000x128xf32, #tpu.memory_space<hbm>>
        tpu.enqueue_indirect_dma source(%dma_start3A_178 : memref<10000x128xf32, #tpu.memory_space<hbm>>) target(%arg7 : memref<128x128xf32, #tpu.memory_space<vmem>>) offsets(%dma_start3A_175 : memref<128xi32, #tpu.memory_space<vmem>>) semaphore(%arg11 : memref<!tpu.dma_semaphore, #tpu.memory_space<semaphore_mem>>)
      } else {
      }
    }
    %scan3A_35 = arith.constant 13 : i32
    %add3A_36 = arith.constant 6144 : i32
    %add3A_37 = arith.addi %mul3A_4, %add3A_36 : i32
    %dma_wait3A = arith.constant 0 : i32
    %dma_wait3A_38 = tpu.memref_slice %arg4[%add3A_37, %dma_wait3A] : memref<212992x128xf32, #tpu.memory_space<hbm>> -> memref<128x128xf32, #tpu.memory_space<hbm>>
    %dma_wait3A_39 = arith.constant 0 : i32
    %dma_wait3A_40 = tpu.memref_slice %arg4[%add3A_37, %dma_wait3A_39] : memref<212992x128xf32, #tpu.memory_space<hbm>> -> memref<128x128xf32, #tpu.memory_space<hbm>>
    tpu.wait_dma2 semaphore(%arg14 : memref<!tpu.dma_semaphore, #tpu.memory_space<semaphore_mem>>) src(%arg6 : memref<128x128xf32, #tpu.memory_space<vmem>>) dst(%dma_wait3A_40 : memref<128x128xf32, #tpu.memory_space<hbm>>)
    %add3A_41 = arith.constant 6272 : i32
    %add3A_42 = arith.addi %mul3A_4, %add3A_41 : i32
    %dma_wait3A_43 = arith.constant 0 : i32
    %dma_wait3A_44 = tpu.memref_slice %arg4[%add3A_42, %dma_wait3A_43] : memref<212992x128xf32, #tpu.memory_space<hbm>> -> memref<128x128xf32, #tpu.memory_space<hbm>>
    %dma_wait3A_45 = arith.constant 0 : i32
    %dma_wait3A_46 = tpu.memref_slice %arg4[%add3A_42, %dma_wait3A_45] : memref<212992x128xf32, #tpu.memory_space<hbm>> -> memref<128x128xf32, #tpu.memory_space<hbm>>
    tpu.wait_dma2 semaphore(%arg15 : memref<!tpu.dma_semaphore, #tpu.memory_space<semaphore_mem>>) src(%arg7 : memref<128x128xf32, #tpu.memory_space<vmem>>) dst(%dma_wait3A_46 : memref<128x128xf32, #tpu.memory_space<hbm>>)
    %add3A_47 = arith.constant 6400 : i32
    %add3A_48 = arith.addi %mul3A_4, %add3A_47 : i32
    %dma_wait3A_49 = arith.constant 0 : i32
    %dma_wait3A_50 = tpu.memref_slice %arg4[%add3A_48, %dma_wait3A_49] : memref<212992x128xf32, #tpu.memory_space<hbm>> -> memref<128x128xf32, #tpu.memory_space<hbm>>
    %dma_wait3A_51 = arith.constant 0 : i32
    %dma_wait3A_52 = tpu.memref_slice %arg4[%add3A_48, %dma_wait3A_51] : memref<212992x128xf32, #tpu.memory_space<hbm>> -> memref<128x128xf32, #tpu.memory_space<hbm>>
    tpu.wait_dma2 semaphore(%arg16 : memref<!tpu.dma_semaphore, #tpu.memory_space<semaphore_mem>>) src(%arg8 : memref<128x128xf32, #tpu.memory_space<vmem>>) dst(%dma_wait3A_52 : memref<128x128xf32, #tpu.memory_space<hbm>>)
    %add3A_53 = arith.constant 6528 : i32
    %add3A_54 = arith.addi %mul3A_4, %add3A_53 : i32
    %dma_wait3A_55 = arith.constant 0 : i32
    %dma_wait3A_56 = tpu.memref_slice %arg4[%add3A_54, %dma_wait3A_55] : memref<212992x128xf32, #tpu.memory_space<hbm>> -> memref<128x128xf32, #tpu.memory_space<hbm>>
    %dma_wait3A_57 = arith.constant 0 : i32
    %dma_wait3A_58 = tpu.memref_slice %arg4[%add3A_54, %dma_wait3A_57] : memref<212992x128xf32, #tpu.memory_space<hbm>> -> memref<128x128xf32, #tpu.memory_space<hbm>>
    tpu.wait_dma2 semaphore(%arg17 : memref<!tpu.dma_semaphore, #tpu.memory_space<semaphore_mem>>) src(%arg9 : memref<128x128xf32, #tpu.memory_space<vmem>>) dst(%dma_wait3A_58 : memref<128x128xf32, #tpu.memory_space<hbm>>)
    return
  }
}

#map = affine_map<(d0, d1) -> (0, 0)>
#map1 = affine_map<(d0, d1) -> (0, 0, 0)>
module attributes {stable_mosaic.version = 14 : i64} {
  func.func @gather_kernel(%arg0: i32, %arg1: i32, %arg2: memref<10000x128xf32, #tpu.memory_space<hbm>>, %arg3: memref<32x52x128xi32, #tpu.memory_space<hbm>>, %arg4: memref<212992x128xf32, #tpu.memory_space<hbm>>, %arg5: memref<52x128xi32, #tpu.memory_space<vmem>>, %arg6: memref<128x128xf32, #tpu.memory_space<vmem>>, %arg7: memref<128x128xf32, #tpu.memory_space<vmem>>, %arg8: memref<128x128xf32, #tpu.memory_space<vmem>>, %arg9: memref<128x128xf32, #tpu.memory_space<vmem>>, %arg10: memref<!tpu.dma_semaphore, #tpu.memory_space<semaphore_mem>>, %arg11: memref<!tpu.dma_semaphore, #tpu.memory_space<semaphore_mem>>, %arg12: memref<!tpu.dma_semaphore, #tpu.memory_space<semaphore_mem>>, %arg13: memref<!tpu.dma_semaphore, #tpu.memory_space<semaphore_mem>>, %arg14: memref<!tpu.dma_semaphore, #tpu.memory_space<semaphore_mem>>, %arg15: memref<!tpu.dma_semaphore, #tpu.memory_space<semaphore_mem>>, %arg16: memref<!tpu.dma_semaphore, #tpu.memory_space<semaphore_mem>>, %arg17: memref<!tpu.dma_semaphore, #tpu.memory_space<semaphore_mem>>) attributes {dimension_semantics = [#tpu.dimension_semantics<core_parallel>, #tpu.dimension_semantics<subcore_parallel>], iteration_bounds = array<i64: 2, 16>, scalar_prefetch = 0 : i64, scratch_operands = 13 : i64, tpu.core_type = #tpu.core_type<sc_vector_subcore>, window_params = [{transform_indices = #map}, {transform_indices = #map1}, {transform_indices = #map}]} {
    %mul3A = arith.constant 2 : i32
    %mul3A_0 = arith.muli %arg1, %mul3A : i32
    %add3A = arith.addi %mul3A_0, %arg0 : i32
    %mul3A_1 = arith.constant 52 : i32
    %mul3A_2 = arith.muli %add3A, %mul3A_1 : i32
    %mul3A_3 = arith.constant 128 : i32
    %mul3A_4 = arith.muli %mul3A_2, %mul3A_3 : i32
    "tpu.region"() ({
      %run_scoped3A = tpu.sem_alloc : memref<!tpu.dma_semaphore, #tpu.memory_space<semaphore_mem>>
      %dma_start3A_59 = arith.constant 0 : i32
      %dma_start3A_60 = arith.constant 0 : i32
      %dma_start3A_61 = tpu.memref_slice %arg3[%add3A, %dma_start3A_59, %dma_start3A_60] : memref<32x52x128xi32, #tpu.memory_space<hbm>> -> memref<1x52x128xi32, #tpu.memory_space<hbm>>
      %dma_start3A_62 = tpu.memref_squeeze %dma_start3A_61 : memref<1x52x128xi32, #tpu.memory_space<hbm>> -> memref<52x128xi32, #tpu.memory_space<hbm>>
      %dma_start3A_63 = arith.constant 0 : i32
      %dma_start3A_64 = arith.constant 0 : i32
      %dma_start3A_65 = tpu.memref_slice %arg3[%add3A, %dma_start3A_63, %dma_start3A_64] : memref<32x52x128xi32, #tpu.memory_space<hbm>> -> memref<1x52x128xi32, #tpu.memory_space<hbm>>
      %dma_start3A_66 = tpu.memref_squeeze %dma_start3A_65 : memref<1x52x128xi32, #tpu.memory_space<hbm>> -> memref<52x128xi32, #tpu.memory_space<hbm>>
      tpu.enqueue_dma source(%dma_start3A_66 : memref<52x128xi32, #tpu.memory_space<hbm>>) target(%arg5 : memref<52x128xi32, #tpu.memory_space<vmem>>) target_semaphore(%run_scoped3A : memref<!tpu.dma_semaphore, #tpu.memory_space<semaphore_mem>>)
      %dma_wait3A_67 = arith.constant 0 : i32
      %dma_wait3A_68 = arith.constant 0 : i32
      %dma_wait3A_69 = tpu.memref_slice %arg3[%add3A, %dma_wait3A_67, %dma_wait3A_68] : memref<32x52x128xi32, #tpu.memory_space<hbm>> -> memref<1x52x128xi32, #tpu.memory_space<hbm>>
      %dma_wait3A_70 = tpu.memref_squeeze %dma_wait3A_69 : memref<1x52x128xi32, #tpu.memory_space<hbm>> -> memref<52x128xi32, #tpu.memory_space<hbm>>
      %dma_wait3A_71 = arith.constant 0 : i32
      %dma_wait3A_72 = arith.constant 0 : i32
      %dma_wait3A_73 = tpu.memref_slice %arg3[%add3A, %dma_wait3A_71, %dma_wait3A_72] : memref<32x52x128xi32, #tpu.memory_space<hbm>> -> memref<1x52x128xi32, #tpu.memory_space<hbm>>
      %dma_wait3A_74 = tpu.memref_squeeze %dma_wait3A_73 : memref<1x52x128xi32, #tpu.memory_space<hbm>> -> memref<52x128xi32, #tpu.memory_space<hbm>>
      tpu.wait_dma2 semaphore(%run_scoped3A : memref<!tpu.dma_semaphore, #tpu.memory_space<semaphore_mem>>) src(%dma_wait3A_74 : memref<52x128xi32, #tpu.memory_space<hbm>>) dst(%arg5 : memref<52x128xi32, #tpu.memory_space<vmem>>)
      tpu.yield
    }) : () -> ()
    %dma_start3A = arith.constant 0 : i32
    %dma_start3A_5 = arith.constant 0 : i32
    %dma_start3A_6 = tpu.memref_slice %arg5[%dma_start3A, %dma_start3A_5] : memref<52x128xi32, #tpu.memory_space<vmem>> -> memref<1x128xi32, #tpu.memory_space<vmem>>
    %dma_start3A_7 = tpu.memref_squeeze %dma_start3A_6 : memref<1x128xi32, #tpu.memory_space<vmem>> -> memref<128xi32, #tpu.memory_space<vmem>>
    %dma_start3A_8 = arith.constant 0 : i32
    %dma_start3A_9 = arith.constant 0 : i32
    %dma_start3A_10 = tpu.memref_slice %arg2[%dma_start3A_8, %dma_start3A_9] : memref<10000x128xf32, #tpu.memory_space<hbm>> -> memref<10000x128xf32, #tpu.memory_space<hbm>>
    tpu.enqueue_indirect_dma source(%dma_start3A_10 : memref<10000x128xf32, #tpu.memory_space<hbm>>) target(%arg6 : memref<128x128xf32, #tpu.memory_space<vmem>>) offsets(%dma_start3A_7 : memref<128xi32, #tpu.memory_space<vmem>>) semaphore(%arg10 : memref<!tpu.dma_semaphore, #tpu.memory_space<semaphore_mem>>)
    %dma_start3A_11 = arith.constant 1 : i32
    %dma_start3A_12 = arith.constant 0 : i32
    %dma_start3A_13 = tpu.memref_slice %arg5[%dma_start3A_11, %dma_start3A_12] : memref<52x128xi32, #tpu.memory_space<vmem>> -> memref<1x128xi32, #tpu.memory_space<vmem>>
    %dma_start3A_14 = tpu.memref_squeeze %dma_start3A_13 : memref<1x128xi32, #tpu.memory_space<vmem>> -> memref<128xi32, #tpu.memory_space<vmem>>
    %dma_start3A_15 = arith.constant 0 : i32
    %dma_start3A_16 = arith.constant 0 : i32
    %dma_start3A_17 = tpu.memref_slice %arg2[%dma_start3A_15, %dma_start3A_16] : memref<10000x128xf32, #tpu.memory_space<hbm>> -> memref<10000x128xf32, #tpu.memory_space<hbm>>
    tpu.enqueue_indirect_dma source(%dma_start3A_17 : memref<10000x128xf32, #tpu.memory_space<hbm>>) target(%arg7 : memref<128x128xf32, #tpu.memory_space<vmem>>) offsets(%dma_start3A_14 : memref<128xi32, #tpu.memory_space<vmem>>) semaphore(%arg11 : memref<!tpu.dma_semaphore, #tpu.memory_space<semaphore_mem>>)
    %dma_start3A_18 = arith.constant 2 : i32
    %dma_start3A_19 = arith.constant 0 : i32
    %dma_start3A_20 = tpu.memref_slice %arg5[%dma_start3A_18, %dma_start3A_19] : memref<52x128xi32, #tpu.memory_space<vmem>> -> memref<1x128xi32, #tpu.memory_space<vmem>>
    %dma_start3A_21 = tpu.memref_squeeze %dma_start3A_20 : memref<1x128xi32, #tpu.memory_space<vmem>> -> memref<128xi32, #tpu.memory_space<vmem>>
    %dma_start3A_22 = arith.constant 0 : i32
    %dma_start3A_23 = arith.constant 0 : i32
    %dma_start3A_24 = tpu.memref_slice %arg2[%dma_start3A_22, %dma_start3A_23] : memref<10000x128xf32, #tpu.memory_space<hbm>> -> memref<10000x128xf32, #tpu.memory_space<hbm>>
    tpu.enqueue_indirect_dma source(%dma_start3A_24 : memref<10000x128xf32, #tpu.memory_space<hbm>>) target(%arg8 : memref<128x128xf32, #tpu.memory_space<vmem>>) offsets(%dma_start3A_21 : memref<128xi32, #tpu.memory_space<vmem>>) semaphore(%arg12 : memref<!tpu.dma_semaphore, #tpu.memory_space<semaphore_mem>>)
    %dma_start3A_25 = arith.constant 3 : i32
    %dma_start3A_26 = arith.constant 0 : i32
    %dma_start3A_27 = tpu.memref_slice %arg5[%dma_start3A_25, %dma_start3A_26] : memref<52x128xi32, #tpu.memory_space<vmem>> -> memref<1x128xi32, #tpu.memory_space<vmem>>
    %dma_start3A_28 = tpu.memref_squeeze %dma_start3A_27 : memref<1x128xi32, #tpu.memory_space<vmem>> -> memref<128xi32, #tpu.memory_space<vmem>>
    %dma_start3A_29 = arith.constant 0 : i32
    %dma_start3A_30 = arith.constant 0 : i32
    %dma_start3A_31 = tpu.memref_slice %arg2[%dma_start3A_29, %dma_start3A_30] : memref<10000x128xf32, #tpu.memory_space<hbm>> -> memref<10000x128xf32, #tpu.memory_space<hbm>>
    tpu.enqueue_indirect_dma source(%dma_start3A_31 : memref<10000x128xf32, #tpu.memory_space<hbm>>) target(%arg9 : memref<128x128xf32, #tpu.memory_space<vmem>>) offsets(%dma_start3A_28 : memref<128xi32, #tpu.memory_space<vmem>>) semaphore(%arg13 : memref<!tpu.dma_semaphore, #tpu.memory_space<semaphore_mem>>)
    %scan3A = arith.constant 0 : i32
    %scan3A_32 = arith.constant 13 : i32
    %scan3A_33 = arith.addi %scan3A, %scan3A_32 : i32
    %scan3A_34 = arith.constant 1 : i32
    scf.for %scan3A_59 = %scan3A to %scan3A_33 step %scan3A_34  : i32 {
      %mul3A_60 = arith.constant 4 : i32
      %mul3A_61 = arith.muli %scan3A_59, %mul3A_60 : i32
      %add3A_62 = arith.constant 0 : i32
      %add3A_63 = arith.addi %add3A_62, %mul3A_61 : i32
      %add3A_64 = arith.constant 0 : i32
      %add3A_65 = arith.addi %add3A_63, %add3A_64 : i32
      %dma_wait3A_66 = arith.constant 0 : i32
      %dma_wait3A_67 = tpu.memref_slice %arg5[%add3A_65, %dma_wait3A_66] : memref<52x128xi32, #tpu.memory_space<vmem>> -> memref<1x128xi32, #tpu.memory_space<vmem>>
      %dma_wait3A_68 = tpu.memref_squeeze %dma_wait3A_67 : memref<1x128xi32, #tpu.memory_space<vmem>> -> memref<128xi32, #tpu.memory_space<vmem>>
      %dma_wait3A_69 = arith.constant 0 : i32
      %dma_wait3A_70 = arith.constant 0 : i32
      %dma_wait3A_71 = tpu.memref_slice %arg2[%dma_wait3A_69, %dma_wait3A_70] : memref<10000x128xf32, #tpu.memory_space<hbm>> -> memref<10000x128xf32, #tpu.memory_space<hbm>>
      tpu.wait_indirect_dma semaphore(%arg10 : memref<!tpu.dma_semaphore, #tpu.memory_space<semaphore_mem>>) src(%dma_wait3A_71 : memref<10000x128xf32, #tpu.memory_space<hbm>>) dst(%arg6 : memref<128x128xf32, #tpu.memory_space<vmem>>)
      %mul3A_72 = arith.constant 128 : i32
      %mul3A_73 = arith.muli %add3A_65, %mul3A_72 : i32
      %add3A_74 = arith.addi %mul3A_4, %mul3A_73 : i32
      %dma_start3A_75 = arith.constant 0 : i32
      %dma_start3A_76 = tpu.memref_slice %arg4[%add3A_74, %dma_start3A_75] : memref<212992x128xf32, #tpu.memory_space<hbm>> -> memref<128x128xf32, #tpu.memory_space<hbm>>
      %dma_start3A_77 = arith.constant 0 : i32
      %dma_start3A_78 = tpu.memref_slice %arg4[%add3A_74, %dma_start3A_77] : memref<212992x128xf32, #tpu.memory_space<hbm>> -> memref<128x128xf32, #tpu.memory_space<hbm>>
      tpu.enqueue_dma source(%arg6 : memref<128x128xf32, #tpu.memory_space<vmem>>) target(%dma_start3A_78 : memref<128x128xf32, #tpu.memory_space<hbm>>) target_semaphore(%arg14 : memref<!tpu.dma_semaphore, #tpu.memory_space<semaphore_mem>>)
      %add3A_79 = arith.constant 2 : i32
      %add3A_80 = arith.addi %add3A_65, %add3A_79 : i32
      %sub3A = arith.constant 2 : i32
      %sub3A_81 = arith.subi %add3A_65, %sub3A : i32
      %ge3A = arith.constant 0 : i32
      %ge3A_82 = arith.cmpi sge, %sub3A_81, %ge3A : i32
      %lt3A = arith.constant 52 : i32
      %lt3A_83 = arith.cmpi slt, %add3A_80, %lt3A : i32
      %and3A = arith.andi %ge3A_82, %lt3A_83 : i1
      %convert_element_type3A = arith.extui %and3A : i1 to i32
      %cond3A = arith.constant 0 : i32
      %cond3A_84 = arith.cmpi ne, %convert_element_type3A, %cond3A : i32
      scf.if %cond3A_84 {
        %mul3A_166 = arith.constant 128 : i32
        %mul3A_167 = arith.muli %sub3A_81, %mul3A_166 : i32
        %add3A_168 = arith.addi %mul3A_4, %mul3A_167 : i32
        %dma_wait3A_169 = arith.constant 0 : i32
        %dma_wait3A_170 = tpu.memref_slice %arg4[%add3A_168, %dma_wait3A_169] : memref<212992x128xf32, #tpu.memory_space<hbm>> -> memref<128x128xf32, #tpu.memory_space<hbm>>
        %dma_wait3A_171 = arith.constant 0 : i32
        %dma_wait3A_172 = tpu.memref_slice %arg4[%add3A_168, %dma_wait3A_171] : memref<212992x128xf32, #tpu.memory_space<hbm>> -> memref<128x128xf32, #tpu.memory_space<hbm>>
        tpu.wait_dma2 semaphore(%arg16 : memref<!tpu.dma_semaphore, #tpu.memory_space<semaphore_mem>>) src(%arg8 : memref<128x128xf32, #tpu.memory_space<vmem>>) dst(%dma_wait3A_172 : memref<128x128xf32, #tpu.memory_space<hbm>>)
        %dma_start3A_173 = arith.constant 0 : i32
        %dma_start3A_174 = tpu.memref_slice %arg5[%add3A_80, %dma_start3A_173] : memref<52x128xi32, #tpu.memory_space<vmem>> -> memref<1x128xi32, #tpu.memory_space<vmem>>
        %dma_start3A_175 = tpu.memref_squeeze %dma_start3A_174 : memref<1x128xi32, #tpu.memory_space<vmem>> -> memref<128xi32, #tpu.memory_space<vmem>>
        %dma_start3A_176 = arith.constant 0 : i32
        %dma_start3A_177 = arith.constant 0 : i32
        %dma_start3A_178 = tpu.memref_slice %arg2[%dma_start3A_176, %dma_start3A_177] : memref<10000x128xf32, #tpu.memory_space<hbm>> -> memref<10000x128xf32, #tpu.memory_space<hbm>>
        tpu.enqueue_indirect_dma source(%dma_start3A_178 : memref<10000x128xf32, #tpu.memory_space<hbm>>) target(%arg8 : memref<128x128xf32, #tpu.memory_space<vmem>>) offsets(%dma_start3A_175 : memref<128xi32, #tpu.memory_space<vmem>>) semaphore(%arg12 : memref<!tpu.dma_semaphore, #tpu.memory_space<semaphore_mem>>)
      } else {
      }
      %add3A_85 = arith.constant 1 : i32
      %add3A_86 = arith.addi %add3A_63, %add3A_85 : i32
      %dma_wait3A_87 = arith.constant 0 : i32
      %dma_wait3A_88 = tpu.memref_slice %arg5[%add3A_86, %dma_wait3A_87] : memref<52x128xi32, #tpu.memory_space<vmem>> -> memref<1x128xi32, #tpu.memory_space<vmem>>
      %dma_wait3A_89 = tpu.memref_squeeze %dma_wait3A_88 : memref<1x128xi32, #tpu.memory_space<vmem>> -> memref<128xi32, #tpu.memory_space<vmem>>
      %dma_wait3A_90 = arith.constant 0 : i32
      %dma_wait3A_91 = arith.constant 0 : i32
      %dma_wait3A_92 = tpu.memref_slice %arg2[%dma_wait3A_90, %dma_wait3A_91] : memref<10000x128xf32, #tpu.memory_space<hbm>> -> memref<10000x128xf32, #tpu.memory_space<hbm>>
      tpu.wait_indirect_dma semaphore(%arg11 : memref<!tpu.dma_semaphore, #tpu.memory_space<semaphore_mem>>) src(%dma_wait3A_92 : memref<10000x128xf32, #tpu.memory_space<hbm>>) dst(%arg7 : memref<128x128xf32, #tpu.memory_space<vmem>>)
      %mul3A_93 = arith.constant 128 : i32
      %mul3A_94 = arith.muli %add3A_86, %mul3A_93 : i32
      %add3A_95 = arith.addi %mul3A_4, %mul3A_94 : i32
      %dma_start3A_96 = arith.constant 0 : i32
      %dma_start3A_97 = tpu.memref_slice %arg4[%add3A_95, %dma_start3A_96] : memref<212992x128xf32, #tpu.memory_space<hbm>> -> memref<128x128xf32, #tpu.memory_space<hbm>>
      %dma_start3A_98 = arith.constant 0 : i32
      %dma_start3A_99 = tpu.memref_slice %arg4[%add3A_95, %dma_start3A_98] : memref<212992x128xf32, #tpu.memory_space<hbm>> -> memref<128x128xf32, #tpu.memory_space<hbm>>
      tpu.enqueue_dma source(%arg7 : memref<128x128xf32, #tpu.memory_space<vmem>>) target(%dma_start3A_99 : memref<128x128xf32, #tpu.memory_space<hbm>>) target_semaphore(%arg15 : memref<!tpu.dma_semaphore, #tpu.memory_space<semaphore_mem>>)
      %add3A_100 = arith.constant 2 : i32
      %add3A_101 = arith.addi %add3A_86, %add3A_100 : i32
      %sub3A_102 = arith.constant 2 : i32
      %sub3A_103 = arith.subi %add3A_86, %sub3A_102 : i32
      %ge3A_104 = arith.constant 0 : i32
      %ge3A_105 = arith.cmpi sge, %sub3A_103, %ge3A_104 : i32
      %lt3A_106 = arith.constant 52 : i32
      %lt3A_107 = arith.cmpi slt, %add3A_101, %lt3A_106 : i32
      %and3A_108 = arith.andi %ge3A_105, %lt3A_107 : i1
      %convert_element_type3A_109 = arith.extui %and3A_108 : i1 to i32
      %cond3A_110 = arith.constant 0 : i32
      %cond3A_111 = arith.cmpi ne, %convert_element_type3A_109, %cond3A_110 : i32
      scf.if %cond3A_111 {
        %mul3A_166 = arith.constant 128 : i32
        %mul3A_167 = arith.muli %sub3A_103, %mul3A_166 : i32
        %add3A_168 = arith.addi %mul3A_4, %mul3A_167 : i32
        %dma_wait3A_169 = arith.constant 0 : i32
        %dma_wait3A_170 = tpu.memref_slice %arg4[%add3A_168, %dma_wait3A_169] : memref<212992x128xf32, #tpu.memory_space<hbm>> -> memref<128x128xf32, #tpu.memory_space<hbm>>
        %dma_wait3A_171 = arith.constant 0 : i32
        %dma_wait3A_172 = tpu.memref_slice %arg4[%add3A_168, %dma_wait3A_171] : memref<212992x128xf32, #tpu.memory_space<hbm>> -> memref<128x128xf32, #tpu.memory_space<hbm>>
        tpu.wait_dma2 semaphore(%arg17 : memref<!tpu.dma_semaphore, #tpu.memory_space<semaphore_mem>>) src(%arg9 : memref<128x128xf32, #tpu.memory_space<vmem>>) dst(%dma_wait3A_172 : memref<128x128xf32, #tpu.memory_space<hbm>>)
        %dma_start3A_173 = arith.constant 0 : i32
        %dma_start3A_174 = tpu.memref_slice %arg5[%add3A_101, %dma_start3A_173] : memref<52x128xi32, #tpu.memory_space<vmem>> -> memref<1x128xi32, #tpu.memory_space<vmem>>
        %dma_start3A_175 = tpu.memref_squeeze %dma_start3A_174 : memref<1x128xi32, #tpu.memory_space<vmem>> -> memref<128xi32, #tpu.memory_space<vmem>>
        %dma_start3A_176 = arith.constant 0 : i32
        %dma_start3A_177 = arith.constant 0 : i32
        %dma_start3A_178 = tpu.memref_slice %arg2[%dma_start3A_176, %dma_start3A_177] : memref<10000x128xf32, #tpu.memory_space<hbm>> -> memref<10000x128xf32, #tpu.memory_space<hbm>>
        tpu.enqueue_indirect_dma source(%dma_start3A_178 : memref<10000x128xf32, #tpu.memory_space<hbm>>) target(%arg9 : memref<128x128xf32, #tpu.memory_space<vmem>>) offsets(%dma_start3A_175 : memref<128xi32, #tpu.memory_space<vmem>>) semaphore(%arg13 : memref<!tpu.dma_semaphore, #tpu.memory_space<semaphore_mem>>)
      } else {
      }
      %add3A_112 = arith.constant 2 : i32
      %add3A_113 = arith.addi %add3A_63, %add3A_112 : i32
      %dma_wait3A_114 = arith.constant 0 : i32
      %dma_wait3A_115 = tpu.memref_slice %arg5[%add3A_113, %dma_wait3A_114] : memref<52x128xi32, #tpu.memory_space<vmem>> -> memref<1x128xi32, #tpu.memory_space<vmem>>
      %dma_wait3A_116 = tpu.memref_squeeze %dma_wait3A_115 : memref<1x128xi32, #tpu.memory_space<vmem>> -> memref<128xi32, #tpu.memory_space<vmem>>
      %dma_wait3A_117 = arith.constant 0 : i32
      %dma_wait3A_118 = arith.constant 0 : i32
      %dma_wait3A_119 = tpu.memref_slice %arg2[%dma_wait3A_117, %dma_wait3A_118] : memref<10000x128xf32, #tpu.memory_space<hbm>> -> memref<10000x128xf32, #tpu.memory_space<hbm>>
      tpu.wait_indirect_dma semaphore(%arg12 : memref<!tpu.dma_semaphore, #tpu.memory_space<semaphore_mem>>) src(%dma_wait3A_119 : memref<10000x128xf32, #tpu.memory_space<hbm>>) dst(%arg8 : memref<128x128xf32, #tpu.memory_space<vmem>>)
      %mul3A_120 = arith.constant 128 : i32
      %mul3A_121 = arith.muli %add3A_113, %mul3A_120 : i32
      %add3A_122 = arith.addi %mul3A_4, %mul3A_121 : i32
      %dma_start3A_123 = arith.constant 0 : i32
      %dma_start3A_124 = tpu.memref_slice %arg4[%add3A_122, %dma_start3A_123] : memref<212992x128xf32, #tpu.memory_space<hbm>> -> memref<128x128xf32, #tpu.memory_space<hbm>>
      %dma_start3A_125 = arith.constant 0 : i32
      %dma_start3A_126 = tpu.memref_slice %arg4[%add3A_122, %dma_start3A_125] : memref<212992x128xf32, #tpu.memory_space<hbm>> -> memref<128x128xf32, #tpu.memory_space<hbm>>
      tpu.enqueue_dma source(%arg8 : memref<128x128xf32, #tpu.memory_space<vmem>>) target(%dma_start3A_126 : memref<128x128xf32, #tpu.memory_space<hbm>>) target_semaphore(%arg16 : memref<!tpu.dma_semaphore, #tpu.memory_space<semaphore_mem>>)
      %add3A_127 = arith.constant 2 : i32
      %add3A_128 = arith.addi %add3A_113, %add3A_127 : i32
      %sub3A_129 = arith.constant 2 : i32
      %sub3A_130 = arith.subi %add3A_113, %sub3A_129 : i32
      %ge3A_131 = arith.constant 0 : i32
      %ge3A_132 = arith.cmpi sge, %sub3A_130, %ge3A_131 : i32
      %lt3A_133 = arith.constant 52 : i32
      %lt3A_134 = arith.cmpi slt, %add3A_128, %lt3A_133 : i32
      %and3A_135 = arith.andi %ge3A_132, %lt3A_134 : i1
      %convert_element_type3A_136 = arith.extui %and3A_135 : i1 to i32
      %cond3A_137 = arith.constant 0 : i32
      %cond3A_138 = arith.cmpi ne, %convert_element_type3A_136, %cond3A_137 : i32
      scf.if %cond3A_138 {
        %mul3A_166 = arith.constant 128 : i32
        %mul3A_167 = arith.muli %sub3A_130, %mul3A_166 : i32
        %add3A_168 = arith.addi %mul3A_4, %mul3A_167 : i32
        %dma_wait3A_169 = arith.constant 0 : i32
        %dma_wait3A_170 = tpu.memref_slice %arg4[%add3A_168, %dma_wait3A_169] : memref<212992x128xf32, #tpu.memory_space<hbm>> -> memref<128x128xf32, #tpu.memory_space<hbm>>
        %dma_wait3A_171 = arith.constant 0 : i32
        %dma_wait3A_172 = tpu.memref_slice %arg4[%add3A_168, %dma_wait3A_171] : memref<212992x128xf32, #tpu.memory_space<hbm>> -> memref<128x128xf32, #tpu.memory_space<hbm>>
        tpu.wait_dma2 semaphore(%arg14 : memref<!tpu.dma_semaphore, #tpu.memory_space<semaphore_mem>>) src(%arg6 : memref<128x128xf32, #tpu.memory_space<vmem>>) dst(%dma_wait3A_172 : memref<128x128xf32, #tpu.memory_space<hbm>>)
        %dma_start3A_173 = arith.constant 0 : i32
        %dma_start3A_174 = tpu.memref_slice %arg5[%add3A_128, %dma_start3A_173] : memref<52x128xi32, #tpu.memory_space<vmem>> -> memref<1x128xi32, #tpu.memory_space<vmem>>
        %dma_start3A_175 = tpu.memref_squeeze %dma_start3A_174 : memref<1x128xi32, #tpu.memory_space<vmem>> -> memref<128xi32, #tpu.memory_space<vmem>>
        %dma_start3A_176 = arith.constant 0 : i32
        %dma_start3A_177 = arith.constant 0 : i32
        %dma_start3A_178 = tpu.memref_slice %arg2[%dma_start3A_176, %dma_start3A_177] : memref<10000x128xf32, #tpu.memory_space<hbm>> -> memref<10000x128xf32, #tpu.memory_space<hbm>>
        tpu.enqueue_indirect_dma source(%dma_start3A_178 : memref<10000x128xf32, #tpu.memory_space<hbm>>) target(%arg6 : memref<128x128xf32, #tpu.memory_space<vmem>>) offsets(%dma_start3A_175 : memref<128xi32, #tpu.memory_space<vmem>>) semaphore(%arg10 : memref<!tpu.dma_semaphore, #tpu.memory_space<semaphore_mem>>)
      } else {
      }
      %add3A_139 = arith.constant 3 : i32
      %add3A_140 = arith.addi %add3A_63, %add3A_139 : i32
      %dma_wait3A_141 = arith.constant 0 : i32
      %dma_wait3A_142 = tpu.memref_slice %arg5[%add3A_140, %dma_wait3A_141] : memref<52x128xi32, #tpu.memory_space<vmem>> -> memref<1x128xi32, #tpu.memory_space<vmem>>
      %dma_wait3A_143 = tpu.memref_squeeze %dma_wait3A_142 : memref<1x128xi32, #tpu.memory_space<vmem>> -> memref<128xi32, #tpu.memory_space<vmem>>
      %dma_wait3A_144 = arith.constant 0 : i32
      %dma_wait3A_145 = arith.constant 0 : i32
      %dma_wait3A_146 = tpu.memref_slice %arg2[%dma_wait3A_144, %dma_wait3A_145] : memref<10000x128xf32, #tpu.memory_space<hbm>> -> memref<10000x128xf32, #tpu.memory_space<hbm>>
      tpu.wait_indirect_dma semaphore(%arg13 : memref<!tpu.dma_semaphore, #tpu.memory_space<semaphore_mem>>) src(%dma_wait3A_146 : memref<10000x128xf32, #tpu.memory_space<hbm>>) dst(%arg9 : memref<128x128xf32, #tpu.memory_space<vmem>>)
      %mul3A_147 = arith.constant 128 : i32
      %mul3A_148 = arith.muli %add3A_140, %mul3A_147 : i32
      %add3A_149 = arith.addi %mul3A_4, %mul3A_148 : i32
      %dma_start3A_150 = arith.constant 0 : i32
      %dma_start3A_151 = tpu.memref_slice %arg4[%add3A_149, %dma_start3A_150] : memref<212992x128xf32, #tpu.memory_space<hbm>> -> memref<128x128xf32, #tpu.memory_space<hbm>>
      %dma_start3A_152 = arith.constant 0 : i32
      %dma_start3A_153 = tpu.memref_slice %arg4[%add3A_149, %dma_start3A_152] : memref<212992x128xf32, #tpu.memory_space<hbm>> -> memref<128x128xf32, #tpu.memory_space<hbm>>
      tpu.enqueue_dma source(%arg9 : memref<128x128xf32, #tpu.memory_space<vmem>>) target(%dma_start3A_153 : memref<128x128xf32, #tpu.memory_space<hbm>>) target_semaphore(%arg17 : memref<!tpu.dma_semaphore, #tpu.memory_space<semaphore_mem>>)
      %add3A_154 = arith.constant 2 : i32
      %add3A_155 = arith.addi %add3A_140, %add3A_154 : i32
      %sub3A_156 = arith.constant 2 : i32
      %sub3A_157 = arith.subi %add3A_140, %sub3A_156 : i32
      %ge3A_158 = arith.constant 0 : i32
      %ge3A_159 = arith.cmpi sge, %sub3A_157, %ge3A_158 : i32
      %lt3A_160 = arith.constant 52 : i32
      %lt3A_161 = arith.cmpi slt, %add3A_155, %lt3A_160 : i32
      %and3A_162 = arith.andi %ge3A_159, %lt3A_161 : i1
      %convert_element_type3A_163 = arith.extui %and3A_162 : i1 to i32
      %cond3A_164 = arith.constant 0 : i32
      %cond3A_165 = arith.cmpi ne, %convert_element_type3A_163, %cond3A_164 : i32
      scf.if %cond3A_165 {
        %mul3A_166 = arith.constant 128 : i32
        %mul3A_167 = arith.muli %sub3A_157, %mul3A_166 : i32
        %add3A_168 = arith.addi %mul3A_4, %mul3A_167 : i32
        %dma_wait3A_169 = arith.constant 0 : i32
        %dma_wait3A_170 = tpu.memref_slice %arg4[%add3A_168, %dma_wait3A_169] : memref<212992x128xf32, #tpu.memory_space<hbm>> -> memref<128x128xf32, #tpu.memory_space<hbm>>
        %dma_wait3A_171 = arith.constant 0 : i32
        %dma_wait3A_172 = tpu.memref_slice %arg4[%add3A_168, %dma_wait3A_171] : memref<212992x128xf32, #tpu.memory_space<hbm>> -> memref<128x128xf32, #tpu.memory_space<hbm>>
        tpu.wait_dma2 semaphore(%arg15 : memref<!tpu.dma_semaphore, #tpu.memory_space<semaphore_mem>>) src(%arg7 : memref<128x128xf32, #tpu.memory_space<vmem>>) dst(%dma_wait3A_172 : memref<128x128xf32, #tpu.memory_space<hbm>>)
        %dma_start3A_173 = arith.constant 0 : i32
        %dma_start3A_174 = tpu.memref_slice %arg5[%add3A_155, %dma_start3A_173] : memref<52x128xi32, #tpu.memory_space<vmem>> -> memref<1x128xi32, #tpu.memory_space<vmem>>
        %dma_start3A_175 = tpu.memref_squeeze %dma_start3A_174 : memref<1x128xi32, #tpu.memory_space<vmem>> -> memref<128xi32, #tpu.memory_space<vmem>>
        %dma_start3A_176 = arith.constant 0 : i32
        %dma_start3A_177 = arith.constant 0 : i32
        %dma_start3A_178 = tpu.memref_slice %arg2[%dma_start3A_176, %dma_start3A_177] : memref<10000x128xf32, #tpu.memory_space<hbm>> -> memref<10000x128xf32, #tpu.memory_space<hbm>>
        tpu.enqueue_indirect_dma source(%dma_start3A_178 : memref<10000x128xf32, #tpu.memory_space<hbm>>) target(%arg7 : memref<128x128xf32, #tpu.memory_space<vmem>>) offsets(%dma_start3A_175 : memref<128xi32, #tpu.memory_space<vmem>>) semaphore(%arg11 : memref<!tpu.dma_semaphore, #tpu.memory_space<semaphore_mem>>)
      } else {
      }
    }
    %scan3A_35 = arith.constant 13 : i32
    %add3A_36 = arith.constant 6144 : i32
    %add3A_37 = arith.addi %mul3A_4, %add3A_36 : i32
    %dma_wait3A = arith.constant 0 : i32
    %dma_wait3A_38 = tpu.memref_slice %arg4[%add3A_37, %dma_wait3A] : memref<212992x128xf32, #tpu.memory_space<hbm>> -> memref<128x128xf32, #tpu.memory_space<hbm>>
    %dma_wait3A_39 = arith.constant 0 : i32
    %dma_wait3A_40 = tpu.memref_slice %arg4[%add3A_37, %dma_wait3A_39] : memref<212992x128xf32, #tpu.memory_space<hbm>> -> memref<128x128xf32, #tpu.memory_space<hbm>>
    tpu.wait_dma2 semaphore(%arg14 : memref<!tpu.dma_semaphore, #tpu.memory_space<semaphore_mem>>) src(%arg6 : memref<128x128xf32, #tpu.memory_space<vmem>>) dst(%dma_wait3A_40 : memref<128x128xf32, #tpu.memory_space<hbm>>)
    %add3A_41 = arith.constant 6272 : i32
    %add3A_42 = arith.addi %mul3A_4, %add3A_41 : i32
    %dma_wait3A_43 = arith.constant 0 : i32
    %dma_wait3A_44 = tpu.memref_slice %arg4[%add3A_42, %dma_wait3A_43] : memref<212992x128xf32, #tpu.memory_space<hbm>> -> memref<128x128xf32, #tpu.memory_space<hbm>>
    %dma_wait3A_45 = arith.constant 0 : i32
    %dma_wait3A_46 = tpu.memref_slice %arg4[%add3A_42, %dma_wait3A_45] : memref<212992x128xf32, #tpu.memory_space<hbm>> -> memref<128x128xf32, #tpu.memory_space<hbm>>
    tpu.wait_dma2 semaphore(%arg15 : memref<!tpu.dma_semaphore, #tpu.memory_space<semaphore_mem>>) src(%arg7 : memref<128x128xf32, #tpu.memory_space<vmem>>) dst(%dma_wait3A_46 : memref<128x128xf32, #tpu.memory_space<hbm>>)
    %add3A_47 = arith.constant 6400 : i32
    %add3A_48 = arith.addi %mul3A_4, %add3A_47 : i32
    %dma_wait3A_49 = arith.constant 0 : i32
    %dma_wait3A_50 = tpu.memref_slice %arg4[%add3A_48, %dma_wait3A_49] : memref<212992x128xf32, #tpu.memory_space<hbm>> -> memref<128x128xf32, #tpu.memory_space<hbm>>
    %dma_wait3A_51 = arith.constant 0 : i32
    %dma_wait3A_52 = tpu.memref_slice %arg4[%add3A_48, %dma_wait3A_51] : memref<212992x128xf32, #tpu.memory_space<hbm>> -> memref<128x128xf32, #tpu.memory_space<hbm>>
    tpu.wait_dma2 semaphore(%arg16 : memref<!tpu.dma_semaphore, #tpu.memory_space<semaphore_mem>>) src(%arg8 : memref<128x128xf32, #tpu.memory_space<vmem>>) dst(%dma_wait3A_52 : memref<128x128xf32, #tpu.memory_space<hbm>>)
    %add3A_53 = arith.constant 6528 : i32
    %add3A_54 = arith.addi %mul3A_4, %add3A_53 : i32
    %dma_wait3A_55 = arith.constant 0 : i32
    %dma_wait3A_56 = tpu.memref_slice %arg4[%add3A_54, %dma_wait3A_55] : memref<212992x128xf32, #tpu.memory_space<hbm>> -> memref<128x128xf32, #tpu.memory_space<hbm>>
    %dma_wait3A_57 = arith.constant 0 : i32
    %dma_wait3A_58 = tpu.memref_slice %arg4[%add3A_54, %dma_wait3A_57] : memref<212992x128xf32, #tpu.memory_space<hbm>> -> memref<128x128xf32, #tpu.memory_space<hbm>>
    tpu.wait_dma2 semaphore(%arg17 : memref<!tpu.dma_semaphore, #tpu.memory_space<semaphore_mem>>) src(%arg9 : memref<128x128xf32, #tpu.memory_space<vmem>>) dst(%dma_wait3A_58 : memref<128x128xf32, #tpu.memory_space<hbm>>)
    return
  }
}

#map = affine_map<(d0, d1) -> (0, 0)>
#map1 = affine_map<(d0, d1) -> (0, 0, 0)>
module attributes {stable_mosaic.version = 14 : i64} {
  func.func @gather_kernel(%arg0: i32, %arg1: i32, %arg2: memref<10000x128xf32, #tpu.memory_space<hbm>>, %arg3: memref<32x48x128xi32, #tpu.memory_space<hbm>>, %arg4: memref<196608x128xf32, #tpu.memory_space<hbm>>, %arg5: memref<48x128xi32, #tpu.memory_space<vmem>>, %arg6: memref<128x128xf32, #tpu.memory_space<vmem>>, %arg7: memref<128x128xf32, #tpu.memory_space<vmem>>, %arg8: memref<128x128xf32, #tpu.memory_space<vmem>>, %arg9: memref<128x128xf32, #tpu.memory_space<vmem>>, %arg10: memref<!tpu.dma_semaphore, #tpu.memory_space<semaphore_mem>>, %arg11: memref<!tpu.dma_semaphore, #tpu.memory_space<semaphore_mem>>, %arg12: memref<!tpu.dma_semaphore, #tpu.memory_space<semaphore_mem>>, %arg13: memref<!tpu.dma_semaphore, #tpu.memory_space<semaphore_mem>>, %arg14: memref<!tpu.dma_semaphore, #tpu.memory_space<semaphore_mem>>, %arg15: memref<!tpu.dma_semaphore, #tpu.memory_space<semaphore_mem>>, %arg16: memref<!tpu.dma_semaphore, #tpu.memory_space<semaphore_mem>>, %arg17: memref<!tpu.dma_semaphore, #tpu.memory_space<semaphore_mem>>) attributes {dimension_semantics = [#tpu.dimension_semantics<core_parallel>, #tpu.dimension_semantics<subcore_parallel>], iteration_bounds = array<i64: 2, 16>, scalar_prefetch = 0 : i64, scratch_operands = 13 : i64, tpu.core_type = #tpu.core_type<sc_vector_subcore>, window_params = [{transform_indices = #map}, {transform_indices = #map1}, {transform_indices = #map}]} {
    %mul3A = arith.constant 2 : i32
    %mul3A_0 = arith.muli %arg1, %mul3A : i32
    %add3A = arith.addi %mul3A_0, %arg0 : i32
    %mul3A_1 = arith.constant 48 : i32
    %mul3A_2 = arith.muli %add3A, %mul3A_1 : i32
    %mul3A_3 = arith.constant 128 : i32
    %mul3A_4 = arith.muli %mul3A_2, %mul3A_3 : i32
    "tpu.region"() ({
      %run_scoped3A = tpu.sem_alloc : memref<!tpu.dma_semaphore, #tpu.memory_space<semaphore_mem>>
      %dma_start3A_59 = arith.constant 0 : i32
      %dma_start3A_60 = arith.constant 0 : i32
      %dma_start3A_61 = tpu.memref_slice %arg3[%add3A, %dma_start3A_59, %dma_start3A_60] : memref<32x48x128xi32, #tpu.memory_space<hbm>> -> memref<1x48x128xi32, #tpu.memory_space<hbm>>
      %dma_start3A_62 = tpu.memref_squeeze %dma_start3A_61 : memref<1x48x128xi32, #tpu.memory_space<hbm>> -> memref<48x128xi32, #tpu.memory_space<hbm>>
      %dma_start3A_63 = arith.constant 0 : i32
      %dma_start3A_64 = arith.constant 0 : i32
      %dma_start3A_65 = tpu.memref_slice %arg3[%add3A, %dma_start3A_63, %dma_start3A_64] : memref<32x48x128xi32, #tpu.memory_space<hbm>> -> memref<1x48x128xi32, #tpu.memory_space<hbm>>
      %dma_start3A_66 = tpu.memref_squeeze %dma_start3A_65 : memref<1x48x128xi32, #tpu.memory_space<hbm>> -> memref<48x128xi32, #tpu.memory_space<hbm>>
      tpu.enqueue_dma source(%dma_start3A_66 : memref<48x128xi32, #tpu.memory_space<hbm>>) target(%arg5 : memref<48x128xi32, #tpu.memory_space<vmem>>) target_semaphore(%run_scoped3A : memref<!tpu.dma_semaphore, #tpu.memory_space<semaphore_mem>>)
      %dma_wait3A_67 = arith.constant 0 : i32
      %dma_wait3A_68 = arith.constant 0 : i32
      %dma_wait3A_69 = tpu.memref_slice %arg3[%add3A, %dma_wait3A_67, %dma_wait3A_68] : memref<32x48x128xi32, #tpu.memory_space<hbm>> -> memref<1x48x128xi32, #tpu.memory_space<hbm>>
      %dma_wait3A_70 = tpu.memref_squeeze %dma_wait3A_69 : memref<1x48x128xi32, #tpu.memory_space<hbm>> -> memref<48x128xi32, #tpu.memory_space<hbm>>
      %dma_wait3A_71 = arith.constant 0 : i32
      %dma_wait3A_72 = arith.constant 0 : i32
      %dma_wait3A_73 = tpu.memref_slice %arg3[%add3A, %dma_wait3A_71, %dma_wait3A_72] : memref<32x48x128xi32, #tpu.memory_space<hbm>> -> memref<1x48x128xi32, #tpu.memory_space<hbm>>
      %dma_wait3A_74 = tpu.memref_squeeze %dma_wait3A_73 : memref<1x48x128xi32, #tpu.memory_space<hbm>> -> memref<48x128xi32, #tpu.memory_space<hbm>>
      tpu.wait_dma2 semaphore(%run_scoped3A : memref<!tpu.dma_semaphore, #tpu.memory_space<semaphore_mem>>) src(%dma_wait3A_74 : memref<48x128xi32, #tpu.memory_space<hbm>>) dst(%arg5 : memref<48x128xi32, #tpu.memory_space<vmem>>)
      tpu.yield
    }) : () -> ()
    %dma_start3A = arith.constant 0 : i32
    %dma_start3A_5 = arith.constant 0 : i32
    %dma_start3A_6 = tpu.memref_slice %arg5[%dma_start3A, %dma_start3A_5] : memref<48x128xi32, #tpu.memory_space<vmem>> -> memref<1x128xi32, #tpu.memory_space<vmem>>
    %dma_start3A_7 = tpu.memref_squeeze %dma_start3A_6 : memref<1x128xi32, #tpu.memory_space<vmem>> -> memref<128xi32, #tpu.memory_space<vmem>>
    %dma_start3A_8 = arith.constant 0 : i32
    %dma_start3A_9 = arith.constant 0 : i32
    %dma_start3A_10 = tpu.memref_slice %arg2[%dma_start3A_8, %dma_start3A_9] : memref<10000x128xf32, #tpu.memory_space<hbm>> -> memref<10000x128xf32, #tpu.memory_space<hbm>>
    tpu.enqueue_indirect_dma source(%dma_start3A_10 : memref<10000x128xf32, #tpu.memory_space<hbm>>) target(%arg6 : memref<128x128xf32, #tpu.memory_space<vmem>>) offsets(%dma_start3A_7 : memref<128xi32, #tpu.memory_space<vmem>>) semaphore(%arg10 : memref<!tpu.dma_semaphore, #tpu.memory_space<semaphore_mem>>)
    %dma_start3A_11 = arith.constant 1 : i32
    %dma_start3A_12 = arith.constant 0 : i32
    %dma_start3A_13 = tpu.memref_slice %arg5[%dma_start3A_11, %dma_start3A_12] : memref<48x128xi32, #tpu.memory_space<vmem>> -> memref<1x128xi32, #tpu.memory_space<vmem>>
    %dma_start3A_14 = tpu.memref_squeeze %dma_start3A_13 : memref<1x128xi32, #tpu.memory_space<vmem>> -> memref<128xi32, #tpu.memory_space<vmem>>
    %dma_start3A_15 = arith.constant 0 : i32
    %dma_start3A_16 = arith.constant 0 : i32
    %dma_start3A_17 = tpu.memref_slice %arg2[%dma_start3A_15, %dma_start3A_16] : memref<10000x128xf32, #tpu.memory_space<hbm>> -> memref<10000x128xf32, #tpu.memory_space<hbm>>
    tpu.enqueue_indirect_dma source(%dma_start3A_17 : memref<10000x128xf32, #tpu.memory_space<hbm>>) target(%arg7 : memref<128x128xf32, #tpu.memory_space<vmem>>) offsets(%dma_start3A_14 : memref<128xi32, #tpu.memory_space<vmem>>) semaphore(%arg11 : memref<!tpu.dma_semaphore, #tpu.memory_space<semaphore_mem>>)
    %dma_start3A_18 = arith.constant 2 : i32
    %dma_start3A_19 = arith.constant 0 : i32
    %dma_start3A_20 = tpu.memref_slice %arg5[%dma_start3A_18, %dma_start3A_19] : memref<48x128xi32, #tpu.memory_space<vmem>> -> memref<1x128xi32, #tpu.memory_space<vmem>>
    %dma_start3A_21 = tpu.memref_squeeze %dma_start3A_20 : memref<1x128xi32, #tpu.memory_space<vmem>> -> memref<128xi32, #tpu.memory_space<vmem>>
    %dma_start3A_22 = arith.constant 0 : i32
    %dma_start3A_23 = arith.constant 0 : i32
    %dma_start3A_24 = tpu.memref_slice %arg2[%dma_start3A_22, %dma_start3A_23] : memref<10000x128xf32, #tpu.memory_space<hbm>> -> memref<10000x128xf32, #tpu.memory_space<hbm>>
    tpu.enqueue_indirect_dma source(%dma_start3A_24 : memref<10000x128xf32, #tpu.memory_space<hbm>>) target(%arg8 : memref<128x128xf32, #tpu.memory_space<vmem>>) offsets(%dma_start3A_21 : memref<128xi32, #tpu.memory_space<vmem>>) semaphore(%arg12 : memref<!tpu.dma_semaphore, #tpu.memory_space<semaphore_mem>>)
    %dma_start3A_25 = arith.constant 3 : i32
    %dma_start3A_26 = arith.constant 0 : i32
    %dma_start3A_27 = tpu.memref_slice %arg5[%dma_start3A_25, %dma_start3A_26] : memref<48x128xi32, #tpu.memory_space<vmem>> -> memref<1x128xi32, #tpu.memory_space<vmem>>
    %dma_start3A_28 = tpu.memref_squeeze %dma_start3A_27 : memref<1x128xi32, #tpu.memory_space<vmem>> -> memref<128xi32, #tpu.memory_space<vmem>>
    %dma_start3A_29 = arith.constant 0 : i32
    %dma_start3A_30 = arith.constant 0 : i32
    %dma_start3A_31 = tpu.memref_slice %arg2[%dma_start3A_29, %dma_start3A_30] : memref<10000x128xf32, #tpu.memory_space<hbm>> -> memref<10000x128xf32, #tpu.memory_space<hbm>>
    tpu.enqueue_indirect_dma source(%dma_start3A_31 : memref<10000x128xf32, #tpu.memory_space<hbm>>) target(%arg9 : memref<128x128xf32, #tpu.memory_space<vmem>>) offsets(%dma_start3A_28 : memref<128xi32, #tpu.memory_space<vmem>>) semaphore(%arg13 : memref<!tpu.dma_semaphore, #tpu.memory_space<semaphore_mem>>)
    %scan3A = arith.constant 0 : i32
    %scan3A_32 = arith.constant 12 : i32
    %scan3A_33 = arith.addi %scan3A, %scan3A_32 : i32
    %scan3A_34 = arith.constant 1 : i32
    scf.for %scan3A_59 = %scan3A to %scan3A_33 step %scan3A_34  : i32 {
      %mul3A_60 = arith.constant 4 : i32
      %mul3A_61 = arith.muli %scan3A_59, %mul3A_60 : i32
      %add3A_62 = arith.constant 0 : i32
      %add3A_63 = arith.addi %add3A_62, %mul3A_61 : i32
      %add3A_64 = arith.constant 0 : i32
      %add3A_65 = arith.addi %add3A_63, %add3A_64 : i32
      %dma_wait3A_66 = arith.constant 0 : i32
      %dma_wait3A_67 = tpu.memref_slice %arg5[%add3A_65, %dma_wait3A_66] : memref<48x128xi32, #tpu.memory_space<vmem>> -> memref<1x128xi32, #tpu.memory_space<vmem>>
      %dma_wait3A_68 = tpu.memref_squeeze %dma_wait3A_67 : memref<1x128xi32, #tpu.memory_space<vmem>> -> memref<128xi32, #tpu.memory_space<vmem>>
      %dma_wait3A_69 = arith.constant 0 : i32
      %dma_wait3A_70 = arith.constant 0 : i32
      %dma_wait3A_71 = tpu.memref_slice %arg2[%dma_wait3A_69, %dma_wait3A_70] : memref<10000x128xf32, #tpu.memory_space<hbm>> -> memref<10000x128xf32, #tpu.memory_space<hbm>>
      tpu.wait_indirect_dma semaphore(%arg10 : memref<!tpu.dma_semaphore, #tpu.memory_space<semaphore_mem>>) src(%dma_wait3A_71 : memref<10000x128xf32, #tpu.memory_space<hbm>>) dst(%arg6 : memref<128x128xf32, #tpu.memory_space<vmem>>)
      %mul3A_72 = arith.constant 128 : i32
      %mul3A_73 = arith.muli %add3A_65, %mul3A_72 : i32
      %add3A_74 = arith.addi %mul3A_4, %mul3A_73 : i32
      %dma_start3A_75 = arith.constant 0 : i32
      %dma_start3A_76 = tpu.memref_slice %arg4[%add3A_74, %dma_start3A_75] : memref<196608x128xf32, #tpu.memory_space<hbm>> -> memref<128x128xf32, #tpu.memory_space<hbm>>
      %dma_start3A_77 = arith.constant 0 : i32
      %dma_start3A_78 = tpu.memref_slice %arg4[%add3A_74, %dma_start3A_77] : memref<196608x128xf32, #tpu.memory_space<hbm>> -> memref<128x128xf32, #tpu.memory_space<hbm>>
      tpu.enqueue_dma source(%arg6 : memref<128x128xf32, #tpu.memory_space<vmem>>) target(%dma_start3A_78 : memref<128x128xf32, #tpu.memory_space<hbm>>) target_semaphore(%arg14 : memref<!tpu.dma_semaphore, #tpu.memory_space<semaphore_mem>>)
      %add3A_79 = arith.constant 2 : i32
      %add3A_80 = arith.addi %add3A_65, %add3A_79 : i32
      %sub3A = arith.constant 2 : i32
      %sub3A_81 = arith.subi %add3A_65, %sub3A : i32
      %ge3A = arith.constant 0 : i32
      %ge3A_82 = arith.cmpi sge, %sub3A_81, %ge3A : i32
      %lt3A = arith.constant 48 : i32
      %lt3A_83 = arith.cmpi slt, %add3A_80, %lt3A : i32
      %and3A = arith.andi %ge3A_82, %lt3A_83 : i1
      %convert_element_type3A = arith.extui %and3A : i1 to i32
      %cond3A = arith.constant 0 : i32
      %cond3A_84 = arith.cmpi ne, %convert_element_type3A, %cond3A : i32
      scf.if %cond3A_84 {
        %mul3A_166 = arith.constant 128 : i32
        %mul3A_167 = arith.muli %sub3A_81, %mul3A_166 : i32
        %add3A_168 = arith.addi %mul3A_4, %mul3A_167 : i32
        %dma_wait3A_169 = arith.constant 0 : i32
        %dma_wait3A_170 = tpu.memref_slice %arg4[%add3A_168, %dma_wait3A_169] : memref<196608x128xf32, #tpu.memory_space<hbm>> -> memref<128x128xf32, #tpu.memory_space<hbm>>
        %dma_wait3A_171 = arith.constant 0 : i32
        %dma_wait3A_172 = tpu.memref_slice %arg4[%add3A_168, %dma_wait3A_171] : memref<196608x128xf32, #tpu.memory_space<hbm>> -> memref<128x128xf32, #tpu.memory_space<hbm>>
        tpu.wait_dma2 semaphore(%arg16 : memref<!tpu.dma_semaphore, #tpu.memory_space<semaphore_mem>>) src(%arg8 : memref<128x128xf32, #tpu.memory_space<vmem>>) dst(%dma_wait3A_172 : memref<128x128xf32, #tpu.memory_space<hbm>>)
        %dma_start3A_173 = arith.constant 0 : i32
        %dma_start3A_174 = tpu.memref_slice %arg5[%add3A_80, %dma_start3A_173] : memref<48x128xi32, #tpu.memory_space<vmem>> -> memref<1x128xi32, #tpu.memory_space<vmem>>
        %dma_start3A_175 = tpu.memref_squeeze %dma_start3A_174 : memref<1x128xi32, #tpu.memory_space<vmem>> -> memref<128xi32, #tpu.memory_space<vmem>>
        %dma_start3A_176 = arith.constant 0 : i32
        %dma_start3A_177 = arith.constant 0 : i32
        %dma_start3A_178 = tpu.memref_slice %arg2[%dma_start3A_176, %dma_start3A_177] : memref<10000x128xf32, #tpu.memory_space<hbm>> -> memref<10000x128xf32, #tpu.memory_space<hbm>>
        tpu.enqueue_indirect_dma source(%dma_start3A_178 : memref<10000x128xf32, #tpu.memory_space<hbm>>) target(%arg8 : memref<128x128xf32, #tpu.memory_space<vmem>>) offsets(%dma_start3A_175 : memref<128xi32, #tpu.memory_space<vmem>>) semaphore(%arg12 : memref<!tpu.dma_semaphore, #tpu.memory_space<semaphore_mem>>)
      } else {
      }
      %add3A_85 = arith.constant 1 : i32
      %add3A_86 = arith.addi %add3A_63, %add3A_85 : i32
      %dma_wait3A_87 = arith.constant 0 : i32
      %dma_wait3A_88 = tpu.memref_slice %arg5[%add3A_86, %dma_wait3A_87] : memref<48x128xi32, #tpu.memory_space<vmem>> -> memref<1x128xi32, #tpu.memory_space<vmem>>
      %dma_wait3A_89 = tpu.memref_squeeze %dma_wait3A_88 : memref<1x128xi32, #tpu.memory_space<vmem>> -> memref<128xi32, #tpu.memory_space<vmem>>
      %dma_wait3A_90 = arith.constant 0 : i32
      %dma_wait3A_91 = arith.constant 0 : i32
      %dma_wait3A_92 = tpu.memref_slice %arg2[%dma_wait3A_90, %dma_wait3A_91] : memref<10000x128xf32, #tpu.memory_space<hbm>> -> memref<10000x128xf32, #tpu.memory_space<hbm>>
      tpu.wait_indirect_dma semaphore(%arg11 : memref<!tpu.dma_semaphore, #tpu.memory_space<semaphore_mem>>) src(%dma_wait3A_92 : memref<10000x128xf32, #tpu.memory_space<hbm>>) dst(%arg7 : memref<128x128xf32, #tpu.memory_space<vmem>>)
      %mul3A_93 = arith.constant 128 : i32
      %mul3A_94 = arith.muli %add3A_86, %mul3A_93 : i32
      %add3A_95 = arith.addi %mul3A_4, %mul3A_94 : i32
      %dma_start3A_96 = arith.constant 0 : i32
      %dma_start3A_97 = tpu.memref_slice %arg4[%add3A_95, %dma_start3A_96] : memref<196608x128xf32, #tpu.memory_space<hbm>> -> memref<128x128xf32, #tpu.memory_space<hbm>>
      %dma_start3A_98 = arith.constant 0 : i32
      %dma_start3A_99 = tpu.memref_slice %arg4[%add3A_95, %dma_start3A_98] : memref<196608x128xf32, #tpu.memory_space<hbm>> -> memref<128x128xf32, #tpu.memory_space<hbm>>
      tpu.enqueue_dma source(%arg7 : memref<128x128xf32, #tpu.memory_space<vmem>>) target(%dma_start3A_99 : memref<128x128xf32, #tpu.memory_space<hbm>>) target_semaphore(%arg15 : memref<!tpu.dma_semaphore, #tpu.memory_space<semaphore_mem>>)
      %add3A_100 = arith.constant 2 : i32
      %add3A_101 = arith.addi %add3A_86, %add3A_100 : i32
      %sub3A_102 = arith.constant 2 : i32
      %sub3A_103 = arith.subi %add3A_86, %sub3A_102 : i32
      %ge3A_104 = arith.constant 0 : i32
      %ge3A_105 = arith.cmpi sge, %sub3A_103, %ge3A_104 : i32
      %lt3A_106 = arith.constant 48 : i32
      %lt3A_107 = arith.cmpi slt, %add3A_101, %lt3A_106 : i32
      %and3A_108 = arith.andi %ge3A_105, %lt3A_107 : i1
      %convert_element_type3A_109 = arith.extui %and3A_108 : i1 to i32
      %cond3A_110 = arith.constant 0 : i32
      %cond3A_111 = arith.cmpi ne, %convert_element_type3A_109, %cond3A_110 : i32
      scf.if %cond3A_111 {
        %mul3A_166 = arith.constant 128 : i32
        %mul3A_167 = arith.muli %sub3A_103, %mul3A_166 : i32
        %add3A_168 = arith.addi %mul3A_4, %mul3A_167 : i32
        %dma_wait3A_169 = arith.constant 0 : i32
        %dma_wait3A_170 = tpu.memref_slice %arg4[%add3A_168, %dma_wait3A_169] : memref<196608x128xf32, #tpu.memory_space<hbm>> -> memref<128x128xf32, #tpu.memory_space<hbm>>
        %dma_wait3A_171 = arith.constant 0 : i32
        %dma_wait3A_172 = tpu.memref_slice %arg4[%add3A_168, %dma_wait3A_171] : memref<196608x128xf32, #tpu.memory_space<hbm>> -> memref<128x128xf32, #tpu.memory_space<hbm>>
        tpu.wait_dma2 semaphore(%arg17 : memref<!tpu.dma_semaphore, #tpu.memory_space<semaphore_mem>>) src(%arg9 : memref<128x128xf32, #tpu.memory_space<vmem>>) dst(%dma_wait3A_172 : memref<128x128xf32, #tpu.memory_space<hbm>>)
        %dma_start3A_173 = arith.constant 0 : i32
        %dma_start3A_174 = tpu.memref_slice %arg5[%add3A_101, %dma_start3A_173] : memref<48x128xi32, #tpu.memory_space<vmem>> -> memref<1x128xi32, #tpu.memory_space<vmem>>
        %dma_start3A_175 = tpu.memref_squeeze %dma_start3A_174 : memref<1x128xi32, #tpu.memory_space<vmem>> -> memref<128xi32, #tpu.memory_space<vmem>>
        %dma_start3A_176 = arith.constant 0 : i32
        %dma_start3A_177 = arith.constant 0 : i32
        %dma_start3A_178 = tpu.memref_slice %arg2[%dma_start3A_176, %dma_start3A_177] : memref<10000x128xf32, #tpu.memory_space<hbm>> -> memref<10000x128xf32, #tpu.memory_space<hbm>>
        tpu.enqueue_indirect_dma source(%dma_start3A_178 : memref<10000x128xf32, #tpu.memory_space<hbm>>) target(%arg9 : memref<128x128xf32, #tpu.memory_space<vmem>>) offsets(%dma_start3A_175 : memref<128xi32, #tpu.memory_space<vmem>>) semaphore(%arg13 : memref<!tpu.dma_semaphore, #tpu.memory_space<semaphore_mem>>)
      } else {
      }
      %add3A_112 = arith.constant 2 : i32
      %add3A_113 = arith.addi %add3A_63, %add3A_112 : i32
      %dma_wait3A_114 = arith.constant 0 : i32
      %dma_wait3A_115 = tpu.memref_slice %arg5[%add3A_113, %dma_wait3A_114] : memref<48x128xi32, #tpu.memory_space<vmem>> -> memref<1x128xi32, #tpu.memory_space<vmem>>
      %dma_wait3A_116 = tpu.memref_squeeze %dma_wait3A_115 : memref<1x128xi32, #tpu.memory_space<vmem>> -> memref<128xi32, #tpu.memory_space<vmem>>
      %dma_wait3A_117 = arith.constant 0 : i32
      %dma_wait3A_118 = arith.constant 0 : i32
      %dma_wait3A_119 = tpu.memref_slice %arg2[%dma_wait3A_117, %dma_wait3A_118] : memref<10000x128xf32, #tpu.memory_space<hbm>> -> memref<10000x128xf32, #tpu.memory_space<hbm>>
      tpu.wait_indirect_dma semaphore(%arg12 : memref<!tpu.dma_semaphore, #tpu.memory_space<semaphore_mem>>) src(%dma_wait3A_119 : memref<10000x128xf32, #tpu.memory_space<hbm>>) dst(%arg8 : memref<128x128xf32, #tpu.memory_space<vmem>>)
      %mul3A_120 = arith.constant 128 : i32
      %mul3A_121 = arith.muli %add3A_113, %mul3A_120 : i32
      %add3A_122 = arith.addi %mul3A_4, %mul3A_121 : i32
      %dma_start3A_123 = arith.constant 0 : i32
      %dma_start3A_124 = tpu.memref_slice %arg4[%add3A_122, %dma_start3A_123] : memref<196608x128xf32, #tpu.memory_space<hbm>> -> memref<128x128xf32, #tpu.memory_space<hbm>>
      %dma_start3A_125 = arith.constant 0 : i32
      %dma_start3A_126 = tpu.memref_slice %arg4[%add3A_122, %dma_start3A_125] : memref<196608x128xf32, #tpu.memory_space<hbm>> -> memref<128x128xf32, #tpu.memory_space<hbm>>
      tpu.enqueue_dma source(%arg8 : memref<128x128xf32, #tpu.memory_space<vmem>>) target(%dma_start3A_126 : memref<128x128xf32, #tpu.memory_space<hbm>>) target_semaphore(%arg16 : memref<!tpu.dma_semaphore, #tpu.memory_space<semaphore_mem>>)
      %add3A_127 = arith.constant 2 : i32
      %add3A_128 = arith.addi %add3A_113, %add3A_127 : i32
      %sub3A_129 = arith.constant 2 : i32
      %sub3A_130 = arith.subi %add3A_113, %sub3A_129 : i32
      %ge3A_131 = arith.constant 0 : i32
      %ge3A_132 = arith.cmpi sge, %sub3A_130, %ge3A_131 : i32
      %lt3A_133 = arith.constant 48 : i32
      %lt3A_134 = arith.cmpi slt, %add3A_128, %lt3A_133 : i32
      %and3A_135 = arith.andi %ge3A_132, %lt3A_134 : i1
      %convert_element_type3A_136 = arith.extui %and3A_135 : i1 to i32
      %cond3A_137 = arith.constant 0 : i32
      %cond3A_138 = arith.cmpi ne, %convert_element_type3A_136, %cond3A_137 : i32
      scf.if %cond3A_138 {
        %mul3A_166 = arith.constant 128 : i32
        %mul3A_167 = arith.muli %sub3A_130, %mul3A_166 : i32
        %add3A_168 = arith.addi %mul3A_4, %mul3A_167 : i32
        %dma_wait3A_169 = arith.constant 0 : i32
        %dma_wait3A_170 = tpu.memref_slice %arg4[%add3A_168, %dma_wait3A_169] : memref<196608x128xf32, #tpu.memory_space<hbm>> -> memref<128x128xf32, #tpu.memory_space<hbm>>
        %dma_wait3A_171 = arith.constant 0 : i32
        %dma_wait3A_172 = tpu.memref_slice %arg4[%add3A_168, %dma_wait3A_171] : memref<196608x128xf32, #tpu.memory_space<hbm>> -> memref<128x128xf32, #tpu.memory_space<hbm>>
        tpu.wait_dma2 semaphore(%arg14 : memref<!tpu.dma_semaphore, #tpu.memory_space<semaphore_mem>>) src(%arg6 : memref<128x128xf32, #tpu.memory_space<vmem>>) dst(%dma_wait3A_172 : memref<128x128xf32, #tpu.memory_space<hbm>>)
        %dma_start3A_173 = arith.constant 0 : i32
        %dma_start3A_174 = tpu.memref_slice %arg5[%add3A_128, %dma_start3A_173] : memref<48x128xi32, #tpu.memory_space<vmem>> -> memref<1x128xi32, #tpu.memory_space<vmem>>
        %dma_start3A_175 = tpu.memref_squeeze %dma_start3A_174 : memref<1x128xi32, #tpu.memory_space<vmem>> -> memref<128xi32, #tpu.memory_space<vmem>>
        %dma_start3A_176 = arith.constant 0 : i32
        %dma_start3A_177 = arith.constant 0 : i32
        %dma_start3A_178 = tpu.memref_slice %arg2[%dma_start3A_176, %dma_start3A_177] : memref<10000x128xf32, #tpu.memory_space<hbm>> -> memref<10000x128xf32, #tpu.memory_space<hbm>>
        tpu.enqueue_indirect_dma source(%dma_start3A_178 : memref<10000x128xf32, #tpu.memory_space<hbm>>) target(%arg6 : memref<128x128xf32, #tpu.memory_space<vmem>>) offsets(%dma_start3A_175 : memref<128xi32, #tpu.memory_space<vmem>>) semaphore(%arg10 : memref<!tpu.dma_semaphore, #tpu.memory_space<semaphore_mem>>)
      } else {
      }
      %add3A_139 = arith.constant 3 : i32
      %add3A_140 = arith.addi %add3A_63, %add3A_139 : i32
      %dma_wait3A_141 = arith.constant 0 : i32
      %dma_wait3A_142 = tpu.memref_slice %arg5[%add3A_140, %dma_wait3A_141] : memref<48x128xi32, #tpu.memory_space<vmem>> -> memref<1x128xi32, #tpu.memory_space<vmem>>
      %dma_wait3A_143 = tpu.memref_squeeze %dma_wait3A_142 : memref<1x128xi32, #tpu.memory_space<vmem>> -> memref<128xi32, #tpu.memory_space<vmem>>
      %dma_wait3A_144 = arith.constant 0 : i32
      %dma_wait3A_145 = arith.constant 0 : i32
      %dma_wait3A_146 = tpu.memref_slice %arg2[%dma_wait3A_144, %dma_wait3A_145] : memref<10000x128xf32, #tpu.memory_space<hbm>> -> memref<10000x128xf32, #tpu.memory_space<hbm>>
      tpu.wait_indirect_dma semaphore(%arg13 : memref<!tpu.dma_semaphore, #tpu.memory_space<semaphore_mem>>) src(%dma_wait3A_146 : memref<10000x128xf32, #tpu.memory_space<hbm>>) dst(%arg9 : memref<128x128xf32, #tpu.memory_space<vmem>>)
      %mul3A_147 = arith.constant 128 : i32
      %mul3A_148 = arith.muli %add3A_140, %mul3A_147 : i32
      %add3A_149 = arith.addi %mul3A_4, %mul3A_148 : i32
      %dma_start3A_150 = arith.constant 0 : i32
      %dma_start3A_151 = tpu.memref_slice %arg4[%add3A_149, %dma_start3A_150] : memref<196608x128xf32, #tpu.memory_space<hbm>> -> memref<128x128xf32, #tpu.memory_space<hbm>>
      %dma_start3A_152 = arith.constant 0 : i32
      %dma_start3A_153 = tpu.memref_slice %arg4[%add3A_149, %dma_start3A_152] : memref<196608x128xf32, #tpu.memory_space<hbm>> -> memref<128x128xf32, #tpu.memory_space<hbm>>
      tpu.enqueue_dma source(%arg9 : memref<128x128xf32, #tpu.memory_space<vmem>>) target(%dma_start3A_153 : memref<128x128xf32, #tpu.memory_space<hbm>>) target_semaphore(%arg17 : memref<!tpu.dma_semaphore, #tpu.memory_space<semaphore_mem>>)
      %add3A_154 = arith.constant 2 : i32
      %add3A_155 = arith.addi %add3A_140, %add3A_154 : i32
      %sub3A_156 = arith.constant 2 : i32
      %sub3A_157 = arith.subi %add3A_140, %sub3A_156 : i32
      %ge3A_158 = arith.constant 0 : i32
      %ge3A_159 = arith.cmpi sge, %sub3A_157, %ge3A_158 : i32
      %lt3A_160 = arith.constant 48 : i32
      %lt3A_161 = arith.cmpi slt, %add3A_155, %lt3A_160 : i32
      %and3A_162 = arith.andi %ge3A_159, %lt3A_161 : i1
      %convert_element_type3A_163 = arith.extui %and3A_162 : i1 to i32
      %cond3A_164 = arith.constant 0 : i32
      %cond3A_165 = arith.cmpi ne, %convert_element_type3A_163, %cond3A_164 : i32
      scf.if %cond3A_165 {
        %mul3A_166 = arith.constant 128 : i32
        %mul3A_167 = arith.muli %sub3A_157, %mul3A_166 : i32
        %add3A_168 = arith.addi %mul3A_4, %mul3A_167 : i32
        %dma_wait3A_169 = arith.constant 0 : i32
        %dma_wait3A_170 = tpu.memref_slice %arg4[%add3A_168, %dma_wait3A_169] : memref<196608x128xf32, #tpu.memory_space<hbm>> -> memref<128x128xf32, #tpu.memory_space<hbm>>
        %dma_wait3A_171 = arith.constant 0 : i32
        %dma_wait3A_172 = tpu.memref_slice %arg4[%add3A_168, %dma_wait3A_171] : memref<196608x128xf32, #tpu.memory_space<hbm>> -> memref<128x128xf32, #tpu.memory_space<hbm>>
        tpu.wait_dma2 semaphore(%arg15 : memref<!tpu.dma_semaphore, #tpu.memory_space<semaphore_mem>>) src(%arg7 : memref<128x128xf32, #tpu.memory_space<vmem>>) dst(%dma_wait3A_172 : memref<128x128xf32, #tpu.memory_space<hbm>>)
        %dma_start3A_173 = arith.constant 0 : i32
        %dma_start3A_174 = tpu.memref_slice %arg5[%add3A_155, %dma_start3A_173] : memref<48x128xi32, #tpu.memory_space<vmem>> -> memref<1x128xi32, #tpu.memory_space<vmem>>
        %dma_start3A_175 = tpu.memref_squeeze %dma_start3A_174 : memref<1x128xi32, #tpu.memory_space<vmem>> -> memref<128xi32, #tpu.memory_space<vmem>>
        %dma_start3A_176 = arith.constant 0 : i32
        %dma_start3A_177 = arith.constant 0 : i32
        %dma_start3A_178 = tpu.memref_slice %arg2[%dma_start3A_176, %dma_start3A_177] : memref<10000x128xf32, #tpu.memory_space<hbm>> -> memref<10000x128xf32, #tpu.memory_space<hbm>>
        tpu.enqueue_indirect_dma source(%dma_start3A_178 : memref<10000x128xf32, #tpu.memory_space<hbm>>) target(%arg7 : memref<128x128xf32, #tpu.memory_space<vmem>>) offsets(%dma_start3A_175 : memref<128xi32, #tpu.memory_space<vmem>>) semaphore(%arg11 : memref<!tpu.dma_semaphore, #tpu.memory_space<semaphore_mem>>)
      } else {
      }
    }
    %scan3A_35 = arith.constant 12 : i32
    %add3A_36 = arith.constant 5632 : i32
    %add3A_37 = arith.addi %mul3A_4, %add3A_36 : i32
    %dma_wait3A = arith.constant 0 : i32
    %dma_wait3A_38 = tpu.memref_slice %arg4[%add3A_37, %dma_wait3A] : memref<196608x128xf32, #tpu.memory_space<hbm>> -> memref<128x128xf32, #tpu.memory_space<hbm>>
    %dma_wait3A_39 = arith.constant 0 : i32
    %dma_wait3A_40 = tpu.memref_slice %arg4[%add3A_37, %dma_wait3A_39] : memref<196608x128xf32, #tpu.memory_space<hbm>> -> memref<128x128xf32, #tpu.memory_space<hbm>>
    tpu.wait_dma2 semaphore(%arg14 : memref<!tpu.dma_semaphore, #tpu.memory_space<semaphore_mem>>) src(%arg6 : memref<128x128xf32, #tpu.memory_space<vmem>>) dst(%dma_wait3A_40 : memref<128x128xf32, #tpu.memory_space<hbm>>)
    %add3A_41 = arith.constant 5760 : i32
    %add3A_42 = arith.addi %mul3A_4, %add3A_41 : i32
    %dma_wait3A_43 = arith.constant 0 : i32
    %dma_wait3A_44 = tpu.memref_slice %arg4[%add3A_42, %dma_wait3A_43] : memref<196608x128xf32, #tpu.memory_space<hbm>> -> memref<128x128xf32, #tpu.memory_space<hbm>>
    %dma_wait3A_45 = arith.constant 0 : i32
    %dma_wait3A_46 = tpu.memref_slice %arg4[%add3A_42, %dma_wait3A_45] : memref<196608x128xf32, #tpu.memory_space<hbm>> -> memref<128x128xf32, #tpu.memory_space<hbm>>
    tpu.wait_dma2 semaphore(%arg15 : memref<!tpu.dma_semaphore, #tpu.memory_space<semaphore_mem>>) src(%arg7 : memref<128x128xf32, #tpu.memory_space<vmem>>) dst(%dma_wait3A_46 : memref<128x128xf32, #tpu.memory_space<hbm>>)
    %add3A_47 = arith.constant 5888 : i32
    %add3A_48 = arith.addi %mul3A_4, %add3A_47 : i32
    %dma_wait3A_49 = arith.constant 0 : i32
    %dma_wait3A_50 = tpu.memref_slice %arg4[%add3A_48, %dma_wait3A_49] : memref<196608x128xf32, #tpu.memory_space<hbm>> -> memref<128x128xf32, #tpu.memory_space<hbm>>
    %dma_wait3A_51 = arith.constant 0 : i32
    %dma_wait3A_52 = tpu.memref_slice %arg4[%add3A_48, %dma_wait3A_51] : memref<196608x128xf32, #tpu.memory_space<hbm>> -> memref<128x128xf32, #tpu.memory_space<hbm>>
    tpu.wait_dma2 semaphore(%arg16 : memref<!tpu.dma_semaphore, #tpu.memory_space<semaphore_mem>>) src(%arg8 : memref<128x128xf32, #tpu.memory_space<vmem>>) dst(%dma_wait3A_52 : memref<128x128xf32, #tpu.memory_space<hbm>>)
    %add3A_53 = arith.constant 6016 : i32
    %add3A_54 = arith.addi %mul3A_4, %add3A_53 : i32
    %dma_wait3A_55 = arith.constant 0 : i32
    %dma_wait3A_56 = tpu.memref_slice %arg4[%add3A_54, %dma_wait3A_55] : memref<196608x128xf32, #tpu.memory_space<hbm>> -> memref<128x128xf32, #tpu.memory_space<hbm>>
    %dma_wait3A_57 = arith.constant 0 : i32
    %dma_wait3A_58 = tpu.memref_slice %arg4[%add3A_54, %dma_wait3A_57] : memref<196608x128xf32, #tpu.memory_space<hbm>> -> memref<128x128xf32, #tpu.memory_space<hbm>>
    tpu.wait_dma2 semaphore(%arg17 : memref<!tpu.dma_semaphore, #tpu.memory_space<semaphore_mem>>) src(%arg9 : memref<128x128xf32, #tpu.memory_space<vmem>>) dst(%dma_wait3A_58 : memref<128x128xf32, #tpu.memory_space<hbm>>)
    return
  }
}

#map = affine_map<(d0, d1) -> (0, 0)>
#map1 = affine_map<(d0, d1) -> (0, 0, 0)>
module attributes {stable_mosaic.version = 14 : i64} {
  func.func @scatter_kernel(%arg0: i32, %arg1: i32, %arg2: memref<106496x128xf32, #tpu.memory_space<hbm>>, %arg3: memref<32x26x128xi32, #tpu.memory_space<hbm>>, %arg4: memref<2x10112x128xf32, #tpu.memory_space<hbm>>, %arg5: memref<26x128xi32, #tpu.memory_space<vmem>>, %arg6: memref<128x128xf32, #tpu.memory_space<vmem>>, %arg7: memref<128x128xf32, #tpu.memory_space<vmem>>, %arg8: memref<!tpu.dma_semaphore, #tpu.memory_space<semaphore_mem>>, %arg9: memref<!tpu.dma_semaphore, #tpu.memory_space<semaphore_mem>>, %arg10: memref<10112x128xf32, #tpu.memory_space<vmem_shared>>) attributes {dimension_semantics = [#tpu.dimension_semantics<core_parallel>, #tpu.dimension_semantics<subcore_parallel>], iteration_bounds = array<i64: 2, 16>, scalar_prefetch = 0 : i64, scratch_operands = 6 : i64, tpu.core_type = #tpu.core_type<sc_vector_subcore>, window_params = [{transform_indices = #map}, {transform_indices = #map1}, {transform_indices = #map1}]} {
    %mul3A = arith.constant 2 : i32
    %mul3A_0 = arith.muli %arg1, %mul3A : i32
    %add3A = arith.addi %mul3A_0, %arg0 : i32
    %mul3A_1 = arith.constant 26 : i32
    %mul3A_2 = arith.muli %add3A, %mul3A_1 : i32
    %mul3A_3 = arith.constant 128 : i32
    %mul3A_4 = arith.muli %mul3A_2, %mul3A_3 : i32
    %scan3A = arith.constant 0 : i32
    %scan3A_5 = arith.constant 128 : i32
    %scan3A_6 = arith.addi %scan3A, %scan3A_5 : i32
    %scan3A_7 = arith.constant 1 : i32
    scf.for %scan3A_42 = %scan3A to %scan3A_6 step %scan3A_7  : i32 {
      %mul3A_43 = arith.constant 1 : i32
      %mul3A_44 = arith.muli %scan3A_42, %mul3A_43 : i32
      %add3A_45 = arith.constant 0 : i32
      %add3A_46 = arith.addi %add3A_45, %mul3A_44 : i32
      %scan3A_47 = arith.constant 0 : i32
      %scan3A_48 = arith.constant 8 : i32
      %scan3A_49 = arith.addi %scan3A_47, %scan3A_48 : i32
      %scan3A_50 = arith.constant 1 : i32
      scf.for %scan3A_52 = %scan3A_47 to %scan3A_49 step %scan3A_50  : i32 {
        %mul3A_53 = arith.constant 16 : i32
        %mul3A_54 = arith.muli %scan3A_52, %mul3A_53 : i32
        %add3A_55 = arith.constant 0 : i32
        %add3A_56 = arith.addi %add3A_55, %mul3A_54 : i32
        %broadcast_in_dim3A = arith.constant 0.000000e+00 : f32
        %broadcast_in_dim3A_57 = vector.broadcast %broadcast_in_dim3A : f32 to vector<16xf32>
        %swap3A = arith.index_cast %add3A_46 : i32 to index
        %swap3A_58 = arith.index_cast %add3A_56 : i32 to index
        %swap3A_59 = tpu.vector_load %arg6[%swap3A, %swap3A_58] {strides = array<i32>} : memref<128x128xf32, #tpu.memory_space<vmem>>, vector<1x16xf32>,
        %swap3A_60 = vector.shape_cast %swap3A_59 : vector<1x16xf32> to vector<16xf32>
        %swap3A_61 = vector.shape_cast %broadcast_in_dim3A_57 : vector<16xf32> to vector<1x16xf32>
        tpu.vector_store %arg6[%swap3A, %swap3A_58], %swap3A_61 {strides = array<i32>} : memref<128x128xf32, #tpu.memory_space<vmem>>, vector<1x16xf32>,
      }
      %scan3A_51 = arith.constant 8 : i32
    }
    %scan3A_8 = arith.constant 128 : i32
    %mul3A_9 = arith.constant 632 : i32
    %mul3A_10 = arith.muli %arg1, %mul3A_9 : i32
    %add3A_11 = arith.constant 0 : i32
    %add3A_12 = arith.addi %mul3A_10, %add3A_11 : i32
    "tpu.region"() ({
      %run_scoped3A = tpu.sem_alloc : memref<!tpu.dma_semaphore, #tpu.memory_space<semaphore_mem>>
      %dma_start3A_42 = arith.constant 0 : i32
      %dma_start3A_43 = arith.constant 0 : i32
      %dma_start3A_44 = tpu.memref_slice %arg6[%dma_start3A_42, %dma_start3A_43] : memref<128x128xf32, #tpu.memory_space<vmem>> -> memref<128x128xf32, #tpu.memory_space<vmem>>
      %dma_start3A_45 = arith.constant 0 : i32
      %dma_start3A_46 = tpu.memref_slice %arg10[%add3A_12, %dma_start3A_45] : memref<10112x128xf32, #tpu.memory_space<vmem_shared>> -> memref<128x128xf32, #tpu.memory_space<vmem_shared>>
      %dma_start3A_47 = arith.constant 0 : i32
      %dma_start3A_48 = tpu.memref_slice %arg10[%add3A_12, %dma_start3A_47] : memref<10112x128xf32, #tpu.memory_space<vmem_shared>> -> memref<128x128xf32, #tpu.memory_space<vmem_shared>>
      %dma_start3A_49 = arith.constant 0 : i32
      %dma_start3A_50 = arith.constant 0 : i32
      %dma_start3A_51 = tpu.memref_slice %arg6[%dma_start3A_49, %dma_start3A_50] : memref<128x128xf32, #tpu.memory_space<vmem>> -> memref<128x128xf32, #tpu.memory_space<vmem>>
      tpu.enqueue_dma source(%dma_start3A_51 : memref<128x128xf32, #tpu.memory_space<vmem>>) target(%dma_start3A_48 : memref<128x128xf32, #tpu.memory_space<vmem_shared>>) target_semaphore(%run_scoped3A : memref<!tpu.dma_semaphore, #tpu.memory_space<semaphore_mem>>)
      %dma_wait3A = arith.constant 0 : i32
      %dma_wait3A_52 = arith.constant 0 : i32
      %dma_wait3A_53 = tpu.memref_slice %arg6[%dma_wait3A, %dma_wait3A_52] : memref<128x128xf32, #tpu.memory_space<vmem>> -> memref<128x128xf32, #tpu.memory_space<vmem>>
      %dma_wait3A_54 = arith.constant 0 : i32
      %dma_wait3A_55 = tpu.memref_slice %arg10[%add3A_12, %dma_wait3A_54] : memref<10112x128xf32, #tpu.memory_space<vmem_shared>> -> memref<128x128xf32, #tpu.memory_space<vmem_shared>>
      %dma_wait3A_56 = arith.constant 0 : i32
      %dma_wait3A_57 = tpu.memref_slice %arg10[%add3A_12, %dma_wait3A_56] : memref<10112x128xf32, #tpu.memory_space<vmem_shared>> -> memref<128x128xf32, #tpu.memory_space<vmem_shared>>
      %dma_wait3A_58 = arith.constant 0 : i32
      %dma_wait3A_59 = arith.constant 0 : i32
      %dma_wait3A_60 = tpu.memref_slice %arg6[%dma_wait3A_58, %dma_wait3A_59] : memref<128x128xf32, #tpu.memory_space<vmem>> -> memref<128x128xf32, #tpu.memory_space<vmem>>
      tpu.wait_dma2 semaphore(%run_scoped3A : memref<!tpu.dma_semaphore, #tpu.memory_space<semaphore_mem>>) src(%dma_wait3A_60 : memref<128x128xf32, #tpu.memory_space<vmem>>) dst(%dma_wait3A_57 : memref<128x128xf32, #tpu.memory_space<vmem_shared>>)
      tpu.yield
    }) : () -> ()
    %add3A_13 = arith.constant 128 : i32
    %add3A_14 = arith.addi %mul3A_10, %add3A_13 : i32
    "tpu.region"() ({
      %run_scoped3A = tpu.sem_alloc : memref<!tpu.dma_semaphore, #tpu.memory_space<semaphore_mem>>
      %dma_start3A_42 = arith.constant 0 : i32
      %dma_start3A_43 = arith.constant 0 : i32
      %dma_start3A_44 = tpu.memref_slice %arg6[%dma_start3A_42, %dma_start3A_43] : memref<128x128xf32, #tpu.memory_space<vmem>> -> memref<128x128xf32, #tpu.memory_space<vmem>>
      %dma_start3A_45 = arith.constant 0 : i32
      %dma_start3A_46 = tpu.memref_slice %arg10[%add3A_14, %dma_start3A_45] : memref<10112x128xf32, #tpu.memory_space<vmem_shared>> -> memref<128x128xf32, #tpu.memory_space<vmem_shared>>
      %dma_start3A_47 = arith.constant 0 : i32
      %dma_start3A_48 = tpu.memref_slice %arg10[%add3A_14, %dma_start3A_47] : memref<10112x128xf32, #tpu.memory_space<vmem_shared>> -> memref<128x128xf32, #tpu.memory_space<vmem_shared>>
      %dma_start3A_49 = arith.constant 0 : i32
      %dma_start3A_50 = arith.constant 0 : i32
      %dma_start3A_51 = tpu.memref_slice %arg6[%dma_start3A_49, %dma_start3A_50] : memref<128x128xf32, #tpu.memory_space<vmem>> -> memref<128x128xf32, #tpu.memory_space<vmem>>
      tpu.enqueue_dma source(%dma_start3A_51 : memref<128x128xf32, #tpu.memory_space<vmem>>) target(%dma_start3A_48 : memref<128x128xf32, #tpu.memory_space<vmem_shared>>) target_semaphore(%run_scoped3A : memref<!tpu.dma_semaphore, #tpu.memory_space<semaphore_mem>>)
      %dma_wait3A = arith.constant 0 : i32
      %dma_wait3A_52 = arith.constant 0 : i32
      %dma_wait3A_53 = tpu.memref_slice %arg6[%dma_wait3A, %dma_wait3A_52] : memref<128x128xf32, #tpu.memory_space<vmem>> -> memref<128x128xf32, #tpu.memory_space<vmem>>
      %dma_wait3A_54 = arith.constant 0 : i32
      %dma_wait3A_55 = tpu.memref_slice %arg10[%add3A_14, %dma_wait3A_54] : memref<10112x128xf32, #tpu.memory_space<vmem_shared>> -> memref<128x128xf32, #tpu.memory_space<vmem_shared>>
      %dma_wait3A_56 = arith.constant 0 : i32
      %dma_wait3A_57 = tpu.memref_slice %arg10[%add3A_14, %dma_wait3A_56] : memref<10112x128xf32, #tpu.memory_space<vmem_shared>> -> memref<128x128xf32, #tpu.memory_space<vmem_shared>>
      %dma_wait3A_58 = arith.constant 0 : i32
      %dma_wait3A_59 = arith.constant 0 : i32
      %dma_wait3A_60 = tpu.memref_slice %arg6[%dma_wait3A_58, %dma_wait3A_59] : memref<128x128xf32, #tpu.memory_space<vmem>> -> memref<128x128xf32, #tpu.memory_space<vmem>>
      tpu.wait_dma2 semaphore(%run_scoped3A : memref<!tpu.dma_semaphore, #tpu.memory_space<semaphore_mem>>) src(%dma_wait3A_60 : memref<128x128xf32, #tpu.memory_space<vmem>>) dst(%dma_wait3A_57 : memref<128x128xf32, #tpu.memory_space<vmem_shared>>)
      tpu.yield
    }) : () -> ()
    %add3A_15 = arith.constant 256 : i32
    %add3A_16 = arith.addi %mul3A_10, %add3A_15 : i32
    "tpu.region"() ({
      %run_scoped3A = tpu.sem_alloc : memref<!tpu.dma_semaphore, #tpu.memory_space<semaphore_mem>>
      %dma_start3A_42 = arith.constant 0 : i32
      %dma_start3A_43 = arith.constant 0 : i32
      %dma_start3A_44 = tpu.memref_slice %arg6[%dma_start3A_42, %dma_start3A_43] : memref<128x128xf32, #tpu.memory_space<vmem>> -> memref<128x128xf32, #tpu.memory_space<vmem>>
      %dma_start3A_45 = arith.constant 0 : i32
      %dma_start3A_46 = tpu.memref_slice %arg10[%add3A_16, %dma_start3A_45] : memref<10112x128xf32, #tpu.memory_space<vmem_shared>> -> memref<128x128xf32, #tpu.memory_space<vmem_shared>>
      %dma_start3A_47 = arith.constant 0 : i32
      %dma_start3A_48 = tpu.memref_slice %arg10[%add3A_16, %dma_start3A_47] : memref<10112x128xf32, #tpu.memory_space<vmem_shared>> -> memref<128x128xf32, #tpu.memory_space<vmem_shared>>
      %dma_start3A_49 = arith.constant 0 : i32
      %dma_start3A_50 = arith.constant 0 : i32
      %dma_start3A_51 = tpu.memref_slice %arg6[%dma_start3A_49, %dma_start3A_50] : memref<128x128xf32, #tpu.memory_space<vmem>> -> memref<128x128xf32, #tpu.memory_space<vmem>>
      tpu.enqueue_dma source(%dma_start3A_51 : memref<128x128xf32, #tpu.memory_space<vmem>>) target(%dma_start3A_48 : memref<128x128xf32, #tpu.memory_space<vmem_shared>>) target_semaphore(%run_scoped3A : memref<!tpu.dma_semaphore, #tpu.memory_space<semaphore_mem>>)
      %dma_wait3A = arith.constant 0 : i32
      %dma_wait3A_52 = arith.constant 0 : i32
      %dma_wait3A_53 = tpu.memref_slice %arg6[%dma_wait3A, %dma_wait3A_52] : memref<128x128xf32, #tpu.memory_space<vmem>> -> memref<128x128xf32, #tpu.memory_space<vmem>>
      %dma_wait3A_54 = arith.constant 0 : i32
      %dma_wait3A_55 = tpu.memref_slice %arg10[%add3A_16, %dma_wait3A_54] : memref<10112x128xf32, #tpu.memory_space<vmem_shared>> -> memref<128x128xf32, #tpu.memory_space<vmem_shared>>
      %dma_wait3A_56 = arith.constant 0 : i32
      %dma_wait3A_57 = tpu.memref_slice %arg10[%add3A_16, %dma_wait3A_56] : memref<10112x128xf32, #tpu.memory_space<vmem_shared>> -> memref<128x128xf32, #tpu.memory_space<vmem_shared>>
      %dma_wait3A_58 = arith.constant 0 : i32
      %dma_wait3A_59 = arith.constant 0 : i32
      %dma_wait3A_60 = tpu.memref_slice %arg6[%dma_wait3A_58, %dma_wait3A_59] : memref<128x128xf32, #tpu.memory_space<vmem>> -> memref<128x128xf32, #tpu.memory_space<vmem>>
      tpu.wait_dma2 semaphore(%run_scoped3A : memref<!tpu.dma_semaphore, #tpu.memory_space<semaphore_mem>>) src(%dma_wait3A_60 : memref<128x128xf32, #tpu.memory_space<vmem>>) dst(%dma_wait3A_57 : memref<128x128xf32, #tpu.memory_space<vmem_shared>>)
      tpu.yield
    }) : () -> ()
    %add3A_17 = arith.constant 384 : i32
    %add3A_18 = arith.addi %mul3A_10, %add3A_17 : i32
    "tpu.region"() ({
      %run_scoped3A = tpu.sem_alloc : memref<!tpu.dma_semaphore, #tpu.memory_space<semaphore_mem>>
      %dma_start3A_42 = arith.constant 0 : i32
      %dma_start3A_43 = arith.constant 0 : i32
      %dma_start3A_44 = tpu.memref_slice %arg6[%dma_start3A_42, %dma_start3A_43] : memref<128x128xf32, #tpu.memory_space<vmem>> -> memref<128x128xf32, #tpu.memory_space<vmem>>
      %dma_start3A_45 = arith.constant 0 : i32
      %dma_start3A_46 = tpu.memref_slice %arg10[%add3A_18, %dma_start3A_45] : memref<10112x128xf32, #tpu.memory_space<vmem_shared>> -> memref<128x128xf32, #tpu.memory_space<vmem_shared>>
      %dma_start3A_47 = arith.constant 0 : i32
      %dma_start3A_48 = tpu.memref_slice %arg10[%add3A_18, %dma_start3A_47] : memref<10112x128xf32, #tpu.memory_space<vmem_shared>> -> memref<128x128xf32, #tpu.memory_space<vmem_shared>>
      %dma_start3A_49 = arith.constant 0 : i32
      %dma_start3A_50 = arith.constant 0 : i32
      %dma_start3A_51 = tpu.memref_slice %arg6[%dma_start3A_49, %dma_start3A_50] : memref<128x128xf32, #tpu.memory_space<vmem>> -> memref<128x128xf32, #tpu.memory_space<vmem>>
      tpu.enqueue_dma source(%dma_start3A_51 : memref<128x128xf32, #tpu.memory_space<vmem>>) target(%dma_start3A_48 : memref<128x128xf32, #tpu.memory_space<vmem_shared>>) target_semaphore(%run_scoped3A : memref<!tpu.dma_semaphore, #tpu.memory_space<semaphore_mem>>)
      %dma_wait3A = arith.constant 0 : i32
      %dma_wait3A_52 = arith.constant 0 : i32
      %dma_wait3A_53 = tpu.memref_slice %arg6[%dma_wait3A, %dma_wait3A_52] : memref<128x128xf32, #tpu.memory_space<vmem>> -> memref<128x128xf32, #tpu.memory_space<vmem>>
      %dma_wait3A_54 = arith.constant 0 : i32
      %dma_wait3A_55 = tpu.memref_slice %arg10[%add3A_18, %dma_wait3A_54] : memref<10112x128xf32, #tpu.memory_space<vmem_shared>> -> memref<128x128xf32, #tpu.memory_space<vmem_shared>>
      %dma_wait3A_56 = arith.constant 0 : i32
      %dma_wait3A_57 = tpu.memref_slice %arg10[%add3A_18, %dma_wait3A_56] : memref<10112x128xf32, #tpu.memory_space<vmem_shared>> -> memref<128x128xf32, #tpu.memory_space<vmem_shared>>
      %dma_wait3A_58 = arith.constant 0 : i32
      %dma_wait3A_59 = arith.constant 0 : i32
      %dma_wait3A_60 = tpu.memref_slice %arg6[%dma_wait3A_58, %dma_wait3A_59] : memref<128x128xf32, #tpu.memory_space<vmem>> -> memref<128x128xf32, #tpu.memory_space<vmem>>
      tpu.wait_dma2 semaphore(%run_scoped3A : memref<!tpu.dma_semaphore, #tpu.memory_space<semaphore_mem>>) src(%dma_wait3A_60 : memref<128x128xf32, #tpu.memory_space<vmem>>) dst(%dma_wait3A_57 : memref<128x128xf32, #tpu.memory_space<vmem_shared>>)
      tpu.yield
    }) : () -> ()
    %add3A_19 = arith.constant 512 : i32
    %add3A_20 = arith.addi %mul3A_10, %add3A_19 : i32
    "tpu.region"() ({
      %run_scoped3A = tpu.sem_alloc : memref<!tpu.dma_semaphore, #tpu.memory_space<semaphore_mem>>
      %dma_start3A_42 = arith.constant 0 : i32
      %dma_start3A_43 = arith.constant 0 : i32
      %dma_start3A_44 = tpu.memref_slice %arg6[%dma_start3A_42, %dma_start3A_43] : memref<128x128xf32, #tpu.memory_space<vmem>> -> memref<120x128xf32, #tpu.memory_space<vmem>>
      %dma_start3A_45 = arith.constant 0 : i32
      %dma_start3A_46 = tpu.memref_slice %arg10[%add3A_20, %dma_start3A_45] : memref<10112x128xf32, #tpu.memory_space<vmem_shared>> -> memref<120x128xf32, #tpu.memory_space<vmem_shared>>
      %dma_start3A_47 = arith.constant 0 : i32
      %dma_start3A_48 = tpu.memref_slice %arg10[%add3A_20, %dma_start3A_47] : memref<10112x128xf32, #tpu.memory_space<vmem_shared>> -> memref<120x128xf32, #tpu.memory_space<vmem_shared>>
      %dma_start3A_49 = arith.constant 0 : i32
      %dma_start3A_50 = arith.constant 0 : i32
      %dma_start3A_51 = tpu.memref_slice %arg6[%dma_start3A_49, %dma_start3A_50] : memref<128x128xf32, #tpu.memory_space<vmem>> -> memref<120x128xf32, #tpu.memory_space<vmem>>
      tpu.enqueue_dma source(%dma_start3A_51 : memref<120x128xf32, #tpu.memory_space<vmem>>) target(%dma_start3A_48 : memref<120x128xf32, #tpu.memory_space<vmem_shared>>) target_semaphore(%run_scoped3A : memref<!tpu.dma_semaphore, #tpu.memory_space<semaphore_mem>>)
      %dma_wait3A = arith.constant 0 : i32
      %dma_wait3A_52 = arith.constant 0 : i32
      %dma_wait3A_53 = tpu.memref_slice %arg6[%dma_wait3A, %dma_wait3A_52] : memref<128x128xf32, #tpu.memory_space<vmem>> -> memref<120x128xf32, #tpu.memory_space<vmem>>
      %dma_wait3A_54 = arith.constant 0 : i32
      %dma_wait3A_55 = tpu.memref_slice %arg10[%add3A_20, %dma_wait3A_54] : memref<10112x128xf32, #tpu.memory_space<vmem_shared>> -> memref<120x128xf32, #tpu.memory_space<vmem_shared>>
      %dma_wait3A_56 = arith.constant 0 : i32
      %dma_wait3A_57 = tpu.memref_slice %arg10[%add3A_20, %dma_wait3A_56] : memref<10112x128xf32, #tpu.memory_space<vmem_shared>> -> memref<120x128xf32, #tpu.memory_space<vmem_shared>>
      %dma_wait3A_58 = arith.constant 0 : i32
      %dma_wait3A_59 = arith.constant 0 : i32
      %dma_wait3A_60 = tpu.memref_slice %arg6[%dma_wait3A_58, %dma_wait3A_59] : memref<128x128xf32, #tpu.memory_space<vmem>> -> memref<120x128xf32, #tpu.memory_space<vmem>>
      tpu.wait_dma2 semaphore(%run_scoped3A : memref<!tpu.dma_semaphore, #tpu.memory_space<semaphore_mem>>) src(%dma_wait3A_60 : memref<120x128xf32, #tpu.memory_space<vmem>>) dst(%dma_wait3A_57 : memref<120x128xf32, #tpu.memory_space<vmem_shared>>)
      tpu.yield
    }) : () -> ()
    "tpu.region"() ({
      %run_scoped3A = tpu.sem_alloc : memref<!tpu.dma_semaphore, #tpu.memory_space<semaphore_mem>>
      %dma_start3A_42 = arith.constant 0 : i32
      %dma_start3A_43 = arith.constant 0 : i32
      %dma_start3A_44 = tpu.memref_slice %arg3[%add3A, %dma_start3A_42, %dma_start3A_43] : memref<32x26x128xi32, #tpu.memory_space<hbm>> -> memref<1x26x128xi32, #tpu.memory_space<hbm>>
      %dma_start3A_45 = tpu.memref_squeeze %dma_start3A_44 : memref<1x26x128xi32, #tpu.memory_space<hbm>> -> memref<26x128xi32, #tpu.memory_space<hbm>>
      %dma_start3A_46 = arith.constant 0 : i32
      %dma_start3A_47 = arith.constant 0 : i32
      %dma_start3A_48 = tpu.memref_slice %arg3[%add3A, %dma_start3A_46, %dma_start3A_47] : memref<32x26x128xi32, #tpu.memory_space<hbm>> -> memref<1x26x128xi32, #tpu.memory_space<hbm>>
      %dma_start3A_49 = tpu.memref_squeeze %dma_start3A_48 : memref<1x26x128xi32, #tpu.memory_space<hbm>> -> memref<26x128xi32, #tpu.memory_space<hbm>>
      tpu.enqueue_dma source(%dma_start3A_49 : memref<26x128xi32, #tpu.memory_space<hbm>>) target(%arg5 : memref<26x128xi32, #tpu.memory_space<vmem>>) target_semaphore(%run_scoped3A : memref<!tpu.dma_semaphore, #tpu.memory_space<semaphore_mem>>)
      %dma_wait3A = arith.constant 0 : i32
      %dma_wait3A_50 = arith.constant 0 : i32
      %dma_wait3A_51 = tpu.memref_slice %arg3[%add3A, %dma_wait3A, %dma_wait3A_50] : memref<32x26x128xi32, #tpu.memory_space<hbm>> -> memref<1x26x128xi32, #tpu.memory_space<hbm>>
      %dma_wait3A_52 = tpu.memref_squeeze %dma_wait3A_51 : memref<1x26x128xi32, #tpu.memory_space<hbm>> -> memref<26x128xi32, #tpu.memory_space<hbm>>
      %dma_wait3A_53 = arith.constant 0 : i32
      %dma_wait3A_54 = arith.constant 0 : i32
      %dma_wait3A_55 = tpu.memref_slice %arg3[%add3A, %dma_wait3A_53, %dma_wait3A_54] : memref<32x26x128xi32, #tpu.memory_space<hbm>> -> memref<1x26x128xi32, #tpu.memory_space<hbm>>
      %dma_wait3A_56 = tpu.memref_squeeze %dma_wait3A_55 : memref<1x26x128xi32, #tpu.memory_space<hbm>> -> memref<26x128xi32, #tpu.memory_space<hbm>>
      tpu.wait_dma2 semaphore(%run_scoped3A : memref<!tpu.dma_semaphore, #tpu.memory_space<semaphore_mem>>) src(%dma_wait3A_56 : memref<26x128xi32, #tpu.memory_space<hbm>>) dst(%arg5 : memref<26x128xi32, #tpu.memory_space<vmem>>)
      tpu.yield
    }) : () -> ()
    %barrier3A = arith.constant 0 : index
    tpu.barrier barrier_id(%barrier3A)
    %add3A_21 = arith.constant 0 : i32
    %add3A_22 = arith.addi %mul3A_4, %add3A_21 : i32
    %dma_start3A = arith.constant 0 : i32
    %dma_start3A_23 = tpu.memref_slice %arg2[%add3A_22, %dma_start3A] : memref<106496x128xf32, #tpu.memory_space<hbm>> -> memref<128x128xf32, #tpu.memory_space<hbm>>
    %dma_start3A_24 = arith.constant 0 : i32
    %dma_start3A_25 = tpu.memref_slice %arg2[%add3A_22, %dma_start3A_24] : memref<106496x128xf32, #tpu.memory_space<hbm>> -> memref<128x128xf32, #tpu.memory_space<hbm>>
    tpu.enqueue_dma source(%dma_start3A_25 : memref<128x128xf32, #tpu.memory_space<hbm>>) target(%arg6 : memref<128x128xf32, #tpu.memory_space<vmem>>) target_semaphore(%arg8 : memref<!tpu.dma_semaphore, #tpu.memory_space<semaphore_mem>>)
    %add3A_26 = arith.constant 128 : i32
    %add3A_27 = arith.addi %mul3A_4, %add3A_26 : i32
    %dma_start3A_28 = arith.constant 0 : i32
    %dma_start3A_29 = tpu.memref_slice %arg2[%add3A_27, %dma_start3A_28] : memref<106496x128xf32, #tpu.memory_space<hbm>> -> memref<128x128xf32, #tpu.memory_space<hbm>>
    %dma_start3A_30 = arith.constant 0 : i32
    %dma_start3A_31 = tpu.memref_slice %arg2[%add3A_27, %dma_start3A_30] : memref<106496x128xf32, #tpu.memory_space<hbm>> -> memref<128x128xf32, #tpu.memory_space<hbm>>
    tpu.enqueue_dma source(%dma_start3A_31 : memref<128x128xf32, #tpu.memory_space<hbm>>) target(%arg7 : memref<128x128xf32, #tpu.memory_space<vmem>>) target_semaphore(%arg9 : memref<!tpu.dma_semaphore, #tpu.memory_space<semaphore_mem>>)
    %scan3A_32 = arith.constant 0 : i32
    %scan3A_33 = arith.constant 13 : i32
    %scan3A_34 = arith.addi %scan3A_32, %scan3A_33 : i32
    %scan3A_35 = arith.constant 1 : i32
    scf.for %scan3A_42 = %scan3A_32 to %scan3A_34 step %scan3A_35  : i32 {
      %mul3A_43 = arith.constant 2 : i32
      %mul3A_44 = arith.muli %scan3A_42, %mul3A_43 : i32
      %add3A_45 = arith.constant 0 : i32
      %add3A_46 = arith.addi %add3A_45, %mul3A_44 : i32
      %add3A_47 = arith.constant 0 : i32
      %add3A_48 = arith.addi %add3A_46, %add3A_47 : i32
      %mul3A_49 = arith.constant 128 : i32
      %mul3A_50 = arith.muli %add3A_48, %mul3A_49 : i32
      %add3A_51 = arith.addi %mul3A_4, %mul3A_50 : i32
      %dma_wait3A = arith.constant 0 : i32
      %dma_wait3A_52 = tpu.memref_slice %arg2[%add3A_51, %dma_wait3A] : memref<106496x128xf32, #tpu.memory_space<hbm>> -> memref<128x128xf32, #tpu.memory_space<hbm>>
      %dma_wait3A_53 = arith.constant 0 : i32
      %dma_wait3A_54 = tpu.memref_slice %arg2[%add3A_51, %dma_wait3A_53] : memref<106496x128xf32, #tpu.memory_space<hbm>> -> memref<128x128xf32, #tpu.memory_space<hbm>>
      tpu.wait_dma2 semaphore(%arg8 : memref<!tpu.dma_semaphore, #tpu.memory_space<semaphore_mem>>) src(%dma_wait3A_54 : memref<128x128xf32, #tpu.memory_space<hbm>>) dst(%arg6 : memref<128x128xf32, #tpu.memory_space<vmem>>)
      "tpu.region"() ({
        %run_scoped3A = tpu.sem_alloc : memref<!tpu.dma_semaphore, #tpu.memory_space<semaphore_mem>>
        %dma_start3A_75 = arith.constant 0 : i32
        %dma_start3A_76 = tpu.memref_slice %arg5[%add3A_48, %dma_start3A_75] : memref<26x128xi32, #tpu.memory_space<vmem>> -> memref<1x128xi32, #tpu.memory_space<vmem>>
        %dma_start3A_77 = tpu.memref_squeeze %dma_start3A_76 : memref<1x128xi32, #tpu.memory_space<vmem>> -> memref<128xi32, #tpu.memory_space<vmem>>
        %dma_start3A_78 = arith.constant 0 : i32
        %dma_start3A_79 = arith.constant 0 : i32
        %dma_start3A_80 = tpu.memref_slice %arg10[%dma_start3A_78, %dma_start3A_79] : memref<10112x128xf32, #tpu.memory_space<vmem_shared>> -> memref<10112x128xf32, #tpu.memory_space<vmem_shared>>
        tpu.enqueue_indirect_dma source(%arg6 : memref<128x128xf32, #tpu.memory_space<vmem>>) target(%dma_start3A_80 : memref<10112x128xf32, #tpu.memory_space<vmem_shared>>) offsets(%dma_start3A_77 : memref<128xi32, #tpu.memory_space<vmem>>) semaphore(%run_scoped3A : memref<!tpu.dma_semaphore, #tpu.memory_space<semaphore_mem>>) {add = true}
        %dma_wait3A_81 = arith.constant 0 : i32
        %dma_wait3A_82 = tpu.memref_slice %arg5[%add3A_48, %dma_wait3A_81] : memref<26x128xi32, #tpu.memory_space<vmem>> -> memref<1x128xi32, #tpu.memory_space<vmem>>
        %dma_wait3A_83 = tpu.memref_squeeze %dma_wait3A_82 : memref<1x128xi32, #tpu.memory_space<vmem>> -> memref<128xi32, #tpu.memory_space<vmem>>
        %dma_wait3A_84 = arith.constant 0 : i32
        %dma_wait3A_85 = arith.constant 0 : i32
        %dma_wait3A_86 = tpu.memref_slice %arg10[%dma_wait3A_84, %dma_wait3A_85] : memref<10112x128xf32, #tpu.memory_space<vmem_shared>> -> memref<10112x128xf32, #tpu.memory_space<vmem_shared>>
        tpu.wait_indirect_dma semaphore(%run_scoped3A : memref<!tpu.dma_semaphore, #tpu.memory_space<semaphore_mem>>) src(%arg6 : memref<128x128xf32, #tpu.memory_space<vmem>>) dst(%dma_wait3A_86 : memref<10112x128xf32, #tpu.memory_space<vmem_shared>>)
        tpu.yield
      }) : () -> ()
      %add3A_55 = arith.constant 2 : i32
      %add3A_56 = arith.addi %add3A_48, %add3A_55 : i32
      %lt3A = arith.constant 26 : i32
      %lt3A_57 = arith.cmpi slt, %add3A_56, %lt3A : i32
      %convert_element_type3A = arith.extui %lt3A_57 : i1 to i32
      %cond3A = arith.constant 0 : i32
      %cond3A_58 = arith.cmpi ne, %convert_element_type3A, %cond3A : i32
      scf.if %cond3A_58 {
        %add3A_75 = arith.constant 2 : i32
        %add3A_76 = arith.addi %add3A_48, %add3A_75 : i32
        %mul3A_77 = arith.constant 128 : i32
        %mul3A_78 = arith.muli %add3A_76, %mul3A_77 : i32
        %add3A_79 = arith.addi %mul3A_4, %mul3A_78 : i32
        %dma_start3A_80 = arith.constant 0 : i32
        %dma_start3A_81 = tpu.memref_slice %arg2[%add3A_79, %dma_start3A_80] : memref<106496x128xf32, #tpu.memory_space<hbm>> -> memref<128x128xf32, #tpu.memory_space<hbm>>
        %dma_start3A_82 = arith.constant 0 : i32
        %dma_start3A_83 = tpu.memref_slice %arg2[%add3A_79, %dma_start3A_82] : memref<106496x128xf32, #tpu.memory_space<hbm>> -> memref<128x128xf32, #tpu.memory_space<hbm>>
        tpu.enqueue_dma source(%dma_start3A_83 : memref<128x128xf32, #tpu.memory_space<hbm>>) target(%arg6 : memref<128x128xf32, #tpu.memory_space<vmem>>) target_semaphore(%arg8 : memref<!tpu.dma_semaphore, #tpu.memory_space<semaphore_mem>>)
      } else {
      }
      %add3A_59 = arith.constant 1 : i32
      %add3A_60 = arith.addi %add3A_46, %add3A_59 : i32
      %mul3A_61 = arith.constant 128 : i32
      %mul3A_62 = arith.muli %add3A_60, %mul3A_61 : i32
      %add3A_63 = arith.addi %mul3A_4, %mul3A_62 : i32
      %dma_wait3A_64 = arith.constant 0 : i32
      %dma_wait3A_65 = tpu.memref_slice %arg2[%add3A_63, %dma_wait3A_64] : memref<106496x128xf32, #tpu.memory_space<hbm>> -> memref<128x128xf32, #tpu.memory_space<hbm>>
      %dma_wait3A_66 = arith.constant 0 : i32
      %dma_wait3A_67 = tpu.memref_slice %arg2[%add3A_63, %dma_wait3A_66] : memref<106496x128xf32, #tpu.memory_space<hbm>> -> memref<128x128xf32, #tpu.memory_space<hbm>>
      tpu.wait_dma2 semaphore(%arg9 : memref<!tpu.dma_semaphore, #tpu.memory_space<semaphore_mem>>) src(%dma_wait3A_67 : memref<128x128xf32, #tpu.memory_space<hbm>>) dst(%arg7 : memref<128x128xf32, #tpu.memory_space<vmem>>)
      "tpu.region"() ({
        %run_scoped3A = tpu.sem_alloc : memref<!tpu.dma_semaphore, #tpu.memory_space<semaphore_mem>>
        %dma_start3A_75 = arith.constant 0 : i32
        %dma_start3A_76 = tpu.memref_slice %arg5[%add3A_60, %dma_start3A_75] : memref<26x128xi32, #tpu.memory_space<vmem>> -> memref<1x128xi32, #tpu.memory_space<vmem>>
        %dma_start3A_77 = tpu.memref_squeeze %dma_start3A_76 : memref<1x128xi32, #tpu.memory_space<vmem>> -> memref<128xi32, #tpu.memory_space<vmem>>
        %dma_start3A_78 = arith.constant 0 : i32
        %dma_start3A_79 = arith.constant 0 : i32
        %dma_start3A_80 = tpu.memref_slice %arg10[%dma_start3A_78, %dma_start3A_79] : memref<10112x128xf32, #tpu.memory_space<vmem_shared>> -> memref<10112x128xf32, #tpu.memory_space<vmem_shared>>
        tpu.enqueue_indirect_dma source(%arg7 : memref<128x128xf32, #tpu.memory_space<vmem>>) target(%dma_start3A_80 : memref<10112x128xf32, #tpu.memory_space<vmem_shared>>) offsets(%dma_start3A_77 : memref<128xi32, #tpu.memory_space<vmem>>) semaphore(%run_scoped3A : memref<!tpu.dma_semaphore, #tpu.memory_space<semaphore_mem>>) {add = true}
        %dma_wait3A_81 = arith.constant 0 : i32
        %dma_wait3A_82 = tpu.memref_slice %arg5[%add3A_60, %dma_wait3A_81] : memref<26x128xi32, #tpu.memory_space<vmem>> -> memref<1x128xi32, #tpu.memory_space<vmem>>
        %dma_wait3A_83 = tpu.memref_squeeze %dma_wait3A_82 : memref<1x128xi32, #tpu.memory_space<vmem>> -> memref<128xi32, #tpu.memory_space<vmem>>
        %dma_wait3A_84 = arith.constant 0 : i32
        %dma_wait3A_85 = arith.constant 0 : i32
        %dma_wait3A_86 = tpu.memref_slice %arg10[%dma_wait3A_84, %dma_wait3A_85] : memref<10112x128xf32, #tpu.memory_space<vmem_shared>> -> memref<10112x128xf32, #tpu.memory_space<vmem_shared>>
        tpu.wait_indirect_dma semaphore(%run_scoped3A : memref<!tpu.dma_semaphore, #tpu.memory_space<semaphore_mem>>) src(%arg7 : memref<128x128xf32, #tpu.memory_space<vmem>>) dst(%dma_wait3A_86 : memref<10112x128xf32, #tpu.memory_space<vmem_shared>>)
        tpu.yield
      }) : () -> ()
      %add3A_68 = arith.constant 2 : i32
      %add3A_69 = arith.addi %add3A_60, %add3A_68 : i32
      %lt3A_70 = arith.constant 26 : i32
      %lt3A_71 = arith.cmpi slt, %add3A_69, %lt3A_70 : i32
      %convert_element_type3A_72 = arith.extui %lt3A_71 : i1 to i32
      %cond3A_73 = arith.constant 0 : i32
      %cond3A_74 = arith.cmpi ne, %convert_element_type3A_72, %cond3A_73 : i32
      scf.if %cond3A_74 {
        %add3A_75 = arith.constant 2 : i32
        %add3A_76 = arith.addi %add3A_60, %add3A_75 : i32
        %mul3A_77 = arith.constant 128 : i32
        %mul3A_78 = arith.muli %add3A_76, %mul3A_77 : i32
        %add3A_79 = arith.addi %mul3A_4, %mul3A_78 : i32
        %dma_start3A_80 = arith.constant 0 : i32
        %dma_start3A_81 = tpu.memref_slice %arg2[%add3A_79, %dma_start3A_80] : memref<106496x128xf32, #tpu.memory_space<hbm>> -> memref<128x128xf32, #tpu.memory_space<hbm>>
        %dma_start3A_82 = arith.constant 0 : i32
        %dma_start3A_83 = tpu.memref_slice %arg2[%add3A_79, %dma_start3A_82] : memref<106496x128xf32, #tpu.memory_space<hbm>> -> memref<128x128xf32, #tpu.memory_space<hbm>>
        tpu.enqueue_dma source(%dma_start3A_83 : memref<128x128xf32, #tpu.memory_space<hbm>>) target(%arg7 : memref<128x128xf32, #tpu.memory_space<vmem>>) target_semaphore(%arg9 : memref<!tpu.dma_semaphore, #tpu.memory_space<semaphore_mem>>)
      } else {
      }
    }
    %scan3A_36 = arith.constant 13 : i32
    %barrier3A_37 = arith.constant 0 : index
    tpu.barrier barrier_id(%barrier3A_37)
    %mul3A_38 = arith.constant 632 : i32
    %mul3A_39 = arith.muli %arg1, %mul3A_38 : i32
    %mul3A_40 = arith.constant 632 : i32
    %mul3A_41 = arith.muli %arg1, %mul3A_40 : i32
    "tpu.region"() ({
      %run_scoped3A = tpu.sem_alloc : memref<!tpu.dma_semaphore, #tpu.memory_space<semaphore_mem>>
      %dma_start3A_42 = arith.constant 0 : i32
      %dma_start3A_43 = arith.constant 0 : i32
      %dma_start3A_44 = tpu.memref_slice %arg4[%arg0, %dma_start3A_42, %dma_start3A_43] : memref<2x10112x128xf32, #tpu.memory_space<hbm>> -> memref<1x10112x128xf32, #tpu.memory_space<hbm>>
      %dma_start3A_45 = tpu.memref_squeeze %dma_start3A_44 : memref<1x10112x128xf32, #tpu.memory_space<hbm>> -> memref<10112x128xf32, #tpu.memory_space<hbm>>
      %dma_start3A_46 = arith.constant 0 : i32
      %dma_start3A_47 = tpu.memref_slice %dma_start3A_45[%mul3A_41, %dma_start3A_46] : memref<10112x128xf32, #tpu.memory_space<hbm>> -> memref<632x128xf32, #tpu.memory_space<hbm>>
      %dma_start3A_48 = arith.constant 0 : i32
      %dma_start3A_49 = tpu.memref_slice %arg10[%mul3A_39, %dma_start3A_48] : memref<10112x128xf32, #tpu.memory_space<vmem_shared>> -> memref<632x128xf32, #tpu.memory_space<vmem_shared>>
      tpu.enqueue_dma source(%dma_start3A_49 : memref<632x128xf32, #tpu.memory_space<vmem_shared>>) target(%dma_start3A_47 : memref<632x128xf32, #tpu.memory_space<hbm>>) target_semaphore(%run_scoped3A : memref<!tpu.dma_semaphore, #tpu.memory_space<semaphore_mem>>)
      %dma_wait3A = arith.constant 0 : i32
      %dma_wait3A_50 = arith.constant 0 : i32
      %dma_wait3A_51 = tpu.memref_slice %arg4[%arg0, %dma_wait3A, %dma_wait3A_50] : memref<2x10112x128xf32, #tpu.memory_space<hbm>> -> memref<1x10112x128xf32, #tpu.memory_space<hbm>>
      %dma_wait3A_52 = tpu.memref_squeeze %dma_wait3A_51 : memref<1x10112x128xf32, #tpu.memory_space<hbm>> -> memref<10112x128xf32, #tpu.memory_space<hbm>>
      %dma_wait3A_53 = arith.constant 0 : i32
      %dma_wait3A_54 = tpu.memref_slice %dma_wait3A_52[%mul3A_41, %dma_wait3A_53] : memref<10112x128xf32, #tpu.memory_space<hbm>> -> memref<632x128xf32, #tpu.memory_space<hbm>>
      %dma_wait3A_55 = arith.constant 0 : i32
      %dma_wait3A_56 = tpu.memref_slice %arg10[%mul3A_39, %dma_wait3A_55] : memref<10112x128xf32, #tpu.memory_space<vmem_shared>> -> memref<632x128xf32, #tpu.memory_space<vmem_shared>>
      tpu.wait_dma2 semaphore(%run_scoped3A : memref<!tpu.dma_semaphore, #tpu.memory_space<semaphore_mem>>) src(%dma_wait3A_56 : memref<632x128xf32, #tpu.memory_space<vmem_shared>>) dst(%dma_wait3A_54 : memref<632x128xf32, #tpu.memory_space<hbm>>)
      tpu.yield
    }) : () -> ()
    return
  }
}

#map = affine_map<(d0, d1) -> (0, 0)>
#map1 = affine_map<(d0, d1) -> (0, 0, 0)>
module attributes {stable_mosaic.version = 14 : i64} {
  func.func @scatter_kernel(%arg0: i32, %arg1: i32, %arg2: memref<106496x128xf32, #tpu.memory_space<hbm>>, %arg3: memref<32x26x128xi32, #tpu.memory_space<hbm>>, %arg4: memref<2x10112x128xf32, #tpu.memory_space<hbm>>, %arg5: memref<26x128xi32, #tpu.memory_space<vmem>>, %arg6: memref<128x128xf32, #tpu.memory_space<vmem>>, %arg7: memref<128x128xf32, #tpu.memory_space<vmem>>, %arg8: memref<!tpu.dma_semaphore, #tpu.memory_space<semaphore_mem>>, %arg9: memref<!tpu.dma_semaphore, #tpu.memory_space<semaphore_mem>>, %arg10: memref<10112x128xf32, #tpu.memory_space<vmem_shared>>) attributes {dimension_semantics = [#tpu.dimension_semantics<core_parallel>, #tpu.dimension_semantics<subcore_parallel>], iteration_bounds = array<i64: 2, 16>, scalar_prefetch = 0 : i64, scratch_operands = 6 : i64, tpu.core_type = #tpu.core_type<sc_vector_subcore>, window_params = [{transform_indices = #map}, {transform_indices = #map1}, {transform_indices = #map1}]} {
    %mul3A = arith.constant 2 : i32
    %mul3A_0 = arith.muli %arg1, %mul3A : i32
    %add3A = arith.addi %mul3A_0, %arg0 : i32
    %mul3A_1 = arith.constant 26 : i32
    %mul3A_2 = arith.muli %add3A, %mul3A_1 : i32
    %mul3A_3 = arith.constant 128 : i32
    %mul3A_4 = arith.muli %mul3A_2, %mul3A_3 : i32
    %scan3A = arith.constant 0 : i32
    %scan3A_5 = arith.constant 128 : i32
    %scan3A_6 = arith.addi %scan3A, %scan3A_5 : i32
    %scan3A_7 = arith.constant 1 : i32
    scf.for %scan3A_42 = %scan3A to %scan3A_6 step %scan3A_7  : i32 {
      %mul3A_43 = arith.constant 1 : i32
      %mul3A_44 = arith.muli %scan3A_42, %mul3A_43 : i32
      %add3A_45 = arith.constant 0 : i32
      %add3A_46 = arith.addi %add3A_45, %mul3A_44 : i32
      %scan3A_47 = arith.constant 0 : i32
      %scan3A_48 = arith.constant 8 : i32
      %scan3A_49 = arith.addi %scan3A_47, %scan3A_48 : i32
      %scan3A_50 = arith.constant 1 : i32
      scf.for %scan3A_52 = %scan3A_47 to %scan3A_49 step %scan3A_50  : i32 {
        %mul3A_53 = arith.constant 16 : i32
        %mul3A_54 = arith.muli %scan3A_52, %mul3A_53 : i32
        %add3A_55 = arith.constant 0 : i32
        %add3A_56 = arith.addi %add3A_55, %mul3A_54 : i32
        %broadcast_in_dim3A = arith.constant 0.000000e+00 : f32
        %broadcast_in_dim3A_57 = vector.broadcast %broadcast_in_dim3A : f32 to vector<16xf32>
        %swap3A = arith.index_cast %add3A_46 : i32 to index
        %swap3A_58 = arith.index_cast %add3A_56 : i32 to index
        %swap3A_59 = tpu.vector_load %arg6[%swap3A, %swap3A_58] {strides = array<i32>} : memref<128x128xf32, #tpu.memory_space<vmem>>, vector<1x16xf32>,
        %swap3A_60 = vector.shape_cast %swap3A_59 : vector<1x16xf32> to vector<16xf32>
        %swap3A_61 = vector.shape_cast %broadcast_in_dim3A_57 : vector<16xf32> to vector<1x16xf32>
        tpu.vector_store %arg6[%swap3A, %swap3A_58], %swap3A_61 {strides = array<i32>} : memref<128x128xf32, #tpu.memory_space<vmem>>, vector<1x16xf32>,
      }
      %scan3A_51 = arith.constant 8 : i32
    }
    %scan3A_8 = arith.constant 128 : i32
    %mul3A_9 = arith.constant 632 : i32
    %mul3A_10 = arith.muli %arg1, %mul3A_9 : i32
    %add3A_11 = arith.constant 0 : i32
    %add3A_12 = arith.addi %mul3A_10, %add3A_11 : i32
    "tpu.region"() ({
      %run_scoped3A = tpu.sem_alloc : memref<!tpu.dma_semaphore, #tpu.memory_space<semaphore_mem>>
      %dma_start3A_42 = arith.constant 0 : i32
      %dma_start3A_43 = arith.constant 0 : i32
      %dma_start3A_44 = tpu.memref_slice %arg6[%dma_start3A_42, %dma_start3A_43] : memref<128x128xf32, #tpu.memory_space<vmem>> -> memref<128x128xf32, #tpu.memory_space<vmem>>
      %dma_start3A_45 = arith.constant 0 : i32
      %dma_start3A_46 = tpu.memref_slice %arg10[%add3A_12, %dma_start3A_45] : memref<10112x128xf32, #tpu.memory_space<vmem_shared>> -> memref<128x128xf32, #tpu.memory_space<vmem_shared>>
      %dma_start3A_47 = arith.constant 0 : i32
      %dma_start3A_48 = tpu.memref_slice %arg10[%add3A_12, %dma_start3A_47] : memref<10112x128xf32, #tpu.memory_space<vmem_shared>> -> memref<128x128xf32, #tpu.memory_space<vmem_shared>>
      %dma_start3A_49 = arith.constant 0 : i32
      %dma_start3A_50 = arith.constant 0 : i32
      %dma_start3A_51 = tpu.memref_slice %arg6[%dma_start3A_49, %dma_start3A_50] : memref<128x128xf32, #tpu.memory_space<vmem>> -> memref<128x128xf32, #tpu.memory_space<vmem>>
      tpu.enqueue_dma source(%dma_start3A_51 : memref<128x128xf32, #tpu.memory_space<vmem>>) target(%dma_start3A_48 : memref<128x128xf32, #tpu.memory_space<vmem_shared>>) target_semaphore(%run_scoped3A : memref<!tpu.dma_semaphore, #tpu.memory_space<semaphore_mem>>)
      %dma_wait3A = arith.constant 0 : i32
      %dma_wait3A_52 = arith.constant 0 : i32
      %dma_wait3A_53 = tpu.memref_slice %arg6[%dma_wait3A, %dma_wait3A_52] : memref<128x128xf32, #tpu.memory_space<vmem>> -> memref<128x128xf32, #tpu.memory_space<vmem>>
      %dma_wait3A_54 = arith.constant 0 : i32
      %dma_wait3A_55 = tpu.memref_slice %arg10[%add3A_12, %dma_wait3A_54] : memref<10112x128xf32, #tpu.memory_space<vmem_shared>> -> memref<128x128xf32, #tpu.memory_space<vmem_shared>>
      %dma_wait3A_56 = arith.constant 0 : i32
      %dma_wait3A_57 = tpu.memref_slice %arg10[%add3A_12, %dma_wait3A_56] : memref<10112x128xf32, #tpu.memory_space<vmem_shared>> -> memref<128x128xf32, #tpu.memory_space<vmem_shared>>
      %dma_wait3A_58 = arith.constant 0 : i32
      %dma_wait3A_59 = arith.constant 0 : i32
      %dma_wait3A_60 = tpu.memref_slice %arg6[%dma_wait3A_58, %dma_wait3A_59] : memref<128x128xf32, #tpu.memory_space<vmem>> -> memref<128x128xf32, #tpu.memory_space<vmem>>
      tpu.wait_dma2 semaphore(%run_scoped3A : memref<!tpu.dma_semaphore, #tpu.memory_space<semaphore_mem>>) src(%dma_wait3A_60 : memref<128x128xf32, #tpu.memory_space<vmem>>) dst(%dma_wait3A_57 : memref<128x128xf32, #tpu.memory_space<vmem_shared>>)
      tpu.yield
    }) : () -> ()
    %add3A_13 = arith.constant 128 : i32
    %add3A_14 = arith.addi %mul3A_10, %add3A_13 : i32
    "tpu.region"() ({
      %run_scoped3A = tpu.sem_alloc : memref<!tpu.dma_semaphore, #tpu.memory_space<semaphore_mem>>
      %dma_start3A_42 = arith.constant 0 : i32
      %dma_start3A_43 = arith.constant 0 : i32
      %dma_start3A_44 = tpu.memref_slice %arg6[%dma_start3A_42, %dma_start3A_43] : memref<128x128xf32, #tpu.memory_space<vmem>> -> memref<128x128xf32, #tpu.memory_space<vmem>>
      %dma_start3A_45 = arith.constant 0 : i32
      %dma_start3A_46 = tpu.memref_slice %arg10[%add3A_14, %dma_start3A_45] : memref<10112x128xf32, #tpu.memory_space<vmem_shared>> -> memref<128x128xf32, #tpu.memory_space<vmem_shared>>
      %dma_start3A_47 = arith.constant 0 : i32
      %dma_start3A_48 = tpu.memref_slice %arg10[%add3A_14, %dma_start3A_47] : memref<10112x128xf32, #tpu.memory_space<vmem_shared>> -> memref<128x128xf32, #tpu.memory_space<vmem_shared>>
      %dma_start3A_49 = arith.constant 0 : i32
      %dma_start3A_50 = arith.constant 0 : i32
      %dma_start3A_51 = tpu.memref_slice %arg6[%dma_start3A_49, %dma_start3A_50] : memref<128x128xf32, #tpu.memory_space<vmem>> -> memref<128x128xf32, #tpu.memory_space<vmem>>
      tpu.enqueue_dma source(%dma_start3A_51 : memref<128x128xf32, #tpu.memory_space<vmem>>) target(%dma_start3A_48 : memref<128x128xf32, #tpu.memory_space<vmem_shared>>) target_semaphore(%run_scoped3A : memref<!tpu.dma_semaphore, #tpu.memory_space<semaphore_mem>>)
      %dma_wait3A = arith.constant 0 : i32
      %dma_wait3A_52 = arith.constant 0 : i32
      %dma_wait3A_53 = tpu.memref_slice %arg6[%dma_wait3A, %dma_wait3A_52] : memref<128x128xf32, #tpu.memory_space<vmem>> -> memref<128x128xf32, #tpu.memory_space<vmem>>
      %dma_wait3A_54 = arith.constant 0 : i32
      %dma_wait3A_55 = tpu.memref_slice %arg10[%add3A_14, %dma_wait3A_54] : memref<10112x128xf32, #tpu.memory_space<vmem_shared>> -> memref<128x128xf32, #tpu.memory_space<vmem_shared>>
      %dma_wait3A_56 = arith.constant 0 : i32
      %dma_wait3A_57 = tpu.memref_slice %arg10[%add3A_14, %dma_wait3A_56] : memref<10112x128xf32, #tpu.memory_space<vmem_shared>> -> memref<128x128xf32, #tpu.memory_space<vmem_shared>>
      %dma_wait3A_58 = arith.constant 0 : i32
      %dma_wait3A_59 = arith.constant 0 : i32
      %dma_wait3A_60 = tpu.memref_slice %arg6[%dma_wait3A_58, %dma_wait3A_59] : memref<128x128xf32, #tpu.memory_space<vmem>> -> memref<128x128xf32, #tpu.memory_space<vmem>>
      tpu.wait_dma2 semaphore(%run_scoped3A : memref<!tpu.dma_semaphore, #tpu.memory_space<semaphore_mem>>) src(%dma_wait3A_60 : memref<128x128xf32, #tpu.memory_space<vmem>>) dst(%dma_wait3A_57 : memref<128x128xf32, #tpu.memory_space<vmem_shared>>)
      tpu.yield
    }) : () -> ()
    %add3A_15 = arith.constant 256 : i32
    %add3A_16 = arith.addi %mul3A_10, %add3A_15 : i32
    "tpu.region"() ({
      %run_scoped3A = tpu.sem_alloc : memref<!tpu.dma_semaphore, #tpu.memory_space<semaphore_mem>>
      %dma_start3A_42 = arith.constant 0 : i32
      %dma_start3A_43 = arith.constant 0 : i32
      %dma_start3A_44 = tpu.memref_slice %arg6[%dma_start3A_42, %dma_start3A_43] : memref<128x128xf32, #tpu.memory_space<vmem>> -> memref<128x128xf32, #tpu.memory_space<vmem>>
      %dma_start3A_45 = arith.constant 0 : i32
      %dma_start3A_46 = tpu.memref_slice %arg10[%add3A_16, %dma_start3A_45] : memref<10112x128xf32, #tpu.memory_space<vmem_shared>> -> memref<128x128xf32, #tpu.memory_space<vmem_shared>>
      %dma_start3A_47 = arith.constant 0 : i32
      %dma_start3A_48 = tpu.memref_slice %arg10[%add3A_16, %dma_start3A_47] : memref<10112x128xf32, #tpu.memory_space<vmem_shared>> -> memref<128x128xf32, #tpu.memory_space<vmem_shared>>
      %dma_start3A_49 = arith.constant 0 : i32
      %dma_start3A_50 = arith.constant 0 : i32
      %dma_start3A_51 = tpu.memref_slice %arg6[%dma_start3A_49, %dma_start3A_50] : memref<128x128xf32, #tpu.memory_space<vmem>> -> memref<128x128xf32, #tpu.memory_space<vmem>>
      tpu.enqueue_dma source(%dma_start3A_51 : memref<128x128xf32, #tpu.memory_space<vmem>>) target(%dma_start3A_48 : memref<128x128xf32, #tpu.memory_space<vmem_shared>>) target_semaphore(%run_scoped3A : memref<!tpu.dma_semaphore, #tpu.memory_space<semaphore_mem>>)
      %dma_wait3A = arith.constant 0 : i32
      %dma_wait3A_52 = arith.constant 0 : i32
      %dma_wait3A_53 = tpu.memref_slice %arg6[%dma_wait3A, %dma_wait3A_52] : memref<128x128xf32, #tpu.memory_space<vmem>> -> memref<128x128xf32, #tpu.memory_space<vmem>>
      %dma_wait3A_54 = arith.constant 0 : i32
      %dma_wait3A_55 = tpu.memref_slice %arg10[%add3A_16, %dma_wait3A_54] : memref<10112x128xf32, #tpu.memory_space<vmem_shared>> -> memref<128x128xf32, #tpu.memory_space<vmem_shared>>
      %dma_wait3A_56 = arith.constant 0 : i32
      %dma_wait3A_57 = tpu.memref_slice %arg10[%add3A_16, %dma_wait3A_56] : memref<10112x128xf32, #tpu.memory_space<vmem_shared>> -> memref<128x128xf32, #tpu.memory_space<vmem_shared>>
      %dma_wait3A_58 = arith.constant 0 : i32
      %dma_wait3A_59 = arith.constant 0 : i32
      %dma_wait3A_60 = tpu.memref_slice %arg6[%dma_wait3A_58, %dma_wait3A_59] : memref<128x128xf32, #tpu.memory_space<vmem>> -> memref<128x128xf32, #tpu.memory_space<vmem>>
      tpu.wait_dma2 semaphore(%run_scoped3A : memref<!tpu.dma_semaphore, #tpu.memory_space<semaphore_mem>>) src(%dma_wait3A_60 : memref<128x128xf32, #tpu.memory_space<vmem>>) dst(%dma_wait3A_57 : memref<128x128xf32, #tpu.memory_space<vmem_shared>>)
      tpu.yield
    }) : () -> ()
    %add3A_17 = arith.constant 384 : i32
    %add3A_18 = arith.addi %mul3A_10, %add3A_17 : i32
    "tpu.region"() ({
      %run_scoped3A = tpu.sem_alloc : memref<!tpu.dma_semaphore, #tpu.memory_space<semaphore_mem>>
      %dma_start3A_42 = arith.constant 0 : i32
      %dma_start3A_43 = arith.constant 0 : i32
      %dma_start3A_44 = tpu.memref_slice %arg6[%dma_start3A_42, %dma_start3A_43] : memref<128x128xf32, #tpu.memory_space<vmem>> -> memref<128x128xf32, #tpu.memory_space<vmem>>
      %dma_start3A_45 = arith.constant 0 : i32
      %dma_start3A_46 = tpu.memref_slice %arg10[%add3A_18, %dma_start3A_45] : memref<10112x128xf32, #tpu.memory_space<vmem_shared>> -> memref<128x128xf32, #tpu.memory_space<vmem_shared>>
      %dma_start3A_47 = arith.constant 0 : i32
      %dma_start3A_48 = tpu.memref_slice %arg10[%add3A_18, %dma_start3A_47] : memref<10112x128xf32, #tpu.memory_space<vmem_shared>> -> memref<128x128xf32, #tpu.memory_space<vmem_shared>>
      %dma_start3A_49 = arith.constant 0 : i32
      %dma_start3A_50 = arith.constant 0 : i32
      %dma_start3A_51 = tpu.memref_slice %arg6[%dma_start3A_49, %dma_start3A_50] : memref<128x128xf32, #tpu.memory_space<vmem>> -> memref<128x128xf32, #tpu.memory_space<vmem>>
      tpu.enqueue_dma source(%dma_start3A_51 : memref<128x128xf32, #tpu.memory_space<vmem>>) target(%dma_start3A_48 : memref<128x128xf32, #tpu.memory_space<vmem_shared>>) target_semaphore(%run_scoped3A : memref<!tpu.dma_semaphore, #tpu.memory_space<semaphore_mem>>)
      %dma_wait3A = arith.constant 0 : i32
      %dma_wait3A_52 = arith.constant 0 : i32
      %dma_wait3A_53 = tpu.memref_slice %arg6[%dma_wait3A, %dma_wait3A_52] : memref<128x128xf32, #tpu.memory_space<vmem>> -> memref<128x128xf32, #tpu.memory_space<vmem>>
      %dma_wait3A_54 = arith.constant 0 : i32
      %dma_wait3A_55 = tpu.memref_slice %arg10[%add3A_18, %dma_wait3A_54] : memref<10112x128xf32, #tpu.memory_space<vmem_shared>> -> memref<128x128xf32, #tpu.memory_space<vmem_shared>>
      %dma_wait3A_56 = arith.constant 0 : i32
      %dma_wait3A_57 = tpu.memref_slice %arg10[%add3A_18, %dma_wait3A_56] : memref<10112x128xf32, #tpu.memory_space<vmem_shared>> -> memref<128x128xf32, #tpu.memory_space<vmem_shared>>
      %dma_wait3A_58 = arith.constant 0 : i32
      %dma_wait3A_59 = arith.constant 0 : i32
      %dma_wait3A_60 = tpu.memref_slice %arg6[%dma_wait3A_58, %dma_wait3A_59] : memref<128x128xf32, #tpu.memory_space<vmem>> -> memref<128x128xf32, #tpu.memory_space<vmem>>
      tpu.wait_dma2 semaphore(%run_scoped3A : memref<!tpu.dma_semaphore, #tpu.memory_space<semaphore_mem>>) src(%dma_wait3A_60 : memref<128x128xf32, #tpu.memory_space<vmem>>) dst(%dma_wait3A_57 : memref<128x128xf32, #tpu.memory_space<vmem_shared>>)
      tpu.yield
    }) : () -> ()
    %add3A_19 = arith.constant 512 : i32
    %add3A_20 = arith.addi %mul3A_10, %add3A_19 : i32
    "tpu.region"() ({
      %run_scoped3A = tpu.sem_alloc : memref<!tpu.dma_semaphore, #tpu.memory_space<semaphore_mem>>
      %dma_start3A_42 = arith.constant 0 : i32
      %dma_start3A_43 = arith.constant 0 : i32
      %dma_start3A_44 = tpu.memref_slice %arg6[%dma_start3A_42, %dma_start3A_43] : memref<128x128xf32, #tpu.memory_space<vmem>> -> memref<120x128xf32, #tpu.memory_space<vmem>>
      %dma_start3A_45 = arith.constant 0 : i32
      %dma_start3A_46 = tpu.memref_slice %arg10[%add3A_20, %dma_start3A_45] : memref<10112x128xf32, #tpu.memory_space<vmem_shared>> -> memref<120x128xf32, #tpu.memory_space<vmem_shared>>
      %dma_start3A_47 = arith.constant 0 : i32
      %dma_start3A_48 = tpu.memref_slice %arg10[%add3A_20, %dma_start3A_47] : memref<10112x128xf32, #tpu.memory_space<vmem_shared>> -> memref<120x128xf32, #tpu.memory_space<vmem_shared>>
      %dma_start3A_49 = arith.constant 0 : i32
      %dma_start3A_50 = arith.constant 0 : i32
      %dma_start3A_51 = tpu.memref_slice %arg6[%dma_start3A_49, %dma_start3A_50] : memref<128x128xf32, #tpu.memory_space<vmem>> -> memref<120x128xf32, #tpu.memory_space<vmem>>
      tpu.enqueue_dma source(%dma_start3A_51 : memref<120x128xf32, #tpu.memory_space<vmem>>) target(%dma_start3A_48 : memref<120x128xf32, #tpu.memory_space<vmem_shared>>) target_semaphore(%run_scoped3A : memref<!tpu.dma_semaphore, #tpu.memory_space<semaphore_mem>>)
      %dma_wait3A = arith.constant 0 : i32
      %dma_wait3A_52 = arith.constant 0 : i32
      %dma_wait3A_53 = tpu.memref_slice %arg6[%dma_wait3A, %dma_wait3A_52] : memref<128x128xf32, #tpu.memory_space<vmem>> -> memref<120x128xf32, #tpu.memory_space<vmem>>
      %dma_wait3A_54 = arith.constant 0 : i32
      %dma_wait3A_55 = tpu.memref_slice %arg10[%add3A_20, %dma_wait3A_54] : memref<10112x128xf32, #tpu.memory_space<vmem_shared>> -> memref<120x128xf32, #tpu.memory_space<vmem_shared>>
      %dma_wait3A_56 = arith.constant 0 : i32
      %dma_wait3A_57 = tpu.memref_slice %arg10[%add3A_20, %dma_wait3A_56] : memref<10112x128xf32, #tpu.memory_space<vmem_shared>> -> memref<120x128xf32, #tpu.memory_space<vmem_shared>>
      %dma_wait3A_58 = arith.constant 0 : i32
      %dma_wait3A_59 = arith.constant 0 : i32
      %dma_wait3A_60 = tpu.memref_slice %arg6[%dma_wait3A_58, %dma_wait3A_59] : memref<128x128xf32, #tpu.memory_space<vmem>> -> memref<120x128xf32, #tpu.memory_space<vmem>>
      tpu.wait_dma2 semaphore(%run_scoped3A : memref<!tpu.dma_semaphore, #tpu.memory_space<semaphore_mem>>) src(%dma_wait3A_60 : memref<120x128xf32, #tpu.memory_space<vmem>>) dst(%dma_wait3A_57 : memref<120x128xf32, #tpu.memory_space<vmem_shared>>)
      tpu.yield
    }) : () -> ()
    "tpu.region"() ({
      %run_scoped3A = tpu.sem_alloc : memref<!tpu.dma_semaphore, #tpu.memory_space<semaphore_mem>>
      %dma_start3A_42 = arith.constant 0 : i32
      %dma_start3A_43 = arith.constant 0 : i32
      %dma_start3A_44 = tpu.memref_slice %arg3[%add3A, %dma_start3A_42, %dma_start3A_43] : memref<32x26x128xi32, #tpu.memory_space<hbm>> -> memref<1x26x128xi32, #tpu.memory_space<hbm>>
      %dma_start3A_45 = tpu.memref_squeeze %dma_start3A_44 : memref<1x26x128xi32, #tpu.memory_space<hbm>> -> memref<26x128xi32, #tpu.memory_space<hbm>>
      %dma_start3A_46 = arith.constant 0 : i32
      %dma_start3A_47 = arith.constant 0 : i32
      %dma_start3A_48 = tpu.memref_slice %arg3[%add3A, %dma_start3A_46, %dma_start3A_47] : memref<32x26x128xi32, #tpu.memory_space<hbm>> -> memref<1x26x128xi32, #tpu.memory_space<hbm>>
      %dma_start3A_49 = tpu.memref_squeeze %dma_start3A_48 : memref<1x26x128xi32, #tpu.memory_space<hbm>> -> memref<26x128xi32, #tpu.memory_space<hbm>>
      tpu.enqueue_dma source(%dma_start3A_49 : memref<26x128xi32, #tpu.memory_space<hbm>>) target(%arg5 : memref<26x128xi32, #tpu.memory_space<vmem>>) target_semaphore(%run_scoped3A : memref<!tpu.dma_semaphore, #tpu.memory_space<semaphore_mem>>)
      %dma_wait3A = arith.constant 0 : i32
      %dma_wait3A_50 = arith.constant 0 : i32
      %dma_wait3A_51 = tpu.memref_slice %arg3[%add3A, %dma_wait3A, %dma_wait3A_50] : memref<32x26x128xi32, #tpu.memory_space<hbm>> -> memref<1x26x128xi32, #tpu.memory_space<hbm>>
      %dma_wait3A_52 = tpu.memref_squeeze %dma_wait3A_51 : memref<1x26x128xi32, #tpu.memory_space<hbm>> -> memref<26x128xi32, #tpu.memory_space<hbm>>
      %dma_wait3A_53 = arith.constant 0 : i32
      %dma_wait3A_54 = arith.constant 0 : i32
      %dma_wait3A_55 = tpu.memref_slice %arg3[%add3A, %dma_wait3A_53, %dma_wait3A_54] : memref<32x26x128xi32, #tpu.memory_space<hbm>> -> memref<1x26x128xi32, #tpu.memory_space<hbm>>
      %dma_wait3A_56 = tpu.memref_squeeze %dma_wait3A_55 : memref<1x26x128xi32, #tpu.memory_space<hbm>> -> memref<26x128xi32, #tpu.memory_space<hbm>>
      tpu.wait_dma2 semaphore(%run_scoped3A : memref<!tpu.dma_semaphore, #tpu.memory_space<semaphore_mem>>) src(%dma_wait3A_56 : memref<26x128xi32, #tpu.memory_space<hbm>>) dst(%arg5 : memref<26x128xi32, #tpu.memory_space<vmem>>)
      tpu.yield
    }) : () -> ()
    %barrier3A = arith.constant 0 : index
    tpu.barrier barrier_id(%barrier3A)
    %add3A_21 = arith.constant 0 : i32
    %add3A_22 = arith.addi %mul3A_4, %add3A_21 : i32
    %dma_start3A = arith.constant 0 : i32
    %dma_start3A_23 = tpu.memref_slice %arg2[%add3A_22, %dma_start3A] : memref<106496x128xf32, #tpu.memory_space<hbm>> -> memref<128x128xf32, #tpu.memory_space<hbm>>
    %dma_start3A_24 = arith.constant 0 : i32
    %dma_start3A_25 = tpu.memref_slice %arg2[%add3A_22, %dma_start3A_24] : memref<106496x128xf32, #tpu.memory_space<hbm>> -> memref<128x128xf32, #tpu.memory_space<hbm>>
    tpu.enqueue_dma source(%dma_start3A_25 : memref<128x128xf32, #tpu.memory_space<hbm>>) target(%arg6 : memref<128x128xf32, #tpu.memory_space<vmem>>) target_semaphore(%arg8 : memref<!tpu.dma_semaphore, #tpu.memory_space<semaphore_mem>>)
    %add3A_26 = arith.constant 128 : i32
    %add3A_27 = arith.addi %mul3A_4, %add3A_26 : i32
    %dma_start3A_28 = arith.constant 0 : i32
    %dma_start3A_29 = tpu.memref_slice %arg2[%add3A_27, %dma_start3A_28] : memref<106496x128xf32, #tpu.memory_space<hbm>> -> memref<128x128xf32, #tpu.memory_space<hbm>>
    %dma_start3A_30 = arith.constant 0 : i32
    %dma_start3A_31 = tpu.memref_slice %arg2[%add3A_27, %dma_start3A_30] : memref<106496x128xf32, #tpu.memory_space<hbm>> -> memref<128x128xf32, #tpu.memory_space<hbm>>
    tpu.enqueue_dma source(%dma_start3A_31 : memref<128x128xf32, #tpu.memory_space<hbm>>) target(%arg7 : memref<128x128xf32, #tpu.memory_space<vmem>>) target_semaphore(%arg9 : memref<!tpu.dma_semaphore, #tpu.memory_space<semaphore_mem>>)
    %scan3A_32 = arith.constant 0 : i32
    %scan3A_33 = arith.constant 13 : i32
    %scan3A_34 = arith.addi %scan3A_32, %scan3A_33 : i32
    %scan3A_35 = arith.constant 1 : i32
    scf.for %scan3A_42 = %scan3A_32 to %scan3A_34 step %scan3A_35  : i32 {
      %mul3A_43 = arith.constant 2 : i32
      %mul3A_44 = arith.muli %scan3A_42, %mul3A_43 : i32
      %add3A_45 = arith.constant 0 : i32
      %add3A_46 = arith.addi %add3A_45, %mul3A_44 : i32
      %add3A_47 = arith.constant 0 : i32
      %add3A_48 = arith.addi %add3A_46, %add3A_47 : i32
      %mul3A_49 = arith.constant 128 : i32
      %mul3A_50 = arith.muli %add3A_48, %mul3A_49 : i32
      %add3A_51 = arith.addi %mul3A_4, %mul3A_50 : i32
      %dma_wait3A = arith.constant 0 : i32
      %dma_wait3A_52 = tpu.memref_slice %arg2[%add3A_51, %dma_wait3A] : memref<106496x128xf32, #tpu.memory_space<hbm>> -> memref<128x128xf32, #tpu.memory_space<hbm>>
      %dma_wait3A_53 = arith.constant 0 : i32
      %dma_wait3A_54 = tpu.memref_slice %arg2[%add3A_51, %dma_wait3A_53] : memref<106496x128xf32, #tpu.memory_space<hbm>> -> memref<128x128xf32, #tpu.memory_space<hbm>>
      tpu.wait_dma2 semaphore(%arg8 : memref<!tpu.dma_semaphore, #tpu.memory_space<semaphore_mem>>) src(%dma_wait3A_54 : memref<128x128xf32, #tpu.memory_space<hbm>>) dst(%arg6 : memref<128x128xf32, #tpu.memory_space<vmem>>)
      "tpu.region"() ({
        %run_scoped3A = tpu.sem_alloc : memref<!tpu.dma_semaphore, #tpu.memory_space<semaphore_mem>>
        %dma_start3A_75 = arith.constant 0 : i32
        %dma_start3A_76 = tpu.memref_slice %arg5[%add3A_48, %dma_start3A_75] : memref<26x128xi32, #tpu.memory_space<vmem>> -> memref<1x128xi32, #tpu.memory_space<vmem>>
        %dma_start3A_77 = tpu.memref_squeeze %dma_start3A_76 : memref<1x128xi32, #tpu.memory_space<vmem>> -> memref<128xi32, #tpu.memory_space<vmem>>
        %dma_start3A_78 = arith.constant 0 : i32
        %dma_start3A_79 = arith.constant 0 : i32
        %dma_start3A_80 = tpu.memref_slice %arg10[%dma_start3A_78, %dma_start3A_79] : memref<10112x128xf32, #tpu.memory_space<vmem_shared>> -> memref<10112x128xf32, #tpu.memory_space<vmem_shared>>
        tpu.enqueue_indirect_dma source(%arg6 : memref<128x128xf32, #tpu.memory_space<vmem>>) target(%dma_start3A_80 : memref<10112x128xf32, #tpu.memory_space<vmem_shared>>) offsets(%dma_start3A_77 : memref<128xi32, #tpu.memory_space<vmem>>) semaphore(%run_scoped3A : memref<!tpu.dma_semaphore, #tpu.memory_space<semaphore_mem>>) {add = true}
        %dma_wait3A_81 = arith.constant 0 : i32
        %dma_wait3A_82 = tpu.memref_slice %arg5[%add3A_48, %dma_wait3A_81] : memref<26x128xi32, #tpu.memory_space<vmem>> -> memref<1x128xi32, #tpu.memory_space<vmem>>
        %dma_wait3A_83 = tpu.memref_squeeze %dma_wait3A_82 : memref<1x128xi32, #tpu.memory_space<vmem>> -> memref<128xi32, #tpu.memory_space<vmem>>
        %dma_wait3A_84 = arith.constant 0 : i32
        %dma_wait3A_85 = arith.constant 0 : i32
        %dma_wait3A_86 = tpu.memref_slice %arg10[%dma_wait3A_84, %dma_wait3A_85] : memref<10112x128xf32, #tpu.memory_space<vmem_shared>> -> memref<10112x128xf32, #tpu.memory_space<vmem_shared>>
        tpu.wait_indirect_dma semaphore(%run_scoped3A : memref<!tpu.dma_semaphore, #tpu.memory_space<semaphore_mem>>) src(%arg6 : memref<128x128xf32, #tpu.memory_space<vmem>>) dst(%dma_wait3A_86 : memref<10112x128xf32, #tpu.memory_space<vmem_shared>>)
        tpu.yield
      }) : () -> ()
      %add3A_55 = arith.constant 2 : i32
      %add3A_56 = arith.addi %add3A_48, %add3A_55 : i32
      %lt3A = arith.constant 26 : i32
      %lt3A_57 = arith.cmpi slt, %add3A_56, %lt3A : i32
      %convert_element_type3A = arith.extui %lt3A_57 : i1 to i32
      %cond3A = arith.constant 0 : i32
      %cond3A_58 = arith.cmpi ne, %convert_element_type3A, %cond3A : i32
      scf.if %cond3A_58 {
        %add3A_75 = arith.constant 2 : i32
        %add3A_76 = arith.addi %add3A_48, %add3A_75 : i32
        %mul3A_77 = arith.constant 128 : i32
        %mul3A_78 = arith.muli %add3A_76, %mul3A_77 : i32
        %add3A_79 = arith.addi %mul3A_4, %mul3A_78 : i32
        %dma_start3A_80 = arith.constant 0 : i32
        %dma_start3A_81 = tpu.memref_slice %arg2[%add3A_79, %dma_start3A_80] : memref<106496x128xf32, #tpu.memory_space<hbm>> -> memref<128x128xf32, #tpu.memory_space<hbm>>
        %dma_start3A_82 = arith.constant 0 : i32
        %dma_start3A_83 = tpu.memref_slice %arg2[%add3A_79, %dma_start3A_82] : memref<106496x128xf32, #tpu.memory_space<hbm>> -> memref<128x128xf32, #tpu.memory_space<hbm>>
        tpu.enqueue_dma source(%dma_start3A_83 : memref<128x128xf32, #tpu.memory_space<hbm>>) target(%arg6 : memref<128x128xf32, #tpu.memory_space<vmem>>) target_semaphore(%arg8 : memref<!tpu.dma_semaphore, #tpu.memory_space<semaphore_mem>>)
      } else {
      }
      %add3A_59 = arith.constant 1 : i32
      %add3A_60 = arith.addi %add3A_46, %add3A_59 : i32
      %mul3A_61 = arith.constant 128 : i32
      %mul3A_62 = arith.muli %add3A_60, %mul3A_61 : i32
      %add3A_63 = arith.addi %mul3A_4, %mul3A_62 : i32
      %dma_wait3A_64 = arith.constant 0 : i32
      %dma_wait3A_65 = tpu.memref_slice %arg2[%add3A_63, %dma_wait3A_64] : memref<106496x128xf32, #tpu.memory_space<hbm>> -> memref<128x128xf32, #tpu.memory_space<hbm>>
      %dma_wait3A_66 = arith.constant 0 : i32
      %dma_wait3A_67 = tpu.memref_slice %arg2[%add3A_63, %dma_wait3A_66] : memref<106496x128xf32, #tpu.memory_space<hbm>> -> memref<128x128xf32, #tpu.memory_space<hbm>>
      tpu.wait_dma2 semaphore(%arg9 : memref<!tpu.dma_semaphore, #tpu.memory_space<semaphore_mem>>) src(%dma_wait3A_67 : memref<128x128xf32, #tpu.memory_space<hbm>>) dst(%arg7 : memref<128x128xf32, #tpu.memory_space<vmem>>)
      "tpu.region"() ({
        %run_scoped3A = tpu.sem_alloc : memref<!tpu.dma_semaphore, #tpu.memory_space<semaphore_mem>>
        %dma_start3A_75 = arith.constant 0 : i32
        %dma_start3A_76 = tpu.memref_slice %arg5[%add3A_60, %dma_start3A_75] : memref<26x128xi32, #tpu.memory_space<vmem>> -> memref<1x128xi32, #tpu.memory_space<vmem>>
        %dma_start3A_77 = tpu.memref_squeeze %dma_start3A_76 : memref<1x128xi32, #tpu.memory_space<vmem>> -> memref<128xi32, #tpu.memory_space<vmem>>
        %dma_start3A_78 = arith.constant 0 : i32
        %dma_start3A_79 = arith.constant 0 : i32
        %dma_start3A_80 = tpu.memref_slice %arg10[%dma_start3A_78, %dma_start3A_79] : memref<10112x128xf32, #tpu.memory_space<vmem_shared>> -> memref<10112x128xf32, #tpu.memory_space<vmem_shared>>
        tpu.enqueue_indirect_dma source(%arg7 : memref<128x128xf32, #tpu.memory_space<vmem>>) target(%dma_start3A_80 : memref<10112x128xf32, #tpu.memory_space<vmem_shared>>) offsets(%dma_start3A_77 : memref<128xi32, #tpu.memory_space<vmem>>) semaphore(%run_scoped3A : memref<!tpu.dma_semaphore, #tpu.memory_space<semaphore_mem>>) {add = true}
        %dma_wait3A_81 = arith.constant 0 : i32
        %dma_wait3A_82 = tpu.memref_slice %arg5[%add3A_60, %dma_wait3A_81] : memref<26x128xi32, #tpu.memory_space<vmem>> -> memref<1x128xi32, #tpu.memory_space<vmem>>
        %dma_wait3A_83 = tpu.memref_squeeze %dma_wait3A_82 : memref<1x128xi32, #tpu.memory_space<vmem>> -> memref<128xi32, #tpu.memory_space<vmem>>
        %dma_wait3A_84 = arith.constant 0 : i32
        %dma_wait3A_85 = arith.constant 0 : i32
        %dma_wait3A_86 = tpu.memref_slice %arg10[%dma_wait3A_84, %dma_wait3A_85] : memref<10112x128xf32, #tpu.memory_space<vmem_shared>> -> memref<10112x128xf32, #tpu.memory_space<vmem_shared>>
        tpu.wait_indirect_dma semaphore(%run_scoped3A : memref<!tpu.dma_semaphore, #tpu.memory_space<semaphore_mem>>) src(%arg7 : memref<128x128xf32, #tpu.memory_space<vmem>>) dst(%dma_wait3A_86 : memref<10112x128xf32, #tpu.memory_space<vmem_shared>>)
        tpu.yield
      }) : () -> ()
      %add3A_68 = arith.constant 2 : i32
      %add3A_69 = arith.addi %add3A_60, %add3A_68 : i32
      %lt3A_70 = arith.constant 26 : i32
      %lt3A_71 = arith.cmpi slt, %add3A_69, %lt3A_70 : i32
      %convert_element_type3A_72 = arith.extui %lt3A_71 : i1 to i32
      %cond3A_73 = arith.constant 0 : i32
      %cond3A_74 = arith.cmpi ne, %convert_element_type3A_72, %cond3A_73 : i32
      scf.if %cond3A_74 {
        %add3A_75 = arith.constant 2 : i32
        %add3A_76 = arith.addi %add3A_60, %add3A_75 : i32
        %mul3A_77 = arith.constant 128 : i32
        %mul3A_78 = arith.muli %add3A_76, %mul3A_77 : i32
        %add3A_79 = arith.addi %mul3A_4, %mul3A_78 : i32
        %dma_start3A_80 = arith.constant 0 : i32
        %dma_start3A_81 = tpu.memref_slice %arg2[%add3A_79, %dma_start3A_80] : memref<106496x128xf32, #tpu.memory_space<hbm>> -> memref<128x128xf32, #tpu.memory_space<hbm>>
        %dma_start3A_82 = arith.constant 0 : i32
        %dma_start3A_83 = tpu.memref_slice %arg2[%add3A_79, %dma_start3A_82] : memref<106496x128xf32, #tpu.memory_space<hbm>> -> memref<128x128xf32, #tpu.memory_space<hbm>>
        tpu.enqueue_dma source(%dma_start3A_83 : memref<128x128xf32, #tpu.memory_space<hbm>>) target(%arg7 : memref<128x128xf32, #tpu.memory_space<vmem>>) target_semaphore(%arg9 : memref<!tpu.dma_semaphore, #tpu.memory_space<semaphore_mem>>)
      } else {
      }
    }
    %scan3A_36 = arith.constant 13 : i32
    %barrier3A_37 = arith.constant 0 : index
    tpu.barrier barrier_id(%barrier3A_37)
    %mul3A_38 = arith.constant 632 : i32
    %mul3A_39 = arith.muli %arg1, %mul3A_38 : i32
    %mul3A_40 = arith.constant 632 : i32
    %mul3A_41 = arith.muli %arg1, %mul3A_40 : i32
    "tpu.region"() ({
      %run_scoped3A = tpu.sem_alloc : memref<!tpu.dma_semaphore, #tpu.memory_space<semaphore_mem>>
      %dma_start3A_42 = arith.constant 0 : i32
      %dma_start3A_43 = arith.constant 0 : i32
      %dma_start3A_44 = tpu.memref_slice %arg4[%arg0, %dma_start3A_42, %dma_start3A_43] : memref<2x10112x128xf32, #tpu.memory_space<hbm>> -> memref<1x10112x128xf32, #tpu.memory_space<hbm>>
      %dma_start3A_45 = tpu.memref_squeeze %dma_start3A_44 : memref<1x10112x128xf32, #tpu.memory_space<hbm>> -> memref<10112x128xf32, #tpu.memory_space<hbm>>
      %dma_start3A_46 = arith.constant 0 : i32
      %dma_start3A_47 = tpu.memref_slice %dma_start3A_45[%mul3A_41, %dma_start3A_46] : memref<10112x128xf32, #tpu.memory_space<hbm>> -> memref<632x128xf32, #tpu.memory_space<hbm>>
      %dma_start3A_48 = arith.constant 0 : i32
      %dma_start3A_49 = tpu.memref_slice %arg10[%mul3A_39, %dma_start3A_48] : memref<10112x128xf32, #tpu.memory_space<vmem_shared>> -> memref<632x128xf32, #tpu.memory_space<vmem_shared>>
      tpu.enqueue_dma source(%dma_start3A_49 : memref<632x128xf32, #tpu.memory_space<vmem_shared>>) target(%dma_start3A_47 : memref<632x128xf32, #tpu.memory_space<hbm>>) target_semaphore(%run_scoped3A : memref<!tpu.dma_semaphore, #tpu.memory_space<semaphore_mem>>)
      %dma_wait3A = arith.constant 0 : i32
      %dma_wait3A_50 = arith.constant 0 : i32
      %dma_wait3A_51 = tpu.memref_slice %arg4[%arg0, %dma_wait3A, %dma_wait3A_50] : memref<2x10112x128xf32, #tpu.memory_space<hbm>> -> memref<1x10112x128xf32, #tpu.memory_space<hbm>>
      %dma_wait3A_52 = tpu.memref_squeeze %dma_wait3A_51 : memref<1x10112x128xf32, #tpu.memory_space<hbm>> -> memref<10112x128xf32, #tpu.memory_space<hbm>>
      %dma_wait3A_53 = arith.constant 0 : i32
      %dma_wait3A_54 = tpu.memref_slice %dma_wait3A_52[%mul3A_41, %dma_wait3A_53] : memref<10112x128xf32, #tpu.memory_space<hbm>> -> memref<632x128xf32, #tpu.memory_space<hbm>>
      %dma_wait3A_55 = arith.constant 0 : i32
      %dma_wait3A_56 = tpu.memref_slice %arg10[%mul3A_39, %dma_wait3A_55] : memref<10112x128xf32, #tpu.memory_space<vmem_shared>> -> memref<632x128xf32, #tpu.memory_space<vmem_shared>>
      tpu.wait_dma2 semaphore(%run_scoped3A : memref<!tpu.dma_semaphore, #tpu.memory_space<semaphore_mem>>) src(%dma_wait3A_56 : memref<632x128xf32, #tpu.memory_space<vmem_shared>>) dst(%dma_wait3A_54 : memref<632x128xf32, #tpu.memory_space<hbm>>)
      tpu.yield
    }) : () -> ()
    return
  }
}

#map = affine_map<(d0, d1) -> (0, 0)>
#map1 = affine_map<(d0, d1) -> (0, 0, 0)>
module attributes {stable_mosaic.version = 14 : i64} {
  func.func @scatter_kernel(%arg0: i32, %arg1: i32, %arg2: memref<98304x128xf32, #tpu.memory_space<hbm>>, %arg3: memref<32x24x128xi32, #tpu.memory_space<hbm>>, %arg4: memref<2x10112x128xf32, #tpu.memory_space<hbm>>, %arg5: memref<24x128xi32, #tpu.memory_space<vmem>>, %arg6: memref<128x128xf32, #tpu.memory_space<vmem>>, %arg7: memref<128x128xf32, #tpu.memory_space<vmem>>, %arg8: memref<!tpu.dma_semaphore, #tpu.memory_space<semaphore_mem>>, %arg9: memref<!tpu.dma_semaphore, #tpu.memory_space<semaphore_mem>>, %arg10: memref<10112x128xf32, #tpu.memory_space<vmem_shared>>) attributes {dimension_semantics = [#tpu.dimension_semantics<core_parallel>, #tpu.dimension_semantics<subcore_parallel>], iteration_bounds = array<i64: 2, 16>, scalar_prefetch = 0 : i64, scratch_operands = 6 : i64, tpu.core_type = #tpu.core_type<sc_vector_subcore>, window_params = [{transform_indices = #map}, {transform_indices = #map1}, {transform_indices = #map1}]} {
    %mul3A = arith.constant 2 : i32
    %mul3A_0 = arith.muli %arg1, %mul3A : i32
    %add3A = arith.addi %mul3A_0, %arg0 : i32
    %mul3A_1 = arith.constant 24 : i32
    %mul3A_2 = arith.muli %add3A, %mul3A_1 : i32
    %mul3A_3 = arith.constant 128 : i32
    %mul3A_4 = arith.muli %mul3A_2, %mul3A_3 : i32
    %scan3A = arith.constant 0 : i32
    %scan3A_5 = arith.constant 128 : i32
    %scan3A_6 = arith.addi %scan3A, %scan3A_5 : i32
    %scan3A_7 = arith.constant 1 : i32
    scf.for %scan3A_42 = %scan3A to %scan3A_6 step %scan3A_7  : i32 {
      %mul3A_43 = arith.constant 1 : i32
      %mul3A_44 = arith.muli %scan3A_42, %mul3A_43 : i32
      %add3A_45 = arith.constant 0 : i32
      %add3A_46 = arith.addi %add3A_45, %mul3A_44 : i32
      %scan3A_47 = arith.constant 0 : i32
      %scan3A_48 = arith.constant 8 : i32
      %scan3A_49 = arith.addi %scan3A_47, %scan3A_48 : i32
      %scan3A_50 = arith.constant 1 : i32
      scf.for %scan3A_52 = %scan3A_47 to %scan3A_49 step %scan3A_50  : i32 {
        %mul3A_53 = arith.constant 16 : i32
        %mul3A_54 = arith.muli %scan3A_52, %mul3A_53 : i32
        %add3A_55 = arith.constant 0 : i32
        %add3A_56 = arith.addi %add3A_55, %mul3A_54 : i32
        %broadcast_in_dim3A = arith.constant 0.000000e+00 : f32
        %broadcast_in_dim3A_57 = vector.broadcast %broadcast_in_dim3A : f32 to vector<16xf32>
        %swap3A = arith.index_cast %add3A_46 : i32 to index
        %swap3A_58 = arith.index_cast %add3A_56 : i32 to index
        %swap3A_59 = tpu.vector_load %arg6[%swap3A, %swap3A_58] {strides = array<i32>} : memref<128x128xf32, #tpu.memory_space<vmem>>, vector<1x16xf32>,
        %swap3A_60 = vector.shape_cast %swap3A_59 : vector<1x16xf32> to vector<16xf32>
        %swap3A_61 = vector.shape_cast %broadcast_in_dim3A_57 : vector<16xf32> to vector<1x16xf32>
        tpu.vector_store %arg6[%swap3A, %swap3A_58], %swap3A_61 {strides = array<i32>} : memref<128x128xf32, #tpu.memory_space<vmem>>, vector<1x16xf32>,
      }
      %scan3A_51 = arith.constant 8 : i32
    }
    %scan3A_8 = arith.constant 128 : i32
    %mul3A_9 = arith.constant 632 : i32
    %mul3A_10 = arith.muli %arg1, %mul3A_9 : i32
    %add3A_11 = arith.constant 0 : i32
    %add3A_12 = arith.addi %mul3A_10, %add3A_11 : i32
    "tpu.region"() ({
      %run_scoped3A = tpu.sem_alloc : memref<!tpu.dma_semaphore, #tpu.memory_space<semaphore_mem>>
      %dma_start3A_42 = arith.constant 0 : i32
      %dma_start3A_43 = arith.constant 0 : i32
      %dma_start3A_44 = tpu.memref_slice %arg6[%dma_start3A_42, %dma_start3A_43] : memref<128x128xf32, #tpu.memory_space<vmem>> -> memref<128x128xf32, #tpu.memory_space<vmem>>
      %dma_start3A_45 = arith.constant 0 : i32
      %dma_start3A_46 = tpu.memref_slice %arg10[%add3A_12, %dma_start3A_45] : memref<10112x128xf32, #tpu.memory_space<vmem_shared>> -> memref<128x128xf32, #tpu.memory_space<vmem_shared>>
      %dma_start3A_47 = arith.constant 0 : i32
      %dma_start3A_48 = tpu.memref_slice %arg10[%add3A_12, %dma_start3A_47] : memref<10112x128xf32, #tpu.memory_space<vmem_shared>> -> memref<128x128xf32, #tpu.memory_space<vmem_shared>>
      %dma_start3A_49 = arith.constant 0 : i32
      %dma_start3A_50 = arith.constant 0 : i32
      %dma_start3A_51 = tpu.memref_slice %arg6[%dma_start3A_49, %dma_start3A_50] : memref<128x128xf32, #tpu.memory_space<vmem>> -> memref<128x128xf32, #tpu.memory_space<vmem>>
      tpu.enqueue_dma source(%dma_start3A_51 : memref<128x128xf32, #tpu.memory_space<vmem>>) target(%dma_start3A_48 : memref<128x128xf32, #tpu.memory_space<vmem_shared>>) target_semaphore(%run_scoped3A : memref<!tpu.dma_semaphore, #tpu.memory_space<semaphore_mem>>)
      %dma_wait3A = arith.constant 0 : i32
      %dma_wait3A_52 = arith.constant 0 : i32
      %dma_wait3A_53 = tpu.memref_slice %arg6[%dma_wait3A, %dma_wait3A_52] : memref<128x128xf32, #tpu.memory_space<vmem>> -> memref<128x128xf32, #tpu.memory_space<vmem>>
      %dma_wait3A_54 = arith.constant 0 : i32
      %dma_wait3A_55 = tpu.memref_slice %arg10[%add3A_12, %dma_wait3A_54] : memref<10112x128xf32, #tpu.memory_space<vmem_shared>> -> memref<128x128xf32, #tpu.memory_space<vmem_shared>>
      %dma_wait3A_56 = arith.constant 0 : i32
      %dma_wait3A_57 = tpu.memref_slice %arg10[%add3A_12, %dma_wait3A_56] : memref<10112x128xf32, #tpu.memory_space<vmem_shared>> -> memref<128x128xf32, #tpu.memory_space<vmem_shared>>
      %dma_wait3A_58 = arith.constant 0 : i32
      %dma_wait3A_59 = arith.constant 0 : i32
      %dma_wait3A_60 = tpu.memref_slice %arg6[%dma_wait3A_58, %dma_wait3A_59] : memref<128x128xf32, #tpu.memory_space<vmem>> -> memref<128x128xf32, #tpu.memory_space<vmem>>
      tpu.wait_dma2 semaphore(%run_scoped3A : memref<!tpu.dma_semaphore, #tpu.memory_space<semaphore_mem>>) src(%dma_wait3A_60 : memref<128x128xf32, #tpu.memory_space<vmem>>) dst(%dma_wait3A_57 : memref<128x128xf32, #tpu.memory_space<vmem_shared>>)
      tpu.yield
    }) : () -> ()
    %add3A_13 = arith.constant 128 : i32
    %add3A_14 = arith.addi %mul3A_10, %add3A_13 : i32
    "tpu.region"() ({
      %run_scoped3A = tpu.sem_alloc : memref<!tpu.dma_semaphore, #tpu.memory_space<semaphore_mem>>
      %dma_start3A_42 = arith.constant 0 : i32
      %dma_start3A_43 = arith.constant 0 : i32
      %dma_start3A_44 = tpu.memref_slice %arg6[%dma_start3A_42, %dma_start3A_43] : memref<128x128xf32, #tpu.memory_space<vmem>> -> memref<128x128xf32, #tpu.memory_space<vmem>>
      %dma_start3A_45 = arith.constant 0 : i32
      %dma_start3A_46 = tpu.memref_slice %arg10[%add3A_14, %dma_start3A_45] : memref<10112x128xf32, #tpu.memory_space<vmem_shared>> -> memref<128x128xf32, #tpu.memory_space<vmem_shared>>
      %dma_start3A_47 = arith.constant 0 : i32
      %dma_start3A_48 = tpu.memref_slice %arg10[%add3A_14, %dma_start3A_47] : memref<10112x128xf32, #tpu.memory_space<vmem_shared>> -> memref<128x128xf32, #tpu.memory_space<vmem_shared>>
      %dma_start3A_49 = arith.constant 0 : i32
      %dma_start3A_50 = arith.constant 0 : i32
      %dma_start3A_51 = tpu.memref_slice %arg6[%dma_start3A_49, %dma_start3A_50] : memref<128x128xf32, #tpu.memory_space<vmem>> -> memref<128x128xf32, #tpu.memory_space<vmem>>
      tpu.enqueue_dma source(%dma_start3A_51 : memref<128x128xf32, #tpu.memory_space<vmem>>) target(%dma_start3A_48 : memref<128x128xf32, #tpu.memory_space<vmem_shared>>) target_semaphore(%run_scoped3A : memref<!tpu.dma_semaphore, #tpu.memory_space<semaphore_mem>>)
      %dma_wait3A = arith.constant 0 : i32
      %dma_wait3A_52 = arith.constant 0 : i32
      %dma_wait3A_53 = tpu.memref_slice %arg6[%dma_wait3A, %dma_wait3A_52] : memref<128x128xf32, #tpu.memory_space<vmem>> -> memref<128x128xf32, #tpu.memory_space<vmem>>
      %dma_wait3A_54 = arith.constant 0 : i32
      %dma_wait3A_55 = tpu.memref_slice %arg10[%add3A_14, %dma_wait3A_54] : memref<10112x128xf32, #tpu.memory_space<vmem_shared>> -> memref<128x128xf32, #tpu.memory_space<vmem_shared>>
      %dma_wait3A_56 = arith.constant 0 : i32
      %dma_wait3A_57 = tpu.memref_slice %arg10[%add3A_14, %dma_wait3A_56] : memref<10112x128xf32, #tpu.memory_space<vmem_shared>> -> memref<128x128xf32, #tpu.memory_space<vmem_shared>>
      %dma_wait3A_58 = arith.constant 0 : i32
      %dma_wait3A_59 = arith.constant 0 : i32
      %dma_wait3A_60 = tpu.memref_slice %arg6[%dma_wait3A_58, %dma_wait3A_59] : memref<128x128xf32, #tpu.memory_space<vmem>> -> memref<128x128xf32, #tpu.memory_space<vmem>>
      tpu.wait_dma2 semaphore(%run_scoped3A : memref<!tpu.dma_semaphore, #tpu.memory_space<semaphore_mem>>) src(%dma_wait3A_60 : memref<128x128xf32, #tpu.memory_space<vmem>>) dst(%dma_wait3A_57 : memref<128x128xf32, #tpu.memory_space<vmem_shared>>)
      tpu.yield
    }) : () -> ()
    %add3A_15 = arith.constant 256 : i32
    %add3A_16 = arith.addi %mul3A_10, %add3A_15 : i32
    "tpu.region"() ({
      %run_scoped3A = tpu.sem_alloc : memref<!tpu.dma_semaphore, #tpu.memory_space<semaphore_mem>>
      %dma_start3A_42 = arith.constant 0 : i32
      %dma_start3A_43 = arith.constant 0 : i32
      %dma_start3A_44 = tpu.memref_slice %arg6[%dma_start3A_42, %dma_start3A_43] : memref<128x128xf32, #tpu.memory_space<vmem>> -> memref<128x128xf32, #tpu.memory_space<vmem>>
      %dma_start3A_45 = arith.constant 0 : i32
      %dma_start3A_46 = tpu.memref_slice %arg10[%add3A_16, %dma_start3A_45] : memref<10112x128xf32, #tpu.memory_space<vmem_shared>> -> memref<128x128xf32, #tpu.memory_space<vmem_shared>>
      %dma_start3A_47 = arith.constant 0 : i32
      %dma_start3A_48 = tpu.memref_slice %arg10[%add3A_16, %dma_start3A_47] : memref<10112x128xf32, #tpu.memory_space<vmem_shared>> -> memref<128x128xf32, #tpu.memory_space<vmem_shared>>
      %dma_start3A_49 = arith.constant 0 : i32
      %dma_start3A_50 = arith.constant 0 : i32
      %dma_start3A_51 = tpu.memref_slice %arg6[%dma_start3A_49, %dma_start3A_50] : memref<128x128xf32, #tpu.memory_space<vmem>> -> memref<128x128xf32, #tpu.memory_space<vmem>>
      tpu.enqueue_dma source(%dma_start3A_51 : memref<128x128xf32, #tpu.memory_space<vmem>>) target(%dma_start3A_48 : memref<128x128xf32, #tpu.memory_space<vmem_shared>>) target_semaphore(%run_scoped3A : memref<!tpu.dma_semaphore, #tpu.memory_space<semaphore_mem>>)
      %dma_wait3A = arith.constant 0 : i32
      %dma_wait3A_52 = arith.constant 0 : i32
      %dma_wait3A_53 = tpu.memref_slice %arg6[%dma_wait3A, %dma_wait3A_52] : memref<128x128xf32, #tpu.memory_space<vmem>> -> memref<128x128xf32, #tpu.memory_space<vmem>>
      %dma_wait3A_54 = arith.constant 0 : i32
      %dma_wait3A_55 = tpu.memref_slice %arg10[%add3A_16, %dma_wait3A_54] : memref<10112x128xf32, #tpu.memory_space<vmem_shared>> -> memref<128x128xf32, #tpu.memory_space<vmem_shared>>
      %dma_wait3A_56 = arith.constant 0 : i32
      %dma_wait3A_57 = tpu.memref_slice %arg10[%add3A_16, %dma_wait3A_56] : memref<10112x128xf32, #tpu.memory_space<vmem_shared>> -> memref<128x128xf32, #tpu.memory_space<vmem_shared>>
      %dma_wait3A_58 = arith.constant 0 : i32
      %dma_wait3A_59 = arith.constant 0 : i32
      %dma_wait3A_60 = tpu.memref_slice %arg6[%dma_wait3A_58, %dma_wait3A_59] : memref<128x128xf32, #tpu.memory_space<vmem>> -> memref<128x128xf32, #tpu.memory_space<vmem>>
      tpu.wait_dma2 semaphore(%run_scoped3A : memref<!tpu.dma_semaphore, #tpu.memory_space<semaphore_mem>>) src(%dma_wait3A_60 : memref<128x128xf32, #tpu.memory_space<vmem>>) dst(%dma_wait3A_57 : memref<128x128xf32, #tpu.memory_space<vmem_shared>>)
      tpu.yield
    }) : () -> ()
    %add3A_17 = arith.constant 384 : i32
    %add3A_18 = arith.addi %mul3A_10, %add3A_17 : i32
    "tpu.region"() ({
      %run_scoped3A = tpu.sem_alloc : memref<!tpu.dma_semaphore, #tpu.memory_space<semaphore_mem>>
      %dma_start3A_42 = arith.constant 0 : i32
      %dma_start3A_43 = arith.constant 0 : i32
      %dma_start3A_44 = tpu.memref_slice %arg6[%dma_start3A_42, %dma_start3A_43] : memref<128x128xf32, #tpu.memory_space<vmem>> -> memref<128x128xf32, #tpu.memory_space<vmem>>
      %dma_start3A_45 = arith.constant 0 : i32
      %dma_start3A_46 = tpu.memref_slice %arg10[%add3A_18, %dma_start3A_45] : memref<10112x128xf32, #tpu.memory_space<vmem_shared>> -> memref<128x128xf32, #tpu.memory_space<vmem_shared>>
      %dma_start3A_47 = arith.constant 0 : i32
      %dma_start3A_48 = tpu.memref_slice %arg10[%add3A_18, %dma_start3A_47] : memref<10112x128xf32, #tpu.memory_space<vmem_shared>> -> memref<128x128xf32, #tpu.memory_space<vmem_shared>>
      %dma_start3A_49 = arith.constant 0 : i32
      %dma_start3A_50 = arith.constant 0 : i32
      %dma_start3A_51 = tpu.memref_slice %arg6[%dma_start3A_49, %dma_start3A_50] : memref<128x128xf32, #tpu.memory_space<vmem>> -> memref<128x128xf32, #tpu.memory_space<vmem>>
      tpu.enqueue_dma source(%dma_start3A_51 : memref<128x128xf32, #tpu.memory_space<vmem>>) target(%dma_start3A_48 : memref<128x128xf32, #tpu.memory_space<vmem_shared>>) target_semaphore(%run_scoped3A : memref<!tpu.dma_semaphore, #tpu.memory_space<semaphore_mem>>)
      %dma_wait3A = arith.constant 0 : i32
      %dma_wait3A_52 = arith.constant 0 : i32
      %dma_wait3A_53 = tpu.memref_slice %arg6[%dma_wait3A, %dma_wait3A_52] : memref<128x128xf32, #tpu.memory_space<vmem>> -> memref<128x128xf32, #tpu.memory_space<vmem>>
      %dma_wait3A_54 = arith.constant 0 : i32
      %dma_wait3A_55 = tpu.memref_slice %arg10[%add3A_18, %dma_wait3A_54] : memref<10112x128xf32, #tpu.memory_space<vmem_shared>> -> memref<128x128xf32, #tpu.memory_space<vmem_shared>>
      %dma_wait3A_56 = arith.constant 0 : i32
      %dma_wait3A_57 = tpu.memref_slice %arg10[%add3A_18, %dma_wait3A_56] : memref<10112x128xf32, #tpu.memory_space<vmem_shared>> -> memref<128x128xf32, #tpu.memory_space<vmem_shared>>
      %dma_wait3A_58 = arith.constant 0 : i32
      %dma_wait3A_59 = arith.constant 0 : i32
      %dma_wait3A_60 = tpu.memref_slice %arg6[%dma_wait3A_58, %dma_wait3A_59] : memref<128x128xf32, #tpu.memory_space<vmem>> -> memref<128x128xf32, #tpu.memory_space<vmem>>
      tpu.wait_dma2 semaphore(%run_scoped3A : memref<!tpu.dma_semaphore, #tpu.memory_space<semaphore_mem>>) src(%dma_wait3A_60 : memref<128x128xf32, #tpu.memory_space<vmem>>) dst(%dma_wait3A_57 : memref<128x128xf32, #tpu.memory_space<vmem_shared>>)
      tpu.yield
    }) : () -> ()
    %add3A_19 = arith.constant 512 : i32
    %add3A_20 = arith.addi %mul3A_10, %add3A_19 : i32
    "tpu.region"() ({
      %run_scoped3A = tpu.sem_alloc : memref<!tpu.dma_semaphore, #tpu.memory_space<semaphore_mem>>
      %dma_start3A_42 = arith.constant 0 : i32
      %dma_start3A_43 = arith.constant 0 : i32
      %dma_start3A_44 = tpu.memref_slice %arg6[%dma_start3A_42, %dma_start3A_43] : memref<128x128xf32, #tpu.memory_space<vmem>> -> memref<120x128xf32, #tpu.memory_space<vmem>>
      %dma_start3A_45 = arith.constant 0 : i32
      %dma_start3A_46 = tpu.memref_slice %arg10[%add3A_20, %dma_start3A_45] : memref<10112x128xf32, #tpu.memory_space<vmem_shared>> -> memref<120x128xf32, #tpu.memory_space<vmem_shared>>
      %dma_start3A_47 = arith.constant 0 : i32
      %dma_start3A_48 = tpu.memref_slice %arg10[%add3A_20, %dma_start3A_47] : memref<10112x128xf32, #tpu.memory_space<vmem_shared>> -> memref<120x128xf32, #tpu.memory_space<vmem_shared>>
      %dma_start3A_49 = arith.constant 0 : i32
      %dma_start3A_50 = arith.constant 0 : i32
      %dma_start3A_51 = tpu.memref_slice %arg6[%dma_start3A_49, %dma_start3A_50] : memref<128x128xf32, #tpu.memory_space<vmem>> -> memref<120x128xf32, #tpu.memory_space<vmem>>
      tpu.enqueue_dma source(%dma_start3A_51 : memref<120x128xf32, #tpu.memory_space<vmem>>) target(%dma_start3A_48 : memref<120x128xf32, #tpu.memory_space<vmem_shared>>) target_semaphore(%run_scoped3A : memref<!tpu.dma_semaphore, #tpu.memory_space<semaphore_mem>>)
      %dma_wait3A = arith.constant 0 : i32
      %dma_wait3A_52 = arith.constant 0 : i32
      %dma_wait3A_53 = tpu.memref_slice %arg6[%dma_wait3A, %dma_wait3A_52] : memref<128x128xf32, #tpu.memory_space<vmem>> -> memref<120x128xf32, #tpu.memory_space<vmem>>
      %dma_wait3A_54 = arith.constant 0 : i32
      %dma_wait3A_55 = tpu.memref_slice %arg10[%add3A_20, %dma_wait3A_54] : memref<10112x128xf32, #tpu.memory_space<vmem_shared>> -> memref<120x128xf32, #tpu.memory_space<vmem_shared>>
      %dma_wait3A_56 = arith.constant 0 : i32
      %dma_wait3A_57 = tpu.memref_slice %arg10[%add3A_20, %dma_wait3A_56] : memref<10112x128xf32, #tpu.memory_space<vmem_shared>> -> memref<120x128xf32, #tpu.memory_space<vmem_shared>>
      %dma_wait3A_58 = arith.constant 0 : i32
      %dma_wait3A_59 = arith.constant 0 : i32
      %dma_wait3A_60 = tpu.memref_slice %arg6[%dma_wait3A_58, %dma_wait3A_59] : memref<128x128xf32, #tpu.memory_space<vmem>> -> memref<120x128xf32, #tpu.memory_space<vmem>>
      tpu.wait_dma2 semaphore(%run_scoped3A : memref<!tpu.dma_semaphore, #tpu.memory_space<semaphore_mem>>) src(%dma_wait3A_60 : memref<120x128xf32, #tpu.memory_space<vmem>>) dst(%dma_wait3A_57 : memref<120x128xf32, #tpu.memory_space<vmem_shared>>)
      tpu.yield
    }) : () -> ()
    "tpu.region"() ({
      %run_scoped3A = tpu.sem_alloc : memref<!tpu.dma_semaphore, #tpu.memory_space<semaphore_mem>>
      %dma_start3A_42 = arith.constant 0 : i32
      %dma_start3A_43 = arith.constant 0 : i32
      %dma_start3A_44 = tpu.memref_slice %arg3[%add3A, %dma_start3A_42, %dma_start3A_43] : memref<32x24x128xi32, #tpu.memory_space<hbm>> -> memref<1x24x128xi32, #tpu.memory_space<hbm>>
      %dma_start3A_45 = tpu.memref_squeeze %dma_start3A_44 : memref<1x24x128xi32, #tpu.memory_space<hbm>> -> memref<24x128xi32, #tpu.memory_space<hbm>>
      %dma_start3A_46 = arith.constant 0 : i32
      %dma_start3A_47 = arith.constant 0 : i32
      %dma_start3A_48 = tpu.memref_slice %arg3[%add3A, %dma_start3A_46, %dma_start3A_47] : memref<32x24x128xi32, #tpu.memory_space<hbm>> -> memref<1x24x128xi32, #tpu.memory_space<hbm>>
      %dma_start3A_49 = tpu.memref_squeeze %dma_start3A_48 : memref<1x24x128xi32, #tpu.memory_space<hbm>> -> memref<24x128xi32, #tpu.memory_space<hbm>>
      tpu.enqueue_dma source(%dma_start3A_49 : memref<24x128xi32, #tpu.memory_space<hbm>>) target(%arg5 : memref<24x128xi32, #tpu.memory_space<vmem>>) target_semaphore(%run_scoped3A : memref<!tpu.dma_semaphore, #tpu.memory_space<semaphore_mem>>)
      %dma_wait3A = arith.constant 0 : i32
      %dma_wait3A_50 = arith.constant 0 : i32
      %dma_wait3A_51 = tpu.memref_slice %arg3[%add3A, %dma_wait3A, %dma_wait3A_50] : memref<32x24x128xi32, #tpu.memory_space<hbm>> -> memref<1x24x128xi32, #tpu.memory_space<hbm>>
      %dma_wait3A_52 = tpu.memref_squeeze %dma_wait3A_51 : memref<1x24x128xi32, #tpu.memory_space<hbm>> -> memref<24x128xi32, #tpu.memory_space<hbm>>
      %dma_wait3A_53 = arith.constant 0 : i32
      %dma_wait3A_54 = arith.constant 0 : i32
      %dma_wait3A_55 = tpu.memref_slice %arg3[%add3A, %dma_wait3A_53, %dma_wait3A_54] : memref<32x24x128xi32, #tpu.memory_space<hbm>> -> memref<1x24x128xi32, #tpu.memory_space<hbm>>
      %dma_wait3A_56 = tpu.memref_squeeze %dma_wait3A_55 : memref<1x24x128xi32, #tpu.memory_space<hbm>> -> memref<24x128xi32, #tpu.memory_space<hbm>>
      tpu.wait_dma2 semaphore(%run_scoped3A : memref<!tpu.dma_semaphore, #tpu.memory_space<semaphore_mem>>) src(%dma_wait3A_56 : memref<24x128xi32, #tpu.memory_space<hbm>>) dst(%arg5 : memref<24x128xi32, #tpu.memory_space<vmem>>)
      tpu.yield
    }) : () -> ()
    %barrier3A = arith.constant 0 : index
    tpu.barrier barrier_id(%barrier3A)
    %add3A_21 = arith.constant 0 : i32
    %add3A_22 = arith.addi %mul3A_4, %add3A_21 : i32
    %dma_start3A = arith.constant 0 : i32
    %dma_start3A_23 = tpu.memref_slice %arg2[%add3A_22, %dma_start3A] : memref<98304x128xf32, #tpu.memory_space<hbm>> -> memref<128x128xf32, #tpu.memory_space<hbm>>
    %dma_start3A_24 = arith.constant 0 : i32
    %dma_start3A_25 = tpu.memref_slice %arg2[%add3A_22, %dma_start3A_24] : memref<98304x128xf32, #tpu.memory_space<hbm>> -> memref<128x128xf32, #tpu.memory_space<hbm>>
    tpu.enqueue_dma source(%dma_start3A_25 : memref<128x128xf32, #tpu.memory_space<hbm>>) target(%arg6 : memref<128x128xf32, #tpu.memory_space<vmem>>) target_semaphore(%arg8 : memref<!tpu.dma_semaphore, #tpu.memory_space<semaphore_mem>>)
    %add3A_26 = arith.constant 128 : i32
    %add3A_27 = arith.addi %mul3A_4, %add3A_26 : i32
    %dma_start3A_28 = arith.constant 0 : i32
    %dma_start3A_29 = tpu.memref_slice %arg2[%add3A_27, %dma_start3A_28] : memref<98304x128xf32, #tpu.memory_space<hbm>> -> memref<128x128xf32, #tpu.memory_space<hbm>>
    %dma_start3A_30 = arith.constant 0 : i32
    %dma_start3A_31 = tpu.memref_slice %arg2[%add3A_27, %dma_start3A_30] : memref<98304x128xf32, #tpu.memory_space<hbm>> -> memref<128x128xf32, #tpu.memory_space<hbm>>
    tpu.enqueue_dma source(%dma_start3A_31 : memref<128x128xf32, #tpu.memory_space<hbm>>) target(%arg7 : memref<128x128xf32, #tpu.memory_space<vmem>>) target_semaphore(%arg9 : memref<!tpu.dma_semaphore, #tpu.memory_space<semaphore_mem>>)
    %scan3A_32 = arith.constant 0 : i32
    %scan3A_33 = arith.constant 12 : i32
    %scan3A_34 = arith.addi %scan3A_32, %scan3A_33 : i32
    %scan3A_35 = arith.constant 1 : i32
    scf.for %scan3A_42 = %scan3A_32 to %scan3A_34 step %scan3A_35  : i32 {
      %mul3A_43 = arith.constant 2 : i32
      %mul3A_44 = arith.muli %scan3A_42, %mul3A_43 : i32
      %add3A_45 = arith.constant 0 : i32
      %add3A_46 = arith.addi %add3A_45, %mul3A_44 : i32
      %add3A_47 = arith.constant 0 : i32
      %add3A_48 = arith.addi %add3A_46, %add3A_47 : i32
      %mul3A_49 = arith.constant 128 : i32
      %mul3A_50 = arith.muli %add3A_48, %mul3A_49 : i32
      %add3A_51 = arith.addi %mul3A_4, %mul3A_50 : i32
      %dma_wait3A = arith.constant 0 : i32
      %dma_wait3A_52 = tpu.memref_slice %arg2[%add3A_51, %dma_wait3A] : memref<98304x128xf32, #tpu.memory_space<hbm>> -> memref<128x128xf32, #tpu.memory_space<hbm>>
      %dma_wait3A_53 = arith.constant 0 : i32
      %dma_wait3A_54 = tpu.memref_slice %arg2[%add3A_51, %dma_wait3A_53] : memref<98304x128xf32, #tpu.memory_space<hbm>> -> memref<128x128xf32, #tpu.memory_space<hbm>>
      tpu.wait_dma2 semaphore(%arg8 : memref<!tpu.dma_semaphore, #tpu.memory_space<semaphore_mem>>) src(%dma_wait3A_54 : memref<128x128xf32, #tpu.memory_space<hbm>>) dst(%arg6 : memref<128x128xf32, #tpu.memory_space<vmem>>)
      "tpu.region"() ({
        %run_scoped3A = tpu.sem_alloc : memref<!tpu.dma_semaphore, #tpu.memory_space<semaphore_mem>>
        %dma_start3A_75 = arith.constant 0 : i32
        %dma_start3A_76 = tpu.memref_slice %arg5[%add3A_48, %dma_start3A_75] : memref<24x128xi32, #tpu.memory_space<vmem>> -> memref<1x128xi32, #tpu.memory_space<vmem>>
        %dma_start3A_77 = tpu.memref_squeeze %dma_start3A_76 : memref<1x128xi32, #tpu.memory_space<vmem>> -> memref<128xi32, #tpu.memory_space<vmem>>
        %dma_start3A_78 = arith.constant 0 : i32
        %dma_start3A_79 = arith.constant 0 : i32
        %dma_start3A_80 = tpu.memref_slice %arg10[%dma_start3A_78, %dma_start3A_79] : memref<10112x128xf32, #tpu.memory_space<vmem_shared>> -> memref<10112x128xf32, #tpu.memory_space<vmem_shared>>
        tpu.enqueue_indirect_dma source(%arg6 : memref<128x128xf32, #tpu.memory_space<vmem>>) target(%dma_start3A_80 : memref<10112x128xf32, #tpu.memory_space<vmem_shared>>) offsets(%dma_start3A_77 : memref<128xi32, #tpu.memory_space<vmem>>) semaphore(%run_scoped3A : memref<!tpu.dma_semaphore, #tpu.memory_space<semaphore_mem>>) {add = true}
        %dma_wait3A_81 = arith.constant 0 : i32
        %dma_wait3A_82 = tpu.memref_slice %arg5[%add3A_48, %dma_wait3A_81] : memref<24x128xi32, #tpu.memory_space<vmem>> -> memref<1x128xi32, #tpu.memory_space<vmem>>
        %dma_wait3A_83 = tpu.memref_squeeze %dma_wait3A_82 : memref<1x128xi32, #tpu.memory_space<vmem>> -> memref<128xi32, #tpu.memory_space<vmem>>
        %dma_wait3A_84 = arith.constant 0 : i32
        %dma_wait3A_85 = arith.constant 0 : i32
        %dma_wait3A_86 = tpu.memref_slice %arg10[%dma_wait3A_84, %dma_wait3A_85] : memref<10112x128xf32, #tpu.memory_space<vmem_shared>> -> memref<10112x128xf32, #tpu.memory_space<vmem_shared>>
        tpu.wait_indirect_dma semaphore(%run_scoped3A : memref<!tpu.dma_semaphore, #tpu.memory_space<semaphore_mem>>) src(%arg6 : memref<128x128xf32, #tpu.memory_space<vmem>>) dst(%dma_wait3A_86 : memref<10112x128xf32, #tpu.memory_space<vmem_shared>>)
        tpu.yield
      }) : () -> ()
      %add3A_55 = arith.constant 2 : i32
      %add3A_56 = arith.addi %add3A_48, %add3A_55 : i32
      %lt3A = arith.constant 24 : i32
      %lt3A_57 = arith.cmpi slt, %add3A_56, %lt3A : i32
      %convert_element_type3A = arith.extui %lt3A_57 : i1 to i32
      %cond3A = arith.constant 0 : i32
      %cond3A_58 = arith.cmpi ne, %convert_element_type3A, %cond3A : i32
      scf.if %cond3A_58 {
        %add3A_75 = arith.constant 2 : i32
        %add3A_76 = arith.addi %add3A_48, %add3A_75 : i32
        %mul3A_77 = arith.constant 128 : i32
        %mul3A_78 = arith.muli %add3A_76, %mul3A_77 : i32
        %add3A_79 = arith.addi %mul3A_4, %mul3A_78 : i32
        %dma_start3A_80 = arith.constant 0 : i32
        %dma_start3A_81 = tpu.memref_slice %arg2[%add3A_79, %dma_start3A_80] : memref<98304x128xf32, #tpu.memory_space<hbm>> -> memref<128x128xf32, #tpu.memory_space<hbm>>
        %dma_start3A_82 = arith.constant 0 : i32
        %dma_start3A_83 = tpu.memref_slice %arg2[%add3A_79, %dma_start3A_82] : memref<98304x128xf32, #tpu.memory_space<hbm>> -> memref<128x128xf32, #tpu.memory_space<hbm>>
        tpu.enqueue_dma source(%dma_start3A_83 : memref<128x128xf32, #tpu.memory_space<hbm>>) target(%arg6 : memref<128x128xf32, #tpu.memory_space<vmem>>) target_semaphore(%arg8 : memref<!tpu.dma_semaphore, #tpu.memory_space<semaphore_mem>>)
      } else {
      }
      %add3A_59 = arith.constant 1 : i32
      %add3A_60 = arith.addi %add3A_46, %add3A_59 : i32
      %mul3A_61 = arith.constant 128 : i32
      %mul3A_62 = arith.muli %add3A_60, %mul3A_61 : i32
      %add3A_63 = arith.addi %mul3A_4, %mul3A_62 : i32
      %dma_wait3A_64 = arith.constant 0 : i32
      %dma_wait3A_65 = tpu.memref_slice %arg2[%add3A_63, %dma_wait3A_64] : memref<98304x128xf32, #tpu.memory_space<hbm>> -> memref<128x128xf32, #tpu.memory_space<hbm>>
      %dma_wait3A_66 = arith.constant 0 : i32
      %dma_wait3A_67 = tpu.memref_slice %arg2[%add3A_63, %dma_wait3A_66] : memref<98304x128xf32, #tpu.memory_space<hbm>> -> memref<128x128xf32, #tpu.memory_space<hbm>>
      tpu.wait_dma2 semaphore(%arg9 : memref<!tpu.dma_semaphore, #tpu.memory_space<semaphore_mem>>) src(%dma_wait3A_67 : memref<128x128xf32, #tpu.memory_space<hbm>>) dst(%arg7 : memref<128x128xf32, #tpu.memory_space<vmem>>)
      "tpu.region"() ({
        %run_scoped3A = tpu.sem_alloc : memref<!tpu.dma_semaphore, #tpu.memory_space<semaphore_mem>>
        %dma_start3A_75 = arith.constant 0 : i32
        %dma_start3A_76 = tpu.memref_slice %arg5[%add3A_60, %dma_start3A_75] : memref<24x128xi32, #tpu.memory_space<vmem>> -> memref<1x128xi32, #tpu.memory_space<vmem>>
        %dma_start3A_77 = tpu.memref_squeeze %dma_start3A_76 : memref<1x128xi32, #tpu.memory_space<vmem>> -> memref<128xi32, #tpu.memory_space<vmem>>
        %dma_start3A_78 = arith.constant 0 : i32
        %dma_start3A_79 = arith.constant 0 : i32
        %dma_start3A_80 = tpu.memref_slice %arg10[%dma_start3A_78, %dma_start3A_79] : memref<10112x128xf32, #tpu.memory_space<vmem_shared>> -> memref<10112x128xf32, #tpu.memory_space<vmem_shared>>
        tpu.enqueue_indirect_dma source(%arg7 : memref<128x128xf32, #tpu.memory_space<vmem>>) target(%dma_start3A_80 : memref<10112x128xf32, #tpu.memory_space<vmem_shared>>) offsets(%dma_start3A_77 : memref<128xi32, #tpu.memory_space<vmem>>) semaphore(%run_scoped3A : memref<!tpu.dma_semaphore, #tpu.memory_space<semaphore_mem>>) {add = true}
        %dma_wait3A_81 = arith.constant 0 : i32
        %dma_wait3A_82 = tpu.memref_slice %arg5[%add3A_60, %dma_wait3A_81] : memref<24x128xi32, #tpu.memory_space<vmem>> -> memref<1x128xi32, #tpu.memory_space<vmem>>
        %dma_wait3A_83 = tpu.memref_squeeze %dma_wait3A_82 : memref<1x128xi32, #tpu.memory_space<vmem>> -> memref<128xi32, #tpu.memory_space<vmem>>
        %dma_wait3A_84 = arith.constant 0 : i32
        %dma_wait3A_85 = arith.constant 0 : i32
        %dma_wait3A_86 = tpu.memref_slice %arg10[%dma_wait3A_84, %dma_wait3A_85] : memref<10112x128xf32, #tpu.memory_space<vmem_shared>> -> memref<10112x128xf32, #tpu.memory_space<vmem_shared>>
        tpu.wait_indirect_dma semaphore(%run_scoped3A : memref<!tpu.dma_semaphore, #tpu.memory_space<semaphore_mem>>) src(%arg7 : memref<128x128xf32, #tpu.memory_space<vmem>>) dst(%dma_wait3A_86 : memref<10112x128xf32, #tpu.memory_space<vmem_shared>>)
        tpu.yield
      }) : () -> ()
      %add3A_68 = arith.constant 2 : i32
      %add3A_69 = arith.addi %add3A_60, %add3A_68 : i32
      %lt3A_70 = arith.constant 24 : i32
      %lt3A_71 = arith.cmpi slt, %add3A_69, %lt3A_70 : i32
      %convert_element_type3A_72 = arith.extui %lt3A_71 : i1 to i32
      %cond3A_73 = arith.constant 0 : i32
      %cond3A_74 = arith.cmpi ne, %convert_element_type3A_72, %cond3A_73 : i32
      scf.if %cond3A_74 {
        %add3A_75 = arith.constant 2 : i32
        %add3A_76 = arith.addi %add3A_60, %add3A_75 : i32
        %mul3A_77 = arith.constant 128 : i32
        %mul3A_78 = arith.muli %add3A_76, %mul3A_77 : i32
        %add3A_79 = arith.addi %mul3A_4, %mul3A_78 : i32
        %dma_start3A_80 = arith.constant 0 : i32
        %dma_start3A_81 = tpu.memref_slice %arg2[%add3A_79, %dma_start3A_80] : memref<98304x128xf32, #tpu.memory_space<hbm>> -> memref<128x128xf32, #tpu.memory_space<hbm>>
        %dma_start3A_82 = arith.constant 0 : i32
        %dma_start3A_83 = tpu.memref_slice %arg2[%add3A_79, %dma_start3A_82] : memref<98304x128xf32, #tpu.memory_space<hbm>> -> memref<128x128xf32, #tpu.memory_space<hbm>>
        tpu.enqueue_dma source(%dma_start3A_83 : memref<128x128xf32, #tpu.memory_space<hbm>>) target(%arg7 : memref<128x128xf32, #tpu.memory_space<vmem>>) target_semaphore(%arg9 : memref<!tpu.dma_semaphore, #tpu.memory_space<semaphore_mem>>)
      } else {
      }
    }
    %scan3A_36 = arith.constant 12 : i32
    %barrier3A_37 = arith.constant 0 : index
    tpu.barrier barrier_id(%barrier3A_37)
    %mul3A_38 = arith.constant 632 : i32
    %mul3A_39 = arith.muli %arg1, %mul3A_38 : i32
    %mul3A_40 = arith.constant 632 : i32
    %mul3A_41 = arith.muli %arg1, %mul3A_40 : i32
    "tpu.region"() ({
      %run_scoped3A = tpu.sem_alloc : memref<!tpu.dma_semaphore, #tpu.memory_space<semaphore_mem>>
      %dma_start3A_42 = arith.constant 0 : i32
      %dma_start3A_43 = arith.constant 0 : i32
      %dma_start3A_44 = tpu.memref_slice %arg4[%arg0, %dma_start3A_42, %dma_start3A_43] : memref<2x10112x128xf32, #tpu.memory_space<hbm>> -> memref<1x10112x128xf32, #tpu.memory_space<hbm>>
      %dma_start3A_45 = tpu.memref_squeeze %dma_start3A_44 : memref<1x10112x128xf32, #tpu.memory_space<hbm>> -> memref<10112x128xf32, #tpu.memory_space<hbm>>
      %dma_start3A_46 = arith.constant 0 : i32
      %dma_start3A_47 = tpu.memref_slice %dma_start3A_45[%mul3A_41, %dma_start3A_46] : memref<10112x128xf32, #tpu.memory_space<hbm>> -> memref<632x128xf32, #tpu.memory_space<hbm>>
      %dma_start3A_48 = arith.constant 0 : i32
      %dma_start3A_49 = tpu.memref_slice %arg10[%mul3A_39, %dma_start3A_48] : memref<10112x128xf32, #tpu.memory_space<vmem_shared>> -> memref<632x128xf32, #tpu.memory_space<vmem_shared>>
      tpu.enqueue_dma source(%dma_start3A_49 : memref<632x128xf32, #tpu.memory_space<vmem_shared>>) target(%dma_start3A_47 : memref<632x128xf32, #tpu.memory_space<hbm>>) target_semaphore(%run_scoped3A : memref<!tpu.dma_semaphore, #tpu.memory_space<semaphore_mem>>)
      %dma_wait3A = arith.constant 0 : i32
      %dma_wait3A_50 = arith.constant 0 : i32
      %dma_wait3A_51 = tpu.memref_slice %arg4[%arg0, %dma_wait3A, %dma_wait3A_50] : memref<2x10112x128xf32, #tpu.memory_space<hbm>> -> memref<1x10112x128xf32, #tpu.memory_space<hbm>>
      %dma_wait3A_52 = tpu.memref_squeeze %dma_wait3A_51 : memref<1x10112x128xf32, #tpu.memory_space<hbm>> -> memref<10112x128xf32, #tpu.memory_space<hbm>>
      %dma_wait3A_53 = arith.constant 0 : i32
      %dma_wait3A_54 = tpu.memref_slice %dma_wait3A_52[%mul3A_41, %dma_wait3A_53] : memref<10112x128xf32, #tpu.memory_space<hbm>> -> memref<632x128xf32, #tpu.memory_space<hbm>>
      %dma_wait3A_55 = arith.constant 0 : i32
      %dma_wait3A_56 = tpu.memref_slice %arg10[%mul3A_39, %dma_wait3A_55] : memref<10112x128xf32, #tpu.memory_space<vmem_shared>> -> memref<632x128xf32, #tpu.memory_space<vmem_shared>>
      tpu.wait_dma2 semaphore(%run_scoped3A : memref<!tpu.dma_semaphore, #tpu.memory_space<semaphore_mem>>) src(%dma_wait3A_56 : memref<632x128xf32, #tpu.memory_space<vmem_shared>>) dst(%dma_wait3A_54 : memref<632x128xf32, #tpu.memory_space<hbm>>)
      tpu.yield
    }) : () -> ()
    return
  }
}

#map = affine_map<(d0, d1) -> (0, 0)>
#map1 = affine_map<(d0, d1) -> (0, 0, 0)>
module attributes {stable_mosaic.version = 14 : i64} {
  func.func @scatter_kernel(%arg0: i32, %arg1: i32, %arg2: memref<16384x128xf32, #tpu.memory_space<hbm>>, %arg3: memref<32x4x128xi32, #tpu.memory_space<hbm>>, %arg4: memref<2x10112x128xf32, #tpu.memory_space<hbm>>, %arg5: memref<4x128xi32, #tpu.memory_space<vmem>>, %arg6: memref<128x128xf32, #tpu.memory_space<vmem>>, %arg7: memref<128x128xf32, #tpu.memory_space<vmem>>, %arg8: memref<!tpu.dma_semaphore, #tpu.memory_space<semaphore_mem>>, %arg9: memref<!tpu.dma_semaphore, #tpu.memory_space<semaphore_mem>>, %arg10: memref<10112x128xf32, #tpu.memory_space<vmem_shared>>) attributes {dimension_semantics = [#tpu.dimension_semantics<core_parallel>, #tpu.dimension_semantics<subcore_parallel>], iteration_bounds = array<i64: 2, 16>, scalar_prefetch = 0 : i64, scratch_operands = 6 : i64, tpu.core_type = #tpu.core_type<sc_vector_subcore>, window_params = [{transform_indices = #map}, {transform_indices = #map1}, {transform_indices = #map1}]} {
    %mul3A = arith.constant 2 : i32
    %mul3A_0 = arith.muli %arg1, %mul3A : i32
    %add3A = arith.addi %mul3A_0, %arg0 : i32
    %mul3A_1 = arith.constant 4 : i32
    %mul3A_2 = arith.muli %add3A, %mul3A_1 : i32
    %mul3A_3 = arith.constant 128 : i32
    %mul3A_4 = arith.muli %mul3A_2, %mul3A_3 : i32
    %scan3A = arith.constant 0 : i32
    %scan3A_5 = arith.constant 128 : i32
    %scan3A_6 = arith.addi %scan3A, %scan3A_5 : i32
    %scan3A_7 = arith.constant 1 : i32
    scf.for %scan3A_42 = %scan3A to %scan3A_6 step %scan3A_7  : i32 {
      %mul3A_43 = arith.constant 1 : i32
      %mul3A_44 = arith.muli %scan3A_42, %mul3A_43 : i32
      %add3A_45 = arith.constant 0 : i32
      %add3A_46 = arith.addi %add3A_45, %mul3A_44 : i32
      %scan3A_47 = arith.constant 0 : i32
      %scan3A_48 = arith.constant 8 : i32
      %scan3A_49 = arith.addi %scan3A_47, %scan3A_48 : i32
      %scan3A_50 = arith.constant 1 : i32
      scf.for %scan3A_52 = %scan3A_47 to %scan3A_49 step %scan3A_50  : i32 {
        %mul3A_53 = arith.constant 16 : i32
        %mul3A_54 = arith.muli %scan3A_52, %mul3A_53 : i32
        %add3A_55 = arith.constant 0 : i32
        %add3A_56 = arith.addi %add3A_55, %mul3A_54 : i32
        %broadcast_in_dim3A = arith.constant 0.000000e+00 : f32
        %broadcast_in_dim3A_57 = vector.broadcast %broadcast_in_dim3A : f32 to vector<16xf32>
        %swap3A = arith.index_cast %add3A_46 : i32 to index
        %swap3A_58 = arith.index_cast %add3A_56 : i32 to index
        %swap3A_59 = tpu.vector_load %arg6[%swap3A, %swap3A_58] {strides = array<i32>} : memref<128x128xf32, #tpu.memory_space<vmem>>, vector<1x16xf32>,
        %swap3A_60 = vector.shape_cast %swap3A_59 : vector<1x16xf32> to vector<16xf32>
        %swap3A_61 = vector.shape_cast %broadcast_in_dim3A_57 : vector<16xf32> to vector<1x16xf32>
        tpu.vector_store %arg6[%swap3A, %swap3A_58], %swap3A_61 {strides = array<i32>} : memref<128x128xf32, #tpu.memory_space<vmem>>, vector<1x16xf32>,
      }
      %scan3A_51 = arith.constant 8 : i32
    }
    %scan3A_8 = arith.constant 128 : i32
    %mul3A_9 = arith.constant 632 : i32
    %mul3A_10 = arith.muli %arg1, %mul3A_9 : i32
    %add3A_11 = arith.constant 0 : i32
    %add3A_12 = arith.addi %mul3A_10, %add3A_11 : i32
    "tpu.region"() ({
      %run_scoped3A = tpu.sem_alloc : memref<!tpu.dma_semaphore, #tpu.memory_space<semaphore_mem>>
      %dma_start3A_42 = arith.constant 0 : i32
      %dma_start3A_43 = arith.constant 0 : i32
      %dma_start3A_44 = tpu.memref_slice %arg6[%dma_start3A_42, %dma_start3A_43] : memref<128x128xf32, #tpu.memory_space<vmem>> -> memref<128x128xf32, #tpu.memory_space<vmem>>
      %dma_start3A_45 = arith.constant 0 : i32
      %dma_start3A_46 = tpu.memref_slice %arg10[%add3A_12, %dma_start3A_45] : memref<10112x128xf32, #tpu.memory_space<vmem_shared>> -> memref<128x128xf32, #tpu.memory_space<vmem_shared>>
      %dma_start3A_47 = arith.constant 0 : i32
      %dma_start3A_48 = tpu.memref_slice %arg10[%add3A_12, %dma_start3A_47] : memref<10112x128xf32, #tpu.memory_space<vmem_shared>> -> memref<128x128xf32, #tpu.memory_space<vmem_shared>>
      %dma_start3A_49 = arith.constant 0 : i32
      %dma_start3A_50 = arith.constant 0 : i32
      %dma_start3A_51 = tpu.memref_slice %arg6[%dma_start3A_49, %dma_start3A_50] : memref<128x128xf32, #tpu.memory_space<vmem>> -> memref<128x128xf32, #tpu.memory_space<vmem>>
      tpu.enqueue_dma source(%dma_start3A_51 : memref<128x128xf32, #tpu.memory_space<vmem>>) target(%dma_start3A_48 : memref<128x128xf32, #tpu.memory_space<vmem_shared>>) target_semaphore(%run_scoped3A : memref<!tpu.dma_semaphore, #tpu.memory_space<semaphore_mem>>)
      %dma_wait3A = arith.constant 0 : i32
      %dma_wait3A_52 = arith.constant 0 : i32
      %dma_wait3A_53 = tpu.memref_slice %arg6[%dma_wait3A, %dma_wait3A_52] : memref<128x128xf32, #tpu.memory_space<vmem>> -> memref<128x128xf32, #tpu.memory_space<vmem>>
      %dma_wait3A_54 = arith.constant 0 : i32
      %dma_wait3A_55 = tpu.memref_slice %arg10[%add3A_12, %dma_wait3A_54] : memref<10112x128xf32, #tpu.memory_space<vmem_shared>> -> memref<128x128xf32, #tpu.memory_space<vmem_shared>>
      %dma_wait3A_56 = arith.constant 0 : i32
      %dma_wait3A_57 = tpu.memref_slice %arg10[%add3A_12, %dma_wait3A_56] : memref<10112x128xf32, #tpu.memory_space<vmem_shared>> -> memref<128x128xf32, #tpu.memory_space<vmem_shared>>
      %dma_wait3A_58 = arith.constant 0 : i32
      %dma_wait3A_59 = arith.constant 0 : i32
      %dma_wait3A_60 = tpu.memref_slice %arg6[%dma_wait3A_58, %dma_wait3A_59] : memref<128x128xf32, #tpu.memory_space<vmem>> -> memref<128x128xf32, #tpu.memory_space<vmem>>
      tpu.wait_dma2 semaphore(%run_scoped3A : memref<!tpu.dma_semaphore, #tpu.memory_space<semaphore_mem>>) src(%dma_wait3A_60 : memref<128x128xf32, #tpu.memory_space<vmem>>) dst(%dma_wait3A_57 : memref<128x128xf32, #tpu.memory_space<vmem_shared>>)
      tpu.yield
    }) : () -> ()
    %add3A_13 = arith.constant 128 : i32
    %add3A_14 = arith.addi %mul3A_10, %add3A_13 : i32
    "tpu.region"() ({
      %run_scoped3A = tpu.sem_alloc : memref<!tpu.dma_semaphore, #tpu.memory_space<semaphore_mem>>
      %dma_start3A_42 = arith.constant 0 : i32
      %dma_start3A_43 = arith.constant 0 : i32
      %dma_start3A_44 = tpu.memref_slice %arg6[%dma_start3A_42, %dma_start3A_43] : memref<128x128xf32, #tpu.memory_space<vmem>> -> memref<128x128xf32, #tpu.memory_space<vmem>>
      %dma_start3A_45 = arith.constant 0 : i32
      %dma_start3A_46 = tpu.memref_slice %arg10[%add3A_14, %dma_start3A_45] : memref<10112x128xf32, #tpu.memory_space<vmem_shared>> -> memref<128x128xf32, #tpu.memory_space<vmem_shared>>
      %dma_start3A_47 = arith.constant 0 : i32
      %dma_start3A_48 = tpu.memref_slice %arg10[%add3A_14, %dma_start3A_47] : memref<10112x128xf32, #tpu.memory_space<vmem_shared>> -> memref<128x128xf32, #tpu.memory_space<vmem_shared>>
      %dma_start3A_49 = arith.constant 0 : i32
      %dma_start3A_50 = arith.constant 0 : i32
      %dma_start3A_51 = tpu.memref_slice %arg6[%dma_start3A_49, %dma_start3A_50] : memref<128x128xf32, #tpu.memory_space<vmem>> -> memref<128x128xf32, #tpu.memory_space<vmem>>
      tpu.enqueue_dma source(%dma_start3A_51 : memref<128x128xf32, #tpu.memory_space<vmem>>) target(%dma_start3A_48 : memref<128x128xf32, #tpu.memory_space<vmem_shared>>) target_semaphore(%run_scoped3A : memref<!tpu.dma_semaphore, #tpu.memory_space<semaphore_mem>>)
      %dma_wait3A = arith.constant 0 : i32
      %dma_wait3A_52 = arith.constant 0 : i32
      %dma_wait3A_53 = tpu.memref_slice %arg6[%dma_wait3A, %dma_wait3A_52] : memref<128x128xf32, #tpu.memory_space<vmem>> -> memref<128x128xf32, #tpu.memory_space<vmem>>
      %dma_wait3A_54 = arith.constant 0 : i32
      %dma_wait3A_55 = tpu.memref_slice %arg10[%add3A_14, %dma_wait3A_54] : memref<10112x128xf32, #tpu.memory_space<vmem_shared>> -> memref<128x128xf32, #tpu.memory_space<vmem_shared>>
      %dma_wait3A_56 = arith.constant 0 : i32
      %dma_wait3A_57 = tpu.memref_slice %arg10[%add3A_14, %dma_wait3A_56] : memref<10112x128xf32, #tpu.memory_space<vmem_shared>> -> memref<128x128xf32, #tpu.memory_space<vmem_shared>>
      %dma_wait3A_58 = arith.constant 0 : i32
      %dma_wait3A_59 = arith.constant 0 : i32
      %dma_wait3A_60 = tpu.memref_slice %arg6[%dma_wait3A_58, %dma_wait3A_59] : memref<128x128xf32, #tpu.memory_space<vmem>> -> memref<128x128xf32, #tpu.memory_space<vmem>>
      tpu.wait_dma2 semaphore(%run_scoped3A : memref<!tpu.dma_semaphore, #tpu.memory_space<semaphore_mem>>) src(%dma_wait3A_60 : memref<128x128xf32, #tpu.memory_space<vmem>>) dst(%dma_wait3A_57 : memref<128x128xf32, #tpu.memory_space<vmem_shared>>)
      tpu.yield
    }) : () -> ()
    %add3A_15 = arith.constant 256 : i32
    %add3A_16 = arith.addi %mul3A_10, %add3A_15 : i32
    "tpu.region"() ({
      %run_scoped3A = tpu.sem_alloc : memref<!tpu.dma_semaphore, #tpu.memory_space<semaphore_mem>>
      %dma_start3A_42 = arith.constant 0 : i32
      %dma_start3A_43 = arith.constant 0 : i32
      %dma_start3A_44 = tpu.memref_slice %arg6[%dma_start3A_42, %dma_start3A_43] : memref<128x128xf32, #tpu.memory_space<vmem>> -> memref<128x128xf32, #tpu.memory_space<vmem>>
      %dma_start3A_45 = arith.constant 0 : i32
      %dma_start3A_46 = tpu.memref_slice %arg10[%add3A_16, %dma_start3A_45] : memref<10112x128xf32, #tpu.memory_space<vmem_shared>> -> memref<128x128xf32, #tpu.memory_space<vmem_shared>>
      %dma_start3A_47 = arith.constant 0 : i32
      %dma_start3A_48 = tpu.memref_slice %arg10[%add3A_16, %dma_start3A_47] : memref<10112x128xf32, #tpu.memory_space<vmem_shared>> -> memref<128x128xf32, #tpu.memory_space<vmem_shared>>
      %dma_start3A_49 = arith.constant 0 : i32
      %dma_start3A_50 = arith.constant 0 : i32
      %dma_start3A_51 = tpu.memref_slice %arg6[%dma_start3A_49, %dma_start3A_50] : memref<128x128xf32, #tpu.memory_space<vmem>> -> memref<128x128xf32, #tpu.memory_space<vmem>>
      tpu.enqueue_dma source(%dma_start3A_51 : memref<128x128xf32, #tpu.memory_space<vmem>>) target(%dma_start3A_48 : memref<128x128xf32, #tpu.memory_space<vmem_shared>>) target_semaphore(%run_scoped3A : memref<!tpu.dma_semaphore, #tpu.memory_space<semaphore_mem>>)
      %dma_wait3A = arith.constant 0 : i32
      %dma_wait3A_52 = arith.constant 0 : i32
      %dma_wait3A_53 = tpu.memref_slice %arg6[%dma_wait3A, %dma_wait3A_52] : memref<128x128xf32, #tpu.memory_space<vmem>> -> memref<128x128xf32, #tpu.memory_space<vmem>>
      %dma_wait3A_54 = arith.constant 0 : i32
      %dma_wait3A_55 = tpu.memref_slice %arg10[%add3A_16, %dma_wait3A_54] : memref<10112x128xf32, #tpu.memory_space<vmem_shared>> -> memref<128x128xf32, #tpu.memory_space<vmem_shared>>
      %dma_wait3A_56 = arith.constant 0 : i32
      %dma_wait3A_57 = tpu.memref_slice %arg10[%add3A_16, %dma_wait3A_56] : memref<10112x128xf32, #tpu.memory_space<vmem_shared>> -> memref<128x128xf32, #tpu.memory_space<vmem_shared>>
      %dma_wait3A_58 = arith.constant 0 : i32
      %dma_wait3A_59 = arith.constant 0 : i32
      %dma_wait3A_60 = tpu.memref_slice %arg6[%dma_wait3A_58, %dma_wait3A_59] : memref<128x128xf32, #tpu.memory_space<vmem>> -> memref<128x128xf32, #tpu.memory_space<vmem>>
      tpu.wait_dma2 semaphore(%run_scoped3A : memref<!tpu.dma_semaphore, #tpu.memory_space<semaphore_mem>>) src(%dma_wait3A_60 : memref<128x128xf32, #tpu.memory_space<vmem>>) dst(%dma_wait3A_57 : memref<128x128xf32, #tpu.memory_space<vmem_shared>>)
      tpu.yield
    }) : () -> ()
    %add3A_17 = arith.constant 384 : i32
    %add3A_18 = arith.addi %mul3A_10, %add3A_17 : i32
    "tpu.region"() ({
      %run_scoped3A = tpu.sem_alloc : memref<!tpu.dma_semaphore, #tpu.memory_space<semaphore_mem>>
      %dma_start3A_42 = arith.constant 0 : i32
      %dma_start3A_43 = arith.constant 0 : i32
      %dma_start3A_44 = tpu.memref_slice %arg6[%dma_start3A_42, %dma_start3A_43] : memref<128x128xf32, #tpu.memory_space<vmem>> -> memref<128x128xf32, #tpu.memory_space<vmem>>
      %dma_start3A_45 = arith.constant 0 : i32
      %dma_start3A_46 = tpu.memref_slice %arg10[%add3A_18, %dma_start3A_45] : memref<10112x128xf32, #tpu.memory_space<vmem_shared>> -> memref<128x128xf32, #tpu.memory_space<vmem_shared>>
      %dma_start3A_47 = arith.constant 0 : i32
      %dma_start3A_48 = tpu.memref_slice %arg10[%add3A_18, %dma_start3A_47] : memref<10112x128xf32, #tpu.memory_space<vmem_shared>> -> memref<128x128xf32, #tpu.memory_space<vmem_shared>>
      %dma_start3A_49 = arith.constant 0 : i32
      %dma_start3A_50 = arith.constant 0 : i32
      %dma_start3A_51 = tpu.memref_slice %arg6[%dma_start3A_49, %dma_start3A_50] : memref<128x128xf32, #tpu.memory_space<vmem>> -> memref<128x128xf32, #tpu.memory_space<vmem>>
      tpu.enqueue_dma source(%dma_start3A_51 : memref<128x128xf32, #tpu.memory_space<vmem>>) target(%dma_start3A_48 : memref<128x128xf32, #tpu.memory_space<vmem_shared>>) target_semaphore(%run_scoped3A : memref<!tpu.dma_semaphore, #tpu.memory_space<semaphore_mem>>)
      %dma_wait3A = arith.constant 0 : i32
      %dma_wait3A_52 = arith.constant 0 : i32
      %dma_wait3A_53 = tpu.memref_slice %arg6[%dma_wait3A, %dma_wait3A_52] : memref<128x128xf32, #tpu.memory_space<vmem>> -> memref<128x128xf32, #tpu.memory_space<vmem>>
      %dma_wait3A_54 = arith.constant 0 : i32
      %dma_wait3A_55 = tpu.memref_slice %arg10[%add3A_18, %dma_wait3A_54] : memref<10112x128xf32, #tpu.memory_space<vmem_shared>> -> memref<128x128xf32, #tpu.memory_space<vmem_shared>>
      %dma_wait3A_56 = arith.constant 0 : i32
      %dma_wait3A_57 = tpu.memref_slice %arg10[%add3A_18, %dma_wait3A_56] : memref<10112x128xf32, #tpu.memory_space<vmem_shared>> -> memref<128x128xf32, #tpu.memory_space<vmem_shared>>
      %dma_wait3A_58 = arith.constant 0 : i32
      %dma_wait3A_59 = arith.constant 0 : i32
      %dma_wait3A_60 = tpu.memref_slice %arg6[%dma_wait3A_58, %dma_wait3A_59] : memref<128x128xf32, #tpu.memory_space<vmem>> -> memref<128x128xf32, #tpu.memory_space<vmem>>
      tpu.wait_dma2 semaphore(%run_scoped3A : memref<!tpu.dma_semaphore, #tpu.memory_space<semaphore_mem>>) src(%dma_wait3A_60 : memref<128x128xf32, #tpu.memory_space<vmem>>) dst(%dma_wait3A_57 : memref<128x128xf32, #tpu.memory_space<vmem_shared>>)
      tpu.yield
    }) : () -> ()
    %add3A_19 = arith.constant 512 : i32
    %add3A_20 = arith.addi %mul3A_10, %add3A_19 : i32
    "tpu.region"() ({
      %run_scoped3A = tpu.sem_alloc : memref<!tpu.dma_semaphore, #tpu.memory_space<semaphore_mem>>
      %dma_start3A_42 = arith.constant 0 : i32
      %dma_start3A_43 = arith.constant 0 : i32
      %dma_start3A_44 = tpu.memref_slice %arg6[%dma_start3A_42, %dma_start3A_43] : memref<128x128xf32, #tpu.memory_space<vmem>> -> memref<120x128xf32, #tpu.memory_space<vmem>>
      %dma_start3A_45 = arith.constant 0 : i32
      %dma_start3A_46 = tpu.memref_slice %arg10[%add3A_20, %dma_start3A_45] : memref<10112x128xf32, #tpu.memory_space<vmem_shared>> -> memref<120x128xf32, #tpu.memory_space<vmem_shared>>
      %dma_start3A_47 = arith.constant 0 : i32
      %dma_start3A_48 = tpu.memref_slice %arg10[%add3A_20, %dma_start3A_47] : memref<10112x128xf32, #tpu.memory_space<vmem_shared>> -> memref<120x128xf32, #tpu.memory_space<vmem_shared>>
      %dma_start3A_49 = arith.constant 0 : i32
      %dma_start3A_50 = arith.constant 0 : i32
      %dma_start3A_51 = tpu.memref_slice %arg6[%dma_start3A_49, %dma_start3A_50] : memref<128x128xf32, #tpu.memory_space<vmem>> -> memref<120x128xf32, #tpu.memory_space<vmem>>
      tpu.enqueue_dma source(%dma_start3A_51 : memref<120x128xf32, #tpu.memory_space<vmem>>) target(%dma_start3A_48 : memref<120x128xf32, #tpu.memory_space<vmem_shared>>) target_semaphore(%run_scoped3A : memref<!tpu.dma_semaphore, #tpu.memory_space<semaphore_mem>>)
      %dma_wait3A = arith.constant 0 : i32
      %dma_wait3A_52 = arith.constant 0 : i32
      %dma_wait3A_53 = tpu.memref_slice %arg6[%dma_wait3A, %dma_wait3A_52] : memref<128x128xf32, #tpu.memory_space<vmem>> -> memref<120x128xf32, #tpu.memory_space<vmem>>
      %dma_wait3A_54 = arith.constant 0 : i32
      %dma_wait3A_55 = tpu.memref_slice %arg10[%add3A_20, %dma_wait3A_54] : memref<10112x128xf32, #tpu.memory_space<vmem_shared>> -> memref<120x128xf32, #tpu.memory_space<vmem_shared>>
      %dma_wait3A_56 = arith.constant 0 : i32
      %dma_wait3A_57 = tpu.memref_slice %arg10[%add3A_20, %dma_wait3A_56] : memref<10112x128xf32, #tpu.memory_space<vmem_shared>> -> memref<120x128xf32, #tpu.memory_space<vmem_shared>>
      %dma_wait3A_58 = arith.constant 0 : i32
      %dma_wait3A_59 = arith.constant 0 : i32
      %dma_wait3A_60 = tpu.memref_slice %arg6[%dma_wait3A_58, %dma_wait3A_59] : memref<128x128xf32, #tpu.memory_space<vmem>> -> memref<120x128xf32, #tpu.memory_space<vmem>>
      tpu.wait_dma2 semaphore(%run_scoped3A : memref<!tpu.dma_semaphore, #tpu.memory_space<semaphore_mem>>) src(%dma_wait3A_60 : memref<120x128xf32, #tpu.memory_space<vmem>>) dst(%dma_wait3A_57 : memref<120x128xf32, #tpu.memory_space<vmem_shared>>)
      tpu.yield
    }) : () -> ()
    "tpu.region"() ({
      %run_scoped3A = tpu.sem_alloc : memref<!tpu.dma_semaphore, #tpu.memory_space<semaphore_mem>>
      %dma_start3A_42 = arith.constant 0 : i32
      %dma_start3A_43 = arith.constant 0 : i32
      %dma_start3A_44 = tpu.memref_slice %arg3[%add3A, %dma_start3A_42, %dma_start3A_43] : memref<32x4x128xi32, #tpu.memory_space<hbm>> -> memref<1x4x128xi32, #tpu.memory_space<hbm>>
      %dma_start3A_45 = tpu.memref_squeeze %dma_start3A_44 : memref<1x4x128xi32, #tpu.memory_space<hbm>> -> memref<4x128xi32, #tpu.memory_space<hbm>>
      %dma_start3A_46 = arith.constant 0 : i32
      %dma_start3A_47 = arith.constant 0 : i32
      %dma_start3A_48 = tpu.memref_slice %arg3[%add3A, %dma_start3A_46, %dma_start3A_47] : memref<32x4x128xi32, #tpu.memory_space<hbm>> -> memref<1x4x128xi32, #tpu.memory_space<hbm>>
      %dma_start3A_49 = tpu.memref_squeeze %dma_start3A_48 : memref<1x4x128xi32, #tpu.memory_space<hbm>> -> memref<4x128xi32, #tpu.memory_space<hbm>>
      tpu.enqueue_dma source(%dma_start3A_49 : memref<4x128xi32, #tpu.memory_space<hbm>>) target(%arg5 : memref<4x128xi32, #tpu.memory_space<vmem>>) target_semaphore(%run_scoped3A : memref<!tpu.dma_semaphore, #tpu.memory_space<semaphore_mem>>)
      %dma_wait3A = arith.constant 0 : i32
      %dma_wait3A_50 = arith.constant 0 : i32
      %dma_wait3A_51 = tpu.memref_slice %arg3[%add3A, %dma_wait3A, %dma_wait3A_50] : memref<32x4x128xi32, #tpu.memory_space<hbm>> -> memref<1x4x128xi32, #tpu.memory_space<hbm>>
      %dma_wait3A_52 = tpu.memref_squeeze %dma_wait3A_51 : memref<1x4x128xi32, #tpu.memory_space<hbm>> -> memref<4x128xi32, #tpu.memory_space<hbm>>
      %dma_wait3A_53 = arith.constant 0 : i32
      %dma_wait3A_54 = arith.constant 0 : i32
      %dma_wait3A_55 = tpu.memref_slice %arg3[%add3A, %dma_wait3A_53, %dma_wait3A_54] : memref<32x4x128xi32, #tpu.memory_space<hbm>> -> memref<1x4x128xi32, #tpu.memory_space<hbm>>
      %dma_wait3A_56 = tpu.memref_squeeze %dma_wait3A_55 : memref<1x4x128xi32, #tpu.memory_space<hbm>> -> memref<4x128xi32, #tpu.memory_space<hbm>>
      tpu.wait_dma2 semaphore(%run_scoped3A : memref<!tpu.dma_semaphore, #tpu.memory_space<semaphore_mem>>) src(%dma_wait3A_56 : memref<4x128xi32, #tpu.memory_space<hbm>>) dst(%arg5 : memref<4x128xi32, #tpu.memory_space<vmem>>)
      tpu.yield
    }) : () -> ()
    %barrier3A = arith.constant 0 : index
    tpu.barrier barrier_id(%barrier3A)
    %add3A_21 = arith.constant 0 : i32
    %add3A_22 = arith.addi %mul3A_4, %add3A_21 : i32
    %dma_start3A = arith.constant 0 : i32
    %dma_start3A_23 = tpu.memref_slice %arg2[%add3A_22, %dma_start3A] : memref<16384x128xf32, #tpu.memory_space<hbm>> -> memref<128x128xf32, #tpu.memory_space<hbm>>
    %dma_start3A_24 = arith.constant 0 : i32
    %dma_start3A_25 = tpu.memref_slice %arg2[%add3A_22, %dma_start3A_24] : memref<16384x128xf32, #tpu.memory_space<hbm>> -> memref<128x128xf32, #tpu.memory_space<hbm>>
    tpu.enqueue_dma source(%dma_start3A_25 : memref<128x128xf32, #tpu.memory_space<hbm>>) target(%arg6 : memref<128x128xf32, #tpu.memory_space<vmem>>) target_semaphore(%arg8 : memref<!tpu.dma_semaphore, #tpu.memory_space<semaphore_mem>>)
    %add3A_26 = arith.constant 128 : i32
    %add3A_27 = arith.addi %mul3A_4, %add3A_26 : i32
    %dma_start3A_28 = arith.constant 0 : i32
    %dma_start3A_29 = tpu.memref_slice %arg2[%add3A_27, %dma_start3A_28] : memref<16384x128xf32, #tpu.memory_space<hbm>> -> memref<128x128xf32, #tpu.memory_space<hbm>>
    %dma_start3A_30 = arith.constant 0 : i32
    %dma_start3A_31 = tpu.memref_slice %arg2[%add3A_27, %dma_start3A_30] : memref<16384x128xf32, #tpu.memory_space<hbm>> -> memref<128x128xf32, #tpu.memory_space<hbm>>
    tpu.enqueue_dma source(%dma_start3A_31 : memref<128x128xf32, #tpu.memory_space<hbm>>) target(%arg7 : memref<128x128xf32, #tpu.memory_space<vmem>>) target_semaphore(%arg9 : memref<!tpu.dma_semaphore, #tpu.memory_space<semaphore_mem>>)
    %scan3A_32 = arith.constant 0 : i32
    %scan3A_33 = arith.constant 2 : i32
    %scan3A_34 = arith.addi %scan3A_32, %scan3A_33 : i32
    %scan3A_35 = arith.constant 1 : i32
    scf.for %scan3A_42 = %scan3A_32 to %scan3A_34 step %scan3A_35  : i32 {
      %mul3A_43 = arith.constant 2 : i32
      %mul3A_44 = arith.muli %scan3A_42, %mul3A_43 : i32
      %add3A_45 = arith.constant 0 : i32
      %add3A_46 = arith.addi %add3A_45, %mul3A_44 : i32
      %add3A_47 = arith.constant 0 : i32
      %add3A_48 = arith.addi %add3A_46, %add3A_47 : i32
      %mul3A_49 = arith.constant 128 : i32
      %mul3A_50 = arith.muli %add3A_48, %mul3A_49 : i32
      %add3A_51 = arith.addi %mul3A_4, %mul3A_50 : i32
      %dma_wait3A = arith.constant 0 : i32
      %dma_wait3A_52 = tpu.memref_slice %arg2[%add3A_51, %dma_wait3A] : memref<16384x128xf32, #tpu.memory_space<hbm>> -> memref<128x128xf32, #tpu.memory_space<hbm>>
      %dma_wait3A_53 = arith.constant 0 : i32
      %dma_wait3A_54 = tpu.memref_slice %arg2[%add3A_51, %dma_wait3A_53] : memref<16384x128xf32, #tpu.memory_space<hbm>> -> memref<128x128xf32, #tpu.memory_space<hbm>>
      tpu.wait_dma2 semaphore(%arg8 : memref<!tpu.dma_semaphore, #tpu.memory_space<semaphore_mem>>) src(%dma_wait3A_54 : memref<128x128xf32, #tpu.memory_space<hbm>>) dst(%arg6 : memref<128x128xf32, #tpu.memory_space<vmem>>)
      "tpu.region"() ({
        %run_scoped3A = tpu.sem_alloc : memref<!tpu.dma_semaphore, #tpu.memory_space<semaphore_mem>>
        %dma_start3A_75 = arith.constant 0 : i32
        %dma_start3A_76 = tpu.memref_slice %arg5[%add3A_48, %dma_start3A_75] : memref<4x128xi32, #tpu.memory_space<vmem>> -> memref<1x128xi32, #tpu.memory_space<vmem>>
        %dma_start3A_77 = tpu.memref_squeeze %dma_start3A_76 : memref<1x128xi32, #tpu.memory_space<vmem>> -> memref<128xi32, #tpu.memory_space<vmem>>
        %dma_start3A_78 = arith.constant 0 : i32
        %dma_start3A_79 = arith.constant 0 : i32
        %dma_start3A_80 = tpu.memref_slice %arg10[%dma_start3A_78, %dma_start3A_79] : memref<10112x128xf32, #tpu.memory_space<vmem_shared>> -> memref<10112x128xf32, #tpu.memory_space<vmem_shared>>
        tpu.enqueue_indirect_dma source(%arg6 : memref<128x128xf32, #tpu.memory_space<vmem>>) target(%dma_start3A_80 : memref<10112x128xf32, #tpu.memory_space<vmem_shared>>) offsets(%dma_start3A_77 : memref<128xi32, #tpu.memory_space<vmem>>) semaphore(%run_scoped3A : memref<!tpu.dma_semaphore, #tpu.memory_space<semaphore_mem>>) {add = true}
        %dma_wait3A_81 = arith.constant 0 : i32
        %dma_wait3A_82 = tpu.memref_slice %arg5[%add3A_48, %dma_wait3A_81] : memref<4x128xi32, #tpu.memory_space<vmem>> -> memref<1x128xi32, #tpu.memory_space<vmem>>
        %dma_wait3A_83 = tpu.memref_squeeze %dma_wait3A_82 : memref<1x128xi32, #tpu.memory_space<vmem>> -> memref<128xi32, #tpu.memory_space<vmem>>
        %dma_wait3A_84 = arith.constant 0 : i32
        %dma_wait3A_85 = arith.constant 0 : i32
        %dma_wait3A_86 = tpu.memref_slice %arg10[%dma_wait3A_84, %dma_wait3A_85] : memref<10112x128xf32, #tpu.memory_space<vmem_shared>> -> memref<10112x128xf32, #tpu.memory_space<vmem_shared>>
        tpu.wait_indirect_dma semaphore(%run_scoped3A : memref<!tpu.dma_semaphore, #tpu.memory_space<semaphore_mem>>) src(%arg6 : memref<128x128xf32, #tpu.memory_space<vmem>>) dst(%dma_wait3A_86 : memref<10112x128xf32, #tpu.memory_space<vmem_shared>>)
        tpu.yield
      }) : () -> ()
      %add3A_55 = arith.constant 2 : i32
      %add3A_56 = arith.addi %add3A_48, %add3A_55 : i32
      %lt3A = arith.constant 4 : i32
      %lt3A_57 = arith.cmpi slt, %add3A_56, %lt3A : i32
      %convert_element_type3A = arith.extui %lt3A_57 : i1 to i32
      %cond3A = arith.constant 0 : i32
      %cond3A_58 = arith.cmpi ne, %convert_element_type3A, %cond3A : i32
      scf.if %cond3A_58 {
        %add3A_75 = arith.constant 2 : i32
        %add3A_76 = arith.addi %add3A_48, %add3A_75 : i32
        %mul3A_77 = arith.constant 128 : i32
        %mul3A_78 = arith.muli %add3A_76, %mul3A_77 : i32
        %add3A_79 = arith.addi %mul3A_4, %mul3A_78 : i32
        %dma_start3A_80 = arith.constant 0 : i32
        %dma_start3A_81 = tpu.memref_slice %arg2[%add3A_79, %dma_start3A_80] : memref<16384x128xf32, #tpu.memory_space<hbm>> -> memref<128x128xf32, #tpu.memory_space<hbm>>
        %dma_start3A_82 = arith.constant 0 : i32
        %dma_start3A_83 = tpu.memref_slice %arg2[%add3A_79, %dma_start3A_82] : memref<16384x128xf32, #tpu.memory_space<hbm>> -> memref<128x128xf32, #tpu.memory_space<hbm>>
        tpu.enqueue_dma source(%dma_start3A_83 : memref<128x128xf32, #tpu.memory_space<hbm>>) target(%arg6 : memref<128x128xf32, #tpu.memory_space<vmem>>) target_semaphore(%arg8 : memref<!tpu.dma_semaphore, #tpu.memory_space<semaphore_mem>>)
      } else {
      }
      %add3A_59 = arith.constant 1 : i32
      %add3A_60 = arith.addi %add3A_46, %add3A_59 : i32
      %mul3A_61 = arith.constant 128 : i32
      %mul3A_62 = arith.muli %add3A_60, %mul3A_61 : i32
      %add3A_63 = arith.addi %mul3A_4, %mul3A_62 : i32
      %dma_wait3A_64 = arith.constant 0 : i32
      %dma_wait3A_65 = tpu.memref_slice %arg2[%add3A_63, %dma_wait3A_64] : memref<16384x128xf32, #tpu.memory_space<hbm>> -> memref<128x128xf32, #tpu.memory_space<hbm>>
      %dma_wait3A_66 = arith.constant 0 : i32
      %dma_wait3A_67 = tpu.memref_slice %arg2[%add3A_63, %dma_wait3A_66] : memref<16384x128xf32, #tpu.memory_space<hbm>> -> memref<128x128xf32, #tpu.memory_space<hbm>>
      tpu.wait_dma2 semaphore(%arg9 : memref<!tpu.dma_semaphore, #tpu.memory_space<semaphore_mem>>) src(%dma_wait3A_67 : memref<128x128xf32, #tpu.memory_space<hbm>>) dst(%arg7 : memref<128x128xf32, #tpu.memory_space<vmem>>)
      "tpu.region"() ({
        %run_scoped3A = tpu.sem_alloc : memref<!tpu.dma_semaphore, #tpu.memory_space<semaphore_mem>>
        %dma_start3A_75 = arith.constant 0 : i32
        %dma_start3A_76 = tpu.memref_slice %arg5[%add3A_60, %dma_start3A_75] : memref<4x128xi32, #tpu.memory_space<vmem>> -> memref<1x128xi32, #tpu.memory_space<vmem>>
        %dma_start3A_77 = tpu.memref_squeeze %dma_start3A_76 : memref<1x128xi32, #tpu.memory_space<vmem>> -> memref<128xi32, #tpu.memory_space<vmem>>
        %dma_start3A_78 = arith.constant 0 : i32
        %dma_start3A_79 = arith.constant 0 : i32
        %dma_start3A_80 = tpu.memref_slice %arg10[%dma_start3A_78, %dma_start3A_79] : memref<10112x128xf32, #tpu.memory_space<vmem_shared>> -> memref<10112x128xf32, #tpu.memory_space<vmem_shared>>
        tpu.enqueue_indirect_dma source(%arg7 : memref<128x128xf32, #tpu.memory_space<vmem>>) target(%dma_start3A_80 : memref<10112x128xf32, #tpu.memory_space<vmem_shared>>) offsets(%dma_start3A_77 : memref<128xi32, #tpu.memory_space<vmem>>) semaphore(%run_scoped3A : memref<!tpu.dma_semaphore, #tpu.memory_space<semaphore_mem>>) {add = true}
        %dma_wait3A_81 = arith.constant 0 : i32
        %dma_wait3A_82 = tpu.memref_slice %arg5[%add3A_60, %dma_wait3A_81] : memref<4x128xi32, #tpu.memory_space<vmem>> -> memref<1x128xi32, #tpu.memory_space<vmem>>
        %dma_wait3A_83 = tpu.memref_squeeze %dma_wait3A_82 : memref<1x128xi32, #tpu.memory_space<vmem>> -> memref<128xi32, #tpu.memory_space<vmem>>
        %dma_wait3A_84 = arith.constant 0 : i32
        %dma_wait3A_85 = arith.constant 0 : i32
        %dma_wait3A_86 = tpu.memref_slice %arg10[%dma_wait3A_84, %dma_wait3A_85] : memref<10112x128xf32, #tpu.memory_space<vmem_shared>> -> memref<10112x128xf32, #tpu.memory_space<vmem_shared>>
        tpu.wait_indirect_dma semaphore(%run_scoped3A : memref<!tpu.dma_semaphore, #tpu.memory_space<semaphore_mem>>) src(%arg7 : memref<128x128xf32, #tpu.memory_space<vmem>>) dst(%dma_wait3A_86 : memref<10112x128xf32, #tpu.memory_space<vmem_shared>>)
        tpu.yield
      }) : () -> ()
      %add3A_68 = arith.constant 2 : i32
      %add3A_69 = arith.addi %add3A_60, %add3A_68 : i32
      %lt3A_70 = arith.constant 4 : i32
      %lt3A_71 = arith.cmpi slt, %add3A_69, %lt3A_70 : i32
      %convert_element_type3A_72 = arith.extui %lt3A_71 : i1 to i32
      %cond3A_73 = arith.constant 0 : i32
      %cond3A_74 = arith.cmpi ne, %convert_element_type3A_72, %cond3A_73 : i32
      scf.if %cond3A_74 {
        %add3A_75 = arith.constant 2 : i32
        %add3A_76 = arith.addi %add3A_60, %add3A_75 : i32
        %mul3A_77 = arith.constant 128 : i32
        %mul3A_78 = arith.muli %add3A_76, %mul3A_77 : i32
        %add3A_79 = arith.addi %mul3A_4, %mul3A_78 : i32
        %dma_start3A_80 = arith.constant 0 : i32
        %dma_start3A_81 = tpu.memref_slice %arg2[%add3A_79, %dma_start3A_80] : memref<16384x128xf32, #tpu.memory_space<hbm>> -> memref<128x128xf32, #tpu.memory_space<hbm>>
        %dma_start3A_82 = arith.constant 0 : i32
        %dma_start3A_83 = tpu.memref_slice %arg2[%add3A_79, %dma_start3A_82] : memref<16384x128xf32, #tpu.memory_space<hbm>> -> memref<128x128xf32, #tpu.memory_space<hbm>>
        tpu.enqueue_dma source(%dma_start3A_83 : memref<128x128xf32, #tpu.memory_space<hbm>>) target(%arg7 : memref<128x128xf32, #tpu.memory_space<vmem>>) target_semaphore(%arg9 : memref<!tpu.dma_semaphore, #tpu.memory_space<semaphore_mem>>)
      } else {
      }
    }
    %scan3A_36 = arith.constant 2 : i32
    %barrier3A_37 = arith.constant 0 : index
    tpu.barrier barrier_id(%barrier3A_37)
    %mul3A_38 = arith.constant 632 : i32
    %mul3A_39 = arith.muli %arg1, %mul3A_38 : i32
    %mul3A_40 = arith.constant 632 : i32
    %mul3A_41 = arith.muli %arg1, %mul3A_40 : i32
    "tpu.region"() ({
      %run_scoped3A = tpu.sem_alloc : memref<!tpu.dma_semaphore, #tpu.memory_space<semaphore_mem>>
      %dma_start3A_42 = arith.constant 0 : i32
      %dma_start3A_43 = arith.constant 0 : i32
      %dma_start3A_44 = tpu.memref_slice %arg4[%arg0, %dma_start3A_42, %dma_start3A_43] : memref<2x10112x128xf32, #tpu.memory_space<hbm>> -> memref<1x10112x128xf32, #tpu.memory_space<hbm>>
      %dma_start3A_45 = tpu.memref_squeeze %dma_start3A_44 : memref<1x10112x128xf32, #tpu.memory_space<hbm>> -> memref<10112x128xf32, #tpu.memory_space<hbm>>
      %dma_start3A_46 = arith.constant 0 : i32
      %dma_start3A_47 = tpu.memref_slice %dma_start3A_45[%mul3A_41, %dma_start3A_46] : memref<10112x128xf32, #tpu.memory_space<hbm>> -> memref<632x128xf32, #tpu.memory_space<hbm>>
      %dma_start3A_48 = arith.constant 0 : i32
      %dma_start3A_49 = tpu.memref_slice %arg10[%mul3A_39, %dma_start3A_48] : memref<10112x128xf32, #tpu.memory_space<vmem_shared>> -> memref<632x128xf32, #tpu.memory_space<vmem_shared>>
      tpu.enqueue_dma source(%dma_start3A_49 : memref<632x128xf32, #tpu.memory_space<vmem_shared>>) target(%dma_start3A_47 : memref<632x128xf32, #tpu.memory_space<hbm>>) target_semaphore(%run_scoped3A : memref<!tpu.dma_semaphore, #tpu.memory_space<semaphore_mem>>)
      %dma_wait3A = arith.constant 0 : i32
      %dma_wait3A_50 = arith.constant 0 : i32
      %dma_wait3A_51 = tpu.memref_slice %arg4[%arg0, %dma_wait3A, %dma_wait3A_50] : memref<2x10112x128xf32, #tpu.memory_space<hbm>> -> memref<1x10112x128xf32, #tpu.memory_space<hbm>>
      %dma_wait3A_52 = tpu.memref_squeeze %dma_wait3A_51 : memref<1x10112x128xf32, #tpu.memory_space<hbm>> -> memref<10112x128xf32, #tpu.memory_space<hbm>>
      %dma_wait3A_53 = arith.constant 0 : i32
      %dma_wait3A_54 = tpu.memref_slice %dma_wait3A_52[%mul3A_41, %dma_wait3A_53] : memref<10112x128xf32, #tpu.memory_space<hbm>> -> memref<632x128xf32, #tpu.memory_space<hbm>>
      %dma_wait3A_55 = arith.constant 0 : i32
      %dma_wait3A_56 = tpu.memref_slice %arg10[%mul3A_39, %dma_wait3A_55] : memref<10112x128xf32, #tpu.memory_space<vmem_shared>> -> memref<632x128xf32, #tpu.memory_space<vmem_shared>>
      tpu.wait_dma2 semaphore(%run_scoped3A : memref<!tpu.dma_semaphore, #tpu.memory_space<semaphore_mem>>) src(%dma_wait3A_56 : memref<632x128xf32, #tpu.memory_space<vmem_shared>>) dst(%dma_wait3A_54 : memref<632x128xf32, #tpu.memory_space<hbm>>)
      tpu.yield
    }) : () -> ()
    return
  }
}

module attributes {stable_mosaic.version = 14 : i64} {
  func.func @_edge_mlp_body(%arg0: i32, %arg1: memref<1024x128xf32, #tpu.memory_space<vmem>>, %arg2: memref<1024x128xf32, #tpu.memory_space<vmem>>, %arg3: memref<1024x16xf32, #tpu.memory_space<vmem>>, %arg4: memref<128x128xbf16, #tpu.memory_space<vmem>>, %arg5: memref<128x128xbf16, #tpu.memory_space<vmem>>, %arg6: memref<16x128xf32, #tpu.memory_space<vmem>>, %arg7: memref<1x128xf32, #tpu.memory_space<vmem>>, %arg8: memref<128x128xbf16, #tpu.memory_space<vmem>>, %arg9: memref<1x128xf32, #tpu.memory_space<vmem>>, %arg10: memref<1024x128xf32, #tpu.memory_space<vmem>>) attributes {dimension_semantics = [#tpu.dimension_semantics<arbitrary>], iteration_bounds = array<i64: 104>, scalar_prefetch = 0 : i64, scratch_operands = 0 : i64, tpu.core_type = #tpu.core_type<tc>, window_params = [{transform_indices = @transform_0, window_bounds = array<i64: 1024, 128>}, {transform_indices = @transform_1, window_bounds = array<i64: 1024, 128>}, {transform_indices = @transform_2, window_bounds = array<i64: 1024, 16>}, {pipeline_mode = #tpu.pipeline_mode<synchronous>, transform_indices = @transform_3, window_bounds = array<i64: 128, 128>}, {pipeline_mode = #tpu.pipeline_mode<synchronous>, transform_indices = @transform_4, window_bounds = array<i64: 128, 128>}, {pipeline_mode = #tpu.pipeline_mode<synchronous>, transform_indices = @transform_5, window_bounds = array<i64: 16, 128>}, {pipeline_mode = #tpu.pipeline_mode<synchronous>, transform_indices = @transform_6, window_bounds = array<i64: 1, 128>}, {pipeline_mode = #tpu.pipeline_mode<synchronous>, transform_indices = @transform_7, window_bounds = array<i64: 128, 128>}, {pipeline_mode = #tpu.pipeline_mode<synchronous>, transform_indices = @transform_8, window_bounds = array<i64: 1, 128>}, {transform_indices = @transform_9, window_bounds = array<i64: 1024, 128>}]} {
    %get3A = arith.constant 0 : index
    %get3A_0 = arith.constant 0 : index
    %get3A_1 = vector.load %arg1[%get3A, %get3A_0] : memref<1024x128xf32, #tpu.memory_space<vmem>>, vector<1024x128xf32>
    %convert_element_type3A = arith.truncf %get3A_1 : vector<1024x128xf32> to vector<1024x128xbf16>
    %get3A_2 = arith.constant 0 : index
    %get3A_3 = arith.constant 0 : index
    %get3A_4 = vector.load %arg4[%get3A_2, %get3A_3] : memref<128x128xbf16, #tpu.memory_space<vmem>>, vector<128x128xbf16>
    %dot_general3A = arith.constant dense<0.000000e+00> : vector<1024x128xf32>
    %dot_general3A_5 = tpu.matmul %convert_element_type3A, %get3A_4, %dot_general3A {dimension_numbers = #tpu.dot_dimension_numbers<[1], [0], [0], [1], [0, 0, 1, 1], [], []>, transpose_lhs_hint = false} : vector<1024x128xbf16>, vector<128x128xbf16>, vector<1024x128xf32> -> vector<1024x128xf32>
    %get3A_6 = arith.constant 0 : index
    %get3A_7 = arith.constant 0 : index
    %get3A_8 = vector.load %arg2[%get3A_6, %get3A_7] : memref<1024x128xf32, #tpu.memory_space<vmem>>, vector<1024x128xf32>
    %convert_element_type3A_9 = arith.truncf %get3A_8 : vector<1024x128xf32> to vector<1024x128xbf16>
    %get3A_10 = arith.constant 0 : index
    %get3A_11 = arith.constant 0 : index
    %get3A_12 = vector.load %arg5[%get3A_10, %get3A_11] : memref<128x128xbf16, #tpu.memory_space<vmem>>, vector<128x128xbf16>
    %dot_general3A_13 = arith.constant dense<0.000000e+00> : vector<1024x128xf32>
    %dot_general3A_14 = tpu.matmul %convert_element_type3A_9, %get3A_12, %dot_general3A_13 {dimension_numbers = #tpu.dot_dimension_numbers<[1], [0], [0], [1], [0, 0, 1, 1], [], []>, transpose_lhs_hint = false} : vector<1024x128xbf16>, vector<128x128xbf16>, vector<1024x128xf32> -> vector<1024x128xf32>
    %add3A = arith.addf %dot_general3A_5, %dot_general3A_14 : vector<1024x128xf32>
    %get3A_15 = arith.constant 0 : index
    %get3A_16 = arith.constant 0 : index
    %get3A_17 = vector.load %arg3[%get3A_15, %get3A_16] : memref<1024x16xf32, #tpu.memory_space<vmem>>, vector<1024x16xf32>
    %get3A_18 = arith.constant 0 : index
    %get3A_19 = arith.constant 0 : index
    %get3A_20 = vector.load %arg6[%get3A_18, %get3A_19] : memref<16x128xf32, #tpu.memory_space<vmem>>, vector<16x128xf32>
    %dot_general3A_21 = arith.constant dense<0.000000e+00> : vector<1024x128xf32>
    %dot_general3A_22 = tpu.matmul %get3A_17, %get3A_20, %dot_general3A_21 {dimension_numbers = #tpu.dot_dimension_numbers<[1], [0], [0], [1], [0, 0, 1, 1], [], []>, transpose_lhs_hint = false} : vector<1024x16xf32>, vector<16x128xf32>, vector<1024x128xf32> -> vector<1024x128xf32>
    %add3A_23 = arith.addf %add3A, %dot_general3A_22 : vector<1024x128xf32>
    %get3A_24 = arith.constant 0 : index
    %get3A_25 = arith.constant 0 : index
    %get3A_26 = vector.load %arg7[%get3A_24, %get3A_25] : memref<1x128xf32, #tpu.memory_space<vmem>>, vector<1x128xf32>
    %add3A_27 = vector.broadcast %get3A_26 : vector<1x128xf32> to vector<1024x128xf32>
    %add3A_28 = arith.addf %add3A_23, %add3A_27 : vector<1024x128xf32>
    %min3A = arith.constant 4.000000e+01 : f32
    %min3A_29 = vector.broadcast %min3A : f32 to vector<1024x128xf32>
    %min3A_30 = arith.minimumf %add3A_28, %min3A_29 : vector<1024x128xf32>
    %exp3A = math.exp %min3A_30 : vector<1024x128xf32>
    %add3A_31 = arith.constant 2.000000e+00 : f32
    %add3A_32 = vector.broadcast %add3A_31 : f32 to vector<1024x128xf32>
    %add3A_33 = arith.addf %exp3A, %add3A_32 : vector<1024x128xf32>
    %mul3A = arith.mulf %exp3A, %add3A_33 : vector<1024x128xf32>
    %add3A_34 = arith.constant 2.000000e+00 : f32
    %add3A_35 = vector.broadcast %add3A_34 : f32 to vector<1024x128xf32>
    %add3A_36 = arith.addf %mul3A, %add3A_35 : vector<1024x128xf32>
    %div3A = arith.divf %mul3A, %add3A_36 : vector<1024x128xf32>
    %mul3A_37 = arith.mulf %add3A_28, %div3A : vector<1024x128xf32>
    %convert_element_type3A_38 = arith.truncf %mul3A_37 : vector<1024x128xf32> to vector<1024x128xbf16>
    %get3A_39 = arith.constant 0 : index
    %get3A_40 = arith.constant 0 : index
    %get3A_41 = vector.load %arg8[%get3A_39, %get3A_40] : memref<128x128xbf16, #tpu.memory_space<vmem>>, vector<128x128xbf16>
    %dot_general3A_42 = arith.constant dense<0.000000e+00> : vector<1024x128xf32>
    %dot_general3A_43 = tpu.matmul %convert_element_type3A_38, %get3A_41, %dot_general3A_42 {dimension_numbers = #tpu.dot_dimension_numbers<[1], [0], [0], [1], [0, 0, 1, 1], [], []>, transpose_lhs_hint = false} : vector<1024x128xbf16>, vector<128x128xbf16>, vector<1024x128xf32> -> vector<1024x128xf32>
    %get3A_44 = arith.constant 0 : index
    %get3A_45 = arith.constant 0 : index
    %get3A_46 = vector.load %arg9[%get3A_44, %get3A_45] : memref<1x128xf32, #tpu.memory_space<vmem>>, vector<1x128xf32>
    %add3A_47 = vector.broadcast %get3A_46 : vector<1x128xf32> to vector<1024x128xf32>
    %add3A_48 = arith.addf %dot_general3A_43, %add3A_47 : vector<1024x128xf32>
    %min3A_49 = arith.constant 4.000000e+01 : f32
    %min3A_50 = vector.broadcast %min3A_49 : f32 to vector<1024x128xf32>
    %min3A_51 = arith.minimumf %add3A_48, %min3A_50 : vector<1024x128xf32>
    %exp3A_52 = math.exp %min3A_51 : vector<1024x128xf32>
    %add3A_53 = arith.constant 2.000000e+00 : f32
    %add3A_54 = vector.broadcast %add3A_53 : f32 to vector<1024x128xf32>
    %add3A_55 = arith.addf %exp3A_52, %add3A_54 : vector<1024x128xf32>
    %mul3A_56 = arith.mulf %exp3A_52, %add3A_55 : vector<1024x128xf32>
    %add3A_57 = arith.constant 2.000000e+00 : f32
    %add3A_58 = vector.broadcast %add3A_57 : f32 to vector<1024x128xf32>
    %add3A_59 = arith.addf %mul3A_56, %add3A_58 : vector<1024x128xf32>
    %div3A_60 = arith.divf %mul3A_56, %add3A_59 : vector<1024x128xf32>
    %mul3A_61 = arith.mulf %add3A_48, %div3A_60 : vector<1024x128xf32>
    %swap3A = arith.constant 0 : index
    %swap3A_62 = arith.constant 0 : index
    %swap3A_63 = vector.load %arg10[%swap3A, %swap3A_62] : memref<1024x128xf32, #tpu.memory_space<vmem>>, vector<1024x128xf32>
    tpu.vector_store %arg10[%swap3A, %swap3A_62], %mul3A_61 {strides = array<i32>} : memref<1024x128xf32, #tpu.memory_space<vmem>>, vector<1024x128xf32>,
    return
  }
  func.func @transform_0(%arg0: i32) -> (i32, i32) {
    %c0_i32 = arith.constant 0 : i32
    %c0_i32_0 = arith.constant 0 : i32
    return %arg0, %c0_i32 : i32, i32
  }
  func.func @transform_1(%arg0: i32) -> (i32, i32) {
    %add3A = arith.constant 104 : i32
    %add3A_0 = arith.addi %arg0, %add3A : i32
    %c0_i32 = arith.constant 0 : i32
    %c0_i32_1 = arith.constant 0 : i32
    return %add3A_0, %c0_i32 : i32, i32
  }
  func.func @transform_2(%arg0: i32) -> (i32, i32) {
    %c0_i32 = arith.constant 0 : i32
    %c0_i32_0 = arith.constant 0 : i32
    return %arg0, %c0_i32 : i32, i32
  }
  func.func @transform_3(%arg0: i32) -> (i32, i32) {
    %c0_i32 = arith.constant 0 : i32
    %c0_i32_0 = arith.constant 0 : i32
    %c0_i32_1 = arith.constant 0 : i32
    return %c0_i32, %c0_i32_0 : i32, i32
  }
  func.func @transform_4(%arg0: i32) -> (i32, i32) {
    %c0_i32 = arith.constant 0 : i32
    %c0_i32_0 = arith.constant 0 : i32
    %c0_i32_1 = arith.constant 0 : i32
    return %c0_i32, %c0_i32_0 : i32, i32
  }
  func.func @transform_5(%arg0: i32) -> (i32, i32) {
    %c0_i32 = arith.constant 0 : i32
    %c0_i32_0 = arith.constant 0 : i32
    %c0_i32_1 = arith.constant 0 : i32
    return %c0_i32, %c0_i32_0 : i32, i32
  }
  func.func @transform_6(%arg0: i32) -> (i32, i32) {
    %c0_i32 = arith.constant 0 : i32
    %c0_i32_0 = arith.constant 0 : i32
    %c0_i32_1 = arith.constant 0 : i32
    return %c0_i32, %c0_i32_0 : i32, i32
  }
  func.func @transform_7(%arg0: i32) -> (i32, i32) {
    %c0_i32 = arith.constant 0 : i32
    %c0_i32_0 = arith.constant 0 : i32
    %c0_i32_1 = arith.constant 0 : i32
    return %c0_i32, %c0_i32_0 : i32, i32
  }
  func.func @transform_8(%arg0: i32) -> (i32, i32) {
    %c0_i32 = arith.constant 0 : i32
    %c0_i32_0 = arith.constant 0 : i32
    %c0_i32_1 = arith.constant 0 : i32
    return %c0_i32, %c0_i32_0 : i32, i32
  }
  func.func @transform_9(%arg0: i32) -> (i32, i32) {
    %c0_i32 = arith.constant 0 : i32
    %c0_i32_0 = arith.constant 0 : i32
    return %arg0, %c0_i32 : i32, i32
  }
}

module attributes {stable_mosaic.version = 14 : i64} {
  func.func @_edge_mlp_body(%arg0: i32, %arg1: memref<1024x128xf32, #tpu.memory_space<vmem>>, %arg2: memref<1024x128xf32, #tpu.memory_space<vmem>>, %arg3: memref<1024x16xf32, #tpu.memory_space<vmem>>, %arg4: memref<128x128xbf16, #tpu.memory_space<vmem>>, %arg5: memref<128x128xbf16, #tpu.memory_space<vmem>>, %arg6: memref<16x128xf32, #tpu.memory_space<vmem>>, %arg7: memref<1x128xf32, #tpu.memory_space<vmem>>, %arg8: memref<128x128xbf16, #tpu.memory_space<vmem>>, %arg9: memref<1x128xf32, #tpu.memory_space<vmem>>, %arg10: memref<1024x128xf32, #tpu.memory_space<vmem>>) attributes {dimension_semantics = [#tpu.dimension_semantics<arbitrary>], iteration_bounds = array<i64: 96>, scalar_prefetch = 0 : i64, scratch_operands = 0 : i64, tpu.core_type = #tpu.core_type<tc>, window_params = [{transform_indices = @transform_0, window_bounds = array<i64: 1024, 128>}, {transform_indices = @transform_1, window_bounds = array<i64: 1024, 128>}, {transform_indices = @transform_2, window_bounds = array<i64: 1024, 16>}, {pipeline_mode = #tpu.pipeline_mode<synchronous>, transform_indices = @transform_3, window_bounds = array<i64: 128, 128>}, {pipeline_mode = #tpu.pipeline_mode<synchronous>, transform_indices = @transform_4, window_bounds = array<i64: 128, 128>}, {pipeline_mode = #tpu.pipeline_mode<synchronous>, transform_indices = @transform_5, window_bounds = array<i64: 16, 128>}, {pipeline_mode = #tpu.pipeline_mode<synchronous>, transform_indices = @transform_6, window_bounds = array<i64: 1, 128>}, {pipeline_mode = #tpu.pipeline_mode<synchronous>, transform_indices = @transform_7, window_bounds = array<i64: 128, 128>}, {pipeline_mode = #tpu.pipeline_mode<synchronous>, transform_indices = @transform_8, window_bounds = array<i64: 1, 128>}, {transform_indices = @transform_9, window_bounds = array<i64: 1024, 128>}]} {
    %get3A = arith.constant 0 : index
    %get3A_0 = arith.constant 0 : index
    %get3A_1 = vector.load %arg1[%get3A, %get3A_0] : memref<1024x128xf32, #tpu.memory_space<vmem>>, vector<1024x128xf32>
    %convert_element_type3A = arith.truncf %get3A_1 : vector<1024x128xf32> to vector<1024x128xbf16>
    %get3A_2 = arith.constant 0 : index
    %get3A_3 = arith.constant 0 : index
    %get3A_4 = vector.load %arg4[%get3A_2, %get3A_3] : memref<128x128xbf16, #tpu.memory_space<vmem>>, vector<128x128xbf16>
    %dot_general3A = arith.constant dense<0.000000e+00> : vector<1024x128xf32>
    %dot_general3A_5 = tpu.matmul %convert_element_type3A, %get3A_4, %dot_general3A {dimension_numbers = #tpu.dot_dimension_numbers<[1], [0], [0], [1], [0, 0, 1, 1], [], []>, transpose_lhs_hint = false} : vector<1024x128xbf16>, vector<128x128xbf16>, vector<1024x128xf32> -> vector<1024x128xf32>
    %get3A_6 = arith.constant 0 : index
    %get3A_7 = arith.constant 0 : index
    %get3A_8 = vector.load %arg2[%get3A_6, %get3A_7] : memref<1024x128xf32, #tpu.memory_space<vmem>>, vector<1024x128xf32>
    %convert_element_type3A_9 = arith.truncf %get3A_8 : vector<1024x128xf32> to vector<1024x128xbf16>
    %get3A_10 = arith.constant 0 : index
    %get3A_11 = arith.constant 0 : index
    %get3A_12 = vector.load %arg5[%get3A_10, %get3A_11] : memref<128x128xbf16, #tpu.memory_space<vmem>>, vector<128x128xbf16>
    %dot_general3A_13 = arith.constant dense<0.000000e+00> : vector<1024x128xf32>
    %dot_general3A_14 = tpu.matmul %convert_element_type3A_9, %get3A_12, %dot_general3A_13 {dimension_numbers = #tpu.dot_dimension_numbers<[1], [0], [0], [1], [0, 0, 1, 1], [], []>, transpose_lhs_hint = false} : vector<1024x128xbf16>, vector<128x128xbf16>, vector<1024x128xf32> -> vector<1024x128xf32>
    %add3A = arith.addf %dot_general3A_5, %dot_general3A_14 : vector<1024x128xf32>
    %get3A_15 = arith.constant 0 : index
    %get3A_16 = arith.constant 0 : index
    %get3A_17 = vector.load %arg3[%get3A_15, %get3A_16] : memref<1024x16xf32, #tpu.memory_space<vmem>>, vector<1024x16xf32>
    %get3A_18 = arith.constant 0 : index
    %get3A_19 = arith.constant 0 : index
    %get3A_20 = vector.load %arg6[%get3A_18, %get3A_19] : memref<16x128xf32, #tpu.memory_space<vmem>>, vector<16x128xf32>
    %dot_general3A_21 = arith.constant dense<0.000000e+00> : vector<1024x128xf32>
    %dot_general3A_22 = tpu.matmul %get3A_17, %get3A_20, %dot_general3A_21 {dimension_numbers = #tpu.dot_dimension_numbers<[1], [0], [0], [1], [0, 0, 1, 1], [], []>, transpose_lhs_hint = false} : vector<1024x16xf32>, vector<16x128xf32>, vector<1024x128xf32> -> vector<1024x128xf32>
    %add3A_23 = arith.addf %add3A, %dot_general3A_22 : vector<1024x128xf32>
    %get3A_24 = arith.constant 0 : index
    %get3A_25 = arith.constant 0 : index
    %get3A_26 = vector.load %arg7[%get3A_24, %get3A_25] : memref<1x128xf32, #tpu.memory_space<vmem>>, vector<1x128xf32>
    %add3A_27 = vector.broadcast %get3A_26 : vector<1x128xf32> to vector<1024x128xf32>
    %add3A_28 = arith.addf %add3A_23, %add3A_27 : vector<1024x128xf32>
    %min3A = arith.constant 4.000000e+01 : f32
    %min3A_29 = vector.broadcast %min3A : f32 to vector<1024x128xf32>
    %min3A_30 = arith.minimumf %add3A_28, %min3A_29 : vector<1024x128xf32>
    %exp3A = math.exp %min3A_30 : vector<1024x128xf32>
    %add3A_31 = arith.constant 2.000000e+00 : f32
    %add3A_32 = vector.broadcast %add3A_31 : f32 to vector<1024x128xf32>
    %add3A_33 = arith.addf %exp3A, %add3A_32 : vector<1024x128xf32>
    %mul3A = arith.mulf %exp3A, %add3A_33 : vector<1024x128xf32>
    %add3A_34 = arith.constant 2.000000e+00 : f32
    %add3A_35 = vector.broadcast %add3A_34 : f32 to vector<1024x128xf32>
    %add3A_36 = arith.addf %mul3A, %add3A_35 : vector<1024x128xf32>
    %div3A = arith.divf %mul3A, %add3A_36 : vector<1024x128xf32>
    %mul3A_37 = arith.mulf %add3A_28, %div3A : vector<1024x128xf32>
    %convert_element_type3A_38 = arith.truncf %mul3A_37 : vector<1024x128xf32> to vector<1024x128xbf16>
    %get3A_39 = arith.constant 0 : index
    %get3A_40 = arith.constant 0 : index
    %get3A_41 = vector.load %arg8[%get3A_39, %get3A_40] : memref<128x128xbf16, #tpu.memory_space<vmem>>, vector<128x128xbf16>
    %dot_general3A_42 = arith.constant dense<0.000000e+00> : vector<1024x128xf32>
    %dot_general3A_43 = tpu.matmul %convert_element_type3A_38, %get3A_41, %dot_general3A_42 {dimension_numbers = #tpu.dot_dimension_numbers<[1], [0], [0], [1], [0, 0, 1, 1], [], []>, transpose_lhs_hint = false} : vector<1024x128xbf16>, vector<128x128xbf16>, vector<1024x128xf32> -> vector<1024x128xf32>
    %get3A_44 = arith.constant 0 : index
    %get3A_45 = arith.constant 0 : index
    %get3A_46 = vector.load %arg9[%get3A_44, %get3A_45] : memref<1x128xf32, #tpu.memory_space<vmem>>, vector<1x128xf32>
    %add3A_47 = vector.broadcast %get3A_46 : vector<1x128xf32> to vector<1024x128xf32>
    %add3A_48 = arith.addf %dot_general3A_43, %add3A_47 : vector<1024x128xf32>
    %min3A_49 = arith.constant 4.000000e+01 : f32
    %min3A_50 = vector.broadcast %min3A_49 : f32 to vector<1024x128xf32>
    %min3A_51 = arith.minimumf %add3A_48, %min3A_50 : vector<1024x128xf32>
    %exp3A_52 = math.exp %min3A_51 : vector<1024x128xf32>
    %add3A_53 = arith.constant 2.000000e+00 : f32
    %add3A_54 = vector.broadcast %add3A_53 : f32 to vector<1024x128xf32>
    %add3A_55 = arith.addf %exp3A_52, %add3A_54 : vector<1024x128xf32>
    %mul3A_56 = arith.mulf %exp3A_52, %add3A_55 : vector<1024x128xf32>
    %add3A_57 = arith.constant 2.000000e+00 : f32
    %add3A_58 = vector.broadcast %add3A_57 : f32 to vector<1024x128xf32>
    %add3A_59 = arith.addf %mul3A_56, %add3A_58 : vector<1024x128xf32>
    %div3A_60 = arith.divf %mul3A_56, %add3A_59 : vector<1024x128xf32>
    %mul3A_61 = arith.mulf %add3A_48, %div3A_60 : vector<1024x128xf32>
    %swap3A = arith.constant 0 : index
    %swap3A_62 = arith.constant 0 : index
    %swap3A_63 = vector.load %arg10[%swap3A, %swap3A_62] : memref<1024x128xf32, #tpu.memory_space<vmem>>, vector<1024x128xf32>
    tpu.vector_store %arg10[%swap3A, %swap3A_62], %mul3A_61 {strides = array<i32>} : memref<1024x128xf32, #tpu.memory_space<vmem>>, vector<1024x128xf32>,
    return
  }
  func.func @transform_0(%arg0: i32) -> (i32, i32) {
    %c0_i32 = arith.constant 0 : i32
    %c0_i32_0 = arith.constant 0 : i32
    return %arg0, %c0_i32 : i32, i32
  }
  func.func @transform_1(%arg0: i32) -> (i32, i32) {
    %add3A = arith.constant 96 : i32
    %add3A_0 = arith.addi %arg0, %add3A : i32
    %c0_i32 = arith.constant 0 : i32
    %c0_i32_1 = arith.constant 0 : i32
    return %add3A_0, %c0_i32 : i32, i32
  }
  func.func @transform_2(%arg0: i32) -> (i32, i32) {
    %c0_i32 = arith.constant 0 : i32
    %c0_i32_0 = arith.constant 0 : i32
    return %arg0, %c0_i32 : i32, i32
  }
  func.func @transform_3(%arg0: i32) -> (i32, i32) {
    %c0_i32 = arith.constant 0 : i32
    %c0_i32_0 = arith.constant 0 : i32
    %c0_i32_1 = arith.constant 0 : i32
    return %c0_i32, %c0_i32_0 : i32, i32
  }
  func.func @transform_4(%arg0: i32) -> (i32, i32) {
    %c0_i32 = arith.constant 0 : i32
    %c0_i32_0 = arith.constant 0 : i32
    %c0_i32_1 = arith.constant 0 : i32
    return %c0_i32, %c0_i32_0 : i32, i32
  }
  func.func @transform_5(%arg0: i32) -> (i32, i32) {
    %c0_i32 = arith.constant 0 : i32
    %c0_i32_0 = arith.constant 0 : i32
    %c0_i32_1 = arith.constant 0 : i32
    return %c0_i32, %c0_i32_0 : i32, i32
  }
  func.func @transform_6(%arg0: i32) -> (i32, i32) {
    %c0_i32 = arith.constant 0 : i32
    %c0_i32_0 = arith.constant 0 : i32
    %c0_i32_1 = arith.constant 0 : i32
    return %c0_i32, %c0_i32_0 : i32, i32
  }
  func.func @transform_7(%arg0: i32) -> (i32, i32) {
    %c0_i32 = arith.constant 0 : i32
    %c0_i32_0 = arith.constant 0 : i32
    %c0_i32_1 = arith.constant 0 : i32
    return %c0_i32, %c0_i32_0 : i32, i32
  }
  func.func @transform_8(%arg0: i32) -> (i32, i32) {
    %c0_i32 = arith.constant 0 : i32
    %c0_i32_0 = arith.constant 0 : i32
    %c0_i32_1 = arith.constant 0 : i32
    return %c0_i32, %c0_i32_0 : i32, i32
  }
  func.func @transform_9(%arg0: i32) -> (i32, i32) {
    %c0_i32 = arith.constant 0 : i32
    %c0_i32_0 = arith.constant 0 : i32
    return %arg0, %c0_i32 : i32, i32
  }
}

module attributes {stable_mosaic.version = 14 : i64} {
  func.func @_edge_mlp_body(%arg0: i32, %arg1: memref<1024x128xf32, #tpu.memory_space<vmem>>, %arg2: memref<1024x128xf32, #tpu.memory_space<vmem>>, %arg3: memref<1024x16xf32, #tpu.memory_space<vmem>>, %arg4: memref<128x128xbf16, #tpu.memory_space<vmem>>, %arg5: memref<128x128xbf16, #tpu.memory_space<vmem>>, %arg6: memref<16x128xf32, #tpu.memory_space<vmem>>, %arg7: memref<1x128xf32, #tpu.memory_space<vmem>>, %arg8: memref<128x128xbf16, #tpu.memory_space<vmem>>, %arg9: memref<1x128xf32, #tpu.memory_space<vmem>>, %arg10: memref<1024x128xf32, #tpu.memory_space<vmem>>) attributes {dimension_semantics = [#tpu.dimension_semantics<arbitrary>], iteration_bounds = array<i64: 16>, scalar_prefetch = 0 : i64, scratch_operands = 0 : i64, tpu.core_type = #tpu.core_type<tc>, window_params = [{transform_indices = @transform_0, window_bounds = array<i64: 1024, 128>}, {transform_indices = @transform_1, window_bounds = array<i64: 1024, 128>}, {transform_indices = @transform_2, window_bounds = array<i64: 1024, 16>}, {pipeline_mode = #tpu.pipeline_mode<synchronous>, transform_indices = @transform_3, window_bounds = array<i64: 128, 128>}, {pipeline_mode = #tpu.pipeline_mode<synchronous>, transform_indices = @transform_4, window_bounds = array<i64: 128, 128>}, {pipeline_mode = #tpu.pipeline_mode<synchronous>, transform_indices = @transform_5, window_bounds = array<i64: 16, 128>}, {pipeline_mode = #tpu.pipeline_mode<synchronous>, transform_indices = @transform_6, window_bounds = array<i64: 1, 128>}, {pipeline_mode = #tpu.pipeline_mode<synchronous>, transform_indices = @transform_7, window_bounds = array<i64: 128, 128>}, {pipeline_mode = #tpu.pipeline_mode<synchronous>, transform_indices = @transform_8, window_bounds = array<i64: 1, 128>}, {transform_indices = @transform_9, window_bounds = array<i64: 1024, 128>}]} {
    %get3A = arith.constant 0 : index
    %get3A_0 = arith.constant 0 : index
    %get3A_1 = vector.load %arg1[%get3A, %get3A_0] : memref<1024x128xf32, #tpu.memory_space<vmem>>, vector<1024x128xf32>
    %convert_element_type3A = arith.truncf %get3A_1 : vector<1024x128xf32> to vector<1024x128xbf16>
    %get3A_2 = arith.constant 0 : index
    %get3A_3 = arith.constant 0 : index
    %get3A_4 = vector.load %arg4[%get3A_2, %get3A_3] : memref<128x128xbf16, #tpu.memory_space<vmem>>, vector<128x128xbf16>
    %dot_general3A = arith.constant dense<0.000000e+00> : vector<1024x128xf32>
    %dot_general3A_5 = tpu.matmul %convert_element_type3A, %get3A_4, %dot_general3A {dimension_numbers = #tpu.dot_dimension_numbers<[1], [0], [0], [1], [0, 0, 1, 1], [], []>, transpose_lhs_hint = false} : vector<1024x128xbf16>, vector<128x128xbf16>, vector<1024x128xf32> -> vector<1024x128xf32>
    %get3A_6 = arith.constant 0 : index
    %get3A_7 = arith.constant 0 : index
    %get3A_8 = vector.load %arg2[%get3A_6, %get3A_7] : memref<1024x128xf32, #tpu.memory_space<vmem>>, vector<1024x128xf32>
    %convert_element_type3A_9 = arith.truncf %get3A_8 : vector<1024x128xf32> to vector<1024x128xbf16>
    %get3A_10 = arith.constant 0 : index
    %get3A_11 = arith.constant 0 : index
    %get3A_12 = vector.load %arg5[%get3A_10, %get3A_11] : memref<128x128xbf16, #tpu.memory_space<vmem>>, vector<128x128xbf16>
    %dot_general3A_13 = arith.constant dense<0.000000e+00> : vector<1024x128xf32>
    %dot_general3A_14 = tpu.matmul %convert_element_type3A_9, %get3A_12, %dot_general3A_13 {dimension_numbers = #tpu.dot_dimension_numbers<[1], [0], [0], [1], [0, 0, 1, 1], [], []>, transpose_lhs_hint = false} : vector<1024x128xbf16>, vector<128x128xbf16>, vector<1024x128xf32> -> vector<1024x128xf32>
    %add3A = arith.addf %dot_general3A_5, %dot_general3A_14 : vector<1024x128xf32>
    %get3A_15 = arith.constant 0 : index
    %get3A_16 = arith.constant 0 : index
    %get3A_17 = vector.load %arg3[%get3A_15, %get3A_16] : memref<1024x16xf32, #tpu.memory_space<vmem>>, vector<1024x16xf32>
    %get3A_18 = arith.constant 0 : index
    %get3A_19 = arith.constant 0 : index
    %get3A_20 = vector.load %arg6[%get3A_18, %get3A_19] : memref<16x128xf32, #tpu.memory_space<vmem>>, vector<16x128xf32>
    %dot_general3A_21 = arith.constant dense<0.000000e+00> : vector<1024x128xf32>
    %dot_general3A_22 = tpu.matmul %get3A_17, %get3A_20, %dot_general3A_21 {dimension_numbers = #tpu.dot_dimension_numbers<[1], [0], [0], [1], [0, 0, 1, 1], [], []>, transpose_lhs_hint = false} : vector<1024x16xf32>, vector<16x128xf32>, vector<1024x128xf32> -> vector<1024x128xf32>
    %add3A_23 = arith.addf %add3A, %dot_general3A_22 : vector<1024x128xf32>
    %get3A_24 = arith.constant 0 : index
    %get3A_25 = arith.constant 0 : index
    %get3A_26 = vector.load %arg7[%get3A_24, %get3A_25] : memref<1x128xf32, #tpu.memory_space<vmem>>, vector<1x128xf32>
    %add3A_27 = vector.broadcast %get3A_26 : vector<1x128xf32> to vector<1024x128xf32>
    %add3A_28 = arith.addf %add3A_23, %add3A_27 : vector<1024x128xf32>
    %min3A = arith.constant 4.000000e+01 : f32
    %min3A_29 = vector.broadcast %min3A : f32 to vector<1024x128xf32>
    %min3A_30 = arith.minimumf %add3A_28, %min3A_29 : vector<1024x128xf32>
    %exp3A = math.exp %min3A_30 : vector<1024x128xf32>
    %add3A_31 = arith.constant 2.000000e+00 : f32
    %add3A_32 = vector.broadcast %add3A_31 : f32 to vector<1024x128xf32>
    %add3A_33 = arith.addf %exp3A, %add3A_32 : vector<1024x128xf32>
    %mul3A = arith.mulf %exp3A, %add3A_33 : vector<1024x128xf32>
    %add3A_34 = arith.constant 2.000000e+00 : f32
    %add3A_35 = vector.broadcast %add3A_34 : f32 to vector<1024x128xf32>
    %add3A_36 = arith.addf %mul3A, %add3A_35 : vector<1024x128xf32>
    %div3A = arith.divf %mul3A, %add3A_36 : vector<1024x128xf32>
    %mul3A_37 = arith.mulf %add3A_28, %div3A : vector<1024x128xf32>
    %convert_element_type3A_38 = arith.truncf %mul3A_37 : vector<1024x128xf32> to vector<1024x128xbf16>
    %get3A_39 = arith.constant 0 : index
    %get3A_40 = arith.constant 0 : index
    %get3A_41 = vector.load %arg8[%get3A_39, %get3A_40] : memref<128x128xbf16, #tpu.memory_space<vmem>>, vector<128x128xbf16>
    %dot_general3A_42 = arith.constant dense<0.000000e+00> : vector<1024x128xf32>
    %dot_general3A_43 = tpu.matmul %convert_element_type3A_38, %get3A_41, %dot_general3A_42 {dimension_numbers = #tpu.dot_dimension_numbers<[1], [0], [0], [1], [0, 0, 1, 1], [], []>, transpose_lhs_hint = false} : vector<1024x128xbf16>, vector<128x128xbf16>, vector<1024x128xf32> -> vector<1024x128xf32>
    %get3A_44 = arith.constant 0 : index
    %get3A_45 = arith.constant 0 : index
    %get3A_46 = vector.load %arg9[%get3A_44, %get3A_45] : memref<1x128xf32, #tpu.memory_space<vmem>>, vector<1x128xf32>
    %add3A_47 = vector.broadcast %get3A_46 : vector<1x128xf32> to vector<1024x128xf32>
    %add3A_48 = arith.addf %dot_general3A_43, %add3A_47 : vector<1024x128xf32>
    %min3A_49 = arith.constant 4.000000e+01 : f32
    %min3A_50 = vector.broadcast %min3A_49 : f32 to vector<1024x128xf32>
    %min3A_51 = arith.minimumf %add3A_48, %min3A_50 : vector<1024x128xf32>
    %exp3A_52 = math.exp %min3A_51 : vector<1024x128xf32>
    %add3A_53 = arith.constant 2.000000e+00 : f32
    %add3A_54 = vector.broadcast %add3A_53 : f32 to vector<1024x128xf32>
    %add3A_55 = arith.addf %exp3A_52, %add3A_54 : vector<1024x128xf32>
    %mul3A_56 = arith.mulf %exp3A_52, %add3A_55 : vector<1024x128xf32>
    %add3A_57 = arith.constant 2.000000e+00 : f32
    %add3A_58 = vector.broadcast %add3A_57 : f32 to vector<1024x128xf32>
    %add3A_59 = arith.addf %mul3A_56, %add3A_58 : vector<1024x128xf32>
    %div3A_60 = arith.divf %mul3A_56, %add3A_59 : vector<1024x128xf32>
    %mul3A_61 = arith.mulf %add3A_48, %div3A_60 : vector<1024x128xf32>
    %swap3A = arith.constant 0 : index
    %swap3A_62 = arith.constant 0 : index
    %swap3A_63 = vector.load %arg10[%swap3A, %swap3A_62] : memref<1024x128xf32, #tpu.memory_space<vmem>>, vector<1024x128xf32>
    tpu.vector_store %arg10[%swap3A, %swap3A_62], %mul3A_61 {strides = array<i32>} : memref<1024x128xf32, #tpu.memory_space<vmem>>, vector<1024x128xf32>,
    return
  }
  func.func @transform_0(%arg0: i32) -> (i32, i32) {
    %c0_i32 = arith.constant 0 : i32
    %c0_i32_0 = arith.constant 0 : i32
    return %arg0, %c0_i32 : i32, i32
  }
  func.func @transform_1(%arg0: i32) -> (i32, i32) {
    %add3A = arith.constant 16 : i32
    %add3A_0 = arith.addi %arg0, %add3A : i32
    %c0_i32 = arith.constant 0 : i32
    %c0_i32_1 = arith.constant 0 : i32
    return %add3A_0, %c0_i32 : i32, i32
  }
  func.func @transform_2(%arg0: i32) -> (i32, i32) {
    %c0_i32 = arith.constant 0 : i32
    %c0_i32_0 = arith.constant 0 : i32
    return %arg0, %c0_i32 : i32, i32
  }
  func.func @transform_3(%arg0: i32) -> (i32, i32) {
    %c0_i32 = arith.constant 0 : i32
    %c0_i32_0 = arith.constant 0 : i32
    %c0_i32_1 = arith.constant 0 : i32
    return %c0_i32, %c0_i32_0 : i32, i32
  }
  func.func @transform_4(%arg0: i32) -> (i32, i32) {
    %c0_i32 = arith.constant 0 : i32
    %c0_i32_0 = arith.constant 0 : i32
    %c0_i32_1 = arith.constant 0 : i32
    return %c0_i32, %c0_i32_0 : i32, i32
  }
  func.func @transform_5(%arg0: i32) -> (i32, i32) {
    %c0_i32 = arith.constant 0 : i32
    %c0_i32_0 = arith.constant 0 : i32
    %c0_i32_1 = arith.constant 0 : i32
    return %c0_i32, %c0_i32_0 : i32, i32
  }
  func.func @transform_6(%arg0: i32) -> (i32, i32) {
    %c0_i32 = arith.constant 0 : i32
    %c0_i32_0 = arith.constant 0 : i32
    %c0_i32_1 = arith.constant 0 : i32
    return %c0_i32, %c0_i32_0 : i32, i32
  }
  func.func @transform_7(%arg0: i32) -> (i32, i32) {
    %c0_i32 = arith.constant 0 : i32
    %c0_i32_0 = arith.constant 0 : i32
    %c0_i32_1 = arith.constant 0 : i32
    return %c0_i32, %c0_i32_0 : i32, i32
  }
  func.func @transform_8(%arg0: i32) -> (i32, i32) {
    %c0_i32 = arith.constant 0 : i32
    %c0_i32_0 = arith.constant 0 : i32
    %c0_i32_1 = arith.constant 0 : i32
    return %c0_i32, %c0_i32_0 : i32, i32
  }
  func.func @transform_9(%arg0: i32) -> (i32, i32) {
    %c0_i32 = arith.constant 0 : i32
    %c0_i32_0 = arith.constant 0 : i32
    return %arg0, %c0_i32 : i32, i32
  }
}

module attributes {stable_mosaic.version = 14 : i64} {
  func.func @_node_mlp_body(%arg0: i32, %arg1: memref<400x128xf32, #tpu.memory_space<vmem>>, %arg2: memref<2x400x128xf32, #tpu.memory_space<vmem>>, %arg3: memref<2x400x128xf32, #tpu.memory_space<vmem>>, %arg4: memref<2x400x128xf32, #tpu.memory_space<vmem>>, %arg5: memref<2x400x128xf32, #tpu.memory_space<vmem>>, %arg6: memref<128x128xf32, #tpu.memory_space<vmem>>, %arg7: memref<128x128xf32, #tpu.memory_space<vmem>>, %arg8: memref<1x128xf32, #tpu.memory_space<vmem>>, %arg9: memref<128x128xf32, #tpu.memory_space<vmem>>, %arg10: memref<1x128xf32, #tpu.memory_space<vmem>>, %arg11: memref<1x128xf32, #tpu.memory_space<vmem>>, %arg12: memref<1x128xf32, #tpu.memory_space<vmem>>, %arg13: memref<400x128xf32, #tpu.memory_space<vmem>>) attributes {dimension_semantics = [#tpu.dimension_semantics<arbitrary>], iteration_bounds = array<i64: 25>, scalar_prefetch = 0 : i64, scratch_operands = 0 : i64, tpu.core_type = #tpu.core_type<tc>, window_params = [{transform_indices = @transform_0, window_bounds = array<i64: 400, 128>}, {transform_indices = @transform_1, window_bounds = array<i64: 2, 400, 128>}, {transform_indices = @transform_2, window_bounds = array<i64: 2, 400, 128>}, {transform_indices = @transform_3, window_bounds = array<i64: 2, 400, 128>}, {transform_indices = @transform_4, window_bounds = array<i64: 2, 400, 128>}, {pipeline_mode = #tpu.pipeline_mode<synchronous>, transform_indices = @transform_5, window_bounds = array<i64: 128, 128>}, {pipeline_mode = #tpu.pipeline_mode<synchronous>, transform_indices = @transform_6, window_bounds = array<i64: 128, 128>}, {pipeline_mode = #tpu.pipeline_mode<synchronous>, transform_indices = @transform_7, window_bounds = array<i64: 1, 128>}, {pipeline_mode = #tpu.pipeline_mode<synchronous>, transform_indices = @transform_8, window_bounds = array<i64: 128, 128>}, {pipeline_mode = #tpu.pipeline_mode<synchronous>, transform_indices = @transform_9, window_bounds = array<i64: 1, 128>}, {pipeline_mode = #tpu.pipeline_mode<synchronous>, transform_indices = @transform_10, window_bounds = array<i64: 1, 128>}, {pipeline_mode = #tpu.pipeline_mode<synchronous>, transform_indices = @transform_11, window_bounds = array<i64: 1, 128>}, {transform_indices = @transform_12, window_bounds = array<i64: 400, 128>}]} {
    %get3A = arith.constant 0 : index
    %get3A_0 = arith.constant 0 : index
    %get3A_1 = vector.load %arg1[%get3A, %get3A_0] : memref<400x128xf32, #tpu.memory_space<vmem>>, vector<400x128xf32>
    %get3A_2 = arith.constant 0 : index
    %get3A_3 = arith.constant 0 : index
    %get3A_4 = arith.constant 0 : index
    %get3A_5 = vector.load %arg2[%get3A_2, %get3A_3, %get3A_4] : memref<2x400x128xf32, #tpu.memory_space<vmem>>, vector<1x400x128xf32>
    %get3A_6 = vector.shape_cast %get3A_5 : vector<1x400x128xf32> to vector<400x128xf32>
    %get3A_7 = arith.constant 1 : index
    %get3A_8 = arith.constant 0 : index
    %get3A_9 = arith.constant 0 : index
    %get3A_10 = vector.load %arg2[%get3A_7, %get3A_8, %get3A_9] : memref<2x400x128xf32, #tpu.memory_space<vmem>>, vector<1x400x128xf32>
    %get3A_11 = vector.shape_cast %get3A_10 : vector<1x400x128xf32> to vector<400x128xf32>
    %add3A = arith.addf %get3A_6, %get3A_11 : vector<400x128xf32>
    %add3A_12 = arith.constant 0.000000e+00 : f32
    %add3A_13 = vector.broadcast %add3A_12 : f32 to vector<400x128xf32>
    %add3A_14 = arith.addf %add3A_13, %add3A : vector<400x128xf32>
    %get3A_15 = arith.constant 0 : index
    %get3A_16 = arith.constant 0 : index
    %get3A_17 = arith.constant 0 : index
    %get3A_18 = vector.load %arg3[%get3A_15, %get3A_16, %get3A_17] : memref<2x400x128xf32, #tpu.memory_space<vmem>>, vector<1x400x128xf32>
    %get3A_19 = vector.shape_cast %get3A_18 : vector<1x400x128xf32> to vector<400x128xf32>
    %get3A_20 = arith.constant 1 : index
    %get3A_21 = arith.constant 0 : index
    %get3A_22 = arith.constant 0 : index
    %get3A_23 = vector.load %arg3[%get3A_20, %get3A_21, %get3A_22] : memref<2x400x128xf32, #tpu.memory_space<vmem>>, vector<1x400x128xf32>
    %get3A_24 = vector.shape_cast %get3A_23 : vector<1x400x128xf32> to vector<400x128xf32>
    %add3A_25 = arith.addf %get3A_19, %get3A_24 : vector<400x128xf32>
    %add3A_26 = arith.addf %add3A_14, %add3A_25 : vector<400x128xf32>
    %get3A_27 = arith.constant 0 : index
    %get3A_28 = arith.constant 0 : index
    %get3A_29 = arith.constant 0 : index
    %get3A_30 = vector.load %arg4[%get3A_27, %get3A_28, %get3A_29] : memref<2x400x128xf32, #tpu.memory_space<vmem>>, vector<1x400x128xf32>
    %get3A_31 = vector.shape_cast %get3A_30 : vector<1x400x128xf32> to vector<400x128xf32>
    %get3A_32 = arith.constant 1 : index
    %get3A_33 = arith.constant 0 : index
    %get3A_34 = arith.constant 0 : index
    %get3A_35 = vector.load %arg4[%get3A_32, %get3A_33, %get3A_34] : memref<2x400x128xf32, #tpu.memory_space<vmem>>, vector<1x400x128xf32>
    %get3A_36 = vector.shape_cast %get3A_35 : vector<1x400x128xf32> to vector<400x128xf32>
    %add3A_37 = arith.addf %get3A_31, %get3A_36 : vector<400x128xf32>
    %add3A_38 = arith.addf %add3A_26, %add3A_37 : vector<400x128xf32>
    %get3A_39 = arith.constant 0 : index
    %get3A_40 = arith.constant 0 : index
    %get3A_41 = arith.constant 0 : index
    %get3A_42 = vector.load %arg5[%get3A_39, %get3A_40, %get3A_41] : memref<2x400x128xf32, #tpu.memory_space<vmem>>, vector<1x400x128xf32>
    %get3A_43 = vector.shape_cast %get3A_42 : vector<1x400x128xf32> to vector<400x128xf32>
    %get3A_44 = arith.constant 1 : index
    %get3A_45 = arith.constant 0 : index
    %get3A_46 = arith.constant 0 : index
    %get3A_47 = vector.load %arg5[%get3A_44, %get3A_45, %get3A_46] : memref<2x400x128xf32, #tpu.memory_space<vmem>>, vector<1x400x128xf32>
    %get3A_48 = vector.shape_cast %get3A_47 : vector<1x400x128xf32> to vector<400x128xf32>
    %add3A_49 = arith.addf %get3A_43, %get3A_48 : vector<400x128xf32>
    %add3A_50 = arith.addf %add3A_38, %add3A_49 : vector<400x128xf32>
    %get3A_51 = arith.constant 0 : index
    %get3A_52 = arith.constant 0 : index
    %get3A_53 = vector.load %arg6[%get3A_51, %get3A_52] : memref<128x128xf32, #tpu.memory_space<vmem>>, vector<128x128xf32>
    %dot_general3A = arith.constant dense<0.000000e+00> : vector<400x128xf32>
    %dot_general3A_54 = tpu.matmul %get3A_1, %get3A_53, %dot_general3A {dimension_numbers = #tpu.dot_dimension_numbers<[1], [0], [0], [1], [0, 0, 1, 1], [], []>, transpose_lhs_hint = false} : vector<400x128xf32>, vector<128x128xf32>, vector<400x128xf32> -> vector<400x128xf32>
    %get3A_55 = arith.constant 0 : index
    %get3A_56 = arith.constant 0 : index
    %get3A_57 = vector.load %arg7[%get3A_55, %get3A_56] : memref<128x128xf32, #tpu.memory_space<vmem>>, vector<128x128xf32>
    %dot_general3A_58 = arith.constant dense<0.000000e+00> : vector<400x128xf32>
    %dot_general3A_59 = tpu.matmul %add3A_50, %get3A_57, %dot_general3A_58 {dimension_numbers = #tpu.dot_dimension_numbers<[1], [0], [0], [1], [0, 0, 1, 1], [], []>, transpose_lhs_hint = false} : vector<400x128xf32>, vector<128x128xf32>, vector<400x128xf32> -> vector<400x128xf32>
    %add3A_60 = arith.addf %dot_general3A_54, %dot_general3A_59 : vector<400x128xf32>
    %get3A_61 = arith.constant 0 : index
    %get3A_62 = arith.constant 0 : index
    %get3A_63 = vector.load %arg8[%get3A_61, %get3A_62] : memref<1x128xf32, #tpu.memory_space<vmem>>, vector<1x128xf32>
    %add3A_64 = vector.broadcast %get3A_63 : vector<1x128xf32> to vector<400x128xf32>
    %add3A_65 = arith.addf %add3A_60, %add3A_64 : vector<400x128xf32>
    %min3A = arith.constant 4.000000e+01 : f32
    %min3A_66 = vector.broadcast %min3A : f32 to vector<400x128xf32>
    %min3A_67 = arith.minimumf %add3A_65, %min3A_66 : vector<400x128xf32>
    %exp3A = math.exp %min3A_67 : vector<400x128xf32>
    %add3A_68 = arith.constant 2.000000e+00 : f32
    %add3A_69 = vector.broadcast %add3A_68 : f32 to vector<400x128xf32>
    %add3A_70 = arith.addf %exp3A, %add3A_69 : vector<400x128xf32>
    %mul3A = arith.mulf %exp3A, %add3A_70 : vector<400x128xf32>
    %add3A_71 = arith.constant 2.000000e+00 : f32
    %add3A_72 = vector.broadcast %add3A_71 : f32 to vector<400x128xf32>
    %add3A_73 = arith.addf %mul3A, %add3A_72 : vector<400x128xf32>
    %div3A = arith.divf %mul3A, %add3A_73 : vector<400x128xf32>
    %mul3A_74 = arith.mulf %add3A_65, %div3A : vector<400x128xf32>
    %get3A_75 = arith.constant 0 : index
    %get3A_76 = arith.constant 0 : index
    %get3A_77 = vector.load %arg9[%get3A_75, %get3A_76] : memref<128x128xf32, #tpu.memory_space<vmem>>, vector<128x128xf32>
    %dot_general3A_78 = arith.constant dense<0.000000e+00> : vector<400x128xf32>
    %dot_general3A_79 = tpu.matmul %mul3A_74, %get3A_77, %dot_general3A_78 {dimension_numbers = #tpu.dot_dimension_numbers<[1], [0], [0], [1], [0, 0, 1, 1], [], []>, transpose_lhs_hint = false} : vector<400x128xf32>, vector<128x128xf32>, vector<400x128xf32> -> vector<400x128xf32>
    %get3A_80 = arith.constant 0 : index
    %get3A_81 = arith.constant 0 : index
    %get3A_82 = vector.load %arg10[%get3A_80, %get3A_81] : memref<1x128xf32, #tpu.memory_space<vmem>>, vector<1x128xf32>
    %add3A_83 = vector.broadcast %get3A_82 : vector<1x128xf32> to vector<400x128xf32>
    %add3A_84 = arith.addf %dot_general3A_79, %add3A_83 : vector<400x128xf32>
    %add3A_85 = arith.addf %get3A_1, %add3A_84 : vector<400x128xf32>
    %reduce_sum3A = arith.constant dense<0.000000e+00> : vector<400xf32>
    %reduce_sum3A_86 = vector.multi_reduction <add>, %add3A_85, %reduce_sum3A [1] : vector<400x128xf32> to vector<400xf32>
    %broadcast_in_dim3A = vector.shape_cast %reduce_sum3A_86 : vector<400xf32> to vector<400x1xf32>
    %div3A_87 = arith.constant 1.280000e+02 : f32
    %div3A_88 = vector.broadcast %div3A_87 : f32 to vector<400x1xf32>
    %div3A_89 = arith.divf %broadcast_in_dim3A, %div3A_88 : vector<400x1xf32>
    %sub3A = vector.broadcast %div3A_89 : vector<400x1xf32> to vector<400x128xf32>
    %sub3A_90 = arith.subf %add3A_85, %sub3A : vector<400x128xf32>
    %integer_pow3A = arith.mulf %sub3A_90, %sub3A_90 : vector<400x128xf32>
    %reduce_sum3A_91 = arith.constant dense<0.000000e+00> : vector<400xf32>
    %reduce_sum3A_92 = vector.multi_reduction <add>, %integer_pow3A, %reduce_sum3A_91 [1] : vector<400x128xf32> to vector<400xf32>
    %broadcast_in_dim3A_93 = vector.shape_cast %reduce_sum3A_92 : vector<400xf32> to vector<400x1xf32>
    %div3A_94 = arith.constant 1.280000e+02 : f32
    %div3A_95 = vector.broadcast %div3A_94 : f32 to vector<400x1xf32>
    %div3A_96 = arith.divf %broadcast_in_dim3A_93, %div3A_95 : vector<400x1xf32>
    %sub3A_97 = vector.broadcast %div3A_89 : vector<400x1xf32> to vector<400x128xf32>
    %sub3A_98 = arith.subf %add3A_85, %sub3A_97 : vector<400x128xf32>
    %add3A_99 = arith.constant 9.99999974E-6 : f32
    %add3A_100 = vector.broadcast %add3A_99 : f32 to vector<400x1xf32>
    %add3A_101 = arith.addf %div3A_96, %add3A_100 : vector<400x1xf32>
    %rsqrt3A = math.rsqrt %add3A_101 : vector<400x1xf32>
    %mul3A_102 = vector.broadcast %rsqrt3A : vector<400x1xf32> to vector<400x128xf32>
    %mul3A_103 = arith.mulf %sub3A_98, %mul3A_102 : vector<400x128xf32>
    %get3A_104 = arith.constant 0 : index
    %get3A_105 = arith.constant 0 : index
    %get3A_106 = vector.load %arg11[%get3A_104, %get3A_105] : memref<1x128xf32, #tpu.memory_space<vmem>>, vector<1x128xf32>
    %mul3A_107 = vector.broadcast %get3A_106 : vector<1x128xf32> to vector<400x128xf32>
    %mul3A_108 = arith.mulf %mul3A_103, %mul3A_107 : vector<400x128xf32>
    %get3A_109 = arith.constant 0 : index
    %get3A_110 = arith.constant 0 : index
    %get3A_111 = vector.load %arg12[%get3A_109, %get3A_110] : memref<1x128xf32, #tpu.memory_space<vmem>>, vector<1x128xf32>
    %add3A_112 = vector.broadcast %get3A_111 : vector<1x128xf32> to vector<400x128xf32>
    %add3A_113 = arith.addf %mul3A_108, %add3A_112 : vector<400x128xf32>
    %swap3A = arith.constant 0 : index
    %swap3A_114 = arith.constant 0 : index
    %swap3A_115 = vector.load %arg13[%swap3A, %swap3A_114] : memref<400x128xf32, #tpu.memory_space<vmem>>, vector<400x128xf32>
    tpu.vector_store %arg13[%swap3A, %swap3A_114], %add3A_113 {strides = array<i32>} : memref<400x128xf32, #tpu.memory_space<vmem>>, vector<400x128xf32>,
    return
  }
  func.func @transform_0(%arg0: i32) -> (i32, i32) {
    %c0_i32 = arith.constant 0 : i32
    %c0_i32_0 = arith.constant 0 : i32
    return %arg0, %c0_i32 : i32, i32
  }
  func.func @transform_1(%arg0: i32) -> (i32, i32, i32) {
    %c0_i32 = arith.constant 0 : i32
    %c0_i32_0 = arith.constant 0 : i32
    %c0_i32_1 = arith.constant 0 : i32
    return %c0_i32, %arg0, %c0_i32_0 : i32, i32, i32
  }
  func.func @transform_2(%arg0: i32) -> (i32, i32, i32) {
    %c0_i32 = arith.constant 0 : i32
    %c0_i32_0 = arith.constant 0 : i32
    %c0_i32_1 = arith.constant 0 : i32
    return %c0_i32, %arg0, %c0_i32_0 : i32, i32, i32
  }
  func.func @transform_3(%arg0: i32) -> (i32, i32, i32) {
    %c0_i32 = arith.constant 0 : i32
    %c0_i32_0 = arith.constant 0 : i32
    %c0_i32_1 = arith.constant 0 : i32
    return %c0_i32, %arg0, %c0_i32_0 : i32, i32, i32
  }
  func.func @transform_4(%arg0: i32) -> (i32, i32, i32) {
    %c0_i32 = arith.constant 0 : i32
    %c0_i32_0 = arith.constant 0 : i32
    %c0_i32_1 = arith.constant 0 : i32
    return %c0_i32, %arg0, %c0_i32_0 : i32, i32, i32
  }
  func.func @transform_5(%arg0: i32) -> (i32, i32) {
    %c0_i32 = arith.constant 0 : i32
    %c0_i32_0 = arith.constant 0 : i32
    %c0_i32_1 = arith.constant 0 : i32
    return %c0_i32, %c0_i32_0 : i32, i32
  }
  func.func @transform_6(%arg0: i32) -> (i32, i32) {
    %c0_i32 = arith.constant 0 : i32
    %c0_i32_0 = arith.constant 0 : i32
    %c0_i32_1 = arith.constant 0 : i32
    return %c0_i32, %c0_i32_0 : i32, i32
  }
  func.func @transform_7(%arg0: i32) -> (i32, i32) {
    %c0_i32 = arith.constant 0 : i32
    %c0_i32_0 = arith.constant 0 : i32
    %c0_i32_1 = arith.constant 0 : i32
    return %c0_i32, %c0_i32_0 : i32, i32
  }
  func.func @transform_8(%arg0: i32) -> (i32, i32) {
    %c0_i32 = arith.constant 0 : i32
    %c0_i32_0 = arith.constant 0 : i32
    %c0_i32_1 = arith.constant 0 : i32
    return %c0_i32, %c0_i32_0 : i32, i32
  }
  func.func @transform_9(%arg0: i32) -> (i32, i32) {
    %c0_i32 = arith.constant 0 : i32
    %c0_i32_0 = arith.constant 0 : i32
    %c0_i32_1 = arith.constant 0 : i32
    return %c0_i32, %c0_i32_0 : i32, i32
  }
  func.func @transform_10(%arg0: i32) -> (i32, i32) {
    %c0_i32 = arith.constant 0 : i32
    %c0_i32_0 = arith.constant 0 : i32
    %c0_i32_1 = arith.constant 0 : i32
    return %c0_i32, %c0_i32_0 : i32, i32
  }
  func.func @transform_11(%arg0: i32) -> (i32, i32) {
    %c0_i32 = arith.constant 0 : i32
    %c0_i32_0 = arith.constant 0 : i32
    %c0_i32_1 = arith.constant 0 : i32
    return %c0_i32, %c0_i32_0 : i32, i32
  }
  func.func @transform_12(%arg0: i32) -> (i32, i32) {
    %c0_i32 = arith.constant 0 : i32
    %c0_i32_0 = arith.constant 0 : i32
    return %arg0, %c0_i32 : i32, i32
  }
}

</mosaic_0001>

<sc_bundles>
// kernel: kernel.15.cloned.1.call-start
scs
__scs_entry_jumppad:
0x0: {  	(pc) =	sbr.rel $0x88, $3  }
0x1: {  	(tag) =	ssettag $0x0;
	lr =	simm.s32 $0x1  }
0x2: {  	[smem:$0x3F94] =	sst lr;
	_ =	strace $0xD0000000  }
0x3: {  	_ = 	snop  }
0x4: {  	_ = 	snop  }
0x5: {  	_ = 	snop  }
0x6: {  	_ = 	snop  }
0x7: {  	_ = 	snop  }
__scs_overlays_trampoline_lowered:
0x8: {  	[smem:$0x3FA3] =	sst s0  }
0x9: {  	[smem:$0x3FA4] =	sst s1  }
0xa: {  	[smem:$0x3FA5] =	sst s2  }
0xb: {  	[smem:$0x3FA6] =	sst s3  }
0xc: {  	[smem:$0x3FA7] =	sst s4  }
0xd: {  	[smem:$0x3FA8] =	sst s5  }
0xe: {  	[smem:$0x3FA9] =	sst s6  }
0xf: {  	[smem:$0x3FAA] =	sst s7  }
0x10: {  	[smem:$0x3FAB] =	sst s8  }
0x11: {  	[smem:$0x3FAC] =	sst s9;
	s0 =	simm.s32 @!p0 $0x0  }
0x12: {  	s1 =	sld [smem:$0x3F92];
	s0 =	simm.s32 @p0 $0x1  }
0x13: {  	[smem:$0x3FAD] =	sst s0;
	s0 =	simm.s32 @!p1 $0x0  }
0x14: {  	s2 =	sld [smem:$0x3F91];
	s0 =	simm.s32 @p1 $0x1  }
0x15: {  	[smem:$0x3FAE] =	sst s0;
	s0 =	simm.s32 @!p2 $0x0  }
0x16: {  	s3 =	sld [smem:$0x3FDB];
	s0 =	simm.s32 @p2 $0x1  }
0x17: {  	s4 =	simm.s32 $0x1BF5;
	[smem:$0x3FB0] =	sst s0  }
0x18: {  	s0 =	sld [smem:$0x3F93];
	_ =	swait.ge [sflag:s4], $0x0  }
0x19: {  	s7 =	sld [smem:$0x3F94]  }
0x1a: {  	s8 =	sadd.s32 $0xFFFFE003, lr  }
0x1b: {  	s9 =	sadd.s32 $0xFFFFFEF7, lr;
	s5 =	simm.s32 $0xFFFFFFFF;
	p2 =	slt.u32 s8, $0xFFFFF086  }
0x1c: {  	p1 =	slt.u32 s9, $0xF7A;
	s5 =	simm.s32 @!p2 $0x0  }
0x1d: {  	s5 =	simm.s32 @p1 $0x1;
	p0 =	seq.s32 s7, s2  }
0x1e: {  	s7 =	smul.u32 @!p0 $0xF7A, s2;
	p2 =	seq.s32 @!p0 s5, $0x0  }
0x1f: {  	s9 =	smul.u32 $0xF7A, s1;
	s8 =	simm.s32 @!p0 $0x1BF5;
	p2 =	por !p2, p0  }
0x20: {  	[sflag:s8] =	ssyncset.s32 @!p0 $0xFFFFF086;
	s6 =	sadd.s32 @!p0 s3, s7;
	s7 =	simm.s32 @!p0 $0x108  }
0x21: {  	s3 =	sadd.s32 s3, s9;
	s6 =	sadd.s32 @!p0 $0x88, s6;
	s7 =	simm.s32 @p2 $0x1082  }
0x22: {  	[simem:s7], [sflag:s8] =	dma.local @!p0 [hbm:s6], $0xF7A  }
0x23: {  	s9 =	sor.u32 $0xD0000000, s2;
	s6 =	simm.s32 $0x108;
	_ =	swait.ge @!p0 [sflag:s8], $0x0  }
0x24: {  	s3 =	sadd.s32 $0x88, s3;
	s6 =	simm.s32 @!p1 $0x1082;
	[sflag:s4] =	ssyncset.s32 $0xFFFFF086  }
0x25: {  	[simem:s6], [sflag:s4] =	dma.local [hbm:s3], $0xF7A  }
0x26: {  	[smem:$0x3F94] =	sst s1;
	(tag) =	ssettag s2;
	_ =	strace s9  }
0x27: {  	s1 =	sld [smem:$0x3FA4]  }
0x28: {  	s2 =	sld [smem:$0x3FA5]  }
0x29: {  	s4 =	sld [smem:$0x3FA7]  }
0x2a: {  	p0 =	seq.s32 s5, $0x0;
	s5 =	sld [smem:$0x3FA8]  }
0x2b: {  	s6 =	sld [smem:$0x3FA9]  }
0x2c: {  	s7 =	sld [smem:$0x3FAA]  }
0x2d: {  	s3 =	simm.s32 $0x108;
	s8 =	sld [smem:$0x3FAB]  }
0x2e: {  	s3 =	simm.s32 @!p0 $0x1082;
	s9 =	sld [smem:$0x3FAC]  }
0x2f: {  	lr =	sadd.s32 s0, s3;
	s0 =	sld [smem:$0x3FA3]  }
0x30: {  	s3 =	sld [smem:$0x3FA6]  }
0x31: {  	[smem:$0x3FAF] =	sst s10  }
0x32: {  	s10 =	sld [smem:$0x3FAD];
	_ =	sdelay $0x3  }
0x33: {  	p0 =	seq.s32 s10, $0x1;
	s10 =	sld [smem:$0x3FAF];
	_ =	sdelay $0x3  }
0x34: {  	[smem:$0x3FAF] =	sst s10  }
0x35: {  	s10 =	sld [smem:$0x3FAE];
	_ =	sdelay $0x3  }
0x36: {  	p1 =	seq.s32 s10, $0x1;
	s10 =	sld [smem:$0x3FAF];
	_ =	sdelay $0x3  }
0x37: {  	[smem:$0x3FAF] =	sst s10  }
0x38: {  	s10 =	sld [smem:$0x3FB0]  }
0x39: {  	_ = 	snop;
	(pc) =	sbr.ind lr, $3  }
0x3a: {  	_ = 	snop  }
0x3b: {  	_ = 	snop  }
0x3c: {  	p2 =	seq.s32 s10, $0x1;
	s10 =	sld [smem:$0x3FAF]  }
0x3d: {  	_ =	shalt  }
0x3e: {  	_ =	shalt  }
0x3f: {  	_ =	shalt  }
0x40: {  	_ =	shalt  }
0x41: {  	_ =	shalt  }
0x42: {  	_ =	shalt  }
0x43: {  	_ =	shalt  }
0x44: {  	_ =	shalt  }
0x45: {  	_ =	shalt  }
0x46: {  	_ =	shalt  }
0x47: {  	_ =	shalt  }
0x48: {  	_ =	shalt  }
0x49: {  	_ =	shalt  }
0x4a: {  	_ =	shalt  }
0x4b: {  	_ =	shalt  }
0x4c: {  	_ =	shalt  }
0x4d: {  	_ =	shalt  }
0x4e: {  	_ =	shalt  }
0x4f: {  	_ =	shalt  }
0x50: {  	_ =	shalt  }
0x51: {  	_ =	shalt  }
0x52: {  	_ =	shalt  }
0x53: {  	_ =	shalt  }
0x54: {  	_ =	shalt  }
0x55: {  	_ =	shalt  }
0x56: {  	_ =	shalt  }
0x57: {  	_ =	shalt  }
0x58: {  	_ =	shalt  }
0x59: {  	_ =	shalt  }
0x5a: {  	_ =	shalt  }
0x5b: {  	_ =	shalt  }
0x5c: {  	_ =	shalt  }
0x5d: {  	_ =	shalt  }
0x5e: {  	_ =	shalt  }
0x5f: {  	_ =	shalt  }
0x60: {  	_ =	shalt  }
0x61: {  	_ =	shalt  }
0x62: {  	_ =	shalt  }
0x63: {  	_ =	shalt  }
0x64: {  	_ =	shalt  }
0x65: {  	_ =	shalt  }
0x66: {  	_ =	shalt  }
0x67: {  	_ =	shalt  }
0x68: {  	_ =	shalt  }
0x69: {  	_ =	shalt  }
0x6a: {  	_ =	shalt  }
0x6b: {  	_ =	shalt  }
0x6c: {  	_ =	shalt  }
0x6d: {  	_ =	shalt  }
0x6e: {  	_ =	shalt  }
0x6f: {  	_ =	shalt  }
0x70: {  	_ =	shalt  }
0x71: {  	_ =	shalt  }
0x72: {  	_ =	shalt  }
0x73: {  	_ =	shalt  }
0x74: {  	_ =	shalt  }
0x75: {  	_ =	shalt  }
0x76: {  	_ =	shalt  }
0x77: {  	_ =	shalt  }
0x78: {  	_ =	shalt  }
0x79: {  	_ =	shalt  }
0x7a: {  	_ =	shalt  }
0x7b: {  	_ =	shalt  }
0x7c: {  	_ =	shalt  }
0x7d: {  	_ =	shalt  }
0x7e: {  	_ =	shalt  }
0x7f: {  	_ =	shalt  }
0x80: {  	_ =	shalt  }
0x81: {  	_ =	shalt  }
0x82: {  	_ =	shalt  }
0x83: {  	_ =	shalt  }
0x84: {  	_ =	shalt  }
0x85: {  	_ =	shalt  }
0x86: {  	_ =	shalt  }
0x87: {  	_ =	shalt  }
.Lfunc_end0:
.L_simem_size_0:
called_computation_lowered:
.L_overlay_start_0:
0x88: {  	s2 =	sld [smem:$0x3FD9]  }
0x89: {  	s3 =	sld [smem:$0x3FFE];
	_ =	sdelay $0x1  }
0x8a: {  	s1 =	srdreg.scid  }
0x8b: {  	s0 =	sand.u32 $0x1, s1  }
0x8c: {  	s17 =	sshll.u32 s0, $0xA;
	s2 =	sadd.s32 s3, s2  }
0x8d: {  	s2 =	sadd.s32 s2, s17  }
0x8e: {  	[smem:$0x3FBB] =	sst s2  }
0x8f: {  	_ = 	snop  }
0x90: {  	s2 =	sld [smem:$0x3FC9];
	(tm) =	ssettm $0x1  }
0x91: {  	s18 =	sld [smem:$0x3FFB];
	_ =	sdelay $0x3  }
0x92: {  	_ =	strace s18  }
0x93: {  	s3 =	sld [smem:$0x3FFC];
	_ =	sdelay $0x3  }
0x94: {  	_ =	strace s3  }
0x95: {  	s3 =	sld [smem:$0x3FFD];
	_ =	sdelay $0x3  }
0x96: {  	_ =	strace s3  }
0x97: {  	_ =	strace $0x8FFFFFFF  }
0x98: {  	s19 =	sld [smem:$0x3FDB];
	_ =	sdelay $0x1  }
0x99: {  	s4 =	simm.s32 $_scs_section_size  }
0x9a: {  	s5 =	simm.s32 $_size__tile_overlayer_lowered;
	s6 =	simm.s32 $_tile_overlayer_lowered  }
0x9b: {  	s22 =	simm.s32 $0x1BFF;
	s21 =	sshll.u32 s6, $0x1;
	s3 =	sadd.s32 s4, s19  }
0x9c: {  	s7 =	simm.s32 $0x0;
	s20 =	sshll.u32 s5, $0x1;
	s5 =	sadd.s32 s21, s3  }
0x9d: {  	[timem:s7], [sflag:s22] =	dma.local [hbm:s5], s20  }
0x9e: {  	_ =	swait.ge [sflag:s22], s20  }
0x9f: {  	s4 =	ssub.s32 $0x0, s20;
	[sflag:s22] =	ssyncset.done $0x0  }
0xa0: {  	[sflag:s22] =	ssyncadd.s32 s4;
	_ =	sdelay $0x1  }
0xa1: {  	s23 =	simm.s32 $0x1B8B  }
0xa2: {  	_ =	swait.ge [sflag:s23], $0x1  }
0xa3: {  	[sflag:s23] =	ssyncset.done $0x0  }
0xa4: {  	s25 =	simm.s32 $0x1B8E;
	s24 =	sld [smem:$0x3FFE];
	[sflag:s23] =	ssyncadd.s32 $0xFFFFFFFF  }
0xa5: {  	s26 =	simm.s32 $execute0_lowered;
	[smem:$0x3FD2] =	sst s25  }
0xa6: {  	s5 =	sshll.u32 s26, $0x1;
	_ =	strace $0x80000046;
	[dreg:$0x1] =	wrdreg $0xFFFFFFFF  }
0xa7: {  	s28 =	simm.s32 $_size_execute0_lowered;
	s3 =	sadd.s32 s3, s5;
	[dreg:$0x0] =	wrdreg $0x0  }
0xa8: {  	s5 =	sshll.u32 s28, $0x1;
	[dreg:$0x2] =	wrdreg s3  }
0xa9: {  	[dreg:$0x3] =	wrdreg s5  }
0xaa: {  	[dreg:$0x4] =	wrdreg $0xC0  }
0xab: {  	_ =	task [dreg:s7], $0x5FFFF  }
0xac: {  	[dreg:$0x1] =	wrdreg $0xFFFFFFFF  }
0xad: {  	[dreg:$0x0] =	wrdreg $0x60  }
0xae: {  	[dreg:$0x2] =	wrdreg s2  }
0xaf: {  	[dreg:$0x3] =	wrdreg s24  }
0xb0: {  	[dreg:$0x4] =	wrdreg $0x9  }
0xb1: {  	_ =	task.clear_ibuf [dreg:s7], $0x5FFFF;
	_ =	strace $0x90000046  }
0xb2: {  	s29 =	simm.s32 $0x9;
	_ =	strace $0x80000048  }
0xb3: {  	_ =	swait.ge [sflag:s29], $0x1  }
0xb4: {  	[sflag:s29] =	ssyncadd.s32 $0xFFFFFFFF  }
0xb5: {  	_ =	strace $0x90000048  }
0xb6: {  	_ =	sfence  }
0xb7: {  	s30 =	sld [smem:$0x0];
	_ =	sdelay $0x2  }
0xb8: {  	s31 =	sshll.u32 s1, $0xD;
	s1 =	sshrl.u32 s1, $0x2  }
0xb9: {  	s3 =	sand.u32 $0x4000, s31;
	s1 =	sadd.s32 s1, s30  }
0xba: {  	s0 =	sor.u32 s3, s0;
	s1 =	sshll.u32 s1, $0x11  }
0xbb: {  	s0 =	sor.u32 s1, s0  }
0xbc: {  	s0 =	sadd.s32 $0x8F2B, s0  }
0xbd: {  	[sflag:s0] =	ssyncadd.remote.s32 $0x1  }
0xbe: {  	_ =	sfence.sel $0xFFFF  }
0xbf: {  	[dreg:$0x0] =	wrdreg $0xFFFFFFFF;
	(pc) =	sbr.abs _section_cstart, $3  }
0xc0: {  	[dreg:$0x1] =	wrdreg $0xFFFFFFFF  }
0xc1: {  	_ =	task.clear_ibuf [dreg:s7], $0x2FFFF;
	_ =	strace $0x9FFFFFFF  }
0xc2: {  	(tm) =	ssettm $0x7FFFFFFF  }
0xc3: {  	_ =	shalt  }
tec
execute0_lowered:
.L_overlay_start_1:
0x0: {  	(tag) =	ssettag $0x1  }
0x1: {  	s1 =	srdreg.scid;
	s2 =	rddreg [dreg:$0x0]  }
0x2: {  	s0 =	stileid.u32;
	s4 =	rddreg [dreg:$0x1]  }
0x3: {  	s11 =	simm.s32 $0x80;
	s12 =	simm.s32 $0x1C00;
	s13 =	simm.s32 $0x5C00  }
0x4: {  	s15 =	simm.s32 $0x9C00;
	s17 =	simm.s32 $0xDC00;
	s18 =	simm.s32 $0x1  }
0x5: {  	s19 =	simm.s32 $0x2;
	s20 =	simm.s32 $0x3;
	s21 =	simm.s32 $0x4  }
0x6: {  	s22 =	simm.s32 $0x5;
	s23 =	simm.s32 $0x6;
	s24 =	simm.s32 $0x7  }
0x7: {  	s25 =	simm.s32 $0x8;
	s26 =	simm.s32 $0x0;
	s1 =	sand.u32 $0x1, s1  }
0x8: {  	s3 =	sshll.u32 s0, $0x1;
	s6 =	smul.u32 $0x1A0000, s0;
	s9 =	sadd.s32 $0xF800, s4  }
0x9: {  	s3 =	sor.u32 s1, s3;
	s7 =	smul.u32 $0xD0000, s1;
	s1 =	ssub.s32 $0x2, s1  }
0xa: {  	s5 =	smul.u32 $0x380, s3;
	s3 =	simm.s32 $0x0;
	s28 =	sshrl.u32 s1, $0x1  }
0xb: {  	[smem:$0x7FF] =	sst s3;
	s7 =	sadd.s32 s7, s6;
	s1 =	ssub.s32 s1, s28  }
0xc: {  	_ =	strace $0x80000047;
	s5 =	sadd.s32 s5, s4;
	s6 =	sor.u32 $0x4000, s7  }
.Ltmp0:
0xd: {  	s30 =	sor.u32 $0xC000, s7;
	s8 =	sshrl.u32 s7, $0x3;
	(pc) =	sbr.rel .LBB2_1-.Ltmp0, $4  }
0xe: {  	s10 =	sor.u32 $0x8000, s7;
	s29 =	sadd.s32 $0x8800, s5;
	s6 =	sshrl.u32 s6, $0x3  }
0xf: {  	s5 =	smax.u32 s1, $0x1;
	s1 =	sshrl.u32 s30, $0x3;
	s7 =	sadd.s32 s8, s9  }
0x10: {  	s31 =	sshrl.u32 s10, $0x3;
	s10 =	simm.s32 $0x9;
	[dreg:$0x3] =	wrdreg s29  }
0x11: {  	s6 =	sadd.s32 s6, s9;
	s8 =	sadd.s32 s1, s9;
	s9 =	sadd.s32 s31, s9  }
.LBB2_4:
0x12: {  	_ =	swait.ge [sflag:s22], $0x4000  }
0x13: {  	[sflag:s22] =	ssyncset.done $0x0  }
0x14: {  	[sflag:s22] =	ssyncadd.s32 $0xFFFFC000  }
0x15: {  	_ =	swait.ge [sflag:s23], $0x4000  }
0x16: {  	[sflag:s23] =	ssyncset.done $0x0  }
0x17: {  	s26 =	sadd.s32 $0x1, s26;
	[sflag:s23] =	ssyncadd.s32 $0xFFFFC000  }
0x18: {  	p0 =	sne.s32 s26, s5;
	_ =	swait.ge [sflag:s24], $0x4000  }
.Ltmp1:
0x19: {  	[sflag:s24] =	ssyncset.done $0x0;
	(pc) =	sbr.rel @!p0 .LBB2_5-.Ltmp1, $4  }
0x1a: {  	[sflag:s24] =	ssyncadd.s32 $0xFFFFC000  }
0x1b: {  	_ =	swait.ge [sflag:s25], $0x4000  }
0x1c: {  	[sflag:s25] =	ssyncset.done $0x0  }
0x1d: {  	[sflag:s25] =	ssyncadd.s32 $0xFFFFC000  }
.LBB2_1:
0x1e: {  	s0 =	rddreg [dreg:$0x3]  }
0x1f: {  	[tilespmem:s3], [sflag:$0x9] =	stream.linear.gather [hbm4b:s0+s3], $0x1A00, $0x38;
	[tilespmem:$0x11C00] =	vst v63  }
0x20: {  	_ =	swait.ge [sflag:s10], $0x1A00  }
0x21: {  	[sflag:s10] =	ssyncset.done $0x0  }
0x22: {  	[sflag:s10] =	ssyncadd.s32 $0xFFFFE600  }
0x23: {  	[tilespmem:s12], [sflag:$0x1] =	stream.indirect.gather [hbm4b:s2+s11], $0x80, s3, s11, $0xb8;
	[tilespmem:$0x11C00] =	vst v63  }
0x24: {  	s14 =	simm.s32 $0x100  }
0x25: {  	[tilespmem:s13], [sflag:$0x2] =	stream.indirect.gather [hbm4b:s2+s11], $0x80, s11, s11, $0xb8;
	[tilespmem:$0x11C00] =	vst v63  }
0x26: {  	s16 =	simm.s32 $0x180;
	s28 =	smov.u32 s9;
	s29 =	smov.u32 s8  }
0x27: {  	[tilespmem:s15], [sflag:$0x3] =	stream.indirect.gather [hbm4b:s2+s11], $0x80, s14, s11, $0xb8;
	[tilespmem:$0x11C00] =	vst v63  }
0x28: {  	s30 =	smov.u32 s7;
	s31 =	smov.u32 s6;
	s1 =	simm.s32 $0x0  }
0x29: {  	[tilespmem:s17], [sflag:$0x4] =	stream.indirect.gather [hbm4b:s2+s11], $0x80, s16, s11, $0xb8;
	[tilespmem:$0x11C00] =	vst v63  }
.LBB2_2:
0x2a: {  	_ =	swait.ge [sflag:s18], $0x4000  }
0x2b: {  	p0 =	seq.s32 s1, $0x0;
	[sflag:s18] =	ssyncset.done $0x0  }
0x2c: {  	s0 =	simm.s32 @!p0 $0x7;
	[sflag:s18] =	ssyncadd.s32 $0xFFFFC000  }
0x2d: {  	[hbm4b:s30+s3] =	stream.linear.scatter [tilespmem:s12], [sflag:$0x5], $0x4000, $0x38;
	[tilespmem:$0x11C00] =	vst v63  }
0x2e: {  	_ =	swait.ge @!p0 [sflag:s0], $0x4000  }
0x2f: {  	[sflag:s0] =	ssyncset.done @!p0 $0x0  }
0x30: {  	[sflag:s0] =	ssyncadd.s32 @!p0 $0xFFFFC000;
	s0 =	sshra.s32 @!p0 s1, $0x2  }
0x31: {  	s16 =	simm.s32 @!p0 $0x80;
	s4 =	simm.s32 @!p0 $0x9C00;
	s14 =	sadd.s32 @!p0 $0x100, s0  }
0x32: {  	[tilespmem:s4], [sflag:$0x3] =	stream.indirect.gather @!p0 [hbm4b:s2+s16], $0x80, s14, s16, $0xb8;
	[tilespmem:$0x11C00] =	vst v63  }
0x33: {  	_ =	swait.ge [sflag:s19], $0x4000  }
0x34: {  	[sflag:s19] =	ssyncset.done $0x0  }
0x35: {  	s4 =	simm.s32 @!p0 $0x8;
	[sflag:s19] =	ssyncadd.s32 $0xFFFFC000  }
0x36: {  	[hbm4b:s31+s3] =	stream.linear.scatter [tilespmem:s13], [sflag:$0x6], $0x4000, $0x38;
	[tilespmem:$0x11C00] =	vst v63  }
0x37: {  	_ =	swait.ge @!p0 [sflag:s4], $0x4000  }
0x38: {  	[sflag:s4] =	ssyncset.done @!p0 $0x0  }
0x39: {  	s0 =	sadd.s32 @!p0 $0x180, s0;
	[sflag:s4] =	ssyncadd.s32 @!p0 $0xFFFFC000;
	s4 =	simm.s32 @!p0 $0xDC00  }
0x3a: {  	[tilespmem:s4], [sflag:$0x4] =	stream.indirect.gather @!p0 [hbm4b:s2+s16], $0x80, s0, s16, $0xb8;
	[tilespmem:$0x11C00] =	vst v63  }
0x3b: {  	_ =	swait.ge [sflag:s20], $0x4000  }
0x3c: {  	p0 =	seq.s32 s1, $0x6000;
	[sflag:s20] =	ssyncset.done $0x0  }
0x3d: {  	s0 =	simm.s32 @!p0 $0x5;
	[sflag:s20] =	ssyncadd.s32 $0xFFFFC000  }
0x3e: {  	[hbm4b:s28+s3] =	stream.linear.scatter [tilespmem:s15], [sflag:$0x7], $0x4000, $0x38;
	[tilespmem:$0x11C00] =	vst v63  }
0x3f: {  	_ =	swait.ge @!p0 [sflag:s0], $0x4000  }
0x40: {  	[sflag:s0] =	ssyncset.done @!p0 $0x0  }
0x41: {  	[sflag:s0] =	ssyncadd.s32 @!p0 $0xFFFFC000;
	s0 =	sshra.s32 @!p0 s1, $0x2  }
0x42: {  	s4 =	simm.s32 @!p0 $0x80;
	s14 =	simm.s32 @!p0 $0x1C00;
	s0 =	sadd.s32 @!p0 $0x200, s0  }
0x43: {  	[tilespmem:s14], [sflag:$0x1] =	stream.indirect.gather @!p0 [hbm4b:s2+s4], $0x80, s0, s4, $0xb8;
	[tilespmem:$0x11C00] =	vst v63  }
.Ltmp2:
0x44: {  	_ = 	snop;
	(pc) =	sbr.rel @p0 .LBB2_4-.Ltmp2, $4  }
0x45: {  	_ =	swait.ge [sflag:s21], $0x4000  }
0x46: {  	[sflag:s21] =	ssyncset.done $0x0  }
0x47: {  	[sflag:s21] =	ssyncadd.s32 $0xFFFFC000  }
0x48: {  	[hbm4b:s29+s3] =	stream.linear.scatter [tilespmem:s17], [sflag:$0x8], $0x4000, $0x38;
	[tilespmem:$0x11C00] =	vst v63  }
.Ltmp3:
0x49: {  	_ =	swait.ge [sflag:s23], $0x4000;
	(pc) =	sbr.rel .LBB2_2-.Ltmp3, $4  }
0x4a: {  	s0 =	sshra.s32 s1, $0x2;
	s1 =	sadd.s32 $0x800, s1;
	s31 =	sadd.s32 $0x2000, s31  }
0x4b: {  	s30 =	sadd.s32 $0x2000, s30;
	s29 =	sadd.s32 $0x2000, s29;
	[sflag:s23] =	ssyncset.done $0x0  }
0x4c: {  	s28 =	sadd.s32 $0x2000, s28;
	s0 =	sadd.s32 $0x280, s0;
	[sflag:s23] =	ssyncadd.s32 $0xFFFFC000  }
0x4d: {  	[tilespmem:s13], [sflag:$0x2] =	stream.indirect.gather [hbm4b:s2+s11], $0x80, s0, s11, $0xb8;
	[tilespmem:$0x11C00] =	vst v63  }
.LBB2_5:
0x4e: {  	_ =	sfence.sel $0x180000  }
0x4f: {  	[bflag:$0x0] =	sbarrier.arrive $0xFFFF  }
0x50: {  	_ =	strace $0x90000047  }
0x51: {  	s0 =	stileid.u32;
	[bflag:$0x2] =	sbarrier.arrive $0xFFFF  }
0x52: {  	p0 =	sne.s32 s0, $0x0;
	s0 =	rddreg [dreg:$0x2]  }
0x53: {  	s0 =	sadd.s32 @!p0 $0x100000, s0  }
0x54: {  	[sflag:s0] =	ssyncadd.tile.s32 @!p0 $0x1;
	_ =	shalt  }
.Lfunc_end2:
_tile_overlayer_lowered:
.L_overlay_start_2:
0x55: {  	(tag) =	ssettag $0x2  }
0x56: {  	s0 =	rddreg [dreg:$0x0];
	s2 =	stileid.u32  }
0x57: {  	s1 =	rddreg [dreg:$0x1];
	p0 =	sne.s32 s2, $0x0  }
0x58: {  	s3 =	rddreg [dreg:$0x2];
	[bflag:$0x3] =	sbarrier.arrive $0xFFFF;
	s2 =	simm.s32 @!p0 $0x1C09  }
0x59: {  	[timem:s3], [sflag:s2] =	dma.local @!p0 [hbm:s0], s1  }
0x5a: {  	s0 =	simm.s32 @!p0 $0x9  }
0x5b: {  	_ =	swait.ge @!p0 [sflag:s0], s1  }
0x5c: {  	s1 =	ssub.s32 @!p0 $0x0, s1;
	[sflag:s0] =	ssyncset.done @!p0 $0x0  }
0x5d: {  	[sflag:s0] =	ssyncadd.s32 @!p0 s1  }
0x5e: {  	[bflag:$0x3] =	sbarrier.arrive $0xFFFF  }
0x5f: {  	_ =	shalt  }

// kernel: kernel.18.cloned.1.call-start
scs
__scs_entry_jumppad:
0x0: {  	(pc) =	sbr.rel $0x88, $3  }
0x1: {  	(tag) =	ssettag $0x0;
	lr =	simm.s32 $0x1  }
0x2: {  	[smem:$0x3F94] =	sst lr;
	_ =	strace $0xD0000000  }
0x3: {  	_ = 	snop  }
0x4: {  	_ = 	snop  }
0x5: {  	_ = 	snop  }
0x6: {  	_ = 	snop  }
0x7: {  	_ = 	snop  }
__scs_overlays_trampoline_lowered:
0x8: {  	[smem:$0x3FA3] =	sst s0  }
0x9: {  	[smem:$0x3FA4] =	sst s1  }
0xa: {  	[smem:$0x3FA5] =	sst s2  }
0xb: {  	[smem:$0x3FA6] =	sst s3  }
0xc: {  	[smem:$0x3FA7] =	sst s4  }
0xd: {  	[smem:$0x3FA8] =	sst s5  }
0xe: {  	[smem:$0x3FA9] =	sst s6  }
0xf: {  	[smem:$0x3FAA] =	sst s7  }
0x10: {  	[smem:$0x3FAB] =	sst s8  }
0x11: {  	[smem:$0x3FAC] =	sst s9;
	s0 =	simm.s32 @!p0 $0x0  }
0x12: {  	s1 =	sld [smem:$0x3F92];
	s0 =	simm.s32 @p0 $0x1  }
0x13: {  	[smem:$0x3FAD] =	sst s0;
	s0 =	simm.s32 @!p1 $0x0  }
0x14: {  	s2 =	sld [smem:$0x3F91];
	s0 =	simm.s32 @p1 $0x1  }
0x15: {  	[smem:$0x3FAE] =	sst s0;
	s0 =	simm.s32 @!p2 $0x0  }
0x16: {  	s3 =	sld [smem:$0x3FDB];
	s0 =	simm.s32 @p2 $0x1  }
0x17: {  	s4 =	simm.s32 $0x1BF5;
	[smem:$0x3FB0] =	sst s0  }
0x18: {  	s0 =	sld [smem:$0x3F93];
	_ =	swait.ge [sflag:s4], $0x0  }
0x19: {  	s7 =	sld [smem:$0x3F94]  }
0x1a: {  	s8 =	sadd.s32 $0xFFFFE003, lr  }
0x1b: {  	s9 =	sadd.s32 $0xFFFFFEF7, lr;
	s5 =	simm.s32 $0xFFFFFFFF;
	p2 =	slt.u32 s8, $0xFFFFF086  }
0x1c: {  	p1 =	slt.u32 s9, $0xF7A;
	s5 =	simm.s32 @!p2 $0x0  }
0x1d: {  	s5 =	simm.s32 @p1 $0x1;
	p0 =	seq.s32 s7, s2  }
0x1e: {  	s7 =	smul.u32 @!p0 $0xF7A, s2;
	p2 =	seq.s32 @!p0 s5, $0x0  }
0x1f: {  	s9 =	smul.u32 $0xF7A, s1;
	s8 =	simm.s32 @!p0 $0x1BF5;
	p2 =	por !p2, p0  }
0x20: {  	[sflag:s8] =	ssyncset.s32 @!p0 $0xFFFFF086;
	s6 =	sadd.s32 @!p0 s3, s7;
	s7 =	simm.s32 @!p0 $0x108  }
0x21: {  	s3 =	sadd.s32 s3, s9;
	s6 =	sadd.s32 @!p0 $0x88, s6;
	s7 =	simm.s32 @p2 $0x1082  }
0x22: {  	[simem:s7], [sflag:s8] =	dma.local @!p0 [hbm:s6], $0xF7A  }
0x23: {  	s9 =	sor.u32 $0xD0000000, s2;
	s6 =	simm.s32 $0x108;
	_ =	swait.ge @!p0 [sflag:s8], $0x0  }
0x24: {  	s3 =	sadd.s32 $0x88, s3;
	s6 =	simm.s32 @!p1 $0x1082;
	[sflag:s4] =	ssyncset.s32 $0xFFFFF086  }
0x25: {  	[simem:s6], [sflag:s4] =	dma.local [hbm:s3], $0xF7A  }
0x26: {  	[smem:$0x3F94] =	sst s1;
	(tag) =	ssettag s2;
	_ =	strace s9  }
0x27: {  	s1 =	sld [smem:$0x3FA4]  }
0x28: {  	s2 =	sld [smem:$0x3FA5]  }
0x29: {  	s4 =	sld [smem:$0x3FA7]  }
0x2a: {  	p0 =	seq.s32 s5, $0x0;
	s5 =	sld [smem:$0x3FA8]  }
0x2b: {  	s6 =	sld [smem:$0x3FA9]  }
0x2c: {  	s7 =	sld [smem:$0x3FAA]  }
0x2d: {  	s3 =	simm.s32 $0x108;
	s8 =	sld [smem:$0x3FAB]  }
0x2e: {  	s3 =	simm.s32 @!p0 $0x1082;
	s9 =	sld [smem:$0x3FAC]  }
0x2f: {  	lr =	sadd.s32 s0, s3;
	s0 =	sld [smem:$0x3FA3]  }
0x30: {  	s3 =	sld [smem:$0x3FA6]  }
0x31: {  	[smem:$0x3FAF] =	sst s10  }
0x32: {  	s10 =	sld [smem:$0x3FAD];
	_ =	sdelay $0x3  }
0x33: {  	p0 =	seq.s32 s10, $0x1;
	s10 =	sld [smem:$0x3FAF];
	_ =	sdelay $0x3  }
0x34: {  	[smem:$0x3FAF] =	sst s10  }
0x35: {  	s10 =	sld [smem:$0x3FAE];
	_ =	sdelay $0x3  }
0x36: {  	p1 =	seq.s32 s10, $0x1;
	s10 =	sld [smem:$0x3FAF];
	_ =	sdelay $0x3  }
0x37: {  	[smem:$0x3FAF] =	sst s10  }
0x38: {  	s10 =	sld [smem:$0x3FB0]  }
0x39: {  	_ = 	snop;
	(pc) =	sbr.ind lr, $3  }
0x3a: {  	_ = 	snop  }
0x3b: {  	_ = 	snop  }
0x3c: {  	p2 =	seq.s32 s10, $0x1;
	s10 =	sld [smem:$0x3FAF]  }
0x3d: {  	_ =	shalt  }
0x3e: {  	_ =	shalt  }
0x3f: {  	_ =	shalt  }
0x40: {  	_ =	shalt  }
0x41: {  	_ =	shalt  }
0x42: {  	_ =	shalt  }
0x43: {  	_ =	shalt  }
0x44: {  	_ =	shalt  }
0x45: {  	_ =	shalt  }
0x46: {  	_ =	shalt  }
0x47: {  	_ =	shalt  }
0x48: {  	_ =	shalt  }
0x49: {  	_ =	shalt  }
0x4a: {  	_ =	shalt  }
0x4b: {  	_ =	shalt  }
0x4c: {  	_ =	shalt  }
0x4d: {  	_ =	shalt  }
0x4e: {  	_ =	shalt  }
0x4f: {  	_ =	shalt  }
0x50: {  	_ =	shalt  }
0x51: {  	_ =	shalt  }
0x52: {  	_ =	shalt  }
0x53: {  	_ =	shalt  }
0x54: {  	_ =	shalt  }
0x55: {  	_ =	shalt  }
0x56: {  	_ =	shalt  }
0x57: {  	_ =	shalt  }
0x58: {  	_ =	shalt  }
0x59: {  	_ =	shalt  }
0x5a: {  	_ =	shalt  }
0x5b: {  	_ =	shalt  }
0x5c: {  	_ =	shalt  }
0x5d: {  	_ =	shalt  }
0x5e: {  	_ =	shalt  }
0x5f: {  	_ =	shalt  }
0x60: {  	_ =	shalt  }
0x61: {  	_ =	shalt  }
0x62: {  	_ =	shalt  }
0x63: {  	_ =	shalt  }
0x64: {  	_ =	shalt  }
0x65: {  	_ =	shalt  }
0x66: {  	_ =	shalt  }
0x67: {  	_ =	shalt  }
0x68: {  	_ =	shalt  }
0x69: {  	_ =	shalt  }
0x6a: {  	_ =	shalt  }
0x6b: {  	_ =	shalt  }
0x6c: {  	_ =	shalt  }
0x6d: {  	_ =	shalt  }
0x6e: {  	_ =	shalt  }
0x6f: {  	_ =	shalt  }
0x70: {  	_ =	shalt  }
0x71: {  	_ =	shalt  }
0x72: {  	_ =	shalt  }
0x73: {  	_ =	shalt  }
0x74: {  	_ =	shalt  }
0x75: {  	_ =	shalt  }
0x76: {  	_ =	shalt  }
0x77: {  	_ =	shalt  }
0x78: {  	_ =	shalt  }
0x79: {  	_ =	shalt  }
0x7a: {  	_ =	shalt  }
0x7b: {  	_ =	shalt  }
0x7c: {  	_ =	shalt  }
0x7d: {  	_ =	shalt  }
0x7e: {  	_ =	shalt  }
0x7f: {  	_ =	shalt  }
0x80: {  	_ =	shalt  }
0x81: {  	_ =	shalt  }
0x82: {  	_ =	shalt  }
0x83: {  	_ =	shalt  }
0x84: {  	_ =	shalt  }
0x85: {  	_ =	shalt  }
0x86: {  	_ =	shalt  }
0x87: {  	_ =	shalt  }
.Lfunc_end0:
.L_simem_size_0:
called_computation.1_lowered:
.L_overlay_start_0:
0x88: {  	s2 =	sld [smem:$0x3FD9]  }
0x89: {  	s3 =	sld [smem:$0x3FFE];
	_ =	sdelay $0x1  }
0x8a: {  	s1 =	srdreg.scid  }
0x8b: {  	s0 =	sand.u32 $0x1, s1  }
0x8c: {  	s17 =	sshll.u32 s0, $0xA;
	s2 =	sadd.s32 s3, s2  }
0x8d: {  	s2 =	sadd.s32 s2, s17  }
0x8e: {  	[smem:$0x3FBB] =	sst s2  }
0x8f: {  	_ = 	snop  }
0x90: {  	(tm) =	ssettm $0x1  }
0x91: {  	s18 =	sld [smem:$0x3FFB];
	_ =	sdelay $0x3  }
0x92: {  	_ =	strace s18  }
0x93: {  	s2 =	sld [smem:$0x3FFC];
	_ =	sdelay $0x3  }
0x94: {  	_ =	strace s2  }
0x95: {  	s2 =	sld [smem:$0x3FFD];
	_ =	sdelay $0x3  }
0x96: {  	_ =	strace s2  }
0x97: {  	_ =	strace $0x8FFFFFFF  }
0x98: {  	s19 =	sld [smem:$0x3FDB];
	_ =	sdelay $0x1  }
0x99: {  	s20 =	simm.s32 $_scs_section_size  }
0x9a: {  	s4 =	simm.s32 $_size__tile_overlayer_lowered;
	s5 =	simm.s32 $_tile_overlayer_lowered  }
0x9b: {  	s6 =	simm.s32 $0x1BFF;
	s21 =	sshll.u32 s5, $0x1;
	s3 =	sadd.s32 s20, s19  }
0x9c: {  	s22 =	simm.s32 $0x0;
	s4 =	sshll.u32 s4, $0x1;
	s5 =	sadd.s32 s21, s3  }
0x9d: {  	[timem:s22], [sflag:s6] =	dma.local [hbm:s5], s4  }
0x9e: {  	_ =	swait.ge [sflag:s6], s4  }
0x9f: {  	s4 =	ssub.s32 $0x0, s4;
	[sflag:s6] =	ssyncset.done $0x0  }
0xa0: {  	[sflag:s6] =	ssyncadd.s32 s4;
	_ =	sdelay $0x1  }
0xa1: {  	s23 =	simm.s32 $0x1B8B  }
0xa2: {  	_ =	swait.ge [sflag:s23], $0x1  }
0xa3: {  	[sflag:s23] =	ssyncset.done $0x0  }
0xa4: {  	[sflag:s23] =	ssyncadd.s32 $0xFFFFFFFF  }
0xa5: {  	s4 =	sld [smem:$0x0]  }
0xa6: {  	s5 =	sand.u32 $0xFFFFFFFE, s1  }
0xa7: {  	p0 =	sne.s32 s1, s5  }
0xa8: {  	s5 =	sshll.u32 @p0 s5, $0xE  }
0xa9: {  	s5 =	sadd.s32 @p0 $0x11B8D, s5;
	s6 =	sshll.u32 @p0 s4, $0x11  }
0xaa: {  	s5 =	sor.u32 @p0 s6, s5  }
0xab: {  	[sflag:s5] =	ssyncadd.remote.s32 @p0 $0x1;
	_ =	sdelay $0x1  }
0xac: {  	s5 =	simm.s32 @p0 $0x1B8D  }
0xad: {  	_ =	swait.eq @p0 [sflag:s5], $0x1  }
0xae: {  	[sflag:s5] =	ssyncadd.s32 @p0 $0xFFFFFFFF  }
0xaf: {  	s6 =	sshll.u32 @!p0 s1, $0xE  }
0xb0: {  	s6 =	sor.u32 @!p0 $0x4000, s6;
	s5 =	simm.s32 @!p0 $0x1B8D  }
0xb1: {  	s4 =	sshll.u32 @!p0 s4, $0x11;
	s6 =	sadd.s32 @!p0 $0x11B8D, s6;
	_ =	swait.eq @!p0 [sflag:s5], $0x1  }
0xb2: {  	s4 =	sor.u32 @!p0 s4, s6;
	[sflag:s5] =	ssyncadd.s32 @!p0 $0xFFFFFFFF  }
0xb3: {  	s25 =	simm.s32 $0x1B8E;
	s24 =	sld [smem:$0x3FFE];
	[sflag:s4] =	ssyncadd.remote.s32 @!p0 $0x1  }
0xb4: {  	s26 =	simm.s32 $execute0_lowered;
	[smem:$0x3FD2] =	sst s25  }
0xb5: {  	s5 =	sshll.u32 s26, $0x1;
	_ =	strace $0x80000052;
	[dreg:$0x1] =	wrdreg $0xFFFFFFFF  }
0xb6: {  	s28 =	simm.s32 $_size_execute0_lowered;
	s3 =	sadd.s32 s3, s5;
	[dreg:$0x0] =	wrdreg $0x0  }
0xb7: {  	s5 =	sshll.u32 s28, $0x1;
	[dreg:$0x2] =	wrdreg s3  }
0xb8: {  	[dreg:$0x3] =	wrdreg s5  }
0xb9: {  	[dreg:$0x4] =	wrdreg $0xC0  }
0xba: {  	_ =	task [dreg:s22], $0x5FFFF  }
0xbb: {  	[dreg:$0x1] =	wrdreg $0xFFFFFFFF  }
0xbc: {  	[dreg:$0x0] =	wrdreg $0x60  }
0xbd: {  	[dreg:$0x2] =	wrdreg s24  }
0xbe: {  	[dreg:$0x3] =	wrdreg $0x90000  }
0xbf: {  	[dreg:$0x4] =	wrdreg $0x9  }
0xc0: {  	_ =	task.clear_ibuf [dreg:s22], $0x5FFFF;
	_ =	strace $0x90000052  }
0xc1: {  	s29 =	simm.s32 $0x9;
	_ =	strace $0x80000054  }
0xc2: {  	_ =	swait.ge [sflag:s29], $0x1  }
0xc3: {  	[sflag:s29] =	ssyncadd.s32 $0xFFFFFFFF  }
0xc4: {  	_ =	strace $0x90000054  }
0xc5: {  	_ =	sfence  }
0xc6: {  	s30 =	sld [smem:$0x0];
	_ =	sdelay $0x2  }
0xc7: {  	s31 =	sshll.u32 s1, $0xD;
	s1 =	sshrl.u32 s1, $0x2  }
0xc8: {  	s4 =	sand.u32 $0x4000, s31;
	s1 =	sadd.s32 s1, s30  }
0xc9: {  	s0 =	sor.u32 s4, s0;
	s1 =	sshll.u32 s1, $0x11  }
0xca: {  	s0 =	sor.u32 s1, s0  }
0xcb: {  	s0 =	sadd.s32 $0x8F2B, s0  }
0xcc: {  	[sflag:s0] =	ssyncadd.remote.s32 $0x1  }
0xcd: {  	_ =	sfence.sel $0xFFFF  }
0xce: {  	[dreg:$0x0] =	wrdreg $0xFFFFFFFF;
	(pc) =	sbr.abs _section_cstart, $3  }
0xcf: {  	[dreg:$0x1] =	wrdreg $0xFFFFFFFF  }
0xd0: {  	_ =	task.clear_ibuf [dreg:s22], $0x2FFFF;
	_ =	strace $0x9FFFFFFF  }
0xd1: {  	(tm) =	ssettm $0x7FFFFFFF  }
tec
execute0_lowered:
.L_overlay_start_1:
0x0: {  	(tag) =	ssettag $0x1  }
0x1: {  	s5 =	rddreg [dreg:$0x0]  }
0x2: {  	s2 =	rddreg [dreg:$0x1]  }
0x3: {  	s0 =	rddreg [dreg:$0x2]  }
0x4: {  	s4 =	srdreg.scid;
	s1 =	stileid.u32  }
0x5: {  	s3 =	simm.s32 $0x0;
	s17 =	simm.s32 $0x3;
	s18 =	simm.s32 $0x5000  }
0x6: {  	s19 =	simm.s32 $0x1;
	s20 =	simm.s32 $0x80;
	s21 =	simm.s32 $0x2  }
0x7: {  	s22 =	simm.s32 $0xC00;
	s23 =	simm.s32 $0xC80;
	s10 =	smul.u32 $0x4F000, s1  }
0x8: {  	s7 =	sand.u32 $0x1, s4;
	s28 =	sshll.u32 s1, $0x1;
	s14 =	smul.u32 $0xD0000, s1  }
0x9: {  	[smem:$0x7FF] =	sst s3;
	s4 =	sadd.s32 $0x1249C00, s5;
	s25 =	smul.u32 $0x2780, s1  }
0xa: {  	s6 =	sor.u32 s7, s28;
	s8 =	smul.u32 $0x27800, s7;
	_ =	strace $0x80000053  }
0xb: {  	s29 =	ssub.s32 $0x2, s7;
	s16 =	smul.u32 $0x68000, s7;
	s9 =	sshll.u32 s6, $0x9  }
0xc: {  	s30 =	sshrl.u32 s10, $0x2;
	s12 =	smul.u32 $0xD000, s6;
	s31 =	sshrl.u32 s29, $0x1  }
0xd: {  	s11 =	sadd.s32 s9, s5;
	s13 =	sadd.s32 s8, s5;
	s5 =	sadd.s32 s30, s2  }
0xe: {  	s15 =	ssub.s32 s29, s31;
	s16 =	sadd.s32 s16, s14;
	s6 =	sadd.s32 $0x4000, s5  }
0xf: {  	s7 =	sadd.s32 $0x8000, s5;
	s8 =	sadd.s32 $0xC000, s5;
	s9 =	sadd.s32 $0x10000, s5  }
0x10: {  	s10 =	sadd.s32 $0xF05C00, s11;
	s11 =	sadd.s32 s4, s12;
	s24 =	sadd.s32 $0xF09C00, s13  }
0x11: {  	s14 =	sadd.s32 $0xC000, s16;
	s13 =	smax.u32 s15, $0x1;
	s15 =	sadd.s32 $0x8000, s16  }
0x12: {  	s16 =	simm.s32 $0x1000;
	s12 =	sadd.s32 $0x800, s11;
	s14 =	sshrl.u32 s14, $0x3  }
0x13: {  	v0 =	vimm.f32 $0.0e+00;
	s24 =	sadd.s32 s25, s24;
	s25 =	simm.s32 $0x0;
	s14 =	sadd.s32 s14, s4  }
.LBB2_1:
0x14: {  	s26 =	simm.s32 $0x0;
	s28 =	simm.s32 $0x200  }
.LBB2_2:
0x15: {  	p0 =	sne.s32 s28, $0xFE00;
	[tilespmem:s26+$0x1070] =	vst v0  }
0x16: {  	[tilespmem:s26+$0x1000] =	vst v0  }
0x17: {  	[tilespmem:s26+$0x1010] =	vst v0  }
.Ltmp0:
0x18: {  	[tilespmem:s26+$0x1020] =	vst v0;
	(pc) =	sbr.rel @p0 .LBB2_2-.Ltmp0, $4  }
0x19: {  	[tilespmem:s26+$0x1030] =	vst v0  }
0x1a: {  	[tilespmem:s26+$0x1040] =	vst v0  }
0x1b: {  	[tilespmem:s26+$0x1050] =	vst v0  }
0x1c: {  	[tilespmem:s26+$0x1060] =	vst v0;
	s26 =	sshra.s32 s28, $0x2;
	s28 =	sadd.s32 $0x200, s28  }
0x1d: {  	[tilespmem:s26+$0x1070] =	vst v0  }
0x1e: {  	[tilespmem:s26+$0x1000] =	vst v0  }
0x1f: {  	[tilespmem:s26+$0x1010] =	vst v0  }
0x20: {  	[tilespmem:s26+$0x1020] =	vst v0  }
0x21: {  	[tilespmem:s26+$0x1030] =	vst v0  }
0x22: {  	[tilespmem:s26+$0x1040] =	vst v0  }
0x23: {  	[tilespmem:s26+$0x1050] =	vst v0  }
0x24: {  	[tilespmem:s26+$0x1060] =	vst v0  }
0x25: {  	[spmem:s5] =	stream.linear.scatter [tilespmem:s16], [sflag:$0x3], $0x4000, $0x38;
	[tilespmem:$0x1CC00] =	vst v63  }
0x26: {  	_ =	swait.ge [sflag:s17], $0x4000  }
0x27: {  	[sflag:s17] =	ssyncset.done $0x0  }
0x28: {  	[sflag:s17] =	ssyncadd.s32 $0xFFFFC000  }
0x29: {  	[spmem:s6] =	stream.linear.scatter [tilespmem:s16], [sflag:$0x3], $0x4000, $0x38;
	[tilespmem:$0x1CC00] =	vst v63  }
0x2a: {  	_ =	swait.ge [sflag:s17], $0x4000  }
0x2b: {  	[sflag:s17] =	ssyncset.done $0x0  }
0x2c: {  	[sflag:s17] =	ssyncadd.s32 $0xFFFFC000  }
0x2d: {  	[spmem:s7] =	stream.linear.scatter [tilespmem:s16], [sflag:$0x3], $0x4000, $0x38;
	[tilespmem:$0x1CC00] =	vst v63  }
0x2e: {  	_ =	swait.ge [sflag:s17], $0x4000  }
0x2f: {  	[sflag:s17] =	ssyncset.done $0x0  }
0x30: {  	[sflag:s17] =	ssyncadd.s32 $0xFFFFC000  }
0x31: {  	[spmem:s8] =	stream.linear.scatter [tilespmem:s16], [sflag:$0x3], $0x4000, $0x38;
	[tilespmem:$0x1CC00] =	vst v63  }
0x32: {  	_ =	swait.ge [sflag:s17], $0x4000  }
0x33: {  	[sflag:s17] =	ssyncset.done $0x0  }
0x34: {  	[sflag:s17] =	ssyncadd.s32 $0xFFFFC000  }
0x35: {  	[spmem:s9] =	stream.linear.scatter [tilespmem:s16], [sflag:$0x3], $0x3C00, $0x38;
	[tilespmem:$0x1CC00] =	vst v63  }
0x36: {  	_ =	swait.ge [sflag:s17], $0x3C00  }
0x37: {  	[sflag:s17] =	ssyncset.done $0x0  }
0x38: {  	s31 =	simm.s32 $0x0;
	[sflag:s17] =	ssyncadd.s32 $0xFFFFC400  }
0x39: {  	[tilespmem:s31], [sflag:$0x3] =	stream.linear.gather [hbm4b:s10+s31], $0xD00, $0x38;
	[tilespmem:$0x1CC00] =	vst v63  }
0x3a: {  	_ =	swait.ge [sflag:s17], $0xD00  }
0x3b: {  	[sflag:s17] =	ssyncset.done $0x0  }
0x3c: {  	[sflag:s17] =	ssyncadd.s32 $0xFFFFF300  }
0x3d: {  	[bflag:$0x0] =	sbarrier.arrive $0xFFFF  }
0x3e: {  	[tilespmem:s16], [sflag:$0x1] =	stream.linear.gather [hbm4b:s11+s31], $0x4000, $0x38;
	[tilespmem:$0x1CC00] =	vst v63  }
0x3f: {  	_ = 	snop  }
0x40: {  	[tilespmem:s18], [sflag:$0x2] =	stream.linear.gather [hbm4b:s12+s31], $0x4000, $0x38;
	[tilespmem:$0x1CC00] =	vst v63  }
0x41: {  	_ =	swait.ge [sflag:s19], $0x4000  }
0x42: {  	[sflag:s19] =	ssyncset.done $0x0  }
0x43: {  	s31 =	simm.s32 $0x0;
	[sflag:s19] =	ssyncadd.s32 $0xFFFFC000  }
0x44: {  	[spmem:s2] =	stream.indirect.scatter.add.f32 [tilespmem:s16], [sflag:$0x3], $0x80, s31, s20, $0xb8;
	[tilespmem:$0x1CC00] =	vst v63  }
0x45: {  	_ =	swait.ge [sflag:s17], $0x4000  }
0x46: {  	s31 =	sshrl.u32 s15, $0x3;
	[sflag:s17] =	ssyncset.done $0x0  }
0x47: {  	s26 =	sadd.s32 s4, s31;
	[sflag:s17] =	ssyncadd.s32 $0xFFFFC000  }
0x48: {  	[tilespmem:s16], [sflag:$0x1] =	stream.linear.gather [hbm4b:s26+s3], $0x4000, $0x38;
	[tilespmem:$0x1CC00] =	vst v63  }
0x49: {  	_ =	swait.ge [sflag:s21], $0x4000  }
0x4a: {  	[sflag:s21] =	ssyncset.done $0x0  }
0x4b: {  	s31 =	simm.s32 $0x80;
	[sflag:s21] =	ssyncadd.s32 $0xFFFFC000  }
0x4c: {  	[spmem:s2] =	stream.indirect.scatter.add.f32 [tilespmem:s18], [sflag:$0x3], $0x80, s31, s20, $0xb8;
	[tilespmem:$0x1CC00] =	vst v63  }
0x4d: {  	_ =	swait.ge [sflag:s17], $0x4000  }
0x4e: {  	s28 =	sadd.s32 $0x8000, s15;
	s30 =	sadd.s32 $0x0, s14;
	[sflag:s17] =	ssyncset.done $0x0  }
0x4f: {  	s29 =	simm.s32 $0x180;
	s26 =	simm.s32 $0x1000;
	[sflag:s17] =	ssyncadd.s32 $0xFFFFC000  }
.LBB2_4:
0x50: {  	[tilespmem:s18], [sflag:$0x2] =	stream.linear.gather [hbm4b:s30+s3], $0x4000, $0x38;
	[tilespmem:$0x1CC00] =	vst v63  }
0x51: {  	s30 =	smov.u32 s26  }
0x52: {  	p0 =	sne.s32 s26, $0xB000;
	s26 =	sadd.s32 $0x1000, s26;
	_ =	swait.ge [sflag:s19], $0x4000  }
0x53: {  	[sflag:s19] =	ssyncset.done $0x0  }
0x54: {  	s31 =	sadd.s32 $0xFFFFFF80, s29;
	[sflag:s19] =	ssyncadd.s32 $0xFFFFC000  }
0x55: {  	[spmem:s2] =	stream.indirect.scatter.add.f32 [tilespmem:s16], [sflag:$0x3], $0x80, s31, s20, $0xb8;
	[tilespmem:$0x1CC00] =	vst v63  }
0x56: {  	_ =	swait.ge [sflag:s17], $0x4000  }
0x57: {  	s31 =	sshrl.u32 s28, $0x3;
	[sflag:s17] =	ssyncset.done $0x0  }
0x58: {  	s31 =	sadd.s32 s4, s31;
	[sflag:s17] =	ssyncadd.s32 $0xFFFFC000  }
0x59: {  	[tilespmem:s16], [sflag:$0x1] =	stream.linear.gather [hbm4b:s31+s3], $0x4000, $0x38;
	[tilespmem:$0x1CC00] =	vst v63  }
0x5a: {  	_ =	swait.ge [sflag:s21], $0x4000  }
0x5b: {  	[sflag:s21] =	ssyncset.done $0x0  }
.Ltmp1:
0x5c: {  	[sflag:s21] =	ssyncadd.s32 $0xFFFFC000;
	(pc) =	sbr.rel @p0 .LBB2_4-.Ltmp1, $4  }
0x5d: {  	[spmem:s2] =	stream.indirect.scatter.add.f32 [tilespmem:s18], [sflag:$0x3], $0x80, s29, s20, $0xb8;
	[tilespmem:$0x1CC00] =	vst v63  }
0x5e: {  	_ =	swait.ge [sflag:s17], $0x4000  }
0x5f: {  	s28 =	sadd.s32 $0x8000, s28;
	[sflag:s17] =	ssyncset.done $0x0  }
0x60: {  	s30 =	sadd.s32 s30, s14;
	s29 =	sadd.s32 $0x100, s29;
	[sflag:s17] =	ssyncadd.s32 $0xFFFFC000  }
0x61: {  	[tilespmem:s18], [sflag:$0x2] =	stream.linear.gather [hbm4b:s30+s3], $0x4000, $0x38;
	[tilespmem:$0x1CC00] =	vst v63  }
0x62: {  	_ =	swait.ge [sflag:s19], $0x4000  }
0x63: {  	[sflag:s19] =	ssyncset.done $0x0  }
0x64: {  	[sflag:s19] =	ssyncadd.s32 $0xFFFFC000  }
0x65: {  	[spmem:s2] =	stream.indirect.scatter.add.f32 [tilespmem:s16], [sflag:$0x3], $0x80, s22, s20, $0xb8;
	[tilespmem:$0x1CC00] =	vst v63  }
0x66: {  	_ =	swait.ge [sflag:s17], $0x4000  }
0x67: {  	[sflag:s17] =	ssyncset.done $0x0  }
0x68: {  	[sflag:s17] =	ssyncadd.s32 $0xFFFFC000  }
0x69: {  	_ =	swait.ge [sflag:s21], $0x4000  }
0x6a: {  	[sflag:s21] =	ssyncset.done $0x0  }
0x6b: {  	[sflag:s21] =	ssyncadd.s32 $0xFFFFC000  }
0x6c: {  	[spmem:s2] =	stream.indirect.scatter.add.f32 [tilespmem:s18], [sflag:$0x3], $0x80, s23, s20, $0xb8;
	[tilespmem:$0x1CC00] =	vst v63  }
0x6d: {  	_ =	swait.ge [sflag:s17], $0x4000  }
0x6e: {  	s26 =	sshll.u32 s1, $0x6;
	s25 =	sadd.s32 $0x1, s25;
	[sflag:s17] =	ssyncset.done $0x0  }
0x6f: {  	s28 =	sshrl.u32 s5, $0x3;
	p0 =	sne.s32 s25, s13;
	[sflag:s17] =	ssyncadd.s32 $0xFFFFC000  }
.Ltmp2:
0x70: {  	s26 =	sor.u32 $0x1C03, s26;
	[bflag:$0x0] =	sbarrier.arrive $0xFFFF;
	(pc) =	sbr.rel @p0 .LBB2_1-.Ltmp2, $4  }
0x71: {  	[hbm:s24], [sflag:s26] =	dma.local [spmem:s28], $0x2780  }
0x72: {  	_ =	swait.ge [sflag:s17], $0x2780  }
0x73: {  	[sflag:s17] =	ssyncset.done $0x0  }
0x74: {  	[sflag:s17] =	ssyncadd.s32 $0xFFFFD880  }
0x75: {  	_ =	sfence.sel $0x180000  }
0x76: {  	[bflag:$0x0] =	sbarrier.arrive $0xFFFF  }
0x77: {  	p0 =	sne.s32 s1, $0x0;
	_ =	strace $0x90000053  }
0x78: {  	s0 =	sadd.s32 @!p0 $0x100000, s0;
	[bflag:$0x2] =	sbarrier.arrive $0xFFFF  }
0x79: {  	[sflag:s0] =	ssyncadd.tile.s32 @!p0 $0x1;
	_ =	shalt  }
.Lfunc_end2:
_tile_overlayer_lowered:
.L_overlay_start_2:
0x7a: {  	(tag) =	ssettag $0x2  }
0x7b: {  	s0 =	rddreg [dreg:$0x0];
	s2 =	stileid.u32  }
0x7c: {  	s1 =	rddreg [dreg:$0x1];
	p0 =	sne.s32 s2, $0x0  }
0x7d: {  	s3 =	rddreg [dreg:$0x2];
	[bflag:$0x3] =	sbarrier.arrive $0xFFFF;
	s2 =	simm.s32 @!p0 $0x1C03  }
0x7e: {  	[timem:s3], [sflag:s2] =	dma.local @!p0 [hbm:s0], s1  }
0x7f: {  	s0 =	simm.s32 @!p0 $0x3  }
0x80: {  	_ =	swait.ge @!p0 [sflag:s0], s1  }
0x81: {  	s1 =	ssub.s32 @!p0 $0x0, s1;
	[sflag:s0] =	ssyncset.done @!p0 $0x0  }
0x82: {  	[sflag:s0] =	ssyncadd.s32 @!p0 s1  }
0x83: {  	[bflag:$0x3] =	sbarrier.arrive $0xFFFF  }
0x84: {  	_ =	shalt  }

// kernel: kernel.21.cloned.1.call-start
scs
__scs_entry_jumppad:
0x0: {  	(pc) =	sbr.rel $0x88, $3  }
0x1: {  	(tag) =	ssettag $0x0;
	lr =	simm.s32 $0x1  }
0x2: {  	[smem:$0x3F94] =	sst lr;
	_ =	strace $0xD0000000  }
0x3: {  	_ = 	snop  }
0x4: {  	_ = 	snop  }
0x5: {  	_ = 	snop  }
0x6: {  	_ = 	snop  }
0x7: {  	_ = 	snop  }
__scs_overlays_trampoline_lowered:
0x8: {  	[smem:$0x3FA3] =	sst s0  }
0x9: {  	[smem:$0x3FA4] =	sst s1  }
0xa: {  	[smem:$0x3FA5] =	sst s2  }
0xb: {  	[smem:$0x3FA6] =	sst s3  }
0xc: {  	[smem:$0x3FA7] =	sst s4  }
0xd: {  	[smem:$0x3FA8] =	sst s5  }
0xe: {  	[smem:$0x3FA9] =	sst s6  }
0xf: {  	[smem:$0x3FAA] =	sst s7  }
0x10: {  	[smem:$0x3FAB] =	sst s8  }
0x11: {  	[smem:$0x3FAC] =	sst s9;
	s0 =	simm.s32 @!p0 $0x0  }
0x12: {  	s1 =	sld [smem:$0x3F92];
	s0 =	simm.s32 @p0 $0x1  }
0x13: {  	[smem:$0x3FAD] =	sst s0;
	s0 =	simm.s32 @!p1 $0x0  }
0x14: {  	s2 =	sld [smem:$0x3F91];
	s0 =	simm.s32 @p1 $0x1  }
0x15: {  	[smem:$0x3FAE] =	sst s0;
	s0 =	simm.s32 @!p2 $0x0  }
0x16: {  	s3 =	sld [smem:$0x3FDB];
	s0 =	simm.s32 @p2 $0x1  }
0x17: {  	s4 =	simm.s32 $0x1BF5;
	[smem:$0x3FB0] =	sst s0  }
0x18: {  	s0 =	sld [smem:$0x3F93];
	_ =	swait.ge [sflag:s4], $0x0  }
0x19: {  	s7 =	sld [smem:$0x3F94]  }
0x1a: {  	s8 =	sadd.s32 $0xFFFFE003, lr  }
0x1b: {  	s9 =	sadd.s32 $0xFFFFFEF7, lr;
	s5 =	simm.s32 $0xFFFFFFFF;
	p2 =	slt.u32 s8, $0xFFFFF086  }
0x1c: {  	p1 =	slt.u32 s9, $0xF7A;
	s5 =	simm.s32 @!p2 $0x0  }
0x1d: {  	s5 =	simm.s32 @p1 $0x1;
	p0 =	seq.s32 s7, s2  }
0x1e: {  	s7 =	smul.u32 @!p0 $0xF7A, s2;
	p2 =	seq.s32 @!p0 s5, $0x0  }
0x1f: {  	s9 =	smul.u32 $0xF7A, s1;
	s8 =	simm.s32 @!p0 $0x1BF5;
	p2 =	por !p2, p0  }
0x20: {  	[sflag:s8] =	ssyncset.s32 @!p0 $0xFFFFF086;
	s6 =	sadd.s32 @!p0 s3, s7;
	s7 =	simm.s32 @!p0 $0x108  }
0x21: {  	s3 =	sadd.s32 s3, s9;
	s6 =	sadd.s32 @!p0 $0x88, s6;
	s7 =	simm.s32 @p2 $0x1082  }
0x22: {  	[simem:s7], [sflag:s8] =	dma.local @!p0 [hbm:s6], $0xF7A  }
0x23: {  	s9 =	sor.u32 $0xD0000000, s2;
	s6 =	simm.s32 $0x108;
	_ =	swait.ge @!p0 [sflag:s8], $0x0  }
0x24: {  	s3 =	sadd.s32 $0x88, s3;
	s6 =	simm.s32 @!p1 $0x1082;
	[sflag:s4] =	ssyncset.s32 $0xFFFFF086  }
0x25: {  	[simem:s6], [sflag:s4] =	dma.local [hbm:s3], $0xF7A  }
0x26: {  	[smem:$0x3F94] =	sst s1;
	(tag) =	ssettag s2;
	_ =	strace s9  }
0x27: {  	s1 =	sld [smem:$0x3FA4]  }
0x28: {  	s2 =	sld [smem:$0x3FA5]  }
0x29: {  	s4 =	sld [smem:$0x3FA7]  }
0x2a: {  	p0 =	seq.s32 s5, $0x0;
	s5 =	sld [smem:$0x3FA8]  }
0x2b: {  	s6 =	sld [smem:$0x3FA9]  }
0x2c: {  	s7 =	sld [smem:$0x3FAA]  }
0x2d: {  	s3 =	simm.s32 $0x108;
	s8 =	sld [smem:$0x3FAB]  }
0x2e: {  	s3 =	simm.s32 @!p0 $0x1082;
	s9 =	sld [smem:$0x3FAC]  }
0x2f: {  	lr =	sadd.s32 s0, s3;
	s0 =	sld [smem:$0x3FA3]  }
0x30: {  	s3 =	sld [smem:$0x3FA6]  }
0x31: {  	[smem:$0x3FAF] =	sst s10  }
0x32: {  	s10 =	sld [smem:$0x3FAD];
	_ =	sdelay $0x3  }
0x33: {  	p0 =	seq.s32 s10, $0x1;
	s10 =	sld [smem:$0x3FAF];
	_ =	sdelay $0x3  }
0x34: {  	[smem:$0x3FAF] =	sst s10  }
0x35: {  	s10 =	sld [smem:$0x3FAE];
	_ =	sdelay $0x3  }
0x36: {  	p1 =	seq.s32 s10, $0x1;
	s10 =	sld [smem:$0x3FAF];
	_ =	sdelay $0x3  }
0x37: {  	[smem:$0x3FAF] =	sst s10  }
0x38: {  	s10 =	sld [smem:$0x3FB0]  }
0x39: {  	_ = 	snop;
	(pc) =	sbr.ind lr, $3  }
0x3a: {  	_ = 	snop  }
0x3b: {  	_ = 	snop  }
0x3c: {  	p2 =	seq.s32 s10, $0x1;
	s10 =	sld [smem:$0x3FAF]  }
0x3d: {  	_ =	shalt  }
0x3e: {  	_ =	shalt  }
0x3f: {  	_ =	shalt  }
0x40: {  	_ =	shalt  }
0x41: {  	_ =	shalt  }
0x42: {  	_ =	shalt  }
0x43: {  	_ =	shalt  }
0x44: {  	_ =	shalt  }
0x45: {  	_ =	shalt  }
0x46: {  	_ =	shalt  }
0x47: {  	_ =	shalt  }
0x48: {  	_ =	shalt  }
0x49: {  	_ =	shalt  }
0x4a: {  	_ =	shalt  }
0x4b: {  	_ =	shalt  }
0x4c: {  	_ =	shalt  }
0x4d: {  	_ =	shalt  }
0x4e: {  	_ =	shalt  }
0x4f: {  	_ =	shalt  }
0x50: {  	_ =	shalt  }
0x51: {  	_ =	shalt  }
0x52: {  	_ =	shalt  }
0x53: {  	_ =	shalt  }
0x54: {  	_ =	shalt  }
0x55: {  	_ =	shalt  }
0x56: {  	_ =	shalt  }
0x57: {  	_ =	shalt  }
0x58: {  	_ =	shalt  }
0x59: {  	_ =	shalt  }
0x5a: {  	_ =	shalt  }
0x5b: {  	_ =	shalt  }
0x5c: {  	_ =	shalt  }
0x5d: {  	_ =	shalt  }
0x5e: {  	_ =	shalt  }
0x5f: {  	_ =	shalt  }
0x60: {  	_ =	shalt  }
0x61: {  	_ =	shalt  }
0x62: {  	_ =	shalt  }
0x63: {  	_ =	shalt  }
0x64: {  	_ =	shalt  }
0x65: {  	_ =	shalt  }
0x66: {  	_ =	shalt  }
0x67: {  	_ =	shalt  }
0x68: {  	_ =	shalt  }
0x69: {  	_ =	shalt  }
0x6a: {  	_ =	shalt  }
0x6b: {  	_ =	shalt  }
0x6c: {  	_ =	shalt  }
0x6d: {  	_ =	shalt  }
0x6e: {  	_ =	shalt  }
0x6f: {  	_ =	shalt  }
0x70: {  	_ =	shalt  }
0x71: {  	_ =	shalt  }
0x72: {  	_ =	shalt  }
0x73: {  	_ =	shalt  }
0x74: {  	_ =	shalt  }
0x75: {  	_ =	shalt  }
0x76: {  	_ =	shalt  }
0x77: {  	_ =	shalt  }
0x78: {  	_ =	shalt  }
0x79: {  	_ =	shalt  }
0x7a: {  	_ =	shalt  }
0x7b: {  	_ =	shalt  }
0x7c: {  	_ =	shalt  }
0x7d: {  	_ =	shalt  }
0x7e: {  	_ =	shalt  }
0x7f: {  	_ =	shalt  }
0x80: {  	_ =	shalt  }
0x81: {  	_ =	shalt  }
0x82: {  	_ =	shalt  }
0x83: {  	_ =	shalt  }
0x84: {  	_ =	shalt  }
0x85: {  	_ =	shalt  }
0x86: {  	_ =	shalt  }
0x87: {  	_ =	shalt  }
.Lfunc_end0:
.L_simem_size_0:
called_computation.2_lowered:
.L_overlay_start_0:
0x88: {  	s2 =	sld [smem:$0x3FD9]  }
0x89: {  	s3 =	sld [smem:$0x3FFE];
	_ =	sdelay $0x1  }
0x8a: {  	s1 =	srdreg.scid  }
0x8b: {  	s0 =	sand.u32 $0x1, s1  }
0x8c: {  	s17 =	sshll.u32 s0, $0xA;
	s2 =	sadd.s32 s3, s2  }
0x8d: {  	s2 =	sadd.s32 s2, s17  }
0x8e: {  	[smem:$0x3FBB] =	sst s2  }
0x8f: {  	_ = 	snop  }
0x90: {  	s18 =	sld [smem:$0x3FC9];
	(tm) =	ssettm $0x1  }
0x91: {  	s19 =	sld [smem:$0x3FFB];
	_ =	sdelay $0x3  }
0x92: {  	_ =	strace s19  }
0x93: {  	s2 =	sld [smem:$0x3FFC];
	_ =	sdelay $0x3  }
0x94: {  	_ =	strace s2  }
0x95: {  	s2 =	sld [smem:$0x3FFD];
	_ =	sdelay $0x3  }
0x96: {  	_ =	strace s2  }
0x97: {  	_ =	strace $0x8FFFFFFF  }
0x98: {  	s20 =	sld [smem:$0x3FDB];
	_ =	sdelay $0x1  }
0x99: {  	s4 =	simm.s32 $_scs_section_size  }
0x9a: {  	s5 =	simm.s32 $_size__tile_overlayer_lowered;
	s6 =	simm.s32 $_tile_overlayer_lowered  }
0x9b: {  	s7 =	simm.s32 $0x1BFF;
	s21 =	sshll.u32 s6, $0x1;
	s4 =	sadd.s32 s4, s20  }
0x9c: {  	s22 =	simm.s32 $0x0;
	s5 =	sshll.u32 s5, $0x1;
	s6 =	sadd.s32 s21, s4  }
0x9d: {  	[timem:s22], [sflag:s7] =	dma.local [hbm:s6], s5  }
0x9e: {  	_ =	swait.ge [sflag:s7], s5  }
0x9f: {  	s5 =	ssub.s32 $0x0, s5;
	[sflag:s7] =	ssyncset.done $0x0  }
0xa0: {  	[sflag:s7] =	ssyncadd.s32 s5;
	_ =	sdelay $0x1  }
0xa1: {  	s23 =	simm.s32 $0x1B8B  }
0xa2: {  	_ =	swait.ge [sflag:s23], $0x1  }
0xa3: {  	[sflag:s23] =	ssyncset.done $0x0  }
0xa4: {  	[sflag:s23] =	ssyncadd.s32 $0xFFFFFFFF  }
0xa5: {  	s5 =	sld [smem:$0x0]  }
0xa6: {  	s6 =	sand.u32 $0xFFFFFFFE, s1  }
0xa7: {  	p0 =	sne.s32 s1, s6  }
0xa8: {  	s6 =	sshll.u32 @p0 s6, $0xE  }
0xa9: {  	s6 =	sadd.s32 @p0 $0x11B8D, s6;
	s7 =	sshll.u32 @p0 s5, $0x11  }
0xaa: {  	s6 =	sor.u32 @p0 s7, s6  }
0xab: {  	[sflag:s6] =	ssyncadd.remote.s32 @p0 $0x1;
	_ =	sdelay $0x1  }
0xac: {  	s6 =	simm.s32 @p0 $0x1B8D  }
0xad: {  	_ =	swait.eq @p0 [sflag:s6], $0x1  }
0xae: {  	[sflag:s6] =	ssyncadd.s32 @p0 $0xFFFFFFFF  }
0xaf: {  	s7 =	sshll.u32 @!p0 s1, $0xE  }
0xb0: {  	s7 =	sor.u32 @!p0 $0x4000, s7;
	s6 =	simm.s32 @!p0 $0x1B8D  }
0xb1: {  	s5 =	sshll.u32 @!p0 s5, $0x11;
	s7 =	sadd.s32 @!p0 $0x11B8D, s7;
	_ =	swait.eq @!p0 [sflag:s6], $0x1  }
0xb2: {  	s5 =	sor.u32 @!p0 s5, s7;
	[sflag:s6] =	ssyncadd.s32 @!p0 $0xFFFFFFFF  }
0xb3: {  	s25 =	simm.s32 $0x1B8E;
	s24 =	sld [smem:$0x3FFE];
	[sflag:s5] =	ssyncadd.remote.s32 @!p0 $0x1  }
0xb4: {  	s26 =	simm.s32 $execute0_lowered;
	[smem:$0x3FD2] =	sst s25  }
0xb5: {  	s6 =	sshll.u32 s26, $0x1;
	_ =	strace $0x80000049;
	[dreg:$0x1] =	wrdreg $0xFFFFFFFF  }
0xb6: {  	s28 =	simm.s32 $_size_execute0_lowered;
	s4 =	sadd.s32 s4, s6;
	[dreg:$0x0] =	wrdreg $0x0  }
0xb7: {  	s6 =	sshll.u32 s28, $0x1;
	[dreg:$0x2] =	wrdreg s4  }
0xb8: {  	[dreg:$0x3] =	wrdreg s6  }
0xb9: {  	[dreg:$0x4] =	wrdreg $0xC0  }
0xba: {  	_ =	task [dreg:s22], $0x5FFFF  }
0xbb: {  	[dreg:$0x1] =	wrdreg $0xFFFFFFFF  }
0xbc: {  	[dreg:$0x0] =	wrdreg $0x60  }
0xbd: {  	[dreg:$0x2] =	wrdreg s18  }
0xbe: {  	[dreg:$0x3] =	wrdreg s24  }
0xbf: {  	[dreg:$0x4] =	wrdreg $0xB  }
0xc0: {  	_ =	task.clear_ibuf [dreg:s22], $0x5FFFF;
	_ =	strace $0x90000049  }
0xc1: {  	s29 =	simm.s32 $0xB;
	_ =	strace $0x8000004B  }
0xc2: {  	_ =	swait.ge [sflag:s29], $0x1  }
0xc3: {  	[sflag:s29] =	ssyncadd.s32 $0xFFFFFFFF  }
0xc4: {  	_ =	strace $0x9000004B  }
0xc5: {  	_ =	sfence  }
0xc6: {  	s30 =	sld [smem:$0x0];
	_ =	sdelay $0x2  }
0xc7: {  	s31 =	sshll.u32 s1, $0xD;
	s1 =	sshrl.u32 s1, $0x2  }
0xc8: {  	s4 =	sand.u32 $0x4000, s31;
	s1 =	sadd.s32 s1, s30  }
0xc9: {  	s0 =	sor.u32 s4, s0;
	s1 =	sshll.u32 s1, $0x11  }
0xca: {  	s0 =	sor.u32 s1, s0  }
0xcb: {  	s0 =	sadd.s32 $0x8F2B, s0  }
0xcc: {  	[sflag:s0] =	ssyncadd.remote.s32 $0x1  }
0xcd: {  	_ =	sfence.sel $0xFFFF  }
0xce: {  	[dreg:$0x0] =	wrdreg $0xFFFFFFFF;
	(pc) =	sbr.abs _section_cstart, $3  }
0xcf: {  	[dreg:$0x1] =	wrdreg $0xFFFFFFFF  }
0xd0: {  	_ =	task.clear_ibuf [dreg:s22], $0x2FFFF;
	_ =	strace $0x9FFFFFFF  }
0xd1: {  	(tm) =	ssettm $0x7FFFFFFF  }
tec
execute0_lowered:
.L_overlay_start_1:
0x0: {  	(tag) =	ssettag $0x1  }
0x1: {  	s1 =	srdreg.scid;
	s2 =	rddreg [dreg:$0x0]  }
0x2: {  	s0 =	stileid.u32;
	s4 =	rddreg [dreg:$0x1]  }
0x3: {  	s11 =	simm.s32 $0x80;
	s12 =	simm.s32 $0x1C00;
	s13 =	simm.s32 $0x5C00  }
0x4: {  	s15 =	simm.s32 $0x9C00;
	s17 =	simm.s32 $0xDC00;
	s18 =	simm.s32 $0x1  }
0x5: {  	s19 =	simm.s32 $0x2;
	s20 =	simm.s32 $0x3;
	s21 =	simm.s32 $0x4  }
0x6: {  	s22 =	simm.s32 $0x5;
	s23 =	simm.s32 $0x6;
	s24 =	simm.s32 $0x7  }
0x7: {  	s25 =	simm.s32 $0x8;
	s26 =	simm.s32 $0x0;
	s1 =	sand.u32 $0x1, s1  }
0x8: {  	s3 =	sshll.u32 s0, $0x1;
	s6 =	smul.u32 $0x1A0000, s0;
	s9 =	sadd.s32 $0x359C00, s4  }
0x9: {  	s3 =	sor.u32 s1, s3;
	s7 =	smul.u32 $0xD0000, s1;
	s1 =	ssub.s32 $0x2, s1  }
0xa: {  	s5 =	smul.u32 $0x380, s3;
	s3 =	simm.s32 $0x0;
	s28 =	sshrl.u32 s1, $0x1  }
0xb: {  	[smem:$0x7FF] =	sst s3;
	s7 =	sadd.s32 s7, s6;
	s1 =	ssub.s32 s1, s28  }
0xc: {  	_ =	strace $0x8000004A;
	s5 =	sadd.s32 s5, s4;
	s6 =	sor.u32 $0x4000, s7  }
.Ltmp0:
0xd: {  	s30 =	sor.u32 $0xC000, s7;
	s8 =	sshrl.u32 s7, $0x3;
	(pc) =	sbr.rel .LBB2_1-.Ltmp0, $4  }
0xe: {  	s10 =	sor.u32 $0x8000, s7;
	s29 =	sadd.s32 $0x352C00, s5;
	s6 =	sshrl.u32 s6, $0x3  }
0xf: {  	s5 =	smax.u32 s1, $0x1;
	s1 =	sshrl.u32 s30, $0x3;
	s7 =	sadd.s32 s8, s9  }
0x10: {  	s31 =	sshrl.u32 s10, $0x3;
	s10 =	simm.s32 $0x9;
	[dreg:$0x3] =	wrdreg s29  }
0x11: {  	s6 =	sadd.s32 s6, s9;
	s8 =	sadd.s32 s1, s9;
	s9 =	sadd.s32 s31, s9  }
.LBB2_4:
0x12: {  	_ =	swait.ge [sflag:s22], $0x4000  }
0x13: {  	[sflag:s22] =	ssyncset.done $0x0  }
0x14: {  	[sflag:s22] =	ssyncadd.s32 $0xFFFFC000  }
0x15: {  	_ =	swait.ge [sflag:s23], $0x4000  }
0x16: {  	[sflag:s23] =	ssyncset.done $0x0  }
0x17: {  	s26 =	sadd.s32 $0x1, s26;
	[sflag:s23] =	ssyncadd.s32 $0xFFFFC000  }
0x18: {  	p0 =	sne.s32 s26, s5;
	_ =	swait.ge [sflag:s24], $0x4000  }
.Ltmp1:
0x19: {  	[sflag:s24] =	ssyncset.done $0x0;
	(pc) =	sbr.rel @!p0 .LBB2_5-.Ltmp1, $4  }
0x1a: {  	[sflag:s24] =	ssyncadd.s32 $0xFFFFC000  }
0x1b: {  	_ =	swait.ge [sflag:s25], $0x4000  }
0x1c: {  	[sflag:s25] =	ssyncset.done $0x0  }
0x1d: {  	[sflag:s25] =	ssyncadd.s32 $0xFFFFC000  }
.LBB2_1:
0x1e: {  	s0 =	rddreg [dreg:$0x3]  }
0x1f: {  	[tilespmem:s3], [sflag:$0x9] =	stream.linear.gather [hbm4b:s0+s3], $0x1A00, $0x38;
	[tilespmem:$0x11C00] =	vst v63  }
0x20: {  	_ =	swait.ge [sflag:s10], $0x1A00  }
0x21: {  	[sflag:s10] =	ssyncset.done $0x0  }
0x22: {  	[sflag:s10] =	ssyncadd.s32 $0xFFFFE600  }
0x23: {  	[tilespmem:s12], [sflag:$0x1] =	stream.indirect.gather [hbm4b:s2+s11], $0x80, s3, s11, $0xb8;
	[tilespmem:$0x11C00] =	vst v63  }
0x24: {  	s14 =	simm.s32 $0x100  }
0x25: {  	[tilespmem:s13], [sflag:$0x2] =	stream.indirect.gather [hbm4b:s2+s11], $0x80, s11, s11, $0xb8;
	[tilespmem:$0x11C00] =	vst v63  }
0x26: {  	s16 =	simm.s32 $0x180;
	s28 =	smov.u32 s9;
	s29 =	smov.u32 s8  }
0x27: {  	[tilespmem:s15], [sflag:$0x3] =	stream.indirect.gather [hbm4b:s2+s11], $0x80, s14, s11, $0xb8;
	[tilespmem:$0x11C00] =	vst v63  }
0x28: {  	s30 =	smov.u32 s7;
	s31 =	smov.u32 s6;
	s1 =	simm.s32 $0x0  }
0x29: {  	[tilespmem:s17], [sflag:$0x4] =	stream.indirect.gather [hbm4b:s2+s11], $0x80, s16, s11, $0xb8;
	[tilespmem:$0x11C00] =	vst v63  }
.LBB2_2:
0x2a: {  	_ =	swait.ge [sflag:s18], $0x4000  }
0x2b: {  	p0 =	seq.s32 s1, $0x0;
	[sflag:s18] =	ssyncset.done $0x0  }
0x2c: {  	s0 =	simm.s32 @!p0 $0x7;
	[sflag:s18] =	ssyncadd.s32 $0xFFFFC000  }
0x2d: {  	[hbm4b:s30+s3] =	stream.linear.scatter [tilespmem:s12], [sflag:$0x5], $0x4000, $0x38;
	[tilespmem:$0x11C00] =	vst v63  }
0x2e: {  	_ =	swait.ge @!p0 [sflag:s0], $0x4000  }
0x2f: {  	[sflag:s0] =	ssyncset.done @!p0 $0x0  }
0x30: {  	[sflag:s0] =	ssyncadd.s32 @!p0 $0xFFFFC000;
	s0 =	sshra.s32 @!p0 s1, $0x2  }
0x31: {  	s16 =	simm.s32 @!p0 $0x80;
	s4 =	simm.s32 @!p0 $0x9C00;
	s14 =	sadd.s32 @!p0 $0x100, s0  }
0x32: {  	[tilespmem:s4], [sflag:$0x3] =	stream.indirect.gather @!p0 [hbm4b:s2+s16], $0x80, s14, s16, $0xb8;
	[tilespmem:$0x11C00] =	vst v63  }
0x33: {  	_ =	swait.ge [sflag:s19], $0x4000  }
0x34: {  	[sflag:s19] =	ssyncset.done $0x0  }
0x35: {  	s4 =	simm.s32 @!p0 $0x8;
	[sflag:s19] =	ssyncadd.s32 $0xFFFFC000  }
0x36: {  	[hbm4b:s31+s3] =	stream.linear.scatter [tilespmem:s13], [sflag:$0x6], $0x4000, $0x38;
	[tilespmem:$0x11C00] =	vst v63  }
0x37: {  	_ =	swait.ge @!p0 [sflag:s4], $0x4000  }
0x38: {  	[sflag:s4] =	ssyncset.done @!p0 $0x0  }
0x39: {  	s0 =	sadd.s32 @!p0 $0x180, s0;
	[sflag:s4] =	ssyncadd.s32 @!p0 $0xFFFFC000;
	s4 =	simm.s32 @!p0 $0xDC00  }
0x3a: {  	[tilespmem:s4], [sflag:$0x4] =	stream.indirect.gather @!p0 [hbm4b:s2+s16], $0x80, s0, s16, $0xb8;
	[tilespmem:$0x11C00] =	vst v63  }
0x3b: {  	_ =	swait.ge [sflag:s20], $0x4000  }
0x3c: {  	p0 =	seq.s32 s1, $0x6000;
	[sflag:s20] =	ssyncset.done $0x0  }
0x3d: {  	s0 =	simm.s32 @!p0 $0x5;
	[sflag:s20] =	ssyncadd.s32 $0xFFFFC000  }
0x3e: {  	[hbm4b:s28+s3] =	stream.linear.scatter [tilespmem:s15], [sflag:$0x7], $0x4000, $0x38;
	[tilespmem:$0x11C00] =	vst v63  }
0x3f: {  	_ =	swait.ge @!p0 [sflag:s0], $0x4000  }
0x40: {  	[sflag:s0] =	ssyncset.done @!p0 $0x0  }
0x41: {  	[sflag:s0] =	ssyncadd.s32 @!p0 $0xFFFFC000;
	s0 =	sshra.s32 @!p0 s1, $0x2  }
0x42: {  	s4 =	simm.s32 @!p0 $0x80;
	s14 =	simm.s32 @!p0 $0x1C00;
	s0 =	sadd.s32 @!p0 $0x200, s0  }
0x43: {  	[tilespmem:s14], [sflag:$0x1] =	stream.indirect.gather @!p0 [hbm4b:s2+s4], $0x80, s0, s4, $0xb8;
	[tilespmem:$0x11C00] =	vst v63  }
.Ltmp2:
0x44: {  	_ = 	snop;
	(pc) =	sbr.rel @p0 .LBB2_4-.Ltmp2, $4  }
0x45: {  	_ =	swait.ge [sflag:s21], $0x4000  }
0x46: {  	[sflag:s21] =	ssyncset.done $0x0  }
0x47: {  	[sflag:s21] =	ssyncadd.s32 $0xFFFFC000  }
0x48: {  	[hbm4b:s29+s3] =	stream.linear.scatter [tilespmem:s17], [sflag:$0x8], $0x4000, $0x38;
	[tilespmem:$0x11C00] =	vst v63  }
.Ltmp3:
0x49: {  	_ =	swait.ge [sflag:s23], $0x4000;
	(pc) =	sbr.rel .LBB2_2-.Ltmp3, $4  }
0x4a: {  	s0 =	sshra.s32 s1, $0x2;
	s1 =	sadd.s32 $0x800, s1;
	s31 =	sadd.s32 $0x2000, s31  }
0x4b: {  	s30 =	sadd.s32 $0x2000, s30;
	s29 =	sadd.s32 $0x2000, s29;
	[sflag:s23] =	ssyncset.done $0x0  }
0x4c: {  	s28 =	sadd.s32 $0x2000, s28;
	s0 =	sadd.s32 $0x280, s0;
	[sflag:s23] =	ssyncadd.s32 $0xFFFFC000  }
0x4d: {  	[tilespmem:s13], [sflag:$0x2] =	stream.indirect.gather [hbm4b:s2+s11], $0x80, s0, s11, $0xb8;
	[tilespmem:$0x11C00] =	vst v63  }
.LBB2_5:
0x4e: {  	_ =	sfence.sel $0x180000  }
0x4f: {  	[bflag:$0x0] =	sbarrier.arrive $0xFFFF  }
0x50: {  	_ =	strace $0x9000004A  }
0x51: {  	s0 =	stileid.u32;
	[bflag:$0x2] =	sbarrier.arrive $0xFFFF  }
0x52: {  	p0 =	sne.s32 s0, $0x0;
	s0 =	rddreg [dreg:$0x2]  }
0x53: {  	s0 =	sadd.s32 @!p0 $0x100000, s0  }
0x54: {  	[sflag:s0] =	ssyncadd.tile.s32 @!p0 $0x1;
	_ =	shalt  }
.Lfunc_end2:
_tile_overlayer_lowered:
.L_overlay_start_2:
0x55: {  	(tag) =	ssettag $0x2  }
0x56: {  	s0 =	rddreg [dreg:$0x0];
	s2 =	stileid.u32  }
0x57: {  	s1 =	rddreg [dreg:$0x1];
	p0 =	sne.s32 s2, $0x0  }
0x58: {  	s3 =	rddreg [dreg:$0x2];
	[bflag:$0x3] =	sbarrier.arrive $0xFFFF;
	s2 =	simm.s32 @!p0 $0x1C09  }
0x59: {  	[timem:s3], [sflag:s2] =	dma.local @!p0 [hbm:s0], s1  }
0x5a: {  	s0 =	simm.s32 @!p0 $0x9  }
0x5b: {  	_ =	swait.ge @!p0 [sflag:s0], s1  }
0x5c: {  	s1 =	ssub.s32 @!p0 $0x0, s1;
	[sflag:s0] =	ssyncset.done @!p0 $0x0  }
0x5d: {  	[sflag:s0] =	ssyncadd.s32 @!p0 s1  }
0x5e: {  	[bflag:$0x3] =	sbarrier.arrive $0xFFFF  }
0x5f: {  	_ =	shalt  }

// kernel: kernel.24.cloned.1.call-start
scs
__scs_entry_jumppad:
0x0: {  	(pc) =	sbr.rel $0x88, $3  }
0x1: {  	(tag) =	ssettag $0x0;
	lr =	simm.s32 $0x1  }
0x2: {  	[smem:$0x3F94] =	sst lr;
	_ =	strace $0xD0000000  }
0x3: {  	_ = 	snop  }
0x4: {  	_ = 	snop  }
0x5: {  	_ = 	snop  }
0x6: {  	_ = 	snop  }
0x7: {  	_ = 	snop  }
__scs_overlays_trampoline_lowered:
0x8: {  	[smem:$0x3FA3] =	sst s0  }
0x9: {  	[smem:$0x3FA4] =	sst s1  }
0xa: {  	[smem:$0x3FA5] =	sst s2  }
0xb: {  	[smem:$0x3FA6] =	sst s3  }
0xc: {  	[smem:$0x3FA7] =	sst s4  }
0xd: {  	[smem:$0x3FA8] =	sst s5  }
0xe: {  	[smem:$0x3FA9] =	sst s6  }
0xf: {  	[smem:$0x3FAA] =	sst s7  }
0x10: {  	[smem:$0x3FAB] =	sst s8  }
0x11: {  	[smem:$0x3FAC] =	sst s9;
	s0 =	simm.s32 @!p0 $0x0  }
0x12: {  	s1 =	sld [smem:$0x3F92];
	s0 =	simm.s32 @p0 $0x1  }
0x13: {  	[smem:$0x3FAD] =	sst s0;
	s0 =	simm.s32 @!p1 $0x0  }
0x14: {  	s2 =	sld [smem:$0x3F91];
	s0 =	simm.s32 @p1 $0x1  }
0x15: {  	[smem:$0x3FAE] =	sst s0;
	s0 =	simm.s32 @!p2 $0x0  }
0x16: {  	s3 =	sld [smem:$0x3FDB];
	s0 =	simm.s32 @p2 $0x1  }
0x17: {  	s4 =	simm.s32 $0x1BF5;
	[smem:$0x3FB0] =	sst s0  }
0x18: {  	s0 =	sld [smem:$0x3F93];
	_ =	swait.ge [sflag:s4], $0x0  }
0x19: {  	s7 =	sld [smem:$0x3F94]  }
0x1a: {  	s8 =	sadd.s32 $0xFFFFE003, lr  }
0x1b: {  	s9 =	sadd.s32 $0xFFFFFEF7, lr;
	s5 =	simm.s32 $0xFFFFFFFF;
	p2 =	slt.u32 s8, $0xFFFFF086  }
0x1c: {  	p1 =	slt.u32 s9, $0xF7A;
	s5 =	simm.s32 @!p2 $0x0  }
0x1d: {  	s5 =	simm.s32 @p1 $0x1;
	p0 =	seq.s32 s7, s2  }
0x1e: {  	s7 =	smul.u32 @!p0 $0xF7A, s2;
	p2 =	seq.s32 @!p0 s5, $0x0  }
0x1f: {  	s9 =	smul.u32 $0xF7A, s1;
	s8 =	simm.s32 @!p0 $0x1BF5;
	p2 =	por !p2, p0  }
0x20: {  	[sflag:s8] =	ssyncset.s32 @!p0 $0xFFFFF086;
	s6 =	sadd.s32 @!p0 s3, s7;
	s7 =	simm.s32 @!p0 $0x108  }
0x21: {  	s3 =	sadd.s32 s3, s9;
	s6 =	sadd.s32 @!p0 $0x88, s6;
	s7 =	simm.s32 @p2 $0x1082  }
0x22: {  	[simem:s7], [sflag:s8] =	dma.local @!p0 [hbm:s6], $0xF7A  }
0x23: {  	s9 =	sor.u32 $0xD0000000, s2;
	s6 =	simm.s32 $0x108;
	_ =	swait.ge @!p0 [sflag:s8], $0x0  }
0x24: {  	s3 =	sadd.s32 $0x88, s3;
	s6 =	simm.s32 @!p1 $0x1082;
	[sflag:s4] =	ssyncset.s32 $0xFFFFF086  }
0x25: {  	[simem:s6], [sflag:s4] =	dma.local [hbm:s3], $0xF7A  }
0x26: {  	[smem:$0x3F94] =	sst s1;
	(tag) =	ssettag s2;
	_ =	strace s9  }
0x27: {  	s1 =	sld [smem:$0x3FA4]  }
0x28: {  	s2 =	sld [smem:$0x3FA5]  }
0x29: {  	s4 =	sld [smem:$0x3FA7]  }
0x2a: {  	p0 =	seq.s32 s5, $0x0;
	s5 =	sld [smem:$0x3FA8]  }
0x2b: {  	s6 =	sld [smem:$0x3FA9]  }
0x2c: {  	s7 =	sld [smem:$0x3FAA]  }
0x2d: {  	s3 =	simm.s32 $0x108;
	s8 =	sld [smem:$0x3FAB]  }
0x2e: {  	s3 =	simm.s32 @!p0 $0x1082;
	s9 =	sld [smem:$0x3FAC]  }
0x2f: {  	lr =	sadd.s32 s0, s3;
	s0 =	sld [smem:$0x3FA3]  }
0x30: {  	s3 =	sld [smem:$0x3FA6]  }
0x31: {  	[smem:$0x3FAF] =	sst s10  }
0x32: {  	s10 =	sld [smem:$0x3FAD];
	_ =	sdelay $0x3  }
0x33: {  	p0 =	seq.s32 s10, $0x1;
	s10 =	sld [smem:$0x3FAF];
	_ =	sdelay $0x3  }
0x34: {  	[smem:$0x3FAF] =	sst s10  }
0x35: {  	s10 =	sld [smem:$0x3FAE];
	_ =	sdelay $0x3  }
0x36: {  	p1 =	seq.s32 s10, $0x1;
	s10 =	sld [smem:$0x3FAF];
	_ =	sdelay $0x3  }
0x37: {  	[smem:$0x3FAF] =	sst s10  }
0x38: {  	s10 =	sld [smem:$0x3FB0]  }
0x39: {  	_ = 	snop;
	(pc) =	sbr.ind lr, $3  }
0x3a: {  	_ = 	snop  }
0x3b: {  	_ = 	snop  }
0x3c: {  	p2 =	seq.s32 s10, $0x1;
	s10 =	sld [smem:$0x3FAF]  }
0x3d: {  	_ =	shalt  }
0x3e: {  	_ =	shalt  }
0x3f: {  	_ =	shalt  }
0x40: {  	_ =	shalt  }
0x41: {  	_ =	shalt  }
0x42: {  	_ =	shalt  }
0x43: {  	_ =	shalt  }
0x44: {  	_ =	shalt  }
0x45: {  	_ =	shalt  }
0x46: {  	_ =	shalt  }
0x47: {  	_ =	shalt  }
0x48: {  	_ =	shalt  }
0x49: {  	_ =	shalt  }
0x4a: {  	_ =	shalt  }
0x4b: {  	_ =	shalt  }
0x4c: {  	_ =	shalt  }
0x4d: {  	_ =	shalt  }
0x4e: {  	_ =	shalt  }
0x4f: {  	_ =	shalt  }
0x50: {  	_ =	shalt  }
0x51: {  	_ =	shalt  }
0x52: {  	_ =	shalt  }
0x53: {  	_ =	shalt  }
0x54: {  	_ =	shalt  }
0x55: {  	_ =	shalt  }
0x56: {  	_ =	shalt  }
0x57: {  	_ =	shalt  }
0x58: {  	_ =	shalt  }
0x59: {  	_ =	shalt  }
0x5a: {  	_ =	shalt  }
0x5b: {  	_ =	shalt  }
0x5c: {  	_ =	shalt  }
0x5d: {  	_ =	shalt  }
0x5e: {  	_ =	shalt  }
0x5f: {  	_ =	shalt  }
0x60: {  	_ =	shalt  }
0x61: {  	_ =	shalt  }
0x62: {  	_ =	shalt  }
0x63: {  	_ =	shalt  }
0x64: {  	_ =	shalt  }
0x65: {  	_ =	shalt  }
0x66: {  	_ =	shalt  }
0x67: {  	_ =	shalt  }
0x68: {  	_ =	shalt  }
0x69: {  	_ =	shalt  }
0x6a: {  	_ =	shalt  }
0x6b: {  	_ =	shalt  }
0x6c: {  	_ =	shalt  }
0x6d: {  	_ =	shalt  }
0x6e: {  	_ =	shalt  }
0x6f: {  	_ =	shalt  }
0x70: {  	_ =	shalt  }
0x71: {  	_ =	shalt  }
0x72: {  	_ =	shalt  }
0x73: {  	_ =	shalt  }
0x74: {  	_ =	shalt  }
0x75: {  	_ =	shalt  }
0x76: {  	_ =	shalt  }
0x77: {  	_ =	shalt  }
0x78: {  	_ =	shalt  }
0x79: {  	_ =	shalt  }
0x7a: {  	_ =	shalt  }
0x7b: {  	_ =	shalt  }
0x7c: {  	_ =	shalt  }
0x7d: {  	_ =	shalt  }
0x7e: {  	_ =	shalt  }
0x7f: {  	_ =	shalt  }
0x80: {  	_ =	shalt  }
0x81: {  	_ =	shalt  }
0x82: {  	_ =	shalt  }
0x83: {  	_ =	shalt  }
0x84: {  	_ =	shalt  }
0x85: {  	_ =	shalt  }
0x86: {  	_ =	shalt  }
0x87: {  	_ =	shalt  }
.Lfunc_end0:
.L_simem_size_0:
called_computation.3_lowered:
.L_overlay_start_0:
0x88: {  	s2 =	sld [smem:$0x3FD9]  }
0x89: {  	s3 =	sld [smem:$0x3FFE];
	_ =	sdelay $0x1  }
0x8a: {  	s1 =	srdreg.scid  }
0x8b: {  	s0 =	sand.u32 $0x1, s1  }
0x8c: {  	s17 =	sshll.u32 s0, $0xA;
	s2 =	sadd.s32 s3, s2  }
0x8d: {  	s2 =	sadd.s32 s2, s17  }
0x8e: {  	[smem:$0x3FBB] =	sst s2  }
0x8f: {  	_ = 	snop  }
0x90: {  	(tm) =	ssettm $0x1  }
0x91: {  	s18 =	sld [smem:$0x3FFB];
	_ =	sdelay $0x3  }
0x92: {  	_ =	strace s18  }
0x93: {  	s2 =	sld [smem:$0x3FFC];
	_ =	sdelay $0x3  }
0x94: {  	_ =	strace s2  }
0x95: {  	s2 =	sld [smem:$0x3FFD];
	_ =	sdelay $0x3  }
0x96: {  	_ =	strace s2  }
0x97: {  	_ =	strace $0x8FFFFFFF  }
0x98: {  	s19 =	sld [smem:$0x3FDB];
	_ =	sdelay $0x1  }
0x99: {  	s20 =	simm.s32 $_scs_section_size  }
0x9a: {  	s4 =	simm.s32 $_size__tile_overlayer_lowered;
	s5 =	simm.s32 $_tile_overlayer_lowered  }
0x9b: {  	s6 =	simm.s32 $0x1BFF;
	s21 =	sshll.u32 s5, $0x1;
	s3 =	sadd.s32 s20, s19  }
0x9c: {  	s22 =	simm.s32 $0x0;
	s4 =	sshll.u32 s4, $0x1;
	s5 =	sadd.s32 s21, s3  }
0x9d: {  	[timem:s22], [sflag:s6] =	dma.local [hbm:s5], s4  }
0x9e: {  	_ =	swait.ge [sflag:s6], s4  }
0x9f: {  	s4 =	ssub.s32 $0x0, s4;
	[sflag:s6] =	ssyncset.done $0x0  }
0xa0: {  	[sflag:s6] =	ssyncadd.s32 s4;
	_ =	sdelay $0x1  }
0xa1: {  	s23 =	simm.s32 $0x1B8B  }
0xa2: {  	_ =	swait.ge [sflag:s23], $0x1  }
0xa3: {  	[sflag:s23] =	ssyncset.done $0x0  }
0xa4: {  	[sflag:s23] =	ssyncadd.s32 $0xFFFFFFFF  }
0xa5: {  	s4 =	sld [smem:$0x0]  }
0xa6: {  	s5 =	sand.u32 $0xFFFFFFFE, s1  }
0xa7: {  	p0 =	sne.s32 s1, s5  }
0xa8: {  	s5 =	sshll.u32 @p0 s5, $0xE  }
0xa9: {  	s5 =	sadd.s32 @p0 $0x11B8D, s5;
	s6 =	sshll.u32 @p0 s4, $0x11  }
0xaa: {  	s5 =	sor.u32 @p0 s6, s5  }
0xab: {  	[sflag:s5] =	ssyncadd.remote.s32 @p0 $0x1;
	_ =	sdelay $0x1  }
0xac: {  	s5 =	simm.s32 @p0 $0x1B8D  }
0xad: {  	_ =	swait.eq @p0 [sflag:s5], $0x1  }
0xae: {  	[sflag:s5] =	ssyncadd.s32 @p0 $0xFFFFFFFF  }
0xaf: {  	s6 =	sshll.u32 @!p0 s1, $0xE  }
0xb0: {  	s6 =	sor.u32 @!p0 $0x4000, s6;
	s5 =	simm.s32 @!p0 $0x1B8D  }
0xb1: {  	s4 =	sshll.u32 @!p0 s4, $0x11;
	s6 =	sadd.s32 @!p0 $0x11B8D, s6;
	_ =	swait.eq @!p0 [sflag:s5], $0x1  }
0xb2: {  	s4 =	sor.u32 @!p0 s4, s6;
	[sflag:s5] =	ssyncadd.s32 @!p0 $0xFFFFFFFF  }
0xb3: {  	s25 =	simm.s32 $0x1B8E;
	s24 =	sld [smem:$0x3FFE];
	[sflag:s4] =	ssyncadd.remote.s32 @!p0 $0x1  }
0xb4: {  	s26 =	simm.s32 $execute0_lowered;
	[smem:$0x3FD2] =	sst s25  }
0xb5: {  	s5 =	sshll.u32 s26, $0x1;
	_ =	strace $0x80000055;
	[dreg:$0x1] =	wrdreg $0xFFFFFFFF  }
0xb6: {  	s28 =	simm.s32 $_size_execute0_lowered;
	s3 =	sadd.s32 s3, s5;
	[dreg:$0x0] =	wrdreg $0x0  }
0xb7: {  	s5 =	sshll.u32 s28, $0x1;
	[dreg:$0x2] =	wrdreg s3  }
0xb8: {  	[dreg:$0x3] =	wrdreg s5  }
0xb9: {  	[dreg:$0x4] =	wrdreg $0xC0  }
0xba: {  	_ =	task [dreg:s22], $0x5FFFF  }
0xbb: {  	[dreg:$0x1] =	wrdreg $0xFFFFFFFF  }
0xbc: {  	[dreg:$0x0] =	wrdreg $0x60  }
0xbd: {  	[dreg:$0x2] =	wrdreg s24  }
0xbe: {  	[dreg:$0x3] =	wrdreg $0x90000  }
0xbf: {  	[dreg:$0x4] =	wrdreg $0xB  }
0xc0: {  	_ =	task.clear_ibuf [dreg:s22], $0x5FFFF;
	_ =	strace $0x90000055  }
0xc1: {  	s29 =	simm.s32 $0xB;
	_ =	strace $0x80000057  }
0xc2: {  	_ =	swait.ge [sflag:s29], $0x1  }
0xc3: {  	[sflag:s29] =	ssyncadd.s32 $0xFFFFFFFF  }
0xc4: {  	_ =	strace $0x90000057  }
0xc5: {  	_ =	sfence  }
0xc6: {  	s30 =	sld [smem:$0x0];
	_ =	sdelay $0x2  }
0xc7: {  	s31 =	sshll.u32 s1, $0xD;
	s1 =	sshrl.u32 s1, $0x2  }
0xc8: {  	s4 =	sand.u32 $0x4000, s31;
	s1 =	sadd.s32 s1, s30  }
0xc9: {  	s0 =	sor.u32 s4, s0;
	s1 =	sshll.u32 s1, $0x11  }
0xca: {  	s0 =	sor.u32 s1, s0  }
0xcb: {  	s0 =	sadd.s32 $0x8F2B, s0  }
0xcc: {  	[sflag:s0] =	ssyncadd.remote.s32 $0x1  }
0xcd: {  	_ =	sfence.sel $0xFFFF  }
0xce: {  	[dreg:$0x0] =	wrdreg $0xFFFFFFFF;
	(pc) =	sbr.abs _section_cstart, $3  }
0xcf: {  	[dreg:$0x1] =	wrdreg $0xFFFFFFFF  }
0xd0: {  	_ =	task.clear_ibuf [dreg:s22], $0x2FFFF;
	_ =	strace $0x9FFFFFFF  }
0xd1: {  	(tm) =	ssettm $0x7FFFFFFF  }
tec
execute0_lowered:
.L_overlay_start_1:
0x0: {  	(tag) =	ssettag $0x1  }
0x1: {  	s5 =	rddreg [dreg:$0x0]  }
0x2: {  	s2 =	rddreg [dreg:$0x1]  }
0x3: {  	s0 =	rddreg [dreg:$0x2]  }
0x4: {  	s4 =	srdreg.scid;
	s1 =	stileid.u32  }
0x5: {  	s3 =	simm.s32 $0x0;
	s17 =	simm.s32 $0x3;
	s18 =	simm.s32 $0x5000  }
0x6: {  	s19 =	simm.s32 $0x1;
	s20 =	simm.s32 $0x80;
	s21 =	simm.s32 $0x2  }
0x7: {  	s22 =	simm.s32 $0xC00;
	s23 =	simm.s32 $0xC80;
	s10 =	smul.u32 $0x4F000, s1  }
0x8: {  	s7 =	sand.u32 $0x1, s4;
	s28 =	sshll.u32 s1, $0x1;
	s14 =	smul.u32 $0xD0000, s1  }
0x9: {  	[smem:$0x7FF] =	sst s3;
	s4 =	sadd.s32 $0x5400, s5;
	s25 =	smul.u32 $0x2780, s1  }
0xa: {  	s6 =	sor.u32 s7, s28;
	s8 =	smul.u32 $0x27800, s7;
	_ =	strace $0x80000056  }
0xb: {  	s29 =	ssub.s32 $0x2, s7;
	s16 =	smul.u32 $0x68000, s7;
	s9 =	sshll.u32 s6, $0x9  }
0xc: {  	s30 =	sshrl.u32 s10, $0x2;
	s12 =	smul.u32 $0xD000, s6;
	s31 =	sshrl.u32 s29, $0x1  }
0xd: {  	s11 =	sadd.s32 s9, s5;
	s13 =	sadd.s32 s8, s5;
	s5 =	sadd.s32 s30, s2  }
0xe: {  	s15 =	ssub.s32 s29, s31;
	s16 =	sadd.s32 s16, s14;
	s6 =	sadd.s32 $0x4000, s5  }
0xf: {  	s7 =	sadd.s32 $0x8000, s5;
	s8 =	sadd.s32 $0xC000, s5;
	s9 =	sadd.s32 $0x10000, s5  }
0x10: {  	s10 =	sadd.s32 $0xF58C00, s11;
	s11 =	sadd.s32 s4, s12;
	s24 =	sadd.s32 $0xF5CC00, s13  }
0x11: {  	s14 =	sadd.s32 $0xC000, s16;
	s13 =	smax.u32 s15, $0x1;
	s15 =	sadd.s32 $0x8000, s16  }
0x12: {  	s16 =	simm.s32 $0x1000;
	s12 =	sadd.s32 $0x800, s11;
	s14 =	sshrl.u32 s14, $0x3  }
0x13: {  	v0 =	vimm.f32 $0.0e+00;
	s24 =	sadd.s32 s25, s24;
	s25 =	simm.s32 $0x0;
	s14 =	sadd.s32 s14, s4  }
.LBB2_1:
0x14: {  	s26 =	simm.s32 $0x0;
	s28 =	simm.s32 $0x200  }
.LBB2_2:
0x15: {  	p0 =	sne.s32 s28, $0xFE00;
	[tilespmem:s26+$0x1070] =	vst v0  }
0x16: {  	[tilespmem:s26+$0x1000] =	vst v0  }
0x17: {  	[tilespmem:s26+$0x1010] =	vst v0  }
.Ltmp0:
0x18: {  	[tilespmem:s26+$0x1020] =	vst v0;
	(pc) =	sbr.rel @p0 .LBB2_2-.Ltmp0, $4  }
0x19: {  	[tilespmem:s26+$0x1030] =	vst v0  }
0x1a: {  	[tilespmem:s26+$0x1040] =	vst v0  }
0x1b: {  	[tilespmem:s26+$0x1050] =	vst v0  }
0x1c: {  	[tilespmem:s26+$0x1060] =	vst v0;
	s26 =	sshra.s32 s28, $0x2;
	s28 =	sadd.s32 $0x200, s28  }
0x1d: {  	[tilespmem:s26+$0x1070] =	vst v0  }
0x1e: {  	[tilespmem:s26+$0x1000] =	vst v0  }
0x1f: {  	[tilespmem:s26+$0x1010] =	vst v0  }
0x20: {  	[tilespmem:s26+$0x1020] =	vst v0  }
0x21: {  	[tilespmem:s26+$0x1030] =	vst v0  }
0x22: {  	[tilespmem:s26+$0x1040] =	vst v0  }
0x23: {  	[tilespmem:s26+$0x1050] =	vst v0  }
0x24: {  	[tilespmem:s26+$0x1060] =	vst v0  }
0x25: {  	[spmem:s5] =	stream.linear.scatter [tilespmem:s16], [sflag:$0x3], $0x4000, $0x38;
	[tilespmem:$0x1CC00] =	vst v63  }
0x26: {  	_ =	swait.ge [sflag:s17], $0x4000  }
0x27: {  	[sflag:s17] =	ssyncset.done $0x0  }
0x28: {  	[sflag:s17] =	ssyncadd.s32 $0xFFFFC000  }
0x29: {  	[spmem:s6] =	stream.linear.scatter [tilespmem:s16], [sflag:$0x3], $0x4000, $0x38;
	[tilespmem:$0x1CC00] =	vst v63  }
0x2a: {  	_ =	swait.ge [sflag:s17], $0x4000  }
0x2b: {  	[sflag:s17] =	ssyncset.done $0x0  }
0x2c: {  	[sflag:s17] =	ssyncadd.s32 $0xFFFFC000  }
0x2d: {  	[spmem:s7] =	stream.linear.scatter [tilespmem:s16], [sflag:$0x3], $0x4000, $0x38;
	[tilespmem:$0x1CC00] =	vst v63  }
0x2e: {  	_ =	swait.ge [sflag:s17], $0x4000  }
0x2f: {  	[sflag:s17] =	ssyncset.done $0x0  }
0x30: {  	[sflag:s17] =	ssyncadd.s32 $0xFFFFC000  }
0x31: {  	[spmem:s8] =	stream.linear.scatter [tilespmem:s16], [sflag:$0x3], $0x4000, $0x38;
	[tilespmem:$0x1CC00] =	vst v63  }
0x32: {  	_ =	swait.ge [sflag:s17], $0x4000  }
0x33: {  	[sflag:s17] =	ssyncset.done $0x0  }
0x34: {  	[sflag:s17] =	ssyncadd.s32 $0xFFFFC000  }
0x35: {  	[spmem:s9] =	stream.linear.scatter [tilespmem:s16], [sflag:$0x3], $0x3C00, $0x38;
	[tilespmem:$0x1CC00] =	vst v63  }
0x36: {  	_ =	swait.ge [sflag:s17], $0x3C00  }
0x37: {  	[sflag:s17] =	ssyncset.done $0x0  }
0x38: {  	s31 =	simm.s32 $0x0;
	[sflag:s17] =	ssyncadd.s32 $0xFFFFC400  }
0x39: {  	[tilespmem:s31], [sflag:$0x3] =	stream.linear.gather [hbm4b:s10+s31], $0xD00, $0x38;
	[tilespmem:$0x1CC00] =	vst v63  }
0x3a: {  	_ =	swait.ge [sflag:s17], $0xD00  }
0x3b: {  	[sflag:s17] =	ssyncset.done $0x0  }
0x3c: {  	[sflag:s17] =	ssyncadd.s32 $0xFFFFF300  }
0x3d: {  	[bflag:$0x0] =	sbarrier.arrive $0xFFFF  }
0x3e: {  	[tilespmem:s16], [sflag:$0x1] =	stream.linear.gather [hbm4b:s11+s31], $0x4000, $0x38;
	[tilespmem:$0x1CC00] =	vst v63  }
0x3f: {  	_ = 	snop  }
0x40: {  	[tilespmem:s18], [sflag:$0x2] =	stream.linear.gather [hbm4b:s12+s31], $0x4000, $0x38;
	[tilespmem:$0x1CC00] =	vst v63  }
0x41: {  	_ =	swait.ge [sflag:s19], $0x4000  }
0x42: {  	[sflag:s19] =	ssyncset.done $0x0  }
0x43: {  	s31 =	simm.s32 $0x0;
	[sflag:s19] =	ssyncadd.s32 $0xFFFFC000  }
0x44: {  	[spmem:s2] =	stream.indirect.scatter.add.f32 [tilespmem:s16], [sflag:$0x3], $0x80, s31, s20, $0xb8;
	[tilespmem:$0x1CC00] =	vst v63  }
0x45: {  	_ =	swait.ge [sflag:s17], $0x4000  }
0x46: {  	s31 =	sshrl.u32 s15, $0x3;
	[sflag:s17] =	ssyncset.done $0x0  }
0x47: {  	s26 =	sadd.s32 s4, s31;
	[sflag:s17] =	ssyncadd.s32 $0xFFFFC000  }
0x48: {  	[tilespmem:s16], [sflag:$0x1] =	stream.linear.gather [hbm4b:s26+s3], $0x4000, $0x38;
	[tilespmem:$0x1CC00] =	vst v63  }
0x49: {  	_ =	swait.ge [sflag:s21], $0x4000  }
0x4a: {  	[sflag:s21] =	ssyncset.done $0x0  }
0x4b: {  	s31 =	simm.s32 $0x80;
	[sflag:s21] =	ssyncadd.s32 $0xFFFFC000  }
0x4c: {  	[spmem:s2] =	stream.indirect.scatter.add.f32 [tilespmem:s18], [sflag:$0x3], $0x80, s31, s20, $0xb8;
	[tilespmem:$0x1CC00] =	vst v63  }
0x4d: {  	_ =	swait.ge [sflag:s17], $0x4000  }
0x4e: {  	s28 =	sadd.s32 $0x8000, s15;
	s30 =	sadd.s32 $0x0, s14;
	[sflag:s17] =	ssyncset.done $0x0  }
0x4f: {  	s29 =	simm.s32 $0x180;
	s26 =	simm.s32 $0x1000;
	[sflag:s17] =	ssyncadd.s32 $0xFFFFC000  }
.LBB2_4:
0x50: {  	[tilespmem:s18], [sflag:$0x2] =	stream.linear.gather [hbm4b:s30+s3], $0x4000, $0x38;
	[tilespmem:$0x1CC00] =	vst v63  }
0x51: {  	s30 =	smov.u32 s26  }
0x52: {  	p0 =	sne.s32 s26, $0xB000;
	s26 =	sadd.s32 $0x1000, s26;
	_ =	swait.ge [sflag:s19], $0x4000  }
0x53: {  	[sflag:s19] =	ssyncset.done $0x0  }
0x54: {  	s31 =	sadd.s32 $0xFFFFFF80, s29;
	[sflag:s19] =	ssyncadd.s32 $0xFFFFC000  }
0x55: {  	[spmem:s2] =	stream.indirect.scatter.add.f32 [tilespmem:s16], [sflag:$0x3], $0x80, s31, s20, $0xb8;
	[tilespmem:$0x1CC00] =	vst v63  }
0x56: {  	_ =	swait.ge [sflag:s17], $0x4000  }
0x57: {  	s31 =	sshrl.u32 s28, $0x3;
	[sflag:s17] =	ssyncset.done $0x0  }
0x58: {  	s31 =	sadd.s32 s4, s31;
	[sflag:s17] =	ssyncadd.s32 $0xFFFFC000  }
0x59: {  	[tilespmem:s16], [sflag:$0x1] =	stream.linear.gather [hbm4b:s31+s3], $0x4000, $0x38;
	[tilespmem:$0x1CC00] =	vst v63  }
0x5a: {  	_ =	swait.ge [sflag:s21], $0x4000  }
0x5b: {  	[sflag:s21] =	ssyncset.done $0x0  }
.Ltmp1:
0x5c: {  	[sflag:s21] =	ssyncadd.s32 $0xFFFFC000;
	(pc) =	sbr.rel @p0 .LBB2_4-.Ltmp1, $4  }
0x5d: {  	[spmem:s2] =	stream.indirect.scatter.add.f32 [tilespmem:s18], [sflag:$0x3], $0x80, s29, s20, $0xb8;
	[tilespmem:$0x1CC00] =	vst v63  }
0x5e: {  	_ =	swait.ge [sflag:s17], $0x4000  }
0x5f: {  	s28 =	sadd.s32 $0x8000, s28;
	[sflag:s17] =	ssyncset.done $0x0  }
0x60: {  	s30 =	sadd.s32 s30, s14;
	s29 =	sadd.s32 $0x100, s29;
	[sflag:s17] =	ssyncadd.s32 $0xFFFFC000  }
0x61: {  	[tilespmem:s18], [sflag:$0x2] =	stream.linear.gather [hbm4b:s30+s3], $0x4000, $0x38;
	[tilespmem:$0x1CC00] =	vst v63  }
0x62: {  	_ =	swait.ge [sflag:s19], $0x4000  }
0x63: {  	[sflag:s19] =	ssyncset.done $0x0  }
0x64: {  	[sflag:s19] =	ssyncadd.s32 $0xFFFFC000  }
0x65: {  	[spmem:s2] =	stream.indirect.scatter.add.f32 [tilespmem:s16], [sflag:$0x3], $0x80, s22, s20, $0xb8;
	[tilespmem:$0x1CC00] =	vst v63  }
0x66: {  	_ =	swait.ge [sflag:s17], $0x4000  }
0x67: {  	[sflag:s17] =	ssyncset.done $0x0  }
0x68: {  	[sflag:s17] =	ssyncadd.s32 $0xFFFFC000  }
0x69: {  	_ =	swait.ge [sflag:s21], $0x4000  }
0x6a: {  	[sflag:s21] =	ssyncset.done $0x0  }
0x6b: {  	[sflag:s21] =	ssyncadd.s32 $0xFFFFC000  }
0x6c: {  	[spmem:s2] =	stream.indirect.scatter.add.f32 [tilespmem:s18], [sflag:$0x3], $0x80, s23, s20, $0xb8;
	[tilespmem:$0x1CC00] =	vst v63  }
0x6d: {  	_ =	swait.ge [sflag:s17], $0x4000  }
0x6e: {  	s26 =	sshll.u32 s1, $0x6;
	s25 =	sadd.s32 $0x1, s25;
	[sflag:s17] =	ssyncset.done $0x0  }
0x6f: {  	s28 =	sshrl.u32 s5, $0x3;
	p0 =	sne.s32 s25, s13;
	[sflag:s17] =	ssyncadd.s32 $0xFFFFC000  }
.Ltmp2:
0x70: {  	s26 =	sor.u32 $0x1C03, s26;
	[bflag:$0x0] =	sbarrier.arrive $0xFFFF;
	(pc) =	sbr.rel @p0 .LBB2_1-.Ltmp2, $4  }
0x71: {  	[hbm:s24], [sflag:s26] =	dma.local [spmem:s28], $0x2780  }
0x72: {  	_ =	swait.ge [sflag:s17], $0x2780  }
0x73: {  	[sflag:s17] =	ssyncset.done $0x0  }
0x74: {  	[sflag:s17] =	ssyncadd.s32 $0xFFFFD880  }
0x75: {  	_ =	sfence.sel $0x180000  }
0x76: {  	[bflag:$0x0] =	sbarrier.arrive $0xFFFF  }
0x77: {  	p0 =	sne.s32 s1, $0x0;
	_ =	strace $0x90000056  }
0x78: {  	s0 =	sadd.s32 @!p0 $0x100000, s0;
	[bflag:$0x2] =	sbarrier.arrive $0xFFFF  }
0x79: {  	[sflag:s0] =	ssyncadd.tile.s32 @!p0 $0x1;
	_ =	shalt  }
.Lfunc_end2:
_tile_overlayer_lowered:
.L_overlay_start_2:
0x7a: {  	(tag) =	ssettag $0x2  }
0x7b: {  	s0 =	rddreg [dreg:$0x0];
	s2 =	stileid.u32  }
0x7c: {  	s1 =	rddreg [dreg:$0x1];
	p0 =	sne.s32 s2, $0x0  }
0x7d: {  	s3 =	rddreg [dreg:$0x2];
	[bflag:$0x3] =	sbarrier.arrive $0xFFFF;
	s2 =	simm.s32 @!p0 $0x1C03  }
0x7e: {  	[timem:s3], [sflag:s2] =	dma.local @!p0 [hbm:s0], s1  }
0x7f: {  	s0 =	simm.s32 @!p0 $0x3  }
0x80: {  	_ =	swait.ge @!p0 [sflag:s0], s1  }
0x81: {  	s1 =	ssub.s32 @!p0 $0x0, s1;
	[sflag:s0] =	ssyncset.done @!p0 $0x0  }
0x82: {  	[sflag:s0] =	ssyncadd.s32 @!p0 s1  }
0x83: {  	[bflag:$0x3] =	sbarrier.arrive $0xFFFF  }
0x84: {  	_ =	shalt  }

// kernel: kernel.27.cloned.1.call-start
scs
__scs_entry_jumppad:
0x0: {  	(pc) =	sbr.rel $0x88, $3  }
0x1: {  	(tag) =	ssettag $0x0;
	lr =	simm.s32 $0x1  }
0x2: {  	[smem:$0x3F94] =	sst lr;
	_ =	strace $0xD0000000  }
0x3: {  	_ = 	snop  }
0x4: {  	_ = 	snop  }
0x5: {  	_ = 	snop  }
0x6: {  	_ = 	snop  }
0x7: {  	_ = 	snop  }
__scs_overlays_trampoline_lowered:
0x8: {  	[smem:$0x3FA3] =	sst s0  }
0x9: {  	[smem:$0x3FA4] =	sst s1  }
0xa: {  	[smem:$0x3FA5] =	sst s2  }
0xb: {  	[smem:$0x3FA6] =	sst s3  }
0xc: {  	[smem:$0x3FA7] =	sst s4  }
0xd: {  	[smem:$0x3FA8] =	sst s5  }
0xe: {  	[smem:$0x3FA9] =	sst s6  }
0xf: {  	[smem:$0x3FAA] =	sst s7  }
0x10: {  	[smem:$0x3FAB] =	sst s8  }
0x11: {  	[smem:$0x3FAC] =	sst s9;
	s0 =	simm.s32 @!p0 $0x0  }
0x12: {  	s1 =	sld [smem:$0x3F92];
	s0 =	simm.s32 @p0 $0x1  }
0x13: {  	[smem:$0x3FAD] =	sst s0;
	s0 =	simm.s32 @!p1 $0x0  }
0x14: {  	s2 =	sld [smem:$0x3F91];
	s0 =	simm.s32 @p1 $0x1  }
0x15: {  	[smem:$0x3FAE] =	sst s0;
	s0 =	simm.s32 @!p2 $0x0  }
0x16: {  	s3 =	sld [smem:$0x3FDB];
	s0 =	simm.s32 @p2 $0x1  }
0x17: {  	s4 =	simm.s32 $0x1BF5;
	[smem:$0x3FB0] =	sst s0  }
0x18: {  	s0 =	sld [smem:$0x3F93];
	_ =	swait.ge [sflag:s4], $0x0  }
0x19: {  	s7 =	sld [smem:$0x3F94]  }
0x1a: {  	s8 =	sadd.s32 $0xFFFFE003, lr  }
0x1b: {  	s9 =	sadd.s32 $0xFFFFFEF7, lr;
	s5 =	simm.s32 $0xFFFFFFFF;
	p2 =	slt.u32 s8, $0xFFFFF086  }
0x1c: {  	p1 =	slt.u32 s9, $0xF7A;
	s5 =	simm.s32 @!p2 $0x0  }
0x1d: {  	s5 =	simm.s32 @p1 $0x1;
	p0 =	seq.s32 s7, s2  }
0x1e: {  	s7 =	smul.u32 @!p0 $0xF7A, s2;
	p2 =	seq.s32 @!p0 s5, $0x0  }
0x1f: {  	s9 =	smul.u32 $0xF7A, s1;
	s8 =	simm.s32 @!p0 $0x1BF5;
	p2 =	por !p2, p0  }
0x20: {  	[sflag:s8] =	ssyncset.s32 @!p0 $0xFFFFF086;
	s6 =	sadd.s32 @!p0 s3, s7;
	s7 =	simm.s32 @!p0 $0x108  }
0x21: {  	s3 =	sadd.s32 s3, s9;
	s6 =	sadd.s32 @!p0 $0x88, s6;
	s7 =	simm.s32 @p2 $0x1082  }
0x22: {  	[simem:s7], [sflag:s8] =	dma.local @!p0 [hbm:s6], $0xF7A  }
0x23: {  	s9 =	sor.u32 $0xD0000000, s2;
	s6 =	simm.s32 $0x108;
	_ =	swait.ge @!p0 [sflag:s8], $0x0  }
0x24: {  	s3 =	sadd.s32 $0x88, s3;
	s6 =	simm.s32 @!p1 $0x1082;
	[sflag:s4] =	ssyncset.s32 $0xFFFFF086  }
0x25: {  	[simem:s6], [sflag:s4] =	dma.local [hbm:s3], $0xF7A  }
0x26: {  	[smem:$0x3F94] =	sst s1;
	(tag) =	ssettag s2;
	_ =	strace s9  }
0x27: {  	s1 =	sld [smem:$0x3FA4]  }
0x28: {  	s2 =	sld [smem:$0x3FA5]  }
0x29: {  	s4 =	sld [smem:$0x3FA7]  }
0x2a: {  	p0 =	seq.s32 s5, $0x0;
	s5 =	sld [smem:$0x3FA8]  }
0x2b: {  	s6 =	sld [smem:$0x3FA9]  }
0x2c: {  	s7 =	sld [smem:$0x3FAA]  }
0x2d: {  	s3 =	simm.s32 $0x108;
	s8 =	sld [smem:$0x3FAB]  }
0x2e: {  	s3 =	simm.s32 @!p0 $0x1082;
	s9 =	sld [smem:$0x3FAC]  }
0x2f: {  	lr =	sadd.s32 s0, s3;
	s0 =	sld [smem:$0x3FA3]  }
0x30: {  	s3 =	sld [smem:$0x3FA6]  }
0x31: {  	[smem:$0x3FAF] =	sst s10  }
0x32: {  	s10 =	sld [smem:$0x3FAD];
	_ =	sdelay $0x3  }
0x33: {  	p0 =	seq.s32 s10, $0x1;
	s10 =	sld [smem:$0x3FAF];
	_ =	sdelay $0x3  }
0x34: {  	[smem:$0x3FAF] =	sst s10  }
0x35: {  	s10 =	sld [smem:$0x3FAE];
	_ =	sdelay $0x3  }
0x36: {  	p1 =	seq.s32 s10, $0x1;
	s10 =	sld [smem:$0x3FAF];
	_ =	sdelay $0x3  }
0x37: {  	[smem:$0x3FAF] =	sst s10  }
0x38: {  	s10 =	sld [smem:$0x3FB0]  }
0x39: {  	_ = 	snop;
	(pc) =	sbr.ind lr, $3  }
0x3a: {  	_ = 	snop  }
0x3b: {  	_ = 	snop  }
0x3c: {  	p2 =	seq.s32 s10, $0x1;
	s10 =	sld [smem:$0x3FAF]  }
0x3d: {  	_ =	shalt  }
0x3e: {  	_ =	shalt  }
0x3f: {  	_ =	shalt  }
0x40: {  	_ =	shalt  }
0x41: {  	_ =	shalt  }
0x42: {  	_ =	shalt  }
0x43: {  	_ =	shalt  }
0x44: {  	_ =	shalt  }
0x45: {  	_ =	shalt  }
0x46: {  	_ =	shalt  }
0x47: {  	_ =	shalt  }
0x48: {  	_ =	shalt  }
0x49: {  	_ =	shalt  }
0x4a: {  	_ =	shalt  }
0x4b: {  	_ =	shalt  }
0x4c: {  	_ =	shalt  }
0x4d: {  	_ =	shalt  }
0x4e: {  	_ =	shalt  }
0x4f: {  	_ =	shalt  }
0x50: {  	_ =	shalt  }
0x51: {  	_ =	shalt  }
0x52: {  	_ =	shalt  }
0x53: {  	_ =	shalt  }
0x54: {  	_ =	shalt  }
0x55: {  	_ =	shalt  }
0x56: {  	_ =	shalt  }
0x57: {  	_ =	shalt  }
0x58: {  	_ =	shalt  }
0x59: {  	_ =	shalt  }
0x5a: {  	_ =	shalt  }
0x5b: {  	_ =	shalt  }
0x5c: {  	_ =	shalt  }
0x5d: {  	_ =	shalt  }
0x5e: {  	_ =	shalt  }
0x5f: {  	_ =	shalt  }
0x60: {  	_ =	shalt  }
0x61: {  	_ =	shalt  }
0x62: {  	_ =	shalt  }
0x63: {  	_ =	shalt  }
0x64: {  	_ =	shalt  }
0x65: {  	_ =	shalt  }
0x66: {  	_ =	shalt  }
0x67: {  	_ =	shalt  }
0x68: {  	_ =	shalt  }
0x69: {  	_ =	shalt  }
0x6a: {  	_ =	shalt  }
0x6b: {  	_ =	shalt  }
0x6c: {  	_ =	shalt  }
0x6d: {  	_ =	shalt  }
0x6e: {  	_ =	shalt  }
0x6f: {  	_ =	shalt  }
0x70: {  	_ =	shalt  }
0x71: {  	_ =	shalt  }
0x72: {  	_ =	shalt  }
0x73: {  	_ =	shalt  }
0x74: {  	_ =	shalt  }
0x75: {  	_ =	shalt  }
0x76: {  	_ =	shalt  }
0x77: {  	_ =	shalt  }
0x78: {  	_ =	shalt  }
0x79: {  	_ =	shalt  }
0x7a: {  	_ =	shalt  }
0x7b: {  	_ =	shalt  }
0x7c: {  	_ =	shalt  }
0x7d: {  	_ =	shalt  }
0x7e: {  	_ =	shalt  }
0x7f: {  	_ =	shalt  }
0x80: {  	_ =	shalt  }
0x81: {  	_ =	shalt  }
0x82: {  	_ =	shalt  }
0x83: {  	_ =	shalt  }
0x84: {  	_ =	shalt  }
0x85: {  	_ =	shalt  }
0x86: {  	_ =	shalt  }
0x87: {  	_ =	shalt  }
.Lfunc_end0:
.L_simem_size_0:
called_computation.4_lowered:
.L_overlay_start_0:
0x88: {  	s2 =	sld [smem:$0x3FD9]  }
0x89: {  	s3 =	sld [smem:$0x3FFE];
	_ =	sdelay $0x1  }
0x8a: {  	s1 =	srdreg.scid  }
0x8b: {  	s0 =	sand.u32 $0x1, s1  }
0x8c: {  	s17 =	sshll.u32 s0, $0xA;
	s2 =	sadd.s32 s3, s2  }
0x8d: {  	s2 =	sadd.s32 s2, s17  }
0x8e: {  	[smem:$0x3FBB] =	sst s2  }
0x8f: {  	_ = 	snop  }
0x90: {  	s18 =	sld [smem:$0x3FC9];
	(tm) =	ssettm $0x1  }
0x91: {  	s19 =	sld [smem:$0x3FFB];
	_ =	sdelay $0x3  }
0x92: {  	_ =	strace s19  }
0x93: {  	s2 =	sld [smem:$0x3FFC];
	_ =	sdelay $0x3  }
0x94: {  	_ =	strace s2  }
0x95: {  	s2 =	sld [smem:$0x3FFD];
	_ =	sdelay $0x3  }
0x96: {  	_ =	strace s2  }
0x97: {  	_ =	strace $0x8FFFFFFF  }
0x98: {  	s20 =	sld [smem:$0x3FDB];
	_ =	sdelay $0x1  }
0x99: {  	s4 =	simm.s32 $_scs_section_size  }
0x9a: {  	s5 =	simm.s32 $_size__tile_overlayer_lowered;
	s6 =	simm.s32 $_tile_overlayer_lowered  }
0x9b: {  	s7 =	simm.s32 $0x1BFF;
	s21 =	sshll.u32 s6, $0x1;
	s4 =	sadd.s32 s4, s20  }
0x9c: {  	s22 =	simm.s32 $0x0;
	s5 =	sshll.u32 s5, $0x1;
	s6 =	sadd.s32 s21, s4  }
0x9d: {  	[timem:s22], [sflag:s7] =	dma.local [hbm:s6], s5  }
0x9e: {  	_ =	swait.ge [sflag:s7], s5  }
0x9f: {  	s5 =	ssub.s32 $0x0, s5;
	[sflag:s7] =	ssyncset.done $0x0  }
0xa0: {  	[sflag:s7] =	ssyncadd.s32 s5;
	_ =	sdelay $0x1  }
0xa1: {  	s23 =	simm.s32 $0x1B8B  }
0xa2: {  	_ =	swait.ge [sflag:s23], $0x1  }
0xa3: {  	[sflag:s23] =	ssyncset.done $0x0  }
0xa4: {  	[sflag:s23] =	ssyncadd.s32 $0xFFFFFFFF  }
0xa5: {  	s5 =	sld [smem:$0x0]  }
0xa6: {  	s6 =	sand.u32 $0xFFFFFFFE, s1  }
0xa7: {  	p0 =	sne.s32 s1, s6  }
0xa8: {  	s6 =	sshll.u32 @p0 s6, $0xE  }
0xa9: {  	s6 =	sadd.s32 @p0 $0x11B8D, s6;
	s7 =	sshll.u32 @p0 s5, $0x11  }
0xaa: {  	s6 =	sor.u32 @p0 s7, s6  }
0xab: {  	[sflag:s6] =	ssyncadd.remote.s32 @p0 $0x1;
	_ =	sdelay $0x1  }
0xac: {  	s6 =	simm.s32 @p0 $0x1B8D  }
0xad: {  	_ =	swait.eq @p0 [sflag:s6], $0x1  }
0xae: {  	[sflag:s6] =	ssyncadd.s32 @p0 $0xFFFFFFFF  }
0xaf: {  	s7 =	sshll.u32 @!p0 s1, $0xE  }
0xb0: {  	s7 =	sor.u32 @!p0 $0x4000, s7;
	s6 =	simm.s32 @!p0 $0x1B8D  }
0xb1: {  	s5 =	sshll.u32 @!p0 s5, $0x11;
	s7 =	sadd.s32 @!p0 $0x11B8D, s7;
	_ =	swait.eq @!p0 [sflag:s6], $0x1  }
0xb2: {  	s5 =	sor.u32 @!p0 s5, s7;
	[sflag:s6] =	ssyncadd.s32 @!p0 $0xFFFFFFFF  }
0xb3: {  	s25 =	simm.s32 $0x1B8E;
	s24 =	sld [smem:$0x3FFE];
	[sflag:s5] =	ssyncadd.remote.s32 @!p0 $0x1  }
0xb4: {  	s26 =	simm.s32 $execute0_lowered;
	[smem:$0x3FD2] =	sst s25  }
0xb5: {  	s6 =	sshll.u32 s26, $0x1;
	_ =	strace $0x8000004C;
	[dreg:$0x1] =	wrdreg $0xFFFFFFFF  }
0xb6: {  	s28 =	simm.s32 $_size_execute0_lowered;
	s4 =	sadd.s32 s4, s6;
	[dreg:$0x0] =	wrdreg $0x0  }
0xb7: {  	s6 =	sshll.u32 s28, $0x1;
	[dreg:$0x2] =	wrdreg s4  }
0xb8: {  	[dreg:$0x3] =	wrdreg s6  }
0xb9: {  	[dreg:$0x4] =	wrdreg $0xC0  }
0xba: {  	_ =	task [dreg:s22], $0x5FFFF  }
0xbb: {  	[dreg:$0x1] =	wrdreg $0xFFFFFFFF  }
0xbc: {  	[dreg:$0x0] =	wrdreg $0x60  }
0xbd: {  	[dreg:$0x2] =	wrdreg s18  }
0xbe: {  	[dreg:$0x3] =	wrdreg s24  }
0xbf: {  	[dreg:$0x4] =	wrdreg $0xC  }
0xc0: {  	_ =	task.clear_ibuf [dreg:s22], $0x5FFFF;
	_ =	strace $0x9000004C  }
0xc1: {  	s29 =	simm.s32 $0xC;
	_ =	strace $0x8000004E  }
0xc2: {  	_ =	swait.ge [sflag:s29], $0x1  }
0xc3: {  	[sflag:s29] =	ssyncadd.s32 $0xFFFFFFFF  }
0xc4: {  	_ =	strace $0x9000004E  }
0xc5: {  	_ =	sfence  }
0xc6: {  	s30 =	sld [smem:$0x0];
	_ =	sdelay $0x2  }
0xc7: {  	s31 =	sshll.u32 s1, $0xD;
	s1 =	sshrl.u32 s1, $0x2  }
0xc8: {  	s4 =	sand.u32 $0x4000, s31;
	s1 =	sadd.s32 s1, s30  }
0xc9: {  	s0 =	sor.u32 s4, s0;
	s1 =	sshll.u32 s1, $0x11  }
0xca: {  	s0 =	sor.u32 s1, s0  }
0xcb: {  	s0 =	sadd.s32 $0x8F2B, s0  }
0xcc: {  	[sflag:s0] =	ssyncadd.remote.s32 $0x1  }
0xcd: {  	_ =	sfence.sel $0xFFFF  }
0xce: {  	[dreg:$0x0] =	wrdreg $0xFFFFFFFF;
	(pc) =	sbr.abs _section_cstart, $3  }
0xcf: {  	[dreg:$0x1] =	wrdreg $0xFFFFFFFF  }
0xd0: {  	_ =	task.clear_ibuf [dreg:s22], $0x2FFFF;
	_ =	strace $0x9FFFFFFF  }
0xd1: {  	(tm) =	ssettm $0x7FFFFFFF  }
tec
execute0_lowered:
.L_overlay_start_1:
0x0: {  	(tag) =	ssettag $0x1  }
0x1: {  	s1 =	srdreg.scid;
	s2 =	rddreg [dreg:$0x0]  }
0x2: {  	s0 =	stileid.u32;
	s4 =	rddreg [dreg:$0x1]  }
0x3: {  	s11 =	simm.s32 $0x80;
	s12 =	simm.s32 $0x1800;
	s13 =	simm.s32 $0x5800  }
0x4: {  	s15 =	simm.s32 $0x9800;
	s17 =	simm.s32 $0xD800;
	s18 =	simm.s32 $0x1  }
0x5: {  	s19 =	simm.s32 $0x2;
	s20 =	simm.s32 $0x3;
	s21 =	simm.s32 $0x4  }
0x6: {  	s22 =	simm.s32 $0x5;
	s23 =	simm.s32 $0x6;
	s24 =	simm.s32 $0x7  }
0x7: {  	s25 =	simm.s32 $0x8;
	s26 =	simm.s32 $0x0;
	s1 =	sand.u32 $0x1, s1  }
0x8: {  	s3 =	sshll.u32 s0, $0x1;
	s6 =	smul.u32 $0x180000, s0;
	s9 =	sadd.s32 $0x6A2C00, s4  }
0x9: {  	s3 =	sor.u32 s1, s3;
	s7 =	smul.u32 $0xC0000, s1;
	s1 =	ssub.s32 $0x2, s1  }
0xa: {  	s5 =	smul.u32 $0x300, s3;
	s3 =	simm.s32 $0x0;
	s28 =	sshrl.u32 s1, $0x1  }
0xb: {  	[smem:$0x7FF] =	sst s3;
	s7 =	sadd.s32 s7, s6;
	s1 =	ssub.s32 s1, s28  }
0xc: {  	_ =	strace $0x8000004D;
	s5 =	sadd.s32 s5, s4;
	s6 =	sor.u32 $0x4000, s7  }
.Ltmp0:
0xd: {  	s30 =	sor.u32 $0xC000, s7;
	s8 =	sshrl.u32 s7, $0x3;
	(pc) =	sbr.rel .LBB2_1-.Ltmp0, $4  }
0xe: {  	s10 =	sor.u32 $0x8000, s7;
	s29 =	sadd.s32 $0x69CC00, s5;
	s6 =	sshrl.u32 s6, $0x3  }
0xf: {  	s5 =	smax.u32 s1, $0x1;
	s1 =	sshrl.u32 s30, $0x3;
	s7 =	sadd.s32 s8, s9  }
0x10: {  	s31 =	sshrl.u32 s10, $0x3;
	s10 =	simm.s32 $0x9;
	[dreg:$0x3] =	wrdreg s29  }
0x11: {  	s6 =	sadd.s32 s6, s9;
	s8 =	sadd.s32 s1, s9;
	s9 =	sadd.s32 s31, s9  }
.LBB2_4:
0x12: {  	_ =	swait.ge [sflag:s22], $0x4000  }
0x13: {  	[sflag:s22] =	ssyncset.done $0x0  }
0x14: {  	[sflag:s22] =	ssyncadd.s32 $0xFFFFC000  }
0x15: {  	_ =	swait.ge [sflag:s23], $0x4000  }
0x16: {  	[sflag:s23] =	ssyncset.done $0x0  }
0x17: {  	s26 =	sadd.s32 $0x1, s26;
	[sflag:s23] =	ssyncadd.s32 $0xFFFFC000  }
0x18: {  	p0 =	sne.s32 s26, s5;
	_ =	swait.ge [sflag:s24], $0x4000  }
.Ltmp1:
0x19: {  	[sflag:s24] =	ssyncset.done $0x0;
	(pc) =	sbr.rel @!p0 .LBB2_5-.Ltmp1, $4  }
0x1a: {  	[sflag:s24] =	ssyncadd.s32 $0xFFFFC000  }
0x1b: {  	_ =	swait.ge [sflag:s25], $0x4000  }
0x1c: {  	[sflag:s25] =	ssyncset.done $0x0  }
0x1d: {  	[sflag:s25] =	ssyncadd.s32 $0xFFFFC000  }
.LBB2_1:
0x1e: {  	s0 =	rddreg [dreg:$0x3]  }
0x1f: {  	[tilespmem:s3], [sflag:$0x9] =	stream.linear.gather [hbm4b:s0+s3], $0x1800, $0x38;
	[tilespmem:$0x11800] =	vst v63  }
0x20: {  	_ =	swait.ge [sflag:s10], $0x1800  }
0x21: {  	[sflag:s10] =	ssyncset.done $0x0  }
0x22: {  	[sflag:s10] =	ssyncadd.s32 $0xFFFFE800  }
0x23: {  	[tilespmem:s12], [sflag:$0x1] =	stream.indirect.gather [hbm4b:s2+s11], $0x80, s3, s11, $0xb8;
	[tilespmem:$0x11800] =	vst v63  }
0x24: {  	s14 =	simm.s32 $0x100  }
0x25: {  	[tilespmem:s13], [sflag:$0x2] =	stream.indirect.gather [hbm4b:s2+s11], $0x80, s11, s11, $0xb8;
	[tilespmem:$0x11800] =	vst v63  }
0x26: {  	s16 =	simm.s32 $0x180;
	s28 =	smov.u32 s9;
	s29 =	smov.u32 s8  }
0x27: {  	[tilespmem:s15], [sflag:$0x3] =	stream.indirect.gather [hbm4b:s2+s11], $0x80, s14, s11, $0xb8;
	[tilespmem:$0x11800] =	vst v63  }
0x28: {  	s30 =	smov.u32 s7;
	s31 =	smov.u32 s6;
	s1 =	simm.s32 $0x0  }
0x29: {  	[tilespmem:s17], [sflag:$0x4] =	stream.indirect.gather [hbm4b:s2+s11], $0x80, s16, s11, $0xb8;
	[tilespmem:$0x11800] =	vst v63  }
.LBB2_2:
0x2a: {  	_ =	swait.ge [sflag:s18], $0x4000  }
0x2b: {  	p0 =	seq.s32 s1, $0x0;
	[sflag:s18] =	ssyncset.done $0x0  }
0x2c: {  	s0 =	simm.s32 @!p0 $0x7;
	[sflag:s18] =	ssyncadd.s32 $0xFFFFC000  }
0x2d: {  	[hbm4b:s30+s3] =	stream.linear.scatter [tilespmem:s12], [sflag:$0x5], $0x4000, $0x38;
	[tilespmem:$0x11800] =	vst v63  }
0x2e: {  	_ =	swait.ge @!p0 [sflag:s0], $0x4000  }
0x2f: {  	[sflag:s0] =	ssyncset.done @!p0 $0x0  }
0x30: {  	[sflag:s0] =	ssyncadd.s32 @!p0 $0xFFFFC000;
	s0 =	sshra.s32 @!p0 s1, $0x2  }
0x31: {  	s16 =	simm.s32 @!p0 $0x80;
	s4 =	simm.s32 @!p0 $0x9800;
	s14 =	sadd.s32 @!p0 $0x100, s0  }
0x32: {  	[tilespmem:s4], [sflag:$0x3] =	stream.indirect.gather @!p0 [hbm4b:s2+s16], $0x80, s14, s16, $0xb8;
	[tilespmem:$0x11800] =	vst v63  }
0x33: {  	_ =	swait.ge [sflag:s19], $0x4000  }
0x34: {  	[sflag:s19] =	ssyncset.done $0x0  }
0x35: {  	s4 =	simm.s32 @!p0 $0x8;
	[sflag:s19] =	ssyncadd.s32 $0xFFFFC000  }
0x36: {  	[hbm4b:s31+s3] =	stream.linear.scatter [tilespmem:s13], [sflag:$0x6], $0x4000, $0x38;
	[tilespmem:$0x11800] =	vst v63  }
0x37: {  	_ =	swait.ge @!p0 [sflag:s4], $0x4000  }
0x38: {  	[sflag:s4] =	ssyncset.done @!p0 $0x0  }
0x39: {  	s0 =	sadd.s32 @!p0 $0x180, s0;
	[sflag:s4] =	ssyncadd.s32 @!p0 $0xFFFFC000;
	s4 =	simm.s32 @!p0 $0xD800  }
0x3a: {  	[tilespmem:s4], [sflag:$0x4] =	stream.indirect.gather @!p0 [hbm4b:s2+s16], $0x80, s0, s16, $0xb8;
	[tilespmem:$0x11800] =	vst v63  }
0x3b: {  	_ =	swait.ge [sflag:s20], $0x4000  }
0x3c: {  	p0 =	seq.s32 s1, $0x5800;
	[sflag:s20] =	ssyncset.done $0x0  }
0x3d: {  	s0 =	simm.s32 @!p0 $0x5;
	[sflag:s20] =	ssyncadd.s32 $0xFFFFC000  }
0x3e: {  	[hbm4b:s28+s3] =	stream.linear.scatter [tilespmem:s15], [sflag:$0x7], $0x4000, $0x38;
	[tilespmem:$0x11800] =	vst v63  }
0x3f: {  	_ =	swait.ge @!p0 [sflag:s0], $0x4000  }
0x40: {  	[sflag:s0] =	ssyncset.done @!p0 $0x0  }
0x41: {  	[sflag:s0] =	ssyncadd.s32 @!p0 $0xFFFFC000;
	s0 =	sshra.s32 @!p0 s1, $0x2  }
0x42: {  	s4 =	simm.s32 @!p0 $0x80;
	s14 =	simm.s32 @!p0 $0x1800;
	s0 =	sadd.s32 @!p0 $0x200, s0  }
0x43: {  	[tilespmem:s14], [sflag:$0x1] =	stream.indirect.gather @!p0 [hbm4b:s2+s4], $0x80, s0, s4, $0xb8;
	[tilespmem:$0x11800] =	vst v63  }
.Ltmp2:
0x44: {  	_ = 	snop;
	(pc) =	sbr.rel @p0 .LBB2_4-.Ltmp2, $4  }
0x45: {  	_ =	swait.ge [sflag:s21], $0x4000  }
0x46: {  	[sflag:s21] =	ssyncset.done $0x0  }
0x47: {  	[sflag:s21] =	ssyncadd.s32 $0xFFFFC000  }
0x48: {  	[hbm4b:s29+s3] =	stream.linear.scatter [tilespmem:s17], [sflag:$0x8], $0x4000, $0x38;
	[tilespmem:$0x11800] =	vst v63  }
.Ltmp3:
0x49: {  	_ =	swait.ge [sflag:s23], $0x4000;
	(pc) =	sbr.rel .LBB2_2-.Ltmp3, $4  }
0x4a: {  	s0 =	sshra.s32 s1, $0x2;
	s1 =	sadd.s32 $0x800, s1;
	s31 =	sadd.s32 $0x2000, s31  }
0x4b: {  	s30 =	sadd.s32 $0x2000, s30;
	s29 =	sadd.s32 $0x2000, s29;
	[sflag:s23] =	ssyncset.done $0x0  }
0x4c: {  	s28 =	sadd.s32 $0x2000, s28;
	s0 =	sadd.s32 $0x280, s0;
	[sflag:s23] =	ssyncadd.s32 $0xFFFFC000  }
0x4d: {  	[tilespmem:s13], [sflag:$0x2] =	stream.indirect.gather [hbm4b:s2+s11], $0x80, s0, s11, $0xb8;
	[tilespmem:$0x11800] =	vst v63  }
.LBB2_5:
0x4e: {  	_ =	sfence.sel $0x180000  }
0x4f: {  	[bflag:$0x0] =	sbarrier.arrive $0xFFFF  }
0x50: {  	_ =	strace $0x9000004D  }
0x51: {  	s0 =	stileid.u32;
	[bflag:$0x2] =	sbarrier.arrive $0xFFFF  }
0x52: {  	p0 =	sne.s32 s0, $0x0;
	s0 =	rddreg [dreg:$0x2]  }
0x53: {  	s0 =	sadd.s32 @!p0 $0x100000, s0  }
0x54: {  	[sflag:s0] =	ssyncadd.tile.s32 @!p0 $0x1;
	_ =	shalt  }
.Lfunc_end2:
_tile_overlayer_lowered:
.L_overlay_start_2:
0x55: {  	(tag) =	ssettag $0x2  }
0x56: {  	s0 =	rddreg [dreg:$0x0];
	s2 =	stileid.u32  }
0x57: {  	s1 =	rddreg [dreg:$0x1];
	p0 =	sne.s32 s2, $0x0  }
0x58: {  	s3 =	rddreg [dreg:$0x2];
	[bflag:$0x3] =	sbarrier.arrive $0xFFFF;
	s2 =	simm.s32 @!p0 $0x1C09  }
0x59: {  	[timem:s3], [sflag:s2] =	dma.local @!p0 [hbm:s0], s1  }
0x5a: {  	s0 =	simm.s32 @!p0 $0x9  }
0x5b: {  	_ =	swait.ge @!p0 [sflag:s0], s1  }
0x5c: {  	s1 =	ssub.s32 @!p0 $0x0, s1;
	[sflag:s0] =	ssyncset.done @!p0 $0x0  }
0x5d: {  	[sflag:s0] =	ssyncadd.s32 @!p0 s1  }
0x5e: {  	[bflag:$0x3] =	sbarrier.arrive $0xFFFF  }
0x5f: {  	_ =	shalt  }

// kernel: kernel.30.cloned.1.call-start
scs
__scs_entry_jumppad:
0x0: {  	(pc) =	sbr.rel $0x88, $3  }
0x1: {  	(tag) =	ssettag $0x0;
	lr =	simm.s32 $0x1  }
0x2: {  	[smem:$0x3F94] =	sst lr;
	_ =	strace $0xD0000000  }
0x3: {  	_ = 	snop  }
0x4: {  	_ = 	snop  }
0x5: {  	_ = 	snop  }
0x6: {  	_ = 	snop  }
0x7: {  	_ = 	snop  }
__scs_overlays_trampoline_lowered:
0x8: {  	[smem:$0x3FA3] =	sst s0  }
0x9: {  	[smem:$0x3FA4] =	sst s1  }
0xa: {  	[smem:$0x3FA5] =	sst s2  }
0xb: {  	[smem:$0x3FA6] =	sst s3  }
0xc: {  	[smem:$0x3FA7] =	sst s4  }
0xd: {  	[smem:$0x3FA8] =	sst s5  }
0xe: {  	[smem:$0x3FA9] =	sst s6  }
0xf: {  	[smem:$0x3FAA] =	sst s7  }
0x10: {  	[smem:$0x3FAB] =	sst s8  }
0x11: {  	[smem:$0x3FAC] =	sst s9;
	s0 =	simm.s32 @!p0 $0x0  }
0x12: {  	s1 =	sld [smem:$0x3F92];
	s0 =	simm.s32 @p0 $0x1  }
0x13: {  	[smem:$0x3FAD] =	sst s0;
	s0 =	simm.s32 @!p1 $0x0  }
0x14: {  	s2 =	sld [smem:$0x3F91];
	s0 =	simm.s32 @p1 $0x1  }
0x15: {  	[smem:$0x3FAE] =	sst s0;
	s0 =	simm.s32 @!p2 $0x0  }
0x16: {  	s3 =	sld [smem:$0x3FDB];
	s0 =	simm.s32 @p2 $0x1  }
0x17: {  	s4 =	simm.s32 $0x1BF5;
	[smem:$0x3FB0] =	sst s0  }
0x18: {  	s0 =	sld [smem:$0x3F93];
	_ =	swait.ge [sflag:s4], $0x0  }
0x19: {  	s7 =	sld [smem:$0x3F94]  }
0x1a: {  	s8 =	sadd.s32 $0xFFFFE003, lr  }
0x1b: {  	s9 =	sadd.s32 $0xFFFFFEF7, lr;
	s5 =	simm.s32 $0xFFFFFFFF;
	p2 =	slt.u32 s8, $0xFFFFF086  }
0x1c: {  	p1 =	slt.u32 s9, $0xF7A;
	s5 =	simm.s32 @!p2 $0x0  }
0x1d: {  	s5 =	simm.s32 @p1 $0x1;
	p0 =	seq.s32 s7, s2  }
0x1e: {  	s7 =	smul.u32 @!p0 $0xF7A, s2;
	p2 =	seq.s32 @!p0 s5, $0x0  }
0x1f: {  	s9 =	smul.u32 $0xF7A, s1;
	s8 =	simm.s32 @!p0 $0x1BF5;
	p2 =	por !p2, p0  }
0x20: {  	[sflag:s8] =	ssyncset.s32 @!p0 $0xFFFFF086;
	s6 =	sadd.s32 @!p0 s3, s7;
	s7 =	simm.s32 @!p0 $0x108  }
0x21: {  	s3 =	sadd.s32 s3, s9;
	s6 =	sadd.s32 @!p0 $0x88, s6;
	s7 =	simm.s32 @p2 $0x1082  }
0x22: {  	[simem:s7], [sflag:s8] =	dma.local @!p0 [hbm:s6], $0xF7A  }
0x23: {  	s9 =	sor.u32 $0xD0000000, s2;
	s6 =	simm.s32 $0x108;
	_ =	swait.ge @!p0 [sflag:s8], $0x0  }
0x24: {  	s3 =	sadd.s32 $0x88, s3;
	s6 =	simm.s32 @!p1 $0x1082;
	[sflag:s4] =	ssyncset.s32 $0xFFFFF086  }
0x25: {  	[simem:s6], [sflag:s4] =	dma.local [hbm:s3], $0xF7A  }
0x26: {  	[smem:$0x3F94] =	sst s1;
	(tag) =	ssettag s2;
	_ =	strace s9  }
0x27: {  	s1 =	sld [smem:$0x3FA4]  }
0x28: {  	s2 =	sld [smem:$0x3FA5]  }
0x29: {  	s4 =	sld [smem:$0x3FA7]  }
0x2a: {  	p0 =	seq.s32 s5, $0x0;
	s5 =	sld [smem:$0x3FA8]  }
0x2b: {  	s6 =	sld [smem:$0x3FA9]  }
0x2c: {  	s7 =	sld [smem:$0x3FAA]  }
0x2d: {  	s3 =	simm.s32 $0x108;
	s8 =	sld [smem:$0x3FAB]  }
0x2e: {  	s3 =	simm.s32 @!p0 $0x1082;
	s9 =	sld [smem:$0x3FAC]  }
0x2f: {  	lr =	sadd.s32 s0, s3;
	s0 =	sld [smem:$0x3FA3]  }
0x30: {  	s3 =	sld [smem:$0x3FA6]  }
0x31: {  	[smem:$0x3FAF] =	sst s10  }
0x32: {  	s10 =	sld [smem:$0x3FAD];
	_ =	sdelay $0x3  }
0x33: {  	p0 =	seq.s32 s10, $0x1;
	s10 =	sld [smem:$0x3FAF];
	_ =	sdelay $0x3  }
0x34: {  	[smem:$0x3FAF] =	sst s10  }
0x35: {  	s10 =	sld [smem:$0x3FAE];
	_ =	sdelay $0x3  }
0x36: {  	p1 =	seq.s32 s10, $0x1;
	s10 =	sld [smem:$0x3FAF];
	_ =	sdelay $0x3  }
0x37: {  	[smem:$0x3FAF] =	sst s10  }
0x38: {  	s10 =	sld [smem:$0x3FB0]  }
0x39: {  	_ = 	snop;
	(pc) =	sbr.ind lr, $3  }
0x3a: {  	_ = 	snop  }
0x3b: {  	_ = 	snop  }
0x3c: {  	p2 =	seq.s32 s10, $0x1;
	s10 =	sld [smem:$0x3FAF]  }
0x3d: {  	_ =	shalt  }
0x3e: {  	_ =	shalt  }
0x3f: {  	_ =	shalt  }
0x40: {  	_ =	shalt  }
0x41: {  	_ =	shalt  }
0x42: {  	_ =	shalt  }
0x43: {  	_ =	shalt  }
0x44: {  	_ =	shalt  }
0x45: {  	_ =	shalt  }
0x46: {  	_ =	shalt  }
0x47: {  	_ =	shalt  }
0x48: {  	_ =	shalt  }
0x49: {  	_ =	shalt  }
0x4a: {  	_ =	shalt  }
0x4b: {  	_ =	shalt  }
0x4c: {  	_ =	shalt  }
0x4d: {  	_ =	shalt  }
0x4e: {  	_ =	shalt  }
0x4f: {  	_ =	shalt  }
0x50: {  	_ =	shalt  }
0x51: {  	_ =	shalt  }
0x52: {  	_ =	shalt  }
0x53: {  	_ =	shalt  }
0x54: {  	_ =	shalt  }
0x55: {  	_ =	shalt  }
0x56: {  	_ =	shalt  }
0x57: {  	_ =	shalt  }
0x58: {  	_ =	shalt  }
0x59: {  	_ =	shalt  }
0x5a: {  	_ =	shalt  }
0x5b: {  	_ =	shalt  }
0x5c: {  	_ =	shalt  }
0x5d: {  	_ =	shalt  }
0x5e: {  	_ =	shalt  }
0x5f: {  	_ =	shalt  }
0x60: {  	_ =	shalt  }
0x61: {  	_ =	shalt  }
0x62: {  	_ =	shalt  }
0x63: {  	_ =	shalt  }
0x64: {  	_ =	shalt  }
0x65: {  	_ =	shalt  }
0x66: {  	_ =	shalt  }
0x67: {  	_ =	shalt  }
0x68: {  	_ =	shalt  }
0x69: {  	_ =	shalt  }
0x6a: {  	_ =	shalt  }
0x6b: {  	_ =	shalt  }
0x6c: {  	_ =	shalt  }
0x6d: {  	_ =	shalt  }
0x6e: {  	_ =	shalt  }
0x6f: {  	_ =	shalt  }
0x70: {  	_ =	shalt  }
0x71: {  	_ =	shalt  }
0x72: {  	_ =	shalt  }
0x73: {  	_ =	shalt  }
0x74: {  	_ =	shalt  }
0x75: {  	_ =	shalt  }
0x76: {  	_ =	shalt  }
0x77: {  	_ =	shalt  }
0x78: {  	_ =	shalt  }
0x79: {  	_ =	shalt  }
0x7a: {  	_ =	shalt  }
0x7b: {  	_ =	shalt  }
0x7c: {  	_ =	shalt  }
0x7d: {  	_ =	shalt  }
0x7e: {  	_ =	shalt  }
0x7f: {  	_ =	shalt  }
0x80: {  	_ =	shalt  }
0x81: {  	_ =	shalt  }
0x82: {  	_ =	shalt  }
0x83: {  	_ =	shalt  }
0x84: {  	_ =	shalt  }
0x85: {  	_ =	shalt  }
0x86: {  	_ =	shalt  }
0x87: {  	_ =	shalt  }
.Lfunc_end0:
.L_simem_size_0:
called_computation.5_lowered:
.L_overlay_start_0:
0x88: {  	s2 =	sld [smem:$0x3FD9]  }
0x89: {  	s3 =	sld [smem:$0x3FFE];
	_ =	sdelay $0x1  }
0x8a: {  	s1 =	srdreg.scid  }
0x8b: {  	s0 =	sand.u32 $0x1, s1  }
0x8c: {  	s17 =	sshll.u32 s0, $0xA;
	s2 =	sadd.s32 s3, s2  }
0x8d: {  	s2 =	sadd.s32 s2, s17  }
0x8e: {  	[smem:$0x3FBB] =	sst s2  }
0x8f: {  	_ = 	snop  }
0x90: {  	(tm) =	ssettm $0x1  }
0x91: {  	s18 =	sld [smem:$0x3FFB];
	_ =	sdelay $0x3  }
0x92: {  	_ =	strace s18  }
0x93: {  	s2 =	sld [smem:$0x3FFC];
	_ =	sdelay $0x3  }
0x94: {  	_ =	strace s2  }
0x95: {  	s2 =	sld [smem:$0x3FFD];
	_ =	sdelay $0x3  }
0x96: {  	_ =	strace s2  }
0x97: {  	_ =	strace $0x8FFFFFFF  }
0x98: {  	s19 =	sld [smem:$0x3FDB];
	_ =	sdelay $0x1  }
0x99: {  	s20 =	simm.s32 $_scs_section_size  }
0x9a: {  	s4 =	simm.s32 $_size__tile_overlayer_lowered;
	s5 =	simm.s32 $_tile_overlayer_lowered  }
0x9b: {  	s6 =	simm.s32 $0x1BFF;
	s21 =	sshll.u32 s5, $0x1;
	s3 =	sadd.s32 s20, s19  }
0x9c: {  	s22 =	simm.s32 $0x0;
	s4 =	sshll.u32 s4, $0x1;
	s5 =	sadd.s32 s21, s3  }
0x9d: {  	[timem:s22], [sflag:s6] =	dma.local [hbm:s5], s4  }
0x9e: {  	_ =	swait.ge [sflag:s6], s4  }
0x9f: {  	s4 =	ssub.s32 $0x0, s4;
	[sflag:s6] =	ssyncset.done $0x0  }
0xa0: {  	[sflag:s6] =	ssyncadd.s32 s4;
	_ =	sdelay $0x1  }
0xa1: {  	s23 =	simm.s32 $0x1B8B  }
0xa2: {  	_ =	swait.ge [sflag:s23], $0x1  }
0xa3: {  	[sflag:s23] =	ssyncset.done $0x0  }
0xa4: {  	[sflag:s23] =	ssyncadd.s32 $0xFFFFFFFF  }
0xa5: {  	s4 =	sld [smem:$0x0]  }
0xa6: {  	s5 =	sand.u32 $0xFFFFFFFE, s1  }
0xa7: {  	p0 =	sne.s32 s1, s5  }
0xa8: {  	s5 =	sshll.u32 @p0 s5, $0xE  }
0xa9: {  	s5 =	sadd.s32 @p0 $0x11B8D, s5;
	s6 =	sshll.u32 @p0 s4, $0x11  }
0xaa: {  	s5 =	sor.u32 @p0 s6, s5  }
0xab: {  	[sflag:s5] =	ssyncadd.remote.s32 @p0 $0x1;
	_ =	sdelay $0x1  }
0xac: {  	s5 =	simm.s32 @p0 $0x1B8D  }
0xad: {  	_ =	swait.eq @p0 [sflag:s5], $0x1  }
0xae: {  	[sflag:s5] =	ssyncadd.s32 @p0 $0xFFFFFFFF  }
0xaf: {  	s6 =	sshll.u32 @!p0 s1, $0xE  }
0xb0: {  	s6 =	sor.u32 @!p0 $0x4000, s6;
	s5 =	simm.s32 @!p0 $0x1B8D  }
0xb1: {  	s4 =	sshll.u32 @!p0 s4, $0x11;
	s6 =	sadd.s32 @!p0 $0x11B8D, s6;
	_ =	swait.eq @!p0 [sflag:s5], $0x1  }
0xb2: {  	s4 =	sor.u32 @!p0 s4, s6;
	[sflag:s5] =	ssyncadd.s32 @!p0 $0xFFFFFFFF  }
0xb3: {  	s25 =	simm.s32 $0x1B8E;
	s24 =	sld [smem:$0x3FFE];
	[sflag:s4] =	ssyncadd.remote.s32 @!p0 $0x1  }
0xb4: {  	s26 =	simm.s32 $execute0_lowered;
	[smem:$0x3FD2] =	sst s25  }
0xb5: {  	s5 =	sshll.u32 s26, $0x1;
	_ =	strace $0x80000058;
	[dreg:$0x1] =	wrdreg $0xFFFFFFFF  }
0xb6: {  	s28 =	simm.s32 $_size_execute0_lowered;
	s3 =	sadd.s32 s3, s5;
	[dreg:$0x0] =	wrdreg $0x0  }
0xb7: {  	s5 =	sshll.u32 s28, $0x1;
	[dreg:$0x2] =	wrdreg s3  }
0xb8: {  	[dreg:$0x3] =	wrdreg s5  }
0xb9: {  	[dreg:$0x4] =	wrdreg $0xC0  }
0xba: {  	_ =	task [dreg:s22], $0x5FFFF  }
0xbb: {  	[dreg:$0x1] =	wrdreg $0xFFFFFFFF  }
0xbc: {  	[dreg:$0x0] =	wrdreg $0x60  }
0xbd: {  	[dreg:$0x2] =	wrdreg s24  }
0xbe: {  	[dreg:$0x3] =	wrdreg $0x8C000  }
0xbf: {  	[dreg:$0x4] =	wrdreg $0xC  }
0xc0: {  	_ =	task.clear_ibuf [dreg:s22], $0x5FFFF;
	_ =	strace $0x90000058  }
0xc1: {  	s29 =	simm.s32 $0xC;
	_ =	strace $0x8000005A  }
0xc2: {  	_ =	swait.ge [sflag:s29], $0x1  }
0xc3: {  	[sflag:s29] =	ssyncadd.s32 $0xFFFFFFFF  }
0xc4: {  	_ =	strace $0x9000005A  }
0xc5: {  	_ =	sfence  }
0xc6: {  	s30 =	sld [smem:$0x0];
	_ =	sdelay $0x2  }
0xc7: {  	s31 =	sshll.u32 s1, $0xD;
	s1 =	sshrl.u32 s1, $0x2  }
0xc8: {  	s4 =	sand.u32 $0x4000, s31;
	s1 =	sadd.s32 s1, s30  }
0xc9: {  	s0 =	sor.u32 s4, s0;
	s1 =	sshll.u32 s1, $0x11  }
0xca: {  	s0 =	sor.u32 s1, s0  }
0xcb: {  	s0 =	sadd.s32 $0x8F2B, s0  }
0xcc: {  	[sflag:s0] =	ssyncadd.remote.s32 $0x1  }
0xcd: {  	_ =	sfence.sel $0xFFFF  }
0xce: {  	[dreg:$0x0] =	wrdreg $0xFFFFFFFF;
	(pc) =	sbr.abs _section_cstart, $3  }
0xcf: {  	[dreg:$0x1] =	wrdreg $0xFFFFFFFF  }
0xd0: {  	_ =	task.clear_ibuf [dreg:s22], $0x2FFFF;
	_ =	strace $0x9FFFFFFF  }
0xd1: {  	(tm) =	ssettm $0x7FFFFFFF  }
tec
execute0_lowered:
.L_overlay_start_1:
0x0: {  	(tag) =	ssettag $0x1  }
0x1: {  	s1 =	srdreg.scid;
	s4 =	rddreg [dreg:$0x0]  }
0x2: {  	s0 =	stileid.u32;
	s2 =	rddreg [dreg:$0x1]  }
0x3: {  	s3 =	simm.s32 $0x0;
	s17 =	simm.s32 $0x4C00;
	s18 =	simm.s32 $0x1  }
0x4: {  	s19 =	simm.s32 $0x80;
	s20 =	simm.s32 $0x2;
	s9 =	smul.u32 $0x4F000, s0  }
0x5: {  	s21 =	simm.s32 $0xB00;
	s8 =	sand.u32 $0x1, s1;
	s15 =	smul.u32 $0xC0000, s0  }
0x6: {  	s22 =	simm.s32 $0xB80;
	s1 =	rddreg [dreg:$0x2];
	s7 =	smul.u32 $0x27800, s8  }
0x7: {  	s24 =	sshll.u32 s0, $0x1;
	[smem:$0x7FF] =	sst s3;
	s16 =	smul.u32 $0x60000, s8  }
0x8: {  	s14 =	sadd.s32 $0x1A5400, s4;
	s5 =	sor.u32 s8, s24;
	s24 =	smul.u32 $0x2780, s0  }
0x9: {  	_ =	strace $0x80000059;
	s25 =	ssub.s32 $0x2, s8;
	s6 =	smul.u32 $0x180, s5  }
0xa: {  	s26 =	sshrl.u32 s9, $0x2;
	s28 =	sshrl.u32 s25, $0x1;
	s11 =	smul.u32 $0xC000, s5  }
0xb: {  	s12 =	sadd.s32 s7, s4;
	s13 =	ssub.s32 s25, s28;
	s29 =	sadd.s32 s16, s15  }
0xc: {  	s10 =	sadd.s32 s6, s4;
	s4 =	sadd.s32 s26, s2;
	s23 =	sadd.s32 $0xFABC00, s12  }
0xd: {  	s15 =	sor.u32 $0xC000, s29;
	s16 =	sor.u32 $0x8000, s29;
	s12 =	smax.u32 s13, $0x1  }
0xe: {  	s5 =	sadd.s32 $0x4000, s4;
	s6 =	sadd.s32 $0x8000, s4;
	s7 =	sadd.s32 $0xC000, s4  }
0xf: {  	s8 =	sadd.s32 $0x10000, s4;
	s9 =	sadd.s32 $0x699C00, s10;
	s10 =	sadd.s32 s14, s11  }
0x10: {  	s30 =	sshrl.u32 s15, $0x3;
	s31 =	sshrl.u32 s16, $0x3;
	s15 =	simm.s32 $0xC00  }
0x11: {  	s16 =	simm.s32 $0x3;
	s23 =	sadd.s32 s24, s23;
	s24 =	simm.s32 $0x0  }
0x12: {  	v0 =	vimm.f32 $0.0e+00;
	s11 =	sadd.s32 $0x800, s10;
	s13 =	sadd.s32 s30, s14;
	s14 =	sadd.s32 s31, s14  }
.LBB2_1:
0x13: {  	s25 =	simm.s32 $0x0;
	s26 =	simm.s32 $0x200  }
.LBB2_2:
0x14: {  	p0 =	sne.s32 s26, $0xFE00;
	[tilespmem:s25+$0xC70] =	vst v0  }
0x15: {  	[tilespmem:s25+$0xC00] =	vst v0  }
0x16: {  	[tilespmem:s25+$0xC10] =	vst v0  }
.Ltmp0:
0x17: {  	[tilespmem:s25+$0xC20] =	vst v0;
	(pc) =	sbr.rel @p0 .LBB2_2-.Ltmp0, $4  }
0x18: {  	[tilespmem:s25+$0xC30] =	vst v0  }
0x19: {  	[tilespmem:s25+$0xC40] =	vst v0  }
0x1a: {  	[tilespmem:s25+$0xC50] =	vst v0  }
0x1b: {  	[tilespmem:s25+$0xC60] =	vst v0;
	s25 =	sshra.s32 s26, $0x2;
	s26 =	sadd.s32 $0x200, s26  }
0x1c: {  	[tilespmem:s25+$0xC70] =	vst v0  }
0x1d: {  	[tilespmem:s25+$0xC00] =	vst v0  }
0x1e: {  	[tilespmem:s25+$0xC10] =	vst v0  }
0x1f: {  	[tilespmem:s25+$0xC20] =	vst v0  }
0x20: {  	[tilespmem:s25+$0xC30] =	vst v0  }
0x21: {  	[tilespmem:s25+$0xC40] =	vst v0  }
0x22: {  	[tilespmem:s25+$0xC50] =	vst v0  }
0x23: {  	[tilespmem:s25+$0xC60] =	vst v0  }
0x24: {  	[spmem:s4] =	stream.linear.scatter [tilespmem:s15], [sflag:$0x3], $0x4000, $0x38;
	[tilespmem:$0x1C800] =	vst v63  }
0x25: {  	_ =	swait.ge [sflag:s16], $0x4000  }
0x26: {  	[sflag:s16] =	ssyncset.done $0x0  }
0x27: {  	[sflag:s16] =	ssyncadd.s32 $0xFFFFC000  }
0x28: {  	[spmem:s5] =	stream.linear.scatter [tilespmem:s15], [sflag:$0x3], $0x4000, $0x38;
	[tilespmem:$0x1C800] =	vst v63  }
0x29: {  	_ =	swait.ge [sflag:s16], $0x4000  }
0x2a: {  	[sflag:s16] =	ssyncset.done $0x0  }
0x2b: {  	[sflag:s16] =	ssyncadd.s32 $0xFFFFC000  }
0x2c: {  	[spmem:s6] =	stream.linear.scatter [tilespmem:s15], [sflag:$0x3], $0x4000, $0x38;
	[tilespmem:$0x1C800] =	vst v63  }
0x2d: {  	_ =	swait.ge [sflag:s16], $0x4000  }
0x2e: {  	[sflag:s16] =	ssyncset.done $0x0  }
0x2f: {  	[sflag:s16] =	ssyncadd.s32 $0xFFFFC000  }
0x30: {  	[spmem:s7] =	stream.linear.scatter [tilespmem:s15], [sflag:$0x3], $0x4000, $0x38;
	[tilespmem:$0x1C800] =	vst v63  }
0x31: {  	_ =	swait.ge [sflag:s16], $0x4000  }
0x32: {  	[sflag:s16] =	ssyncset.done $0x0  }
0x33: {  	[sflag:s16] =	ssyncadd.s32 $0xFFFFC000  }
0x34: {  	[spmem:s8] =	stream.linear.scatter [tilespmem:s15], [sflag:$0x3], $0x3C00, $0x38;
	[tilespmem:$0x1C800] =	vst v63  }
0x35: {  	_ =	swait.ge [sflag:s16], $0x3C00  }
0x36: {  	[sflag:s16] =	ssyncset.done $0x0  }
0x37: {  	s26 =	simm.s32 $0x0;
	[sflag:s16] =	ssyncadd.s32 $0xFFFFC400  }
0x38: {  	[tilespmem:s26], [sflag:$0x3] =	stream.linear.gather [hbm4b:s9+s26], $0xC00, $0x38;
	[tilespmem:$0x1C800] =	vst v63  }
0x39: {  	_ =	swait.ge [sflag:s16], $0xC00  }
0x3a: {  	[sflag:s16] =	ssyncset.done $0x0  }
0x3b: {  	[sflag:s16] =	ssyncadd.s32 $0xFFFFF400  }
0x3c: {  	[bflag:$0x0] =	sbarrier.arrive $0xFFFF  }
0x3d: {  	[tilespmem:s15], [sflag:$0x1] =	stream.linear.gather [hbm4b:s10+s26], $0x4000, $0x38;
	[tilespmem:$0x1C800] =	vst v63  }
0x3e: {  	_ = 	snop  }
0x3f: {  	[tilespmem:s17], [sflag:$0x2] =	stream.linear.gather [hbm4b:s11+s26], $0x4000, $0x38;
	[tilespmem:$0x1C800] =	vst v63  }
0x40: {  	_ =	swait.ge [sflag:s18], $0x4000  }
0x41: {  	[sflag:s18] =	ssyncset.done $0x0  }
0x42: {  	s29 =	simm.s32 $0x0;
	[sflag:s18] =	ssyncadd.s32 $0xFFFFC000  }
0x43: {  	[spmem:s2] =	stream.indirect.scatter.add.f32 [tilespmem:s15], [sflag:$0x3], $0x80, s29, s19, $0xb8;
	[tilespmem:$0x1C800] =	vst v63  }
0x44: {  	_ =	swait.ge [sflag:s16], $0x4000  }
0x45: {  	[sflag:s16] =	ssyncset.done $0x0  }
0x46: {  	s30 =	sadd.s32 $0x0, s14;
	[sflag:s16] =	ssyncadd.s32 $0xFFFFC000  }
0x47: {  	[tilespmem:s15], [sflag:$0x1] =	stream.linear.gather [hbm4b:s30+s3], $0x4000, $0x38;
	[tilespmem:$0x1C800] =	vst v63  }
0x48: {  	_ =	swait.ge [sflag:s20], $0x4000  }
0x49: {  	[sflag:s20] =	ssyncset.done $0x0  }
0x4a: {  	s31 =	simm.s32 $0x80;
	[sflag:s20] =	ssyncadd.s32 $0xFFFFC000  }
0x4b: {  	[spmem:s2] =	stream.indirect.scatter.add.f32 [tilespmem:s17], [sflag:$0x3], $0x80, s31, s19, $0xb8;
	[tilespmem:$0x1C800] =	vst v63  }
0x4c: {  	_ =	swait.ge [sflag:s16], $0x4000  }
0x4d: {  	s25 =	simm.s32 $0x1000;
	[sflag:s16] =	ssyncset.done $0x0  }
0x4e: {  	s28 =	sadd.s32 $0x0, s13;
	s26 =	simm.s32 $0x180;
	[sflag:s16] =	ssyncadd.s32 $0xFFFFC000  }
.LBB2_4:
0x4f: {  	[tilespmem:s17], [sflag:$0x2] =	stream.linear.gather [hbm4b:s28+s3], $0x4000, $0x38;
	[tilespmem:$0x1C800] =	vst v63  }
0x50: {  	s28 =	smov.u32 s25  }
0x51: {  	p0 =	sne.s32 s25, $0xA000;
	s25 =	sadd.s32 $0x1000, s25;
	_ =	swait.ge [sflag:s18], $0x4000  }
0x52: {  	[sflag:s18] =	ssyncset.done $0x0  }
0x53: {  	s29 =	sadd.s32 $0xFFFFFF80, s26;
	[sflag:s18] =	ssyncadd.s32 $0xFFFFC000  }
0x54: {  	[spmem:s2] =	stream.indirect.scatter.add.f32 [tilespmem:s15], [sflag:$0x3], $0x80, s29, s19, $0xb8;
	[tilespmem:$0x1C800] =	vst v63  }
0x55: {  	_ =	swait.ge [sflag:s16], $0x4000  }
0x56: {  	[sflag:s16] =	ssyncset.done $0x0  }
0x57: {  	s29 =	sadd.s32 s28, s14;
	[sflag:s16] =	ssyncadd.s32 $0xFFFFC000  }
0x58: {  	[tilespmem:s15], [sflag:$0x1] =	stream.linear.gather [hbm4b:s29+s3], $0x4000, $0x38;
	[tilespmem:$0x1C800] =	vst v63  }
0x59: {  	_ =	swait.ge [sflag:s20], $0x4000  }
0x5a: {  	[sflag:s20] =	ssyncset.done $0x0  }
.Ltmp1:
0x5b: {  	[sflag:s20] =	ssyncadd.s32 $0xFFFFC000;
	(pc) =	sbr.rel @p0 .LBB2_4-.Ltmp1, $4  }
0x5c: {  	[spmem:s2] =	stream.indirect.scatter.add.f32 [tilespmem:s17], [sflag:$0x3], $0x80, s26, s19, $0xb8;
	[tilespmem:$0x1C800] =	vst v63  }
0x5d: {  	_ =	swait.ge [sflag:s16], $0x4000  }
0x5e: {  	[sflag:s16] =	ssyncset.done $0x0  }
0x5f: {  	s28 =	sadd.s32 s28, s13;
	s26 =	sadd.s32 $0x100, s26;
	[sflag:s16] =	ssyncadd.s32 $0xFFFFC000  }
0x60: {  	[tilespmem:s17], [sflag:$0x2] =	stream.linear.gather [hbm4b:s28+s3], $0x4000, $0x38;
	[tilespmem:$0x1C800] =	vst v63  }
0x61: {  	_ =	swait.ge [sflag:s18], $0x4000  }
0x62: {  	[sflag:s18] =	ssyncset.done $0x0  }
0x63: {  	[sflag:s18] =	ssyncadd.s32 $0xFFFFC000  }
0x64: {  	[spmem:s2] =	stream.indirect.scatter.add.f32 [tilespmem:s15], [sflag:$0x3], $0x80, s21, s19, $0xb8;
	[tilespmem:$0x1C800] =	vst v63  }
0x65: {  	_ =	swait.ge [sflag:s16], $0x4000  }
0x66: {  	[sflag:s16] =	ssyncset.done $0x0  }
0x67: {  	[sflag:s16] =	ssyncadd.s32 $0xFFFFC000  }
0x68: {  	_ =	swait.ge [sflag:s20], $0x4000  }
0x69: {  	[sflag:s20] =	ssyncset.done $0x0  }
0x6a: {  	[sflag:s20] =	ssyncadd.s32 $0xFFFFC000  }
0x6b: {  	[spmem:s2] =	stream.indirect.scatter.add.f32 [tilespmem:s17], [sflag:$0x3], $0x80, s22, s19, $0xb8;
	[tilespmem:$0x1C800] =	vst v63  }
0x6c: {  	_ =	swait.ge [sflag:s16], $0x4000  }
0x6d: {  	s25 =	sshll.u32 s0, $0x6;
	s24 =	sadd.s32 $0x1, s24;
	[sflag:s16] =	ssyncset.done $0x0  }
0x6e: {  	s26 =	sshrl.u32 s4, $0x3;
	p0 =	sne.s32 s24, s12;
	[sflag:s16] =	ssyncadd.s32 $0xFFFFC000  }
.Ltmp2:
0x6f: {  	s25 =	sor.u32 $0x1C03, s25;
	[bflag:$0x0] =	sbarrier.arrive $0xFFFF;
	(pc) =	sbr.rel @p0 .LBB2_1-.Ltmp2, $4  }
0x70: {  	[hbm:s23], [sflag:s25] =	dma.local [spmem:s26], $0x2780  }
0x71: {  	_ =	swait.ge [sflag:s16], $0x2780  }
0x72: {  	[sflag:s16] =	ssyncset.done $0x0  }
0x73: {  	[sflag:s16] =	ssyncadd.s32 $0xFFFFD880  }
0x74: {  	_ =	sfence.sel $0x180000  }
0x75: {  	[bflag:$0x0] =	sbarrier.arrive $0xFFFF  }
0x76: {  	p0 =	sne.s32 s0, $0x0;
	_ =	strace $0x90000059  }
0x77: {  	s0 =	sadd.s32 @!p0 $0x100000, s1;
	[bflag:$0x2] =	sbarrier.arrive $0xFFFF  }
0x78: {  	[sflag:s0] =	ssyncadd.tile.s32 @!p0 $0x1;
	_ =	shalt  }
.Lfunc_end2:
_tile_overlayer_lowered:
.L_overlay_start_2:
0x79: {  	(tag) =	ssettag $0x2  }
0x7a: {  	s0 =	rddreg [dreg:$0x0];
	s2 =	stileid.u32  }
0x7b: {  	s1 =	rddreg [dreg:$0x1];
	p0 =	sne.s32 s2, $0x0  }
0x7c: {  	s3 =	rddreg [dreg:$0x2];
	[bflag:$0x3] =	sbarrier.arrive $0xFFFF;
	s2 =	simm.s32 @!p0 $0x1C03  }
0x7d: {  	[timem:s3], [sflag:s2] =	dma.local @!p0 [hbm:s0], s1  }
0x7e: {  	s0 =	simm.s32 @!p0 $0x3  }
0x7f: {  	_ =	swait.ge @!p0 [sflag:s0], s1  }
0x80: {  	s1 =	ssub.s32 @!p0 $0x0, s1;
	[sflag:s0] =	ssyncset.done @!p0 $0x0  }
0x81: {  	[sflag:s0] =	ssyncadd.s32 @!p0 s1  }
0x82: {  	[bflag:$0x3] =	sbarrier.arrive $0xFFFF  }
0x83: {  	_ =	shalt  }

// kernel: kernel.33.cloned.1.call-start
scs
__scs_entry_jumppad:
0x0: {  	(pc) =	sbr.rel $0x88, $3  }
0x1: {  	(tag) =	ssettag $0x0;
	lr =	simm.s32 $0x1  }
0x2: {  	[smem:$0x3F94] =	sst lr;
	_ =	strace $0xD0000000  }
0x3: {  	_ = 	snop  }
0x4: {  	_ = 	snop  }
0x5: {  	_ = 	snop  }
0x6: {  	_ = 	snop  }
0x7: {  	_ = 	snop  }
__scs_overlays_trampoline_lowered:
0x8: {  	[smem:$0x3FA3] =	sst s0  }
0x9: {  	[smem:$0x3FA4] =	sst s1  }
0xa: {  	[smem:$0x3FA5] =	sst s2  }
0xb: {  	[smem:$0x3FA6] =	sst s3  }
0xc: {  	[smem:$0x3FA7] =	sst s4  }
0xd: {  	[smem:$0x3FA8] =	sst s5  }
0xe: {  	[smem:$0x3FA9] =	sst s6  }
0xf: {  	[smem:$0x3FAA] =	sst s7  }
0x10: {  	[smem:$0x3FAB] =	sst s8  }
0x11: {  	[smem:$0x3FAC] =	sst s9;
	s0 =	simm.s32 @!p0 $0x0  }
0x12: {  	s1 =	sld [smem:$0x3F92];
	s0 =	simm.s32 @p0 $0x1  }
0x13: {  	[smem:$0x3FAD] =	sst s0;
	s0 =	simm.s32 @!p1 $0x0  }
0x14: {  	s2 =	sld [smem:$0x3F91];
	s0 =	simm.s32 @p1 $0x1  }
0x15: {  	[smem:$0x3FAE] =	sst s0;
	s0 =	simm.s32 @!p2 $0x0  }
0x16: {  	s3 =	sld [smem:$0x3FDB];
	s0 =	simm.s32 @p2 $0x1  }
0x17: {  	s4 =	simm.s32 $0x1BF5;
	[smem:$0x3FB0] =	sst s0  }
0x18: {  	s0 =	sld [smem:$0x3F93];
	_ =	swait.ge [sflag:s4], $0x0  }
0x19: {  	s7 =	sld [smem:$0x3F94]  }
0x1a: {  	s8 =	sadd.s32 $0xFFFFE003, lr  }
0x1b: {  	s9 =	sadd.s32 $0xFFFFFEF7, lr;
	s5 =	simm.s32 $0xFFFFFFFF;
	p2 =	slt.u32 s8, $0xFFFFF086  }
0x1c: {  	p1 =	slt.u32 s9, $0xF7A;
	s5 =	simm.s32 @!p2 $0x0  }
0x1d: {  	s5 =	simm.s32 @p1 $0x1;
	p0 =	seq.s32 s7, s2  }
0x1e: {  	s7 =	smul.u32 @!p0 $0xF7A, s2;
	p2 =	seq.s32 @!p0 s5, $0x0  }
0x1f: {  	s9 =	smul.u32 $0xF7A, s1;
	s8 =	simm.s32 @!p0 $0x1BF5;
	p2 =	por !p2, p0  }
0x20: {  	[sflag:s8] =	ssyncset.s32 @!p0 $0xFFFFF086;
	s6 =	sadd.s32 @!p0 s3, s7;
	s7 =	simm.s32 @!p0 $0x108  }
0x21: {  	s3 =	sadd.s32 s3, s9;
	s6 =	sadd.s32 @!p0 $0x88, s6;
	s7 =	simm.s32 @p2 $0x1082  }
0x22: {  	[simem:s7], [sflag:s8] =	dma.local @!p0 [hbm:s6], $0xF7A  }
0x23: {  	s9 =	sor.u32 $0xD0000000, s2;
	s6 =	simm.s32 $0x108;
	_ =	swait.ge @!p0 [sflag:s8], $0x0  }
0x24: {  	s3 =	sadd.s32 $0x88, s3;
	s6 =	simm.s32 @!p1 $0x1082;
	[sflag:s4] =	ssyncset.s32 $0xFFFFF086  }
0x25: {  	[simem:s6], [sflag:s4] =	dma.local [hbm:s3], $0xF7A  }
0x26: {  	[smem:$0x3F94] =	sst s1;
	(tag) =	ssettag s2;
	_ =	strace s9  }
0x27: {  	s1 =	sld [smem:$0x3FA4]  }
0x28: {  	s2 =	sld [smem:$0x3FA5]  }
0x29: {  	s4 =	sld [smem:$0x3FA7]  }
0x2a: {  	p0 =	seq.s32 s5, $0x0;
	s5 =	sld [smem:$0x3FA8]  }
0x2b: {  	s6 =	sld [smem:$0x3FA9]  }
0x2c: {  	s7 =	sld [smem:$0x3FAA]  }
0x2d: {  	s3 =	simm.s32 $0x108;
	s8 =	sld [smem:$0x3FAB]  }
0x2e: {  	s3 =	simm.s32 @!p0 $0x1082;
	s9 =	sld [smem:$0x3FAC]  }
0x2f: {  	lr =	sadd.s32 s0, s3;
	s0 =	sld [smem:$0x3FA3]  }
0x30: {  	s3 =	sld [smem:$0x3FA6]  }
0x31: {  	[smem:$0x3FAF] =	sst s10  }
0x32: {  	s10 =	sld [smem:$0x3FAD];
	_ =	sdelay $0x3  }
0x33: {  	p0 =	seq.s32 s10, $0x1;
	s10 =	sld [smem:$0x3FAF];
	_ =	sdelay $0x3  }
0x34: {  	[smem:$0x3FAF] =	sst s10  }
0x35: {  	s10 =	sld [smem:$0x3FAE];
	_ =	sdelay $0x3  }
0x36: {  	p1 =	seq.s32 s10, $0x1;
	s10 =	sld [smem:$0x3FAF];
	_ =	sdelay $0x3  }
0x37: {  	[smem:$0x3FAF] =	sst s10  }
0x38: {  	s10 =	sld [smem:$0x3FB0]  }
0x39: {  	_ = 	snop;
	(pc) =	sbr.ind lr, $3  }
0x3a: {  	_ = 	snop  }
0x3b: {  	_ = 	snop  }
0x3c: {  	p2 =	seq.s32 s10, $0x1;
	s10 =	sld [smem:$0x3FAF]  }
0x3d: {  	_ =	shalt  }
0x3e: {  	_ =	shalt  }
0x3f: {  	_ =	shalt  }
0x40: {  	_ =	shalt  }
0x41: {  	_ =	shalt  }
0x42: {  	_ =	shalt  }
0x43: {  	_ =	shalt  }
0x44: {  	_ =	shalt  }
0x45: {  	_ =	shalt  }
0x46: {  	_ =	shalt  }
0x47: {  	_ =	shalt  }
0x48: {  	_ =	shalt  }
0x49: {  	_ =	shalt  }
0x4a: {  	_ =	shalt  }
0x4b: {  	_ =	shalt  }
0x4c: {  	_ =	shalt  }
0x4d: {  	_ =	shalt  }
0x4e: {  	_ =	shalt  }
0x4f: {  	_ =	shalt  }
0x50: {  	_ =	shalt  }
0x51: {  	_ =	shalt  }
0x52: {  	_ =	shalt  }
0x53: {  	_ =	shalt  }
0x54: {  	_ =	shalt  }
0x55: {  	_ =	shalt  }
0x56: {  	_ =	shalt  }
0x57: {  	_ =	shalt  }
0x58: {  	_ =	shalt  }
0x59: {  	_ =	shalt  }
0x5a: {  	_ =	shalt  }
0x5b: {  	_ =	shalt  }
0x5c: {  	_ =	shalt  }
0x5d: {  	_ =	shalt  }
0x5e: {  	_ =	shalt  }
0x5f: {  	_ =	shalt  }
0x60: {  	_ =	shalt  }
0x61: {  	_ =	shalt  }
0x62: {  	_ =	shalt  }
0x63: {  	_ =	shalt  }
0x64: {  	_ =	shalt  }
0x65: {  	_ =	shalt  }
0x66: {  	_ =	shalt  }
0x67: {  	_ =	shalt  }
0x68: {  	_ =	shalt  }
0x69: {  	_ =	shalt  }
0x6a: {  	_ =	shalt  }
0x6b: {  	_ =	shalt  }
0x6c: {  	_ =	shalt  }
0x6d: {  	_ =	shalt  }
0x6e: {  	_ =	shalt  }
0x6f: {  	_ =	shalt  }
0x70: {  	_ =	shalt  }
0x71: {  	_ =	shalt  }
0x72: {  	_ =	shalt  }
0x73: {  	_ =	shalt  }
0x74: {  	_ =	shalt  }
0x75: {  	_ =	shalt  }
0x76: {  	_ =	shalt  }
0x77: {  	_ =	shalt  }
0x78: {  	_ =	shalt  }
0x79: {  	_ =	shalt  }
0x7a: {  	_ =	shalt  }
0x7b: {  	_ =	shalt  }
0x7c: {  	_ =	shalt  }
0x7d: {  	_ =	shalt  }
0x7e: {  	_ =	shalt  }
0x7f: {  	_ =	shalt  }
0x80: {  	_ =	shalt  }
0x81: {  	_ =	shalt  }
0x82: {  	_ =	shalt  }
0x83: {  	_ =	shalt  }
0x84: {  	_ =	shalt  }
0x85: {  	_ =	shalt  }
0x86: {  	_ =	shalt  }
0x87: {  	_ =	shalt  }
.Lfunc_end0:
.L_simem_size_0:
called_computation.6_lowered:
.L_overlay_start_0:
0x88: {  	s2 =	sld [smem:$0x3FD9]  }
0x89: {  	s3 =	sld [smem:$0x3FFE];
	_ =	sdelay $0x1  }
0x8a: {  	s1 =	srdreg.scid  }
0x8b: {  	s0 =	sand.u32 $0x1, s1  }
0x8c: {  	s17 =	sshll.u32 s0, $0xA;
	s2 =	sadd.s32 s3, s2  }
0x8d: {  	s2 =	sadd.s32 s2, s17  }
0x8e: {  	[smem:$0x3FBB] =	sst s2  }
0x8f: {  	_ = 	snop  }
0x90: {  	s18 =	sld [smem:$0x3FC9];
	(tm) =	ssettm $0x1  }
0x91: {  	s19 =	sld [smem:$0x3FFB];
	_ =	sdelay $0x3  }
0x92: {  	_ =	strace s19  }
0x93: {  	s2 =	sld [smem:$0x3FFC];
	_ =	sdelay $0x3  }
0x94: {  	_ =	strace s2  }
0x95: {  	s2 =	sld [smem:$0x3FFD];
	_ =	sdelay $0x3  }
0x96: {  	_ =	strace s2  }
0x97: {  	_ =	strace $0x8FFFFFFF  }
0x98: {  	s20 =	sld [smem:$0x3FDB];
	_ =	sdelay $0x1  }
0x99: {  	s4 =	simm.s32 $_scs_section_size  }
0x9a: {  	s5 =	simm.s32 $_size__tile_overlayer_lowered;
	s6 =	simm.s32 $_tile_overlayer_lowered  }
0x9b: {  	s7 =	simm.s32 $0x1BFF;
	s21 =	sshll.u32 s6, $0x1;
	s4 =	sadd.s32 s4, s20  }
0x9c: {  	s22 =	simm.s32 $0x0;
	s5 =	sshll.u32 s5, $0x1;
	s6 =	sadd.s32 s21, s4  }
0x9d: {  	[timem:s22], [sflag:s7] =	dma.local [hbm:s6], s5  }
0x9e: {  	_ =	swait.ge [sflag:s7], s5  }
0x9f: {  	s5 =	ssub.s32 $0x0, s5;
	[sflag:s7] =	ssyncset.done $0x0  }
0xa0: {  	[sflag:s7] =	ssyncadd.s32 s5;
	_ =	sdelay $0x1  }
0xa1: {  	s23 =	simm.s32 $0x1B8B  }
0xa2: {  	_ =	swait.ge [sflag:s23], $0x1  }
0xa3: {  	[sflag:s23] =	ssyncset.done $0x0  }
0xa4: {  	[sflag:s23] =	ssyncadd.s32 $0xFFFFFFFF  }
0xa5: {  	s5 =	sld [smem:$0x0]  }
0xa6: {  	s6 =	sand.u32 $0xFFFFFFFE, s1  }
0xa7: {  	p0 =	sne.s32 s1, s6  }
0xa8: {  	s6 =	sshll.u32 @p0 s6, $0xE  }
0xa9: {  	s6 =	sadd.s32 @p0 $0x11B8D, s6;
	s7 =	sshll.u32 @p0 s5, $0x11  }
0xaa: {  	s6 =	sor.u32 @p0 s7, s6  }
0xab: {  	[sflag:s6] =	ssyncadd.remote.s32 @p0 $0x1;
	_ =	sdelay $0x1  }
0xac: {  	s6 =	simm.s32 @p0 $0x1B8D  }
0xad: {  	_ =	swait.eq @p0 [sflag:s6], $0x1  }
0xae: {  	[sflag:s6] =	ssyncadd.s32 @p0 $0xFFFFFFFF  }
0xaf: {  	s7 =	sshll.u32 @!p0 s1, $0xE  }
0xb0: {  	s7 =	sor.u32 @!p0 $0x4000, s7;
	s6 =	simm.s32 @!p0 $0x1B8D  }
0xb1: {  	s5 =	sshll.u32 @!p0 s5, $0x11;
	s7 =	sadd.s32 @!p0 $0x11B8D, s7;
	_ =	swait.eq @!p0 [sflag:s6], $0x1  }
0xb2: {  	s5 =	sor.u32 @!p0 s5, s7;
	[sflag:s6] =	ssyncadd.s32 @!p0 $0xFFFFFFFF  }
0xb3: {  	s25 =	simm.s32 $0x1B8E;
	s24 =	sld [smem:$0x3FFE];
	[sflag:s5] =	ssyncadd.remote.s32 @!p0 $0x1  }
0xb4: {  	s26 =	simm.s32 $execute0_lowered;
	[smem:$0x3FD2] =	sst s25  }
0xb5: {  	s6 =	sshll.u32 s26, $0x1;
	_ =	strace $0x8000004F;
	[dreg:$0x1] =	wrdreg $0xFFFFFFFF  }
0xb6: {  	s28 =	simm.s32 $_size_execute0_lowered;
	s4 =	sadd.s32 s4, s6;
	[dreg:$0x0] =	wrdreg $0x0  }
0xb7: {  	s6 =	sshll.u32 s28, $0x1;
	[dreg:$0x2] =	wrdreg s4  }
0xb8: {  	[dreg:$0x3] =	wrdreg s6  }
0xb9: {  	[dreg:$0x4] =	wrdreg $0xC0  }
0xba: {  	_ =	task [dreg:s22], $0x5FFFF  }
0xbb: {  	[dreg:$0x1] =	wrdreg $0xFFFFFFFF  }
0xbc: {  	[dreg:$0x0] =	wrdreg $0x60  }
0xbd: {  	[dreg:$0x2] =	wrdreg s18  }
0xbe: {  	[dreg:$0x3] =	wrdreg s24  }
0xbf: {  	[dreg:$0x4] =	wrdreg $0xA  }
0xc0: {  	_ =	task.clear_ibuf [dreg:s22], $0x5FFFF;
	_ =	strace $0x9000004F  }
0xc1: {  	s29 =	simm.s32 $0xA;
	_ =	strace $0x80000051  }
0xc2: {  	_ =	swait.ge [sflag:s29], $0x1  }
0xc3: {  	[sflag:s29] =	ssyncadd.s32 $0xFFFFFFFF  }
0xc4: {  	_ =	strace $0x90000051  }
0xc5: {  	_ =	sfence  }
0xc6: {  	s30 =	sld [smem:$0x0];
	_ =	sdelay $0x2  }
0xc7: {  	s31 =	sshll.u32 s1, $0xD;
	s1 =	sshrl.u32 s1, $0x2  }
0xc8: {  	s4 =	sand.u32 $0x4000, s31;
	s1 =	sadd.s32 s1, s30  }
0xc9: {  	s0 =	sor.u32 s4, s0;
	s1 =	sshll.u32 s1, $0x11  }
0xca: {  	s0 =	sor.u32 s1, s0  }
0xcb: {  	s0 =	sadd.s32 $0x8F2B, s0  }
0xcc: {  	[sflag:s0] =	ssyncadd.remote.s32 $0x1  }
0xcd: {  	_ =	sfence.sel $0xFFFF  }
0xce: {  	[dreg:$0x0] =	wrdreg $0xFFFFFFFF;
	(pc) =	sbr.abs _section_cstart, $3  }
0xcf: {  	[dreg:$0x1] =	wrdreg $0xFFFFFFFF  }
0xd0: {  	_ =	task.clear_ibuf [dreg:s22], $0x2FFFF;
	_ =	strace $0x9FFFFFFF  }
0xd1: {  	(tm) =	ssettm $0x7FFFFFFF  }
tec
execute0_lowered:
.L_overlay_start_1:
0x0: {  	(tag) =	ssettag $0x1  }
0x1: {  	s1 =	srdreg.scid  }
0x2: {  	s0 =	stileid.u32;
	s1 =	sand.u32 $0x1, s1  }
0x3: {  	s17 =	rddreg [dreg:$0x1];
	s3 =	sshll.u32 s0, $0xB;
	s4 =	sshll.u32 s1, $0xA  }
0x4: {  	s2 =	rddreg [dreg:$0x0];
	s31 =	sadd.s32 $0x9A5400, s17;
	s4 =	sor.u32 s4, s3  }
0x5: {  	s3 =	simm.s32 $0x0;
	s5 =	sshrl.u32 s4, $0x3;
	s23 =	sshll.u32 s4, $0x4  }
0x6: {  	[smem:$0x7FF] =	sst s3;
	s5 =	sadd.s32 s5, s17;
	s4 =	sadd.s32 s23, s31  }
0x7: {  	_ =	strace $0x80000050;
	s5 =	sadd.s32 $0x9A2C00, s5;
	[dreg:$0x4] =	wrdreg s4  }
0x8: {  	[dreg:$0x3] =	wrdreg s5  }
0x9: {  	s4 =	simm.s32 $0x9;
	s5 =	rddreg [dreg:$0x3]  }
0xa: {  	[tilespmem:s3], [sflag:$0x9] =	stream.linear.gather [hbm4b:s5+s3], $0x400, $0x38;
	[tilespmem:$0x10400] =	vst v63  }
0xb: {  	_ =	swait.ge [sflag:s4], $0x400  }
0xc: {  	[sflag:s4] =	ssyncset.done $0x0  }
0xd: {  	s6 =	simm.s32 $0x400;
	s5 =	simm.s32 $0x80;
	[sflag:s4] =	ssyncadd.s32 $0xFFFFFC00  }
0xe: {  	[tilespmem:s6], [sflag:$0x1] =	stream.indirect.gather [hbm4b:s2+s5], $0x80, s3, s5, $0xb8;
	[tilespmem:$0x10400] =	vst v63  }
0xf: {  	s7 =	simm.s32 $0x4400  }
0x10: {  	[tilespmem:s7], [sflag:$0x2] =	stream.indirect.gather [hbm4b:s2+s5], $0x80, s5, s5, $0xb8;
	[tilespmem:$0x10400] =	vst v63  }
0x11: {  	s8 =	simm.s32 $0x100;
	s9 =	simm.s32 $0x8400  }
0x12: {  	[tilespmem:s9], [sflag:$0x3] =	stream.indirect.gather [hbm4b:s2+s5], $0x80, s8, s5, $0xb8;
	[tilespmem:$0x10400] =	vst v63  }
0x13: {  	s10 =	simm.s32 $0x180;
	s11 =	simm.s32 $0xC400;
	s12 =	simm.s32 $0x1  }
0x14: {  	[tilespmem:s11], [sflag:$0x4] =	stream.indirect.gather [hbm4b:s2+s5], $0x80, s10, s5, $0xb8;
	[tilespmem:$0x10400] =	vst v63  }
0x15: {  	_ =	swait.ge [sflag:s12], $0x4000  }
0x16: {  	s24 =	sadd.s32 $0x9A3C00, s17;
	[sflag:s12] =	ssyncset.done $0x0  }
0x17: {  	s14 =	simm.s32 $0x2;
	s13 =	sadd.s32 s24, s23;
	[sflag:s12] =	ssyncadd.s32 $0xFFFFC000  }
0x18: {  	[hbm4b:s13+s3] =	stream.linear.scatter [tilespmem:s6], [sflag:$0x5], $0x4000, $0x38;
	[tilespmem:$0x10400] =	vst v63  }
0x19: {  	_ =	swait.ge [sflag:s14], $0x4000  }
0x1a: {  	s26 =	sadd.s32 $0x9A4400, s17;
	[sflag:s14] =	ssyncset.done $0x0  }
0x1b: {  	s16 =	simm.s32 $0x3;
	s15 =	sadd.s32 s23, s26;
	[sflag:s14] =	ssyncadd.s32 $0xFFFFC000  }
0x1c: {  	[hbm4b:s15+s3] =	stream.linear.scatter [tilespmem:s7], [sflag:$0x6], $0x4000, $0x38;
	[tilespmem:$0x10400] =	vst v63  }
0x1d: {  	_ =	swait.ge [sflag:s16], $0x4000  }
0x1e: {  	s30 =	sadd.s32 $0x9A4C00, s17;
	[sflag:s16] =	ssyncset.done $0x0  }
0x1f: {  	s18 =	simm.s32 $0x5;
	s17 =	sadd.s32 s23, s30;
	[sflag:s16] =	ssyncadd.s32 $0xFFFFC000  }
0x20: {  	[hbm4b:s17+s3] =	stream.linear.scatter [tilespmem:s9], [sflag:$0x7], $0x4000, $0x38;
	[tilespmem:$0x10400] =	vst v63  }
0x21: {  	_ =	swait.ge [sflag:s18], $0x4000  }
0x22: {  	[sflag:s18] =	ssyncset.done $0x0  }
0x23: {  	s19 =	simm.s32 $0x200;
	s20 =	simm.s32 $0x4;
	[sflag:s18] =	ssyncadd.s32 $0xFFFFC000  }
0x24: {  	[tilespmem:s6], [sflag:$0x1] =	stream.indirect.gather [hbm4b:s2+s5], $0x80, s19, s5, $0xb8;
	[tilespmem:$0x10400] =	vst v63  }
0x25: {  	_ =	swait.ge [sflag:s20], $0x4000  }
0x26: {  	[sflag:s20] =	ssyncset.done $0x0  }
0x27: {  	s21 =	rddreg [dreg:$0x4];
	[sflag:s20] =	ssyncadd.s32 $0xFFFFC000  }
0x28: {  	[hbm4b:s21+s3] =	stream.linear.scatter [tilespmem:s11], [sflag:$0x8], $0x4000, $0x38;
	[tilespmem:$0x10400] =	vst v63  }
0x29: {  	s21 =	simm.s32 $0x6  }
0x2a: {  	_ =	swait.ge [sflag:s21], $0x4000  }
0x2b: {  	[sflag:s21] =	ssyncset.done $0x0  }
0x2c: {  	s22 =	simm.s32 $0x280;
	[sflag:s21] =	ssyncadd.s32 $0xFFFFC000  }
0x2d: {  	[tilespmem:s7], [sflag:$0x2] =	stream.indirect.gather [hbm4b:s2+s5], $0x80, s22, s5, $0xb8;
	[tilespmem:$0x10400] =	vst v63  }
0x2e: {  	_ =	swait.ge [sflag:s12], $0x4000  }
0x2f: {  	s0 =	sor.u32 $0x2000, s23;
	[sflag:s12] =	ssyncset.done $0x0  }
0x30: {  	s23 =	sadd.s32 s24, s0;
	s24 =	simm.s32 $0x7;
	[sflag:s12] =	ssyncadd.s32 $0xFFFFC000  }
0x31: {  	[hbm4b:s23+s3] =	stream.linear.scatter [tilespmem:s6], [sflag:$0x5], $0x4000, $0x38;
	[tilespmem:$0x10400] =	vst v63  }
0x32: {  	_ =	swait.ge [sflag:s24], $0x4000  }
0x33: {  	[sflag:s24] =	ssyncset.done $0x0  }
0x34: {  	s25 =	simm.s32 $0x300;
	[sflag:s24] =	ssyncadd.s32 $0xFFFFC000  }
0x35: {  	[tilespmem:s9], [sflag:$0x3] =	stream.indirect.gather [hbm4b:s2+s5], $0x80, s25, s5, $0xb8;
	[tilespmem:$0x10400] =	vst v63  }
0x36: {  	_ =	swait.ge [sflag:s14], $0x4000  }
0x37: {  	[sflag:s14] =	ssyncset.done $0x0  }
0x38: {  	s28 =	simm.s32 $0x8;
	s26 =	sadd.s32 s0, s26;
	[sflag:s14] =	ssyncadd.s32 $0xFFFFC000  }
0x39: {  	[hbm4b:s26+s3] =	stream.linear.scatter [tilespmem:s7], [sflag:$0x6], $0x4000, $0x38;
	[tilespmem:$0x10400] =	vst v63  }
0x3a: {  	_ =	swait.ge [sflag:s28], $0x4000  }
0x3b: {  	[sflag:s28] =	ssyncset.done $0x0  }
0x3c: {  	s29 =	simm.s32 $0x380;
	[sflag:s28] =	ssyncadd.s32 $0xFFFFC000  }
0x3d: {  	[tilespmem:s11], [sflag:$0x4] =	stream.indirect.gather [hbm4b:s2+s5], $0x80, s29, s5, $0xb8;
	[tilespmem:$0x10400] =	vst v63  }
0x3e: {  	_ =	swait.ge [sflag:s16], $0x4000  }
0x3f: {  	[sflag:s16] =	ssyncset.done $0x0  }
0x40: {  	s30 =	sadd.s32 s0, s30;
	[sflag:s16] =	ssyncadd.s32 $0xFFFFC000  }
0x41: {  	[hbm4b:s30+s3] =	stream.linear.scatter [tilespmem:s9], [sflag:$0x7], $0x4000, $0x38;
	[tilespmem:$0x10400] =	vst v63  }
0x42: {  	_ =	swait.ge [sflag:s20], $0x4000  }
0x43: {  	[sflag:s20] =	ssyncset.done $0x0  }
0x44: {  	s31 =	sadd.s32 s0, s31;
	[sflag:s20] =	ssyncadd.s32 $0xFFFFC000  }
0x45: {  	[hbm4b:s31+s3] =	stream.linear.scatter [tilespmem:s11], [sflag:$0x8], $0x4000, $0x38;
	[tilespmem:$0x10400] =	vst v63  }
0x46: {  	s0 =	ssub.s32 $0x2, s1;
	_ =	swait.ge [sflag:s18], $0x4000  }
0x47: {  	s1 =	sshrl.u32 s0, $0x1;
	[sflag:s18] =	ssyncset.done $0x0  }
0x48: {  	s0 =	ssub.s32 s0, s1;
	[sflag:s18] =	ssyncadd.s32 $0xFFFFC000  }
0x49: {  	s0 =	smax.u32 s0, $0x1;
	_ =	swait.ge [sflag:s21], $0x4000  }
0x4a: {  	p0 =	sne.s32 s0, $0x1;
	[sflag:s21] =	ssyncset.done $0x0  }
.Ltmp0:
0x4b: {  	[sflag:s21] =	ssyncadd.s32 $0xFFFFC000;
	(pc) =	sbr.rel @!p0 .LBB2_2-.Ltmp0, $4  }
0x4c: {  	_ =	swait.ge [sflag:s24], $0x4000  }
0x4d: {  	[sflag:s24] =	ssyncset.done $0x0  }
0x4e: {  	[sflag:s24] =	ssyncadd.s32 $0xFFFFC000  }
0x4f: {  	s1 =	sadd.s32 $0xFFFFFFFF, s0;
	_ =	swait.ge [sflag:s28], $0x4000  }
.LBB2_1:
0x50: {  	[sflag:s28] =	ssyncset.done $0x0  }
0x51: {  	s0 =	rddreg [dreg:$0x3];
	[sflag:s28] =	ssyncadd.s32 $0xFFFFC000  }
0x52: {  	[tilespmem:s3], [sflag:$0x9] =	stream.linear.gather [hbm4b:s0+s3], $0x400, $0x38;
	[tilespmem:$0x10400] =	vst v63  }
0x53: {  	_ =	swait.ge [sflag:s4], $0x400  }
0x54: {  	[sflag:s4] =	ssyncset.done $0x0  }
0x55: {  	[sflag:s4] =	ssyncadd.s32 $0xFFFFFC00  }
0x56: {  	[tilespmem:s6], [sflag:$0x1] =	stream.indirect.gather [hbm4b:s2+s5], $0x80, s3, s5, $0xb8;
	[tilespmem:$0x10400] =	vst v63  }
0x57: {  	_ = 	snop  }
0x58: {  	[tilespmem:s7], [sflag:$0x2] =	stream.indirect.gather [hbm4b:s2+s5], $0x80, s5, s5, $0xb8;
	[tilespmem:$0x10400] =	vst v63  }
0x59: {  	_ = 	snop  }
0x5a: {  	[tilespmem:s9], [sflag:$0x3] =	stream.indirect.gather [hbm4b:s2+s5], $0x80, s8, s5, $0xb8;
	[tilespmem:$0x10400] =	vst v63  }
0x5b: {  	_ = 	snop  }
0x5c: {  	[tilespmem:s11], [sflag:$0x4] =	stream.indirect.gather [hbm4b:s2+s5], $0x80, s10, s5, $0xb8;
	[tilespmem:$0x10400] =	vst v63  }
0x5d: {  	_ =	swait.ge [sflag:s12], $0x4000  }
0x5e: {  	[sflag:s12] =	ssyncset.done $0x0  }
0x5f: {  	[sflag:s12] =	ssyncadd.s32 $0xFFFFC000  }
0x60: {  	[hbm4b:s13+s3] =	stream.linear.scatter [tilespmem:s6], [sflag:$0x5], $0x4000, $0x38;
	[tilespmem:$0x10400] =	vst v63  }
0x61: {  	_ =	swait.ge [sflag:s14], $0x4000  }
0x62: {  	[sflag:s14] =	ssyncset.done $0x0  }
0x63: {  	[sflag:s14] =	ssyncadd.s32 $0xFFFFC000  }
0x64: {  	[hbm4b:s15+s3] =	stream.linear.scatter [tilespmem:s7], [sflag:$0x6], $0x4000, $0x38;
	[tilespmem:$0x10400] =	vst v63  }
0x65: {  	_ =	swait.ge [sflag:s16], $0x4000  }
0x66: {  	[sflag:s16] =	ssyncset.done $0x0  }
0x67: {  	[sflag:s16] =	ssyncadd.s32 $0xFFFFC000  }
0x68: {  	[hbm4b:s17+s3] =	stream.linear.scatter [tilespmem:s9], [sflag:$0x7], $0x4000, $0x38;
	[tilespmem:$0x10400] =	vst v63  }
0x69: {  	_ =	swait.ge [sflag:s18], $0x4000  }
0x6a: {  	[sflag:s18] =	ssyncset.done $0x0  }
0x6b: {  	[sflag:s18] =	ssyncadd.s32 $0xFFFFC000  }
0x6c: {  	[tilespmem:s6], [sflag:$0x1] =	stream.indirect.gather [hbm4b:s2+s5], $0x80, s19, s5, $0xb8;
	[tilespmem:$0x10400] =	vst v63  }
0x6d: {  	_ =	swait.ge [sflag:s20], $0x4000  }
0x6e: {  	[sflag:s20] =	ssyncset.done $0x0  }
0x6f: {  	s0 =	rddreg [dreg:$0x4];
	[sflag:s20] =	ssyncadd.s32 $0xFFFFC000  }
0x70: {  	[hbm4b:s0+s3] =	stream.linear.scatter [tilespmem:s11], [sflag:$0x8], $0x4000, $0x38;
	[tilespmem:$0x10400] =	vst v63  }
0x71: {  	_ =	swait.ge [sflag:s21], $0x4000  }
0x72: {  	[sflag:s21] =	ssyncset.done $0x0  }
0x73: {  	[sflag:s21] =	ssyncadd.s32 $0xFFFFC000  }
0x74: {  	[tilespmem:s7], [sflag:$0x2] =	stream.indirect.gather [hbm4b:s2+s5], $0x80, s22, s5, $0xb8;
	[tilespmem:$0x10400] =	vst v63  }
0x75: {  	_ =	swait.ge [sflag:s12], $0x4000  }
0x76: {  	[sflag:s12] =	ssyncset.done $0x0  }
0x77: {  	[sflag:s12] =	ssyncadd.s32 $0xFFFFC000  }
0x78: {  	[hbm4b:s23+s3] =	stream.linear.scatter [tilespmem:s6], [sflag:$0x5], $0x4000, $0x38;
	[tilespmem:$0x10400] =	vst v63  }
0x79: {  	_ =	swait.ge [sflag:s24], $0x4000  }
0x7a: {  	[sflag:s24] =	ssyncset.done $0x0  }
0x7b: {  	[sflag:s24] =	ssyncadd.s32 $0xFFFFC000  }
0x7c: {  	[tilespmem:s9], [sflag:$0x3] =	stream.indirect.gather [hbm4b:s2+s5], $0x80, s25, s5, $0xb8;
	[tilespmem:$0x10400] =	vst v63  }
0x7d: {  	_ =	swait.ge [sflag:s14], $0x4000  }
0x7e: {  	[sflag:s14] =	ssyncset.done $0x0  }
0x7f: {  	[sflag:s14] =	ssyncadd.s32 $0xFFFFC000  }
0x80: {  	[hbm4b:s26+s3] =	stream.linear.scatter [tilespmem:s7], [sflag:$0x6], $0x4000, $0x38;
	[tilespmem:$0x10400] =	vst v63  }
0x81: {  	_ =	swait.ge [sflag:s28], $0x4000  }
0x82: {  	[sflag:s28] =	ssyncset.done $0x0  }
0x83: {  	[sflag:s28] =	ssyncadd.s32 $0xFFFFC000  }
0x84: {  	[tilespmem:s11], [sflag:$0x4] =	stream.indirect.gather [hbm4b:s2+s5], $0x80, s29, s5, $0xb8;
	[tilespmem:$0x10400] =	vst v63  }
0x85: {  	_ =	swait.ge [sflag:s16], $0x4000  }
0x86: {  	[sflag:s16] =	ssyncset.done $0x0  }
0x87: {  	[sflag:s16] =	ssyncadd.s32 $0xFFFFC000  }
0x88: {  	[hbm4b:s30+s3] =	stream.linear.scatter [tilespmem:s9], [sflag:$0x7], $0x4000, $0x38;
	[tilespmem:$0x10400] =	vst v63  }
0x89: {  	_ =	swait.ge [sflag:s20], $0x4000  }
0x8a: {  	[sflag:s20] =	ssyncset.done $0x0  }
0x8b: {  	[sflag:s20] =	ssyncadd.s32 $0xFFFFC000  }
0x8c: {  	[hbm4b:s31+s3] =	stream.linear.scatter [tilespmem:s11], [sflag:$0x8], $0x4000, $0x38;
	[tilespmem:$0x10400] =	vst v63  }
0x8d: {  	_ =	swait.ge [sflag:s18], $0x4000  }
0x8e: {  	[sflag:s18] =	ssyncset.done $0x0  }
0x8f: {  	[sflag:s18] =	ssyncadd.s32 $0xFFFFC000  }
0x90: {  	_ =	swait.ge [sflag:s21], $0x4000  }
0x91: {  	p0 =	sne.s32 s1, $0x1;
	[sflag:s21] =	ssyncset.done $0x0  }
.Ltmp1:
0x92: {  	[sflag:s21] =	ssyncadd.s32 $0xFFFFC000;
	(pc) =	sbr.rel @p0 .LBB2_1-.Ltmp1, $4  }
0x93: {  	_ =	swait.ge [sflag:s24], $0x4000  }
0x94: {  	[sflag:s24] =	ssyncset.done $0x0  }
0x95: {  	[sflag:s24] =	ssyncadd.s32 $0xFFFFC000  }
0x96: {  	s1 =	sadd.s32 $0xFFFFFFFF, s1;
	_ =	swait.ge [sflag:s28], $0x4000  }
.LBB2_2:
0x97: {  	[sflag:s28] =	ssyncset.done $0x0  }
0x98: {  	[sflag:s28] =	ssyncadd.s32 $0xFFFFC000  }
0x99: {  	_ =	sfence.sel $0x180000  }
0x9a: {  	[bflag:$0x0] =	sbarrier.arrive $0xFFFF  }
0x9b: {  	_ =	strace $0x90000050  }
0x9c: {  	s0 =	stileid.u32;
	[bflag:$0x2] =	sbarrier.arrive $0xFFFF  }
0x9d: {  	p0 =	sne.s32 s0, $0x0;
	s0 =	rddreg [dreg:$0x2]  }
0x9e: {  	s0 =	sadd.s32 @!p0 $0x100000, s0  }
0x9f: {  	[sflag:s0] =	ssyncadd.tile.s32 @!p0 $0x1;
	_ =	shalt  }
.Lfunc_end2:
_tile_overlayer_lowered:
.L_overlay_start_2:
0xa0: {  	(tag) =	ssettag $0x2  }
0xa1: {  	s0 =	rddreg [dreg:$0x0];
	s2 =	stileid.u32  }
0xa2: {  	s1 =	rddreg [dreg:$0x1];
	p0 =	sne.s32 s2, $0x0  }
0xa3: {  	s3 =	rddreg [dreg:$0x2];
	[bflag:$0x3] =	sbarrier.arrive $0xFFFF;
	s2 =	simm.s32 @!p0 $0x1C09  }
0xa4: {  	[timem:s3], [sflag:s2] =	dma.local @!p0 [hbm:s0], s1  }
0xa5: {  	s0 =	simm.s32 @!p0 $0x9  }
0xa6: {  	_ =	swait.ge @!p0 [sflag:s0], s1  }
0xa7: {  	s1 =	ssub.s32 @!p0 $0x0, s1;
	[sflag:s0] =	ssyncset.done @!p0 $0x0  }
0xa8: {  	[sflag:s0] =	ssyncadd.s32 @!p0 s1  }
0xa9: {  	[bflag:$0x3] =	sbarrier.arrive $0xFFFF  }
0xaa: {  	_ =	shalt  }

// kernel: kernel.36.cloned.1.call-start
scs
__scs_entry_jumppad:
0x0: {  	(pc) =	sbr.rel $0x88, $3  }
0x1: {  	(tag) =	ssettag $0x0;
	lr =	simm.s32 $0x1  }
0x2: {  	[smem:$0x3F94] =	sst lr;
	_ =	strace $0xD0000000  }
0x3: {  	_ = 	snop  }
0x4: {  	_ = 	snop  }
0x5: {  	_ = 	snop  }
0x6: {  	_ = 	snop  }
0x7: {  	_ = 	snop  }
__scs_overlays_trampoline_lowered:
0x8: {  	[smem:$0x3FA3] =	sst s0  }
0x9: {  	[smem:$0x3FA4] =	sst s1  }
0xa: {  	[smem:$0x3FA5] =	sst s2  }
0xb: {  	[smem:$0x3FA6] =	sst s3  }
0xc: {  	[smem:$0x3FA7] =	sst s4  }
0xd: {  	[smem:$0x3FA8] =	sst s5  }
0xe: {  	[smem:$0x3FA9] =	sst s6  }
0xf: {  	[smem:$0x3FAA] =	sst s7  }
0x10: {  	[smem:$0x3FAB] =	sst s8  }
0x11: {  	[smem:$0x3FAC] =	sst s9;
	s0 =	simm.s32 @!p0 $0x0  }
0x12: {  	s1 =	sld [smem:$0x3F92];
	s0 =	simm.s32 @p0 $0x1  }
0x13: {  	[smem:$0x3FAD] =	sst s0;
	s0 =	simm.s32 @!p1 $0x0  }
0x14: {  	s2 =	sld [smem:$0x3F91];
	s0 =	simm.s32 @p1 $0x1  }
0x15: {  	[smem:$0x3FAE] =	sst s0;
	s0 =	simm.s32 @!p2 $0x0  }
0x16: {  	s3 =	sld [smem:$0x3FDB];
	s0 =	simm.s32 @p2 $0x1  }
0x17: {  	s4 =	simm.s32 $0x1BF5;
	[smem:$0x3FB0] =	sst s0  }
0x18: {  	s0 =	sld [smem:$0x3F93];
	_ =	swait.ge [sflag:s4], $0x0  }
0x19: {  	s7 =	sld [smem:$0x3F94]  }
0x1a: {  	s8 =	sadd.s32 $0xFFFFE003, lr  }
0x1b: {  	s9 =	sadd.s32 $0xFFFFFEF7, lr;
	s5 =	simm.s32 $0xFFFFFFFF;
	p2 =	slt.u32 s8, $0xFFFFF086  }
0x1c: {  	p1 =	slt.u32 s9, $0xF7A;
	s5 =	simm.s32 @!p2 $0x0  }
0x1d: {  	s5 =	simm.s32 @p1 $0x1;
	p0 =	seq.s32 s7, s2  }
0x1e: {  	s7 =	smul.u32 @!p0 $0xF7A, s2;
	p2 =	seq.s32 @!p0 s5, $0x0  }
0x1f: {  	s9 =	smul.u32 $0xF7A, s1;
	s8 =	simm.s32 @!p0 $0x1BF5;
	p2 =	por !p2, p0  }
0x20: {  	[sflag:s8] =	ssyncset.s32 @!p0 $0xFFFFF086;
	s6 =	sadd.s32 @!p0 s3, s7;
	s7 =	simm.s32 @!p0 $0x108  }
0x21: {  	s3 =	sadd.s32 s3, s9;
	s6 =	sadd.s32 @!p0 $0x88, s6;
	s7 =	simm.s32 @p2 $0x1082  }
0x22: {  	[simem:s7], [sflag:s8] =	dma.local @!p0 [hbm:s6], $0xF7A  }
0x23: {  	s9 =	sor.u32 $0xD0000000, s2;
	s6 =	simm.s32 $0x108;
	_ =	swait.ge @!p0 [sflag:s8], $0x0  }
0x24: {  	s3 =	sadd.s32 $0x88, s3;
	s6 =	simm.s32 @!p1 $0x1082;
	[sflag:s4] =	ssyncset.s32 $0xFFFFF086  }
0x25: {  	[simem:s6], [sflag:s4] =	dma.local [hbm:s3], $0xF7A  }
0x26: {  	[smem:$0x3F94] =	sst s1;
	(tag) =	ssettag s2;
	_ =	strace s9  }
0x27: {  	s1 =	sld [smem:$0x3FA4]  }
0x28: {  	s2 =	sld [smem:$0x3FA5]  }
0x29: {  	s4 =	sld [smem:$0x3FA7]  }
0x2a: {  	p0 =	seq.s32 s5, $0x0;
	s5 =	sld [smem:$0x3FA8]  }
0x2b: {  	s6 =	sld [smem:$0x3FA9]  }
0x2c: {  	s7 =	sld [smem:$0x3FAA]  }
0x2d: {  	s3 =	simm.s32 $0x108;
	s8 =	sld [smem:$0x3FAB]  }
0x2e: {  	s3 =	simm.s32 @!p0 $0x1082;
	s9 =	sld [smem:$0x3FAC]  }
0x2f: {  	lr =	sadd.s32 s0, s3;
	s0 =	sld [smem:$0x3FA3]  }
0x30: {  	s3 =	sld [smem:$0x3FA6]  }
0x31: {  	[smem:$0x3FAF] =	sst s10  }
0x32: {  	s10 =	sld [smem:$0x3FAD];
	_ =	sdelay $0x3  }
0x33: {  	p0 =	seq.s32 s10, $0x1;
	s10 =	sld [smem:$0x3FAF];
	_ =	sdelay $0x3  }
0x34: {  	[smem:$0x3FAF] =	sst s10  }
0x35: {  	s10 =	sld [smem:$0x3FAE];
	_ =	sdelay $0x3  }
0x36: {  	p1 =	seq.s32 s10, $0x1;
	s10 =	sld [smem:$0x3FAF];
	_ =	sdelay $0x3  }
0x37: {  	[smem:$0x3FAF] =	sst s10  }
0x38: {  	s10 =	sld [smem:$0x3FB0]  }
0x39: {  	_ = 	snop;
	(pc) =	sbr.ind lr, $3  }
0x3a: {  	_ = 	snop  }
0x3b: {  	_ = 	snop  }
0x3c: {  	p2 =	seq.s32 s10, $0x1;
	s10 =	sld [smem:$0x3FAF]  }
0x3d: {  	_ =	shalt  }
0x3e: {  	_ =	shalt  }
0x3f: {  	_ =	shalt  }
0x40: {  	_ =	shalt  }
0x41: {  	_ =	shalt  }
0x42: {  	_ =	shalt  }
0x43: {  	_ =	shalt  }
0x44: {  	_ =	shalt  }
0x45: {  	_ =	shalt  }
0x46: {  	_ =	shalt  }
0x47: {  	_ =	shalt  }
0x48: {  	_ =	shalt  }
0x49: {  	_ =	shalt  }
0x4a: {  	_ =	shalt  }
0x4b: {  	_ =	shalt  }
0x4c: {  	_ =	shalt  }
0x4d: {  	_ =	shalt  }
0x4e: {  	_ =	shalt  }
0x4f: {  	_ =	shalt  }
0x50: {  	_ =	shalt  }
0x51: {  	_ =	shalt  }
0x52: {  	_ =	shalt  }
0x53: {  	_ =	shalt  }
0x54: {  	_ =	shalt  }
0x55: {  	_ =	shalt  }
0x56: {  	_ =	shalt  }
0x57: {  	_ =	shalt  }
0x58: {  	_ =	shalt  }
0x59: {  	_ =	shalt  }
0x5a: {  	_ =	shalt  }
0x5b: {  	_ =	shalt  }
0x5c: {  	_ =	shalt  }
0x5d: {  	_ =	shalt  }
0x5e: {  	_ =	shalt  }
0x5f: {  	_ =	shalt  }
0x60: {  	_ =	shalt  }
0x61: {  	_ =	shalt  }
0x62: {  	_ =	shalt  }
0x63: {  	_ =	shalt  }
0x64: {  	_ =	shalt  }
0x65: {  	_ =	shalt  }
0x66: {  	_ =	shalt  }
0x67: {  	_ =	shalt  }
0x68: {  	_ =	shalt  }
0x69: {  	_ =	shalt  }
0x6a: {  	_ =	shalt  }
0x6b: {  	_ =	shalt  }
0x6c: {  	_ =	shalt  }
0x6d: {  	_ =	shalt  }
0x6e: {  	_ =	shalt  }
0x6f: {  	_ =	shalt  }
0x70: {  	_ =	shalt  }
0x71: {  	_ =	shalt  }
0x72: {  	_ =	shalt  }
0x73: {  	_ =	shalt  }
0x74: {  	_ =	shalt  }
0x75: {  	_ =	shalt  }
0x76: {  	_ =	shalt  }
0x77: {  	_ =	shalt  }
0x78: {  	_ =	shalt  }
0x79: {  	_ =	shalt  }
0x7a: {  	_ =	shalt  }
0x7b: {  	_ =	shalt  }
0x7c: {  	_ =	shalt  }
0x7d: {  	_ =	shalt  }
0x7e: {  	_ =	shalt  }
0x7f: {  	_ =	shalt  }
0x80: {  	_ =	shalt  }
0x81: {  	_ =	shalt  }
0x82: {  	_ =	shalt  }
0x83: {  	_ =	shalt  }
0x84: {  	_ =	shalt  }
0x85: {  	_ =	shalt  }
0x86: {  	_ =	shalt  }
0x87: {  	_ =	shalt  }
.Lfunc_end0:
.L_simem_size_0:
called_computation.7_lowered:
.L_overlay_start_0:
0x88: {  	s2 =	sld [smem:$0x3FD9]  }
0x89: {  	s3 =	sld [smem:$0x3FFE];
	_ =	sdelay $0x1  }
0x8a: {  	s1 =	srdreg.scid  }
0x8b: {  	s0 =	sand.u32 $0x1, s1  }
0x8c: {  	s17 =	sshll.u32 s0, $0xA;
	s2 =	sadd.s32 s3, s2  }
0x8d: {  	s2 =	sadd.s32 s2, s17  }
0x8e: {  	[smem:$0x3FBB] =	sst s2  }
0x8f: {  	_ = 	snop  }
0x90: {  	(tm) =	ssettm $0x1  }
0x91: {  	s18 =	sld [smem:$0x3FFB];
	_ =	sdelay $0x3  }
0x92: {  	_ =	strace s18  }
0x93: {  	s2 =	sld [smem:$0x3FFC];
	_ =	sdelay $0x3  }
0x94: {  	_ =	strace s2  }
0x95: {  	s2 =	sld [smem:$0x3FFD];
	_ =	sdelay $0x3  }
0x96: {  	_ =	strace s2  }
0x97: {  	_ =	strace $0x8FFFFFFF  }
0x98: {  	s19 =	sld [smem:$0x3FDB];
	_ =	sdelay $0x1  }
0x99: {  	s20 =	simm.s32 $_scs_section_size  }
0x9a: {  	s4 =	simm.s32 $_size__tile_overlayer_lowered;
	s5 =	simm.s32 $_tile_overlayer_lowered  }
0x9b: {  	s6 =	simm.s32 $0x1BFF;
	s21 =	sshll.u32 s5, $0x1;
	s3 =	sadd.s32 s20, s19  }
0x9c: {  	s22 =	simm.s32 $0x0;
	s4 =	sshll.u32 s4, $0x1;
	s5 =	sadd.s32 s21, s3  }
0x9d: {  	[timem:s22], [sflag:s6] =	dma.local [hbm:s5], s4  }
0x9e: {  	_ =	swait.ge [sflag:s6], s4  }
0x9f: {  	s4 =	ssub.s32 $0x0, s4;
	[sflag:s6] =	ssyncset.done $0x0  }
0xa0: {  	[sflag:s6] =	ssyncadd.s32 s4;
	_ =	sdelay $0x1  }
0xa1: {  	s23 =	simm.s32 $0x1B8B  }
0xa2: {  	_ =	swait.ge [sflag:s23], $0x1  }
0xa3: {  	[sflag:s23] =	ssyncset.done $0x0  }
0xa4: {  	[sflag:s23] =	ssyncadd.s32 $0xFFFFFFFF  }
0xa5: {  	s4 =	sld [smem:$0x0]  }
0xa6: {  	s5 =	sand.u32 $0xFFFFFFFE, s1  }
0xa7: {  	p0 =	sne.s32 s1, s5  }
0xa8: {  	s5 =	sshll.u32 @p0 s5, $0xE  }
0xa9: {  	s5 =	sadd.s32 @p0 $0x11B8D, s5;
	s6 =	sshll.u32 @p0 s4, $0x11  }
0xaa: {  	s5 =	sor.u32 @p0 s6, s5  }
0xab: {  	[sflag:s5] =	ssyncadd.remote.s32 @p0 $0x1;
	_ =	sdelay $0x1  }
0xac: {  	s5 =	simm.s32 @p0 $0x1B8D  }
0xad: {  	_ =	swait.eq @p0 [sflag:s5], $0x1  }
0xae: {  	[sflag:s5] =	ssyncadd.s32 @p0 $0xFFFFFFFF  }
0xaf: {  	s6 =	sshll.u32 @!p0 s1, $0xE  }
0xb0: {  	s6 =	sor.u32 @!p0 $0x4000, s6;
	s5 =	simm.s32 @!p0 $0x1B8D  }
0xb1: {  	s4 =	sshll.u32 @!p0 s4, $0x11;
	s6 =	sadd.s32 @!p0 $0x11B8D, s6;
	_ =	swait.eq @!p0 [sflag:s5], $0x1  }
0xb2: {  	s4 =	sor.u32 @!p0 s4, s6;
	[sflag:s5] =	ssyncadd.s32 @!p0 $0xFFFFFFFF  }
0xb3: {  	s25 =	simm.s32 $0x1B8E;
	s24 =	sld [smem:$0x3FFE];
	[sflag:s4] =	ssyncadd.remote.s32 @!p0 $0x1  }
0xb4: {  	s26 =	simm.s32 $execute0_lowered;
	[smem:$0x3FD2] =	sst s25  }
0xb5: {  	s5 =	sshll.u32 s26, $0x1;
	_ =	strace $0x8000005B;
	[dreg:$0x1] =	wrdreg $0xFFFFFFFF  }
0xb6: {  	s28 =	simm.s32 $_size_execute0_lowered;
	s3 =	sadd.s32 s3, s5;
	[dreg:$0x0] =	wrdreg $0x0  }
0xb7: {  	s5 =	sshll.u32 s28, $0x1;
	[dreg:$0x2] =	wrdreg s3  }
0xb8: {  	[dreg:$0x3] =	wrdreg s5  }
0xb9: {  	[dreg:$0x4] =	wrdreg $0xC0  }
0xba: {  	_ =	task [dreg:s22], $0x5FFFF  }
0xbb: {  	[dreg:$0x1] =	wrdreg $0xFFFFFFFF  }
0xbc: {  	[dreg:$0x0] =	wrdreg $0x60  }
0xbd: {  	[dreg:$0x2] =	wrdreg s24  }
0xbe: {  	[dreg:$0x3] =	wrdreg $0x82000  }
0xbf: {  	[dreg:$0x4] =	wrdreg $0xA  }
0xc0: {  	_ =	task.clear_ibuf [dreg:s22], $0x5FFFF;
	_ =	strace $0x9000005B  }
0xc1: {  	s29 =	simm.s32 $0xA;
	_ =	strace $0x8000005D  }
0xc2: {  	_ =	swait.ge [sflag:s29], $0x1  }
0xc3: {  	[sflag:s29] =	ssyncadd.s32 $0xFFFFFFFF  }
0xc4: {  	_ =	strace $0x9000005D  }
0xc5: {  	_ =	sfence  }
0xc6: {  	s30 =	sld [smem:$0x0];
	_ =	sdelay $0x2  }
0xc7: {  	s31 =	sshll.u32 s1, $0xD;
	s1 =	sshrl.u32 s1, $0x2  }
0xc8: {  	s4 =	sand.u32 $0x4000, s31;
	s1 =	sadd.s32 s1, s30  }
0xc9: {  	s0 =	sor.u32 s4, s0;
	s1 =	sshll.u32 s1, $0x11  }
0xca: {  	s0 =	sor.u32 s1, s0  }
0xcb: {  	s0 =	sadd.s32 $0x8F2B, s0  }
0xcc: {  	[sflag:s0] =	ssyncadd.remote.s32 $0x1  }
0xcd: {  	_ =	sfence.sel $0xFFFF  }
0xce: {  	[dreg:$0x0] =	wrdreg $0xFFFFFFFF;
	(pc) =	sbr.abs _section_cstart, $3  }
0xcf: {  	[dreg:$0x1] =	wrdreg $0xFFFFFFFF  }
0xd0: {  	_ =	task.clear_ibuf [dreg:s22], $0x2FFFF;
	_ =	strace $0x9FFFFFFF  }
0xd1: {  	(tm) =	ssettm $0x7FFFFFFF  }
tec
execute0_lowered:
.L_overlay_start_1:
0x0: {  	(tag) =	ssettag $0x1  }
0x1: {  	s5 =	rddreg [dreg:$0x0]  }
0x2: {  	s1 =	rddreg [dreg:$0x1]  }
0x3: {  	s0 =	rddreg [dreg:$0x2];
	s3 =	simm.s32 $0x0  }
0x4: {  	s4 =	srdreg.scid;
	s2 =	stileid.u32;
	s17 =	simm.s32 $0x4200  }
0x5: {  	s18 =	simm.s32 $0x1;
	s19 =	simm.s32 $0x80;
	s20 =	simm.s32 $0x2  }
0x6: {  	s22 =	simm.s32 $0x180;
	[smem:$0x7FF] =	sst s3;
	s7 =	smul.u32 $0x4F000, s2  }
0x7: {  	s9 =	sand.u32 $0x1, s4;
	s30 =	sshll.u32 s2, $0xA;
	s24 =	smul.u32 $0x2780, s2  }
0x8: {  	s6 =	sshll.u32 s9, $0x9;
	_ =	strace $0x8000005C;
	s8 =	smul.u32 $0x27800, s9  }
0x9: {  	s15 =	ssub.s32 $0x2, s9;
	s4 =	sor.u32 s6, s30;
	s7 =	sshrl.u32 s7, $0x2  }
0xa: {  	s16 =	sshrl.u32 s15, $0x1;
	s6 =	sshll.u32 s4, $0x4;
	s31 =	sshrl.u32 s4, $0x3  }
0xb: {  	s4 =	sadd.s32 s7, s1;
	s14 =	sadd.s32 s8, s5;
	s15 =	ssub.s32 s15, s16  }
0xc: {  	s13 =	sadd.s32 s6, s5;
	s10 =	sadd.s32 s31, s5;
	s5 =	sadd.s32 $0x4000, s4  }
0xd: {  	s6 =	sadd.s32 $0x8000, s4;
	s7 =	sadd.s32 $0xC000, s4;
	s8 =	sadd.s32 $0x10000, s4  }
0xe: {  	s23 =	sadd.s32 $0x103B400, s14;
	s14 =	smax.u32 s15, $0x1;
	s15 =	simm.s32 $0x200  }
0xf: {  	s21 =	simm.s32 $0x100;
	s9 =	sadd.s32 $0xFFAC00, s10;
	s10 =	sadd.s32 $0xFFB400, s13  }
0x10: {  	s16 =	simm.s32 $0x3;
	s11 =	sadd.s32 $0xFFBC00, s13;
	s12 =	sadd.s32 $0xFFC400, s13  }
0x11: {  	v0 =	vimm.f32 $0.0e+00;
	s13 =	sadd.s32 $0xFFCC00, s13;
	s23 =	sadd.s32 s24, s23;
	s24 =	simm.s32 $0x0  }
.LBB2_1:
0x12: {  	s25 =	simm.s32 $0x0;
	s26 =	simm.s32 $0x200  }
.LBB2_2:
0x13: {  	p0 =	sne.s32 s26, $0xFE00;
	[tilespmem:s25+$0x270] =	vst v0  }
0x14: {  	[tilespmem:s25+$0x200] =	vst v0  }
0x15: {  	[tilespmem:s25+$0x210] =	vst v0  }
.Ltmp0:
0x16: {  	[tilespmem:s25+$0x220] =	vst v0;
	(pc) =	sbr.rel @p0 .LBB2_2-.Ltmp0, $4  }
0x17: {  	[tilespmem:s25+$0x230] =	vst v0  }
0x18: {  	[tilespmem:s25+$0x240] =	vst v0  }
0x19: {  	[tilespmem:s25+$0x250] =	vst v0  }
0x1a: {  	[tilespmem:s25+$0x260] =	vst v0;
	s25 =	sshra.s32 s26, $0x2;
	s26 =	sadd.s32 $0x200, s26  }
0x1b: {  	[tilespmem:s25+$0x270] =	vst v0  }
0x1c: {  	[tilespmem:s25+$0x200] =	vst v0  }
0x1d: {  	[tilespmem:s25+$0x210] =	vst v0  }
0x1e: {  	[tilespmem:s25+$0x220] =	vst v0  }
0x1f: {  	[tilespmem:s25+$0x230] =	vst v0  }
0x20: {  	[tilespmem:s25+$0x240] =	vst v0  }
0x21: {  	[tilespmem:s25+$0x250] =	vst v0  }
0x22: {  	[tilespmem:s25+$0x260] =	vst v0  }
0x23: {  	[spmem:s4] =	stream.linear.scatter [tilespmem:s15], [sflag:$0x3], $0x4000, $0x38;
	[tilespmem:$0x1BE00] =	vst v63  }
0x24: {  	_ =	swait.ge [sflag:s16], $0x4000  }
0x25: {  	[sflag:s16] =	ssyncset.done $0x0  }
0x26: {  	[sflag:s16] =	ssyncadd.s32 $0xFFFFC000  }
0x27: {  	[spmem:s5] =	stream.linear.scatter [tilespmem:s15], [sflag:$0x3], $0x4000, $0x38;
	[tilespmem:$0x1BE00] =	vst v63  }
0x28: {  	_ =	swait.ge [sflag:s16], $0x4000  }
0x29: {  	[sflag:s16] =	ssyncset.done $0x0  }
0x2a: {  	[sflag:s16] =	ssyncadd.s32 $0xFFFFC000  }
0x2b: {  	[spmem:s6] =	stream.linear.scatter [tilespmem:s15], [sflag:$0x3], $0x4000, $0x38;
	[tilespmem:$0x1BE00] =	vst v63  }
0x2c: {  	_ =	swait.ge [sflag:s16], $0x4000  }
0x2d: {  	[sflag:s16] =	ssyncset.done $0x0  }
0x2e: {  	[sflag:s16] =	ssyncadd.s32 $0xFFFFC000  }
0x2f: {  	[spmem:s7] =	stream.linear.scatter [tilespmem:s15], [sflag:$0x3], $0x4000, $0x38;
	[tilespmem:$0x1BE00] =	vst v63  }
0x30: {  	_ =	swait.ge [sflag:s16], $0x4000  }
0x31: {  	[sflag:s16] =	ssyncset.done $0x0  }
0x32: {  	[sflag:s16] =	ssyncadd.s32 $0xFFFFC000  }
0x33: {  	[spmem:s8] =	stream.linear.scatter [tilespmem:s15], [sflag:$0x3], $0x3C00, $0x38;
	[tilespmem:$0x1BE00] =	vst v63  }
0x34: {  	_ =	swait.ge [sflag:s16], $0x3C00  }
0x35: {  	[sflag:s16] =	ssyncset.done $0x0  }
0x36: {  	[sflag:s16] =	ssyncadd.s32 $0xFFFFC400  }
0x37: {  	[tilespmem:s3], [sflag:$0x3] =	stream.linear.gather [hbm4b:s9+s3], $0x200, $0x38;
	[tilespmem:$0x1BE00] =	vst v63  }
0x38: {  	_ =	swait.ge [sflag:s16], $0x200  }
0x39: {  	[sflag:s16] =	ssyncset.done $0x0  }
0x3a: {  	[sflag:s16] =	ssyncadd.s32 $0xFFFFFE00  }
0x3b: {  	[bflag:$0x0] =	sbarrier.arrive $0xFFFF  }
0x3c: {  	[tilespmem:s15], [sflag:$0x1] =	stream.linear.gather [hbm4b:s10+s3], $0x4000, $0x38;
	[tilespmem:$0x1BE00] =	vst v63  }
0x3d: {  	_ = 	snop  }
0x3e: {  	[tilespmem:s17], [sflag:$0x2] =	stream.linear.gather [hbm4b:s11+s3], $0x4000, $0x38;
	[tilespmem:$0x1BE00] =	vst v63  }
0x3f: {  	_ =	swait.ge [sflag:s18], $0x4000  }
0x40: {  	[sflag:s18] =	ssyncset.done $0x0  }
0x41: {  	[sflag:s18] =	ssyncadd.s32 $0xFFFFC000  }
0x42: {  	[spmem:s1] =	stream.indirect.scatter.add.f32 [tilespmem:s15], [sflag:$0x3], $0x80, s3, s19, $0xb8;
	[tilespmem:$0x1BE00] =	vst v63  }
0x43: {  	_ =	swait.ge [sflag:s16], $0x4000  }
0x44: {  	[sflag:s16] =	ssyncset.done $0x0  }
0x45: {  	[sflag:s16] =	ssyncadd.s32 $0xFFFFC000  }
0x46: {  	[tilespmem:s15], [sflag:$0x1] =	stream.linear.gather [hbm4b:s12+s3], $0x4000, $0x38;
	[tilespmem:$0x1BE00] =	vst v63  }
0x47: {  	_ =	swait.ge [sflag:s20], $0x4000  }
0x48: {  	[sflag:s20] =	ssyncset.done $0x0  }
0x49: {  	[sflag:s20] =	ssyncadd.s32 $0xFFFFC000  }
0x4a: {  	[spmem:s1] =	stream.indirect.scatter.add.f32 [tilespmem:s17], [sflag:$0x3], $0x80, s19, s19, $0xb8;
	[tilespmem:$0x1BE00] =	vst v63  }
0x4b: {  	_ =	swait.ge [sflag:s16], $0x4000  }
0x4c: {  	[sflag:s16] =	ssyncset.done $0x0  }
0x4d: {  	[sflag:s16] =	ssyncadd.s32 $0xFFFFC000  }
0x4e: {  	[tilespmem:s17], [sflag:$0x2] =	stream.linear.gather [hbm4b:s13+s3], $0x4000, $0x38;
	[tilespmem:$0x1BE00] =	vst v63  }
0x4f: {  	_ =	swait.ge [sflag:s18], $0x4000  }
0x50: {  	[sflag:s18] =	ssyncset.done $0x0  }
0x51: {  	[sflag:s18] =	ssyncadd.s32 $0xFFFFC000  }
0x52: {  	[spmem:s1] =	stream.indirect.scatter.add.f32 [tilespmem:s15], [sflag:$0x3], $0x80, s21, s19, $0xb8;
	[tilespmem:$0x1BE00] =	vst v63  }
0x53: {  	_ =	swait.ge [sflag:s16], $0x4000  }
0x54: {  	[sflag:s16] =	ssyncset.done $0x0  }
0x55: {  	[sflag:s16] =	ssyncadd.s32 $0xFFFFC000  }
0x56: {  	_ =	swait.ge [sflag:s20], $0x4000  }
0x57: {  	[sflag:s20] =	ssyncset.done $0x0  }
0x58: {  	[sflag:s20] =	ssyncadd.s32 $0xFFFFC000  }
0x59: {  	[spmem:s1] =	stream.indirect.scatter.add.f32 [tilespmem:s17], [sflag:$0x3], $0x80, s22, s19, $0xb8;
	[tilespmem:$0x1BE00] =	vst v63  }
0x5a: {  	_ =	swait.ge [sflag:s16], $0x4000  }
0x5b: {  	s31 =	sshll.u32 s2, $0x6;
	s24 =	sadd.s32 $0x1, s24;
	[sflag:s16] =	ssyncset.done $0x0  }
0x5c: {  	s26 =	sshrl.u32 s4, $0x3;
	p0 =	sne.s32 s24, s14;
	[sflag:s16] =	ssyncadd.s32 $0xFFFFC000  }
.Ltmp1:
0x5d: {  	s25 =	sor.u32 $0x1C03, s31;
	[bflag:$0x0] =	sbarrier.arrive $0xFFFF;
	(pc) =	sbr.rel @p0 .LBB2_1-.Ltmp1, $4  }
0x5e: {  	[hbm:s23], [sflag:s25] =	dma.local [spmem:s26], $0x2780  }
0x5f: {  	_ =	swait.ge [sflag:s16], $0x2780  }
0x60: {  	[sflag:s16] =	ssyncset.done $0x0  }
0x61: {  	[sflag:s16] =	ssyncadd.s32 $0xFFFFD880  }
0x62: {  	_ =	sfence.sel $0x180000  }
0x63: {  	[bflag:$0x0] =	sbarrier.arrive $0xFFFF  }
0x64: {  	p0 =	sne.s32 s2, $0x0;
	_ =	strace $0x9000005C  }
0x65: {  	s0 =	sadd.s32 @!p0 $0x100000, s0;
	[bflag:$0x2] =	sbarrier.arrive $0xFFFF  }
0x66: {  	[sflag:s0] =	ssyncadd.tile.s32 @!p0 $0x1;
	_ =	shalt  }
.Lfunc_end2:
_tile_overlayer_lowered:
.L_overlay_start_2:
0x67: {  	(tag) =	ssettag $0x2  }
0x68: {  	s0 =	rddreg [dreg:$0x0];
	s2 =	stileid.u32  }
0x69: {  	s1 =	rddreg [dreg:$0x1];
	p0 =	sne.s32 s2, $0x0  }
0x6a: {  	s3 =	rddreg [dreg:$0x2];
	[bflag:$0x3] =	sbarrier.arrive $0xFFFF;
	s2 =	simm.s32 @!p0 $0x1C03  }
0x6b: {  	[timem:s3], [sflag:s2] =	dma.local @!p0 [hbm:s0], s1  }
0x6c: {  	s0 =	simm.s32 @!p0 $0x3  }
0x6d: {  	_ =	swait.ge @!p0 [sflag:s0], s1  }
0x6e: {  	s1 =	ssub.s32 @!p0 $0x0, s1;
	[sflag:s0] =	ssyncset.done @!p0 $0x0  }
0x6f: {  	[sflag:s0] =	ssyncadd.s32 @!p0 s1  }
0x70: {  	[bflag:$0x3] =	sbarrier.arrive $0xFFFF  }
0x71: {  	_ =	shalt  }

</sc_bundles>
